<compile_context>
chip_gen: v7x
topology: tpu7x:2x2x1
jax: 0.10.2.dev20260603
libtpu: 0.0.44.dev20260713+nightly
codegen_flags: <defaults>
</compile_context>

<pallas_src>
import functools

import jax
import jax.numpy as jnp
from jax import lax
from jax.experimental import pallas as pl
from jax.experimental.pallas import tpu as pltpu
from jax.experimental.pallas import tpu_sc as plsc

N = 50000
E = 1600000
IN = 128
HID = 32
OUT = 16
G = 8
K = 3
NB = G + K

NC = 2
NS = 16
NW = NC * NS

KST = 2
CH = KST * 128
PER_W = 50176
NCHUNK = PER_W // CH
EPAD = PER_W * NW
IDXROWS = EPAD // 128
ROWS_PER_W = PER_W // 128

NACC = 50176
RPS = NACC // NS
ZR = 224
DW = 16



def _bases(x):
  u = (x + 1.75) * 4.0
  cf = jnp.floor(u)
  w = u - cf
  w2 = w * w
  w3 = w2 * w
  sixth = jnp.float32(1.0 / 6.0)
  b3 = w3 * sixth
  omw = 1.0 - w
  b0 = omw * omw * omw * sixth
  b2 = (1.0 + 3.0 * w + 3.0 * w2 - 3.0 * w3) * sixth
  b1 = (4.0 - 6.0 * w2 + 3.0 * w3) * sixth
  zero = jnp.zeros_like(x)
  out = []
  for j in range(NB):
    v = jnp.where(cf == float(j), b3, zero)
    v = v + jnp.where(cf == float(j + 1), b2, zero)
    v = v + jnp.where(cf == float(j + 2), b1, zero)
    v = v + jnp.where(cf == float(j + 3), b0, zero)
    out.append(v)
  return out


def _silu(x):
  return x * (1.0 / (1.0 + jnp.exp(-x)))


def _kan_pair(x, w1, b1t, w2, b2t):
  bs = _bases(x)
  x2 = jnp.dot(_silu(x), b1t, preferred_element_type=jnp.float32)
  for b in range(NB):
    x2 = x2 + jnp.dot(bs[b], w1[b], preferred_element_type=jnp.float32)
  bs2 = _bases(x2)
  acc = jnp.dot(_silu(x2), b2t, preferred_element_type=jnp.float32)
  for b in range(NB):
    acc = acc + jnp.dot(bs2[b], w2[b], preferred_element_type=jnp.float32)
  return acc


BN1 = 1000


def _kan1_body(h_ref, w1_ref, b1t_ref, w2_ref, b2t_ref, o_ref):
  o_ref[...] = _kan_pair(h_ref[...], w1_ref[...], b1t_ref[...], w2_ref[...],
                         b2t_ref[...])


def _kan1(h, w1, b1t, w2, b2t):
  grid = N // BN1
  return pl.pallas_call(
      _kan1_body,
      out_shape=jax.ShapeDtypeStruct((N, HID), jnp.float32),
      grid=(grid,),
      in_specs=[
          pl.BlockSpec((BN1, IN), lambda i: (i, 0)),
          pl.BlockSpec((NB, IN, 5), lambda i: (0, 0, 0)),
          pl.BlockSpec((IN, 5), lambda i: (0, 0)),
          pl.BlockSpec((NB, 5, HID), lambda i: (0, 0, 0)),
          pl.BlockSpec((5, HID), lambda i: (0, 0)),
      ],
      out_specs=pl.BlockSpec((BN1, HID), lambda i: (i, 0)),
  )(h, w1, b1t, w2, b2t)



def _deg_body(dstm_hbm, out_hbm, di_v, ones_v, zb_v, acc_sh):
  c = lax.axis_index("c")
  s = lax.axis_index("s")
  wid = c * NS + s

  @pl.loop(0, 128)
  def _fill(r):
    ones_v[r] = jnp.full((DW,), 1.0, jnp.float32)

  @pl.loop(0, ZR)
  def _zfill(r):
    zb_v[r] = jnp.zeros((DW,), jnp.float32)

  @pl.loop(0, RPS, step=ZR)
  def _zero(r0):
    pltpu.sync_copy(zb_v, acc_sh.at[pl.ds(s * RPS + r0, ZR)])

  plsc.subcore_barrier()

  @pl.loop(0, NCHUNK)
  def _chunk(ci):
    br = wid * ROWS_PER_W + ci * KST
    pltpu.sync_copy(dstm_hbm.at[pl.ds(br, KST)], di_v)
    for j in range(KST):
      pltpu.sync_copy(ones_v, acc_sh.at[di_v.at[j]], add=True)

  plsc.subcore_barrier()

  @pl.loop(0, RPS, step=ZR)
  def _wb(r0):
    pltpu.sync_copy(acc_sh.at[pl.ds(s * RPS + r0, ZR)], zb_v)
    pltpu.sync_copy(zb_v, out_hbm.at[c, pl.ds(s * RPS + r0, ZR)])



def _agg_body(h_hbm, srcm_hbm, dstm_hbm, out_hbm, si_v, di_v, rows_v, zb_v,
              acc_sh, sem0, sem1):
  c = lax.axis_index("c")
  s = lax.axis_index("s")
  wid = c * NS + s
  sems = (sem0, sem1)

  @pl.loop(0, ZR)
  def _zfill(r):
    @pl.loop(0, HID, step=16)
    def _zfill2(cc):
      zb_v[r, pl.ds(cc, 16)] = jnp.zeros((16,), jnp.float32)

  @pl.loop(0, RPS, step=ZR)
  def _zero(r0):
    pltpu.sync_copy(zb_v, acc_sh.at[pl.ds(s * RPS + r0, ZR)])

  plsc.subcore_barrier()

  base = wid * ROWS_PER_W

  def load_idx(ci, b):
    pltpu.sync_copy(srcm_hbm.at[pl.ds(base + ci * KST, KST)], si_v.at[b])
    pltpu.sync_copy(dstm_hbm.at[pl.ds(base + ci * KST, KST)], di_v.at[b])

  def fire(b):
    for j in range(KST):
      pltpu.make_async_copy(
          h_hbm.at[si_v.at[b, j]], rows_v.at[b, j], sems[b]).start()

  def drain(b):
    for j in range(KST):
      pltpu.make_async_copy(
          h_hbm.at[si_v.at[b, j]], rows_v.at[b, j], sems[b]).wait()

  def scatter(b):
    for j in range(KST):
      pltpu.sync_copy(rows_v.at[b, j], acc_sh.at[di_v.at[b, j]], add=True)

  load_idx(0, 0)
  fire(0)

  @pl.loop(0, NCHUNK, step=2)
  def _chunk(ci0):
    for b in (0, 1):
      ci = ci0 + b
      nb = 1 - b

      @pl.when(ci + 1 < NCHUNK)
      def _prefetch():
        load_idx(ci + 1, nb)
        fire(nb)

      drain(b)
      scatter(b)

  plsc.subcore_barrier()

  @pl.loop(0, RPS, step=ZR)
  def _wb(r0):
    pltpu.sync_copy(acc_sh.at[pl.ds(s * RPS + r0, ZR)], zb_v)
    pltpu.sync_copy(zb_v, out_hbm.at[c, pl.ds(s * RPS + r0, ZR)])


@functools.lru_cache(maxsize=None)
def _sc_kernels():
  mesh = plsc.VectorSubcoreMesh(
      core_axis_name="c", subcore_axis_name="s", num_cores=NC, num_subcores=NS)
  cp = pltpu.CompilerParams(use_tc_tiling_on_sc=False)
  deg = pl.kernel(
      _deg_body,
      out_type=jax.ShapeDtypeStruct((NC, NACC, DW), jnp.float32),
      mesh=mesh,
      scratch_types=[
          pltpu.VMEM((KST, 128), jnp.int32),
          pltpu.VMEM((128, DW), jnp.float32),
          pltpu.VMEM((ZR, DW), jnp.float32),
          pltpu.VMEM_SHARED((NACC, DW), jnp.float32),
      ],
      compiler_params=cp,
  )
  agg = pl.kernel(
      _agg_body,
      out_type=jax.ShapeDtypeStruct((NC, NACC, HID), jnp.float32),
      mesh=mesh,
      scratch_types=[
          pltpu.VMEM((2, KST, 128), jnp.int32),
          pltpu.VMEM((2, KST, 128), jnp.int32),
          pltpu.VMEM((2, KST, 128, HID), jnp.float32),
          pltpu.VMEM((ZR, HID), jnp.float32),
          pltpu.VMEM_SHARED((NACC, HID), jnp.float32),
          pltpu.SemaphoreType.DMA,
          pltpu.SemaphoreType.DMA,
      ],
      compiler_params=cp,
  )
  return deg, agg



BN2 = 2000


def _sage_body(h_ref, ag_ref, dg_ref, wst_ref, wnt_ref, o_ref):
  hh = h_ref[...]
  a = ag_ref[0] + ag_ref[1]
  d = dg_ref[0, :, 0:1] + dg_ref[1, :, 0:1]
  agg = a * (1.0 / jnp.maximum(d, 1.0))
  m = (jnp.dot(hh, wst_ref[...], preferred_element_type=jnp.float32)
       + jnp.dot(agg, wnt_ref[...], preferred_element_type=jnp.float32)
       + hh)
  o_ref[...] = jnp.where(m >= 0, m, 0.01 * m)


def _sage(h1, aggp, degp, wst, wnt):
  grid = N // BN2
  return pl.pallas_call(
      _sage_body,
      out_shape=jax.ShapeDtypeStruct((N, HID), jnp.float32),
      grid=(grid,),
      in_specs=[
          pl.BlockSpec((BN2, HID), lambda i: (i, 0)),
          pl.BlockSpec((NC, BN2, HID), lambda i: (0, i, 0)),
          pl.BlockSpec((NC, BN2, DW), lambda i: (0, i, 0)),
          pl.BlockSpec((HID, HID), lambda i: (0, 0)),
          pl.BlockSpec((HID, HID), lambda i: (0, 0)),
      ],
      out_specs=pl.BlockSpec((BN2, HID), lambda i: (i, 0)),
  )(h1, aggp, degp, wst, wnt)


def _final_body(h_ref, ag_ref, dg_ref, wst_ref, wnt_ref, w3_ref, b3t_ref,
                w4_ref, b4t_ref, o_ref, ysum):
  i = pl.program_id(0)
  hh = h_ref[...]
  a = ag_ref[0] + ag_ref[1]
  d = dg_ref[0, :, 0:1] + dg_ref[1, :, 0:1]
  agg = a * (1.0 / jnp.maximum(d, 1.0))
  m = (jnp.dot(hh, wst_ref[...], preferred_element_type=jnp.float32)
       + jnp.dot(agg, wnt_ref[...], preferred_element_type=jnp.float32)
       + hh)
  h3 = jnp.where(m >= 0, m, 0.01 * m)
  part = jnp.sum(h3, axis=0, keepdims=True)

  @pl.when(i == 0)
  def _init():
    ysum[...] = part

  @pl.when(i > 0)
  def _acc():
    ysum[...] = ysum[...] + part

  @pl.when(i == N // BN2 - 1)
  def _readout():
    y = ysum[...]
    r = _kan_pair(y, w3_ref[...], b3t_ref[...], w4_ref[...], b4t_ref[...])
    o_ref[...] = 1.0 / (1.0 + jnp.exp(-r))


def _final(h2, aggp, degp, wst, wnt, w3, b3t, w4, b4t):
  grid = N // BN2
  return pl.pallas_call(
      _final_body,
      out_shape=jax.ShapeDtypeStruct((1, OUT), jnp.float32),
      grid=(grid,),
      in_specs=[
          pl.BlockSpec((BN2, HID), lambda i: (i, 0)),
          pl.BlockSpec((NC, BN2, HID), lambda i: (0, i, 0)),
          pl.BlockSpec((NC, BN2, DW), lambda i: (0, i, 0)),
          pl.BlockSpec((HID, HID), lambda i: (0, 0)),
          pl.BlockSpec((HID, HID), lambda i: (0, 0)),
          pl.BlockSpec((NB, HID, 5), lambda i: (0, 0, 0)),
          pl.BlockSpec((HID, 5), lambda i: (0, 0)),
          pl.BlockSpec((NB, 5, OUT), lambda i: (0, 0, 0)),
          pl.BlockSpec((5, OUT), lambda i: (0, 0)),
      ],
      out_specs=pl.BlockSpec((1, OUT), lambda i: (0, 0)),
      scratch_shapes=[pltpu.VMEM((1, HID), jnp.float32)],
  )(h2, aggp, degp, wst, wnt, w3, b3t, w4, b4t)



def kernel(h, edge_index, k1c1, k1b1, k1c2, k1b2, s1ws, s1wn, s2ws, s2wn,
           k2c1, k2b1, k2c2, k2b2):
  src = edge_index[0].astype(jnp.int32)
  dst = edge_index[1].astype(jnp.int32)
  pad = EPAD - E
  srcm = jnp.concatenate([src, jnp.zeros((pad,), jnp.int32)]).reshape(
      IDXROWS, 128)
  dstm = jnp.concatenate([dst, jnp.full((pad,), N, jnp.int32)]).reshape(
      IDXROWS, 128)

  w1 = jnp.transpose(k1c1, (2, 1, 0))
  b1t = k1b1.T
  w2 = jnp.transpose(k1c2, (2, 1, 0))
  b2t = k1b2.T
  w3 = jnp.transpose(k2c1, (2, 1, 0))
  b3t = k2b1.T
  w4 = jnp.transpose(k2c2, (2, 1, 0))
  b4t = k2b2.T

  deg_sc, agg_sc = _sc_kernels()
  srcm, dstm, h = lax.optimization_barrier((srcm, dstm, h))
  degp = deg_sc(dstm)
  h1 = _kan1(h, w1, b1t, w2, b2t)
  h1, degp = lax.optimization_barrier((h1, degp))
  aggp1 = agg_sc(h1, srcm, dstm)
  h2 = _sage(h1, aggp1, degp, s1ws.T, s1wn.T)
  aggp2 = agg_sc(h2, srcm, dstm)
  return _final(h2, aggp2, degp, s2ws.T, s2wn.T, w3, b3t, w4, b4t)

# --- scband reference (transcript-rebuilt; emitter-appended) ---
"""Pipeline reference for scband-kangnn-two-29308856828308 (READ-ONLY COPY).

The authoritative reference and input builder live on the scoring server;
editing this copy changes nothing except your own understanding.
"""

import jax, jax.numpy as jnp
import numpy as np

N = 50000
E = 1600000
IN = 128
HID = 32
OUT = 16
G = 8
K = 3
NB = G + K
_knots = jnp.linspace(-1.0 - K * (2.0 / G), 1.0 + K * (2.0 / G), G + 2 * K + 1)


def _bspline_bases(x):
    # x: [N, in] -> B-spline bases [N, in, G+K] via Cox-de Boor recursion (k=3)
    t = _knots
    xx = x[..., None]
    b = ((xx >= t[:-1]) & (xx < t[1:])).astype(x.dtype)
    for p in range(1, K + 1):
        left = (xx - t[:-(p + 1)]) / (t[p:-1] - t[:-(p + 1)]) * b[..., :-1]
        right = (t[p + 1:] - xx) / (t[p + 1:] - t[1:-p]) * b[..., 1:]
        b = left + right
    return b


def _kan_layer(x, coef, base_w):
    # KAN layer: learned per-edge splines + silu base path (pykan-style)
    bases = _bspline_bases(x)
    spline = jnp.einsum('nib,oib->no', bases, coef)
    base = jax.nn.silu(x) @ base_w.T
    return spline + base


def _kan(x, c1, b1, c2, b2):
    # KAN(width=[d_in, 5, d_out])
    return _kan_layer(_kan_layer(x, c1, b1), c2, b2)


def setup_inputs(seed: int = 0):
    key = jax.random.key(seed)
    ks = jax.random.split(key, 16)
    h = jax.random.normal(ks[0], (N, IN), jnp.float32)
    edge_index = jax.random.randint(ks[1], (2, E), 0, N, dtype=jnp.int32).astype(jnp.int64)
    k1c1 = 0.1 * jax.random.normal(ks[2], (5, IN, NB), jnp.float32)
    k1b1 = jax.random.normal(ks[3], (5, IN), jnp.float32) / np.sqrt(IN)
    k1c2 = 0.1 * jax.random.normal(ks[4], (HID, 5, NB), jnp.float32)
    k1b2 = jax.random.normal(ks[5], (HID, 5), jnp.float32) / np.sqrt(5.0)
    s1ws = jax.random.normal(ks[6], (HID, HID), jnp.float32) / np.sqrt(HID)
    s1wn = jax.random.normal(ks[7], (HID, HID), jnp.float32) / np.sqrt(HID)
    s2ws = jax.random.normal(ks[8], (HID, HID), jnp.float32) / np.sqrt(HID)
    s2wn = jax.random.normal(ks[9], (HID, HID), jnp.float32) / np.sqrt(HID)
    k2c1 = 0.1 * jax.random.normal(ks[10], (5, HID, NB), jnp.float32)
    k2b1 = jax.random.normal(ks[11], (5, HID), jnp.float32) / np.sqrt(HID)
    k2c2 = 0.1 * jax.random.normal(ks[12], (OUT, 5, NB), jnp.float32)
    k2b2 = jax.random.normal(ks[13], (OUT, 5), jnp.float32) / np.sqrt(5.0)
    return {'h': h, 'edge_index': edge_index,
            'k1c1': k1c1, 'k1b1': k1b1, 'k1c2': k1c2, 'k1b2': k1b2,
            's1ws': s1ws, 's1wn': s1wn, 's2ws': s2ws, 's2wn': s2wn,
            'k2c1': k2c1, 'k2b1': k2b1, 'k2c2': k2c2, 'k2b2': k2b2}


def reference(h, edge_index, k1c1, k1b1, k1c2, k1b2, s1ws, s1wn, s2ws, s2wn, k2c1, k2b1, k2c2, k2b2):
    # h = self.kan_line(h)
    h1 = _kan(h, k1c1, k1b1, k1c2, k1b2)
    src = edge_index[0]
    dst = edge_index[1]
    deg = jax.ops.segment_sum(jnp.ones((E,), jnp.float32), dst, num_segments=N)
    deg = jnp.maximum(deg, 1.0)[:, None]
    # (num_layers - 1) = 2 SAGEConv('mean') layers with residual + leaky_relu
    for ws, wn in ((s1ws, s1wn), (s2ws, s2wn)):
        msg = h1[src]
        agg = jax.ops.segment_sum(msg, dst, num_segments=N) / deg
        m = h1 @ ws.T + agg @ wn.T
        h1 = jax.nn.leaky_relu(m + h1, negative_slope=0.01)
    # SumPooling over the (single) graph -> [1, HID]
    y = jnp.sum(h1, axis=0, keepdims=True)
    # Readout = KAN(width=[HID,5,OUT]) -> Sigmoid
    out = jax.nn.sigmoid(_kan(y, k2c1, k2b1, k2c2, k2b2))
    return out

if __name__ == "__main__":
    import jax
    _d = setup_inputs()
    print(jax.jit(kernel)(*tuple(_d.values())))

</pallas_src>

<mosaic_0001>
#map = affine_map<(d0, d1) -> (0, 0)>
#map1 = affine_map<(d0, d1) -> (0, 0, 0)>
module attributes {stable_mosaic.version = 14 : i64} {
  func.func @_agg_body(%arg0: i32, %arg1: i32, %arg2: memref<50000x32xf32, #tpu.memory_space<hbm>>, %arg3: memref<12544x128xi32, #tpu.memory_space<hbm>>, %arg4: memref<12544x128xi32, #tpu.memory_space<hbm>>, %arg5: memref<2x50176x32xf32, #tpu.memory_space<hbm>>, %arg6: memref<2x2x128xi32, #tpu.memory_space<vmem>>, %arg7: memref<2x2x128xi32, #tpu.memory_space<vmem>>, %arg8: memref<2x2x128x32xf32, #tpu.memory_space<vmem>>, %arg9: memref<224x32xf32, #tpu.memory_space<vmem>>, %arg10: memref<50176x32xf32, #tpu.memory_space<vmem_shared>>, %arg11: memref<!tpu.dma_semaphore, #tpu.memory_space<semaphore_mem>>, %arg12: memref<!tpu.dma_semaphore, #tpu.memory_space<semaphore_mem>>) attributes {dimension_semantics = [#tpu.dimension_semantics<core_parallel>, #tpu.dimension_semantics<subcore_parallel>], iteration_bounds = array<i64: 2, 16>, scalar_prefetch = 0 : i64, scratch_operands = 7 : i64, tpu.core_type = #tpu.core_type<sc_vector_subcore>, window_params = [{transform_indices = #map}, {transform_indices = #map}, {transform_indices = #map}, {transform_indices = #map1}]} {
    %mul3A = arith.constant 16 : i32
    %mul3A_0 = arith.muli %arg0, %mul3A : i32
    %add3A = arith.addi %mul3A_0, %arg1 : i32
    %scan3A = arith.constant 0 : i32
    %scan3A_1 = arith.constant 224 : i32
    %scan3A_2 = arith.addi %scan3A, %scan3A_1 : i32
    %scan3A_3 = arith.constant 1 : i32
    scf.for %scan3A_55 = %scan3A to %scan3A_2 step %scan3A_3  : i32 {
      %mul3A_56 = arith.constant 1 : i32
      %mul3A_57 = arith.muli %scan3A_55, %mul3A_56 : i32
      %add3A_58 = arith.constant 0 : i32
      %add3A_59 = arith.addi %add3A_58, %mul3A_57 : i32
      %scan3A_60 = arith.constant 0 : i32
      %scan3A_61 = arith.constant 2 : i32
      %scan3A_62 = arith.addi %scan3A_60, %scan3A_61 : i32
      %scan3A_63 = arith.constant 1 : i32
      scf.for %scan3A_65 = %scan3A_60 to %scan3A_62 step %scan3A_63  : i32 {
        %mul3A_66 = arith.constant 16 : i32
        %mul3A_67 = arith.muli %scan3A_65, %mul3A_66 : i32
        %add3A_68 = arith.constant 0 : i32
        %add3A_69 = arith.addi %add3A_68, %mul3A_67 : i32
        %broadcast_in_dim3A = arith.constant 0.000000e+00 : f32
        %broadcast_in_dim3A_70 = vector.broadcast %broadcast_in_dim3A : f32 to vector<16xf32>
        %swap3A = arith.index_cast %add3A_59 : i32 to index
        %swap3A_71 = arith.index_cast %add3A_69 : i32 to index
        %swap3A_72 = tpu.vector_load %arg9[%swap3A, %swap3A_71] {strides = array<i32>} : memref<224x32xf32, #tpu.memory_space<vmem>>, vector<1x16xf32>,
        %swap3A_73 = vector.shape_cast %swap3A_72 : vector<1x16xf32> to vector<16xf32>
        %swap3A_74 = vector.shape_cast %broadcast_in_dim3A_70 : vector<16xf32> to vector<1x16xf32>
        tpu.vector_store %arg9[%swap3A, %swap3A_71], %swap3A_74 {strides = array<i32>} : memref<224x32xf32, #tpu.memory_space<vmem>>, vector<1x16xf32>,
      }
      %scan3A_64 = arith.constant 2 : i32
    }
    %scan3A_4 = arith.constant 224 : i32
    %scan3A_5 = arith.constant 0 : i32
    %scan3A_6 = arith.constant 14 : i32
    %scan3A_7 = arith.addi %scan3A_5, %scan3A_6 : i32
    %scan3A_8 = arith.constant 1 : i32
    scf.for %scan3A_55 = %scan3A_5 to %scan3A_7 step %scan3A_8  : i32 {
      %mul3A_56 = arith.constant 224 : i32
      %mul3A_57 = arith.muli %scan3A_55, %mul3A_56 : i32
      %add3A_58 = arith.constant 0 : i32
      %add3A_59 = arith.addi %add3A_58, %mul3A_57 : i32
      %mul3A_60 = arith.constant 3136 : i32
      %mul3A_61 = arith.muli %arg1, %mul3A_60 : i32
      %add3A_62 = arith.addi %mul3A_61, %add3A_59 : i32
      "tpu.region"() ({
        %run_scoped3A_63 = tpu.sem_alloc : memref<!tpu.dma_semaphore, #tpu.memory_space<semaphore_mem>>
        %dma_start3A_64 = arith.constant 0 : i32
        %dma_start3A_65 = tpu.memref_slice %arg10[%add3A_62, %dma_start3A_64] : memref<50176x32xf32, #tpu.memory_space<vmem_shared>> -> memref<224x32xf32, #tpu.memory_space<vmem_shared>>
        %dma_start3A_66 = arith.constant 0 : i32
        %dma_start3A_67 = tpu.memref_slice %arg10[%add3A_62, %dma_start3A_66] : memref<50176x32xf32, #tpu.memory_space<vmem_shared>> -> memref<224x32xf32, #tpu.memory_space<vmem_shared>>
        tpu.enqueue_dma source(%arg9 : memref<224x32xf32, #tpu.memory_space<vmem>>) target(%dma_start3A_67 : memref<224x32xf32, #tpu.memory_space<vmem_shared>>) target_semaphore(%run_scoped3A_63 : memref<!tpu.dma_semaphore, #tpu.memory_space<semaphore_mem>>)
        %dma_wait3A = arith.constant 0 : i32
        %dma_wait3A_68 = tpu.memref_slice %arg10[%add3A_62, %dma_wait3A] : memref<50176x32xf32, #tpu.memory_space<vmem_shared>> -> memref<224x32xf32, #tpu.memory_space<vmem_shared>>
        %dma_wait3A_69 = arith.constant 0 : i32
        %dma_wait3A_70 = tpu.memref_slice %arg10[%add3A_62, %dma_wait3A_69] : memref<50176x32xf32, #tpu.memory_space<vmem_shared>> -> memref<224x32xf32, #tpu.memory_space<vmem_shared>>
        tpu.wait_dma2 semaphore(%run_scoped3A_63 : memref<!tpu.dma_semaphore, #tpu.memory_space<semaphore_mem>>) src(%arg9 : memref<224x32xf32, #tpu.memory_space<vmem>>) dst(%dma_wait3A_70 : memref<224x32xf32, #tpu.memory_space<vmem_shared>>)
        tpu.yield
      }) : () -> ()
    }
    %scan3A_9 = arith.constant 14 : i32
    %barrier3A = arith.constant 0 : index
    tpu.barrier barrier_id(%barrier3A)
    %mul3A_10 = arith.constant 392 : i32
    %mul3A_11 = arith.muli %add3A, %mul3A_10 : i32
    %add3A_12 = arith.constant 0 : i32
    %add3A_13 = arith.addi %mul3A_11, %add3A_12 : i32
    %run_scoped3A = arith.constant 0 : i32
    "tpu.region"() ({
      %run_scoped3A_55 = tpu.sem_alloc : memref<!tpu.dma_semaphore, #tpu.memory_space<semaphore_mem>>
      %dma_start3A_56 = arith.constant 0 : i32
      %dma_start3A_57 = arith.constant 0 : i32
      %dma_start3A_58 = tpu.memref_slice %arg6[%run_scoped3A, %dma_start3A_56, %dma_start3A_57] : memref<2x2x128xi32, #tpu.memory_space<vmem>> -> memref<1x2x128xi32, #tpu.memory_space<vmem>>
      %dma_start3A_59 = tpu.memref_squeeze %dma_start3A_58 : memref<1x2x128xi32, #tpu.memory_space<vmem>> -> memref<2x128xi32, #tpu.memory_space<vmem>>
      %dma_start3A_60 = arith.constant 0 : i32
      %dma_start3A_61 = tpu.memref_slice %arg3[%add3A_13, %dma_start3A_60] : memref<12544x128xi32, #tpu.memory_space<hbm>> -> memref<2x128xi32, #tpu.memory_space<hbm>>
      %dma_start3A_62 = arith.constant 0 : i32
      %dma_start3A_63 = arith.constant 0 : i32
      %dma_start3A_64 = tpu.memref_slice %arg6[%run_scoped3A, %dma_start3A_62, %dma_start3A_63] : memref<2x2x128xi32, #tpu.memory_space<vmem>> -> memref<1x2x128xi32, #tpu.memory_space<vmem>>
      %dma_start3A_65 = tpu.memref_squeeze %dma_start3A_64 : memref<1x2x128xi32, #tpu.memory_space<vmem>> -> memref<2x128xi32, #tpu.memory_space<vmem>>
      %dma_start3A_66 = arith.constant 0 : i32
      %dma_start3A_67 = tpu.memref_slice %arg3[%add3A_13, %dma_start3A_66] : memref<12544x128xi32, #tpu.memory_space<hbm>> -> memref<2x128xi32, #tpu.memory_space<hbm>>
      tpu.enqueue_dma source(%dma_start3A_67 : memref<2x128xi32, #tpu.memory_space<hbm>>) target(%dma_start3A_65 : memref<2x128xi32, #tpu.memory_space<vmem>>) target_semaphore(%run_scoped3A_55 : memref<!tpu.dma_semaphore, #tpu.memory_space<semaphore_mem>>)
      %dma_wait3A = arith.constant 0 : i32
      %dma_wait3A_68 = arith.constant 0 : i32
      %dma_wait3A_69 = tpu.memref_slice %arg6[%run_scoped3A, %dma_wait3A, %dma_wait3A_68] : memref<2x2x128xi32, #tpu.memory_space<vmem>> -> memref<1x2x128xi32, #tpu.memory_space<vmem>>
      %dma_wait3A_70 = tpu.memref_squeeze %dma_wait3A_69 : memref<1x2x128xi32, #tpu.memory_space<vmem>> -> memref<2x128xi32, #tpu.memory_space<vmem>>
      %dma_wait3A_71 = arith.constant 0 : i32
      %dma_wait3A_72 = tpu.memref_slice %arg3[%add3A_13, %dma_wait3A_71] : memref<12544x128xi32, #tpu.memory_space<hbm>> -> memref<2x128xi32, #tpu.memory_space<hbm>>
      %dma_wait3A_73 = arith.constant 0 : i32
      %dma_wait3A_74 = arith.constant 0 : i32
      %dma_wait3A_75 = tpu.memref_slice %arg6[%run_scoped3A, %dma_wait3A_73, %dma_wait3A_74] : memref<2x2x128xi32, #tpu.memory_space<vmem>> -> memref<1x2x128xi32, #tpu.memory_space<vmem>>
      %dma_wait3A_76 = tpu.memref_squeeze %dma_wait3A_75 : memref<1x2x128xi32, #tpu.memory_space<vmem>> -> memref<2x128xi32, #tpu.memory_space<vmem>>
      %dma_wait3A_77 = arith.constant 0 : i32
      %dma_wait3A_78 = tpu.memref_slice %arg3[%add3A_13, %dma_wait3A_77] : memref<12544x128xi32, #tpu.memory_space<hbm>> -> memref<2x128xi32, #tpu.memory_space<hbm>>
      tpu.wait_dma2 semaphore(%run_scoped3A_55 : memref<!tpu.dma_semaphore, #tpu.memory_space<semaphore_mem>>) src(%dma_wait3A_78 : memref<2x128xi32, #tpu.memory_space<hbm>>) dst(%dma_wait3A_76 : memref<2x128xi32, #tpu.memory_space<vmem>>)
      tpu.yield
    }) : () -> ()
    %add3A_14 = arith.constant 0 : i32
    %add3A_15 = arith.addi %mul3A_11, %add3A_14 : i32
    %run_scoped3A_16 = arith.constant 0 : i32
    "tpu.region"() ({
      %run_scoped3A_55 = tpu.sem_alloc : memref<!tpu.dma_semaphore, #tpu.memory_space<semaphore_mem>>
      %dma_start3A_56 = arith.constant 0 : i32
      %dma_start3A_57 = arith.constant 0 : i32
      %dma_start3A_58 = tpu.memref_slice %arg7[%run_scoped3A_16, %dma_start3A_56, %dma_start3A_57] : memref<2x2x128xi32, #tpu.memory_space<vmem>> -> memref<1x2x128xi32, #tpu.memory_space<vmem>>
      %dma_start3A_59 = tpu.memref_squeeze %dma_start3A_58 : memref<1x2x128xi32, #tpu.memory_space<vmem>> -> memref<2x128xi32, #tpu.memory_space<vmem>>
      %dma_start3A_60 = arith.constant 0 : i32
      %dma_start3A_61 = tpu.memref_slice %arg4[%add3A_15, %dma_start3A_60] : memref<12544x128xi32, #tpu.memory_space<hbm>> -> memref<2x128xi32, #tpu.memory_space<hbm>>
      %dma_start3A_62 = arith.constant 0 : i32
      %dma_start3A_63 = arith.constant 0 : i32
      %dma_start3A_64 = tpu.memref_slice %arg7[%run_scoped3A_16, %dma_start3A_62, %dma_start3A_63] : memref<2x2x128xi32, #tpu.memory_space<vmem>> -> memref<1x2x128xi32, #tpu.memory_space<vmem>>
      %dma_start3A_65 = tpu.memref_squeeze %dma_start3A_64 : memref<1x2x128xi32, #tpu.memory_space<vmem>> -> memref<2x128xi32, #tpu.memory_space<vmem>>
      %dma_start3A_66 = arith.constant 0 : i32
      %dma_start3A_67 = tpu.memref_slice %arg4[%add3A_15, %dma_start3A_66] : memref<12544x128xi32, #tpu.memory_space<hbm>> -> memref<2x128xi32, #tpu.memory_space<hbm>>
      tpu.enqueue_dma source(%dma_start3A_67 : memref<2x128xi32, #tpu.memory_space<hbm>>) target(%dma_start3A_65 : memref<2x128xi32, #tpu.memory_space<vmem>>) target_semaphore(%run_scoped3A_55 : memref<!tpu.dma_semaphore, #tpu.memory_space<semaphore_mem>>)
      %dma_wait3A = arith.constant 0 : i32
      %dma_wait3A_68 = arith.constant 0 : i32
      %dma_wait3A_69 = tpu.memref_slice %arg7[%run_scoped3A_16, %dma_wait3A, %dma_wait3A_68] : memref<2x2x128xi32, #tpu.memory_space<vmem>> -> memref<1x2x128xi32, #tpu.memory_space<vmem>>
      %dma_wait3A_70 = tpu.memref_squeeze %dma_wait3A_69 : memref<1x2x128xi32, #tpu.memory_space<vmem>> -> memref<2x128xi32, #tpu.memory_space<vmem>>
      %dma_wait3A_71 = arith.constant 0 : i32
      %dma_wait3A_72 = tpu.memref_slice %arg4[%add3A_15, %dma_wait3A_71] : memref<12544x128xi32, #tpu.memory_space<hbm>> -> memref<2x128xi32, #tpu.memory_space<hbm>>
      %dma_wait3A_73 = arith.constant 0 : i32
      %dma_wait3A_74 = arith.constant 0 : i32
      %dma_wait3A_75 = tpu.memref_slice %arg7[%run_scoped3A_16, %dma_wait3A_73, %dma_wait3A_74] : memref<2x2x128xi32, #tpu.memory_space<vmem>> -> memref<1x2x128xi32, #tpu.memory_space<vmem>>
      %dma_wait3A_76 = tpu.memref_squeeze %dma_wait3A_75 : memref<1x2x128xi32, #tpu.memory_space<vmem>> -> memref<2x128xi32, #tpu.memory_space<vmem>>
      %dma_wait3A_77 = arith.constant 0 : i32
      %dma_wait3A_78 = tpu.memref_slice %arg4[%add3A_15, %dma_wait3A_77] : memref<12544x128xi32, #tpu.memory_space<hbm>> -> memref<2x128xi32, #tpu.memory_space<hbm>>
      tpu.wait_dma2 semaphore(%run_scoped3A_55 : memref<!tpu.dma_semaphore, #tpu.memory_space<semaphore_mem>>) src(%dma_wait3A_78 : memref<2x128xi32, #tpu.memory_space<hbm>>) dst(%dma_wait3A_76 : memref<2x128xi32, #tpu.memory_space<vmem>>)
      tpu.yield
    }) : () -> ()
    %dma_start3A = arith.constant 0 : i32
    %dma_start3A_17 = arith.constant 0 : i32
    %dma_start3A_18 = arith.constant 0 : i32
    %dma_start3A_19 = arith.constant 0 : i32
    %dma_start3A_20 = arith.constant 0 : i32
    %dma_start3A_21 = arith.constant 0 : i32
    %dma_start3A_22 = tpu.memref_slice %arg8[%dma_start3A_18, %dma_start3A_19, %dma_start3A_20, %dma_start3A_21] : memref<2x2x128x32xf32, #tpu.memory_space<vmem>> -> memref<1x1x128x32xf32, #tpu.memory_space<vmem>>
    %dma_start3A_23 = tpu.memref_squeeze %dma_start3A_22 : memref<1x1x128x32xf32, #tpu.memory_space<vmem>> -> memref<128x32xf32, #tpu.memory_space<vmem>>
    %dma_start3A_24 = arith.constant 0 : i32
    %dma_start3A_25 = tpu.memref_slice %arg6[%dma_start3A, %dma_start3A_17, %dma_start3A_24] : memref<2x2x128xi32, #tpu.memory_space<vmem>> -> memref<1x1x128xi32, #tpu.memory_space<vmem>>
    %dma_start3A_26 = tpu.memref_squeeze %dma_start3A_25 : memref<1x1x128xi32, #tpu.memory_space<vmem>> -> memref<128xi32, #tpu.memory_space<vmem>>
    %dma_start3A_27 = arith.constant 0 : i32
    %dma_start3A_28 = arith.constant 0 : i32
    %dma_start3A_29 = tpu.memref_slice %arg2[%dma_start3A_27, %dma_start3A_28] : memref<50000x32xf32, #tpu.memory_space<hbm>> -> memref<50000x32xf32, #tpu.memory_space<hbm>>
    tpu.enqueue_indirect_dma source(%dma_start3A_29 : memref<50000x32xf32, #tpu.memory_space<hbm>>) target(%dma_start3A_23 : memref<128x32xf32, #tpu.memory_space<vmem>>) offsets(%dma_start3A_26 : memref<128xi32, #tpu.memory_space<vmem>>) semaphore(%arg11 : memref<!tpu.dma_semaphore, #tpu.memory_space<semaphore_mem>>)
    %dma_start3A_30 = arith.constant 0 : i32
    %dma_start3A_31 = arith.constant 1 : i32
    %dma_start3A_32 = arith.constant 0 : i32
    %dma_start3A_33 = arith.constant 1 : i32
    %dma_start3A_34 = arith.constant 0 : i32
    %dma_start3A_35 = arith.constant 0 : i32
    %dma_start3A_36 = tpu.memref_slice %arg8[%dma_start3A_32, %dma_start3A_33, %dma_start3A_34, %dma_start3A_35] : memref<2x2x128x32xf32, #tpu.memory_space<vmem>> -> memref<1x1x128x32xf32, #tpu.memory_space<vmem>>
    %dma_start3A_37 = tpu.memref_squeeze %dma_start3A_36 : memref<1x1x128x32xf32, #tpu.memory_space<vmem>> -> memref<128x32xf32, #tpu.memory_space<vmem>>
    %dma_start3A_38 = arith.constant 0 : i32
    %dma_start3A_39 = tpu.memref_slice %arg6[%dma_start3A_30, %dma_start3A_31, %dma_start3A_38] : memref<2x2x128xi32, #tpu.memory_space<vmem>> -> memref<1x1x128xi32, #tpu.memory_space<vmem>>
    %dma_start3A_40 = tpu.memref_squeeze %dma_start3A_39 : memref<1x1x128xi32, #tpu.memory_space<vmem>> -> memref<128xi32, #tpu.memory_space<vmem>>
    %dma_start3A_41 = arith.constant 0 : i32
    %dma_start3A_42 = arith.constant 0 : i32
    %dma_start3A_43 = tpu.memref_slice %arg2[%dma_start3A_41, %dma_start3A_42] : memref<50000x32xf32, #tpu.memory_space<hbm>> -> memref<50000x32xf32, #tpu.memory_space<hbm>>
    tpu.enqueue_indirect_dma source(%dma_start3A_43 : memref<50000x32xf32, #tpu.memory_space<hbm>>) target(%dma_start3A_37 : memref<128x32xf32, #tpu.memory_space<vmem>>) offsets(%dma_start3A_40 : memref<128xi32, #tpu.memory_space<vmem>>) semaphore(%arg11 : memref<!tpu.dma_semaphore, #tpu.memory_space<semaphore_mem>>)
    %scan3A_44 = arith.constant 0 : i32
    %scan3A_45 = arith.constant 98 : i32
    %scan3A_46 = arith.addi %scan3A_44, %scan3A_45 : i32
    %scan3A_47 = arith.constant 1 : i32
    scf.for %scan3A_55 = %scan3A_44 to %scan3A_46 step %scan3A_47  : i32 {
      %mul3A_56 = arith.constant 2 : i32
      %mul3A_57 = arith.muli %scan3A_55, %mul3A_56 : i32
      %add3A_58 = arith.constant 0 : i32
      %add3A_59 = arith.addi %add3A_58, %mul3A_57 : i32
      %add3A_60 = arith.constant 0 : i32
      %add3A_61 = arith.addi %add3A_59, %add3A_60 : i32
      %add3A_62 = arith.constant 1 : i32
      %add3A_63 = arith.addi %add3A_61, %add3A_62 : i32
      %lt3A = arith.constant 196 : i32
      %lt3A_64 = arith.cmpi slt, %add3A_63, %lt3A : i32
      %convert_element_type3A = arith.extui %lt3A_64 : i1 to i32
      %cond3A = arith.constant 0 : i32
      %cond3A_65 = arith.cmpi ne, %convert_element_type3A, %cond3A : i32
      scf.if %cond3A_65 {
        %add3A_146 = arith.constant 1 : i32
        %add3A_147 = arith.addi %add3A_61, %add3A_146 : i32
        %mul3A_148 = arith.constant 2 : i32
        %mul3A_149 = arith.muli %add3A_147, %mul3A_148 : i32
        %add3A_150 = arith.addi %mul3A_11, %mul3A_149 : i32
        %run_scoped3A_151 = arith.constant 1 : i32
        "tpu.region"() ({
          %run_scoped3A_184 = tpu.sem_alloc : memref<!tpu.dma_semaphore, #tpu.memory_space<semaphore_mem>>
          %dma_start3A_185 = arith.constant 0 : i32
          %dma_start3A_186 = arith.constant 0 : i32
          %dma_start3A_187 = tpu.memref_slice %arg6[%run_scoped3A_151, %dma_start3A_185, %dma_start3A_186] : memref<2x2x128xi32, #tpu.memory_space<vmem>> -> memref<1x2x128xi32, #tpu.memory_space<vmem>>
          %dma_start3A_188 = tpu.memref_squeeze %dma_start3A_187 : memref<1x2x128xi32, #tpu.memory_space<vmem>> -> memref<2x128xi32, #tpu.memory_space<vmem>>
          %dma_start3A_189 = arith.constant 0 : i32
          %dma_start3A_190 = tpu.memref_slice %arg3[%add3A_150, %dma_start3A_189] : memref<12544x128xi32, #tpu.memory_space<hbm>> -> memref<2x128xi32, #tpu.memory_space<hbm>>
          %dma_start3A_191 = arith.constant 0 : i32
          %dma_start3A_192 = arith.constant 0 : i32
          %dma_start3A_193 = tpu.memref_slice %arg6[%run_scoped3A_151, %dma_start3A_191, %dma_start3A_192] : memref<2x2x128xi32, #tpu.memory_space<vmem>> -> memref<1x2x128xi32, #tpu.memory_space<vmem>>
          %dma_start3A_194 = tpu.memref_squeeze %dma_start3A_193 : memref<1x2x128xi32, #tpu.memory_space<vmem>> -> memref<2x128xi32, #tpu.memory_space<vmem>>
          %dma_start3A_195 = arith.constant 0 : i32
          %dma_start3A_196 = tpu.memref_slice %arg3[%add3A_150, %dma_start3A_195] : memref<12544x128xi32, #tpu.memory_space<hbm>> -> memref<2x128xi32, #tpu.memory_space<hbm>>
          tpu.enqueue_dma source(%dma_start3A_196 : memref<2x128xi32, #tpu.memory_space<hbm>>) target(%dma_start3A_194 : memref<2x128xi32, #tpu.memory_space<vmem>>) target_semaphore(%run_scoped3A_184 : memref<!tpu.dma_semaphore, #tpu.memory_space<semaphore_mem>>)
          %dma_wait3A_197 = arith.constant 0 : i32
          %dma_wait3A_198 = arith.constant 0 : i32
          %dma_wait3A_199 = tpu.memref_slice %arg6[%run_scoped3A_151, %dma_wait3A_197, %dma_wait3A_198] : memref<2x2x128xi32, #tpu.memory_space<vmem>> -> memref<1x2x128xi32, #tpu.memory_space<vmem>>
          %dma_wait3A_200 = tpu.memref_squeeze %dma_wait3A_199 : memref<1x2x128xi32, #tpu.memory_space<vmem>> -> memref<2x128xi32, #tpu.memory_space<vmem>>
          %dma_wait3A_201 = arith.constant 0 : i32
          %dma_wait3A_202 = tpu.memref_slice %arg3[%add3A_150, %dma_wait3A_201] : memref<12544x128xi32, #tpu.memory_space<hbm>> -> memref<2x128xi32, #tpu.memory_space<hbm>>
          %dma_wait3A_203 = arith.constant 0 : i32
          %dma_wait3A_204 = arith.constant 0 : i32
          %dma_wait3A_205 = tpu.memref_slice %arg6[%run_scoped3A_151, %dma_wait3A_203, %dma_wait3A_204] : memref<2x2x128xi32, #tpu.memory_space<vmem>> -> memref<1x2x128xi32, #tpu.memory_space<vmem>>
          %dma_wait3A_206 = tpu.memref_squeeze %dma_wait3A_205 : memref<1x2x128xi32, #tpu.memory_space<vmem>> -> memref<2x128xi32, #tpu.memory_space<vmem>>
          %dma_wait3A_207 = arith.constant 0 : i32
          %dma_wait3A_208 = tpu.memref_slice %arg3[%add3A_150, %dma_wait3A_207] : memref<12544x128xi32, #tpu.memory_space<hbm>> -> memref<2x128xi32, #tpu.memory_space<hbm>>
          tpu.wait_dma2 semaphore(%run_scoped3A_184 : memref<!tpu.dma_semaphore, #tpu.memory_space<semaphore_mem>>) src(%dma_wait3A_208 : memref<2x128xi32, #tpu.memory_space<hbm>>) dst(%dma_wait3A_206 : memref<2x128xi32, #tpu.memory_space<vmem>>)
          tpu.yield
        }) : () -> ()
        %mul3A_152 = arith.constant 2 : i32
        %mul3A_153 = arith.muli %add3A_147, %mul3A_152 : i32
        %add3A_154 = arith.addi %mul3A_11, %mul3A_153 : i32
        %run_scoped3A_155 = arith.constant 1 : i32
        "tpu.region"() ({
          %run_scoped3A_184 = tpu.sem_alloc : memref<!tpu.dma_semaphore, #tpu.memory_space<semaphore_mem>>
          %dma_start3A_185 = arith.constant 0 : i32
          %dma_start3A_186 = arith.constant 0 : i32
          %dma_start3A_187 = tpu.memref_slice %arg7[%run_scoped3A_155, %dma_start3A_185, %dma_start3A_186] : memref<2x2x128xi32, #tpu.memory_space<vmem>> -> memref<1x2x128xi32, #tpu.memory_space<vmem>>
          %dma_start3A_188 = tpu.memref_squeeze %dma_start3A_187 : memref<1x2x128xi32, #tpu.memory_space<vmem>> -> memref<2x128xi32, #tpu.memory_space<vmem>>
          %dma_start3A_189 = arith.constant 0 : i32
          %dma_start3A_190 = tpu.memref_slice %arg4[%add3A_154, %dma_start3A_189] : memref<12544x128xi32, #tpu.memory_space<hbm>> -> memref<2x128xi32, #tpu.memory_space<hbm>>
          %dma_start3A_191 = arith.constant 0 : i32
          %dma_start3A_192 = arith.constant 0 : i32
          %dma_start3A_193 = tpu.memref_slice %arg7[%run_scoped3A_155, %dma_start3A_191, %dma_start3A_192] : memref<2x2x128xi32, #tpu.memory_space<vmem>> -> memref<1x2x128xi32, #tpu.memory_space<vmem>>
          %dma_start3A_194 = tpu.memref_squeeze %dma_start3A_193 : memref<1x2x128xi32, #tpu.memory_space<vmem>> -> memref<2x128xi32, #tpu.memory_space<vmem>>
          %dma_start3A_195 = arith.constant 0 : i32
          %dma_start3A_196 = tpu.memref_slice %arg4[%add3A_154, %dma_start3A_195] : memref<12544x128xi32, #tpu.memory_space<hbm>> -> memref<2x128xi32, #tpu.memory_space<hbm>>
          tpu.enqueue_dma source(%dma_start3A_196 : memref<2x128xi32, #tpu.memory_space<hbm>>) target(%dma_start3A_194 : memref<2x128xi32, #tpu.memory_space<vmem>>) target_semaphore(%run_scoped3A_184 : memref<!tpu.dma_semaphore, #tpu.memory_space<semaphore_mem>>)
          %dma_wait3A_197 = arith.constant 0 : i32
          %dma_wait3A_198 = arith.constant 0 : i32
          %dma_wait3A_199 = tpu.memref_slice %arg7[%run_scoped3A_155, %dma_wait3A_197, %dma_wait3A_198] : memref<2x2x128xi32, #tpu.memory_space<vmem>> -> memref<1x2x128xi32, #tpu.memory_space<vmem>>
          %dma_wait3A_200 = tpu.memref_squeeze %dma_wait3A_199 : memref<1x2x128xi32, #tpu.memory_space<vmem>> -> memref<2x128xi32, #tpu.memory_space<vmem>>
          %dma_wait3A_201 = arith.constant 0 : i32
          %dma_wait3A_202 = tpu.memref_slice %arg4[%add3A_154, %dma_wait3A_201] : memref<12544x128xi32, #tpu.memory_space<hbm>> -> memref<2x128xi32, #tpu.memory_space<hbm>>
          %dma_wait3A_203 = arith.constant 0 : i32
          %dma_wait3A_204 = arith.constant 0 : i32
          %dma_wait3A_205 = tpu.memref_slice %arg7[%run_scoped3A_155, %dma_wait3A_203, %dma_wait3A_204] : memref<2x2x128xi32, #tpu.memory_space<vmem>> -> memref<1x2x128xi32, #tpu.memory_space<vmem>>
          %dma_wait3A_206 = tpu.memref_squeeze %dma_wait3A_205 : memref<1x2x128xi32, #tpu.memory_space<vmem>> -> memref<2x128xi32, #tpu.memory_space<vmem>>
          %dma_wait3A_207 = arith.constant 0 : i32
          %dma_wait3A_208 = tpu.memref_slice %arg4[%add3A_154, %dma_wait3A_207] : memref<12544x128xi32, #tpu.memory_space<hbm>> -> memref<2x128xi32, #tpu.memory_space<hbm>>
          tpu.wait_dma2 semaphore(%run_scoped3A_184 : memref<!tpu.dma_semaphore, #tpu.memory_space<semaphore_mem>>) src(%dma_wait3A_208 : memref<2x128xi32, #tpu.memory_space<hbm>>) dst(%dma_wait3A_206 : memref<2x128xi32, #tpu.memory_space<vmem>>)
          tpu.yield
        }) : () -> ()
        %dma_start3A_156 = arith.constant 1 : i32
        %dma_start3A_157 = arith.constant 0 : i32
        %dma_start3A_158 = arith.constant 1 : i32
        %dma_start3A_159 = arith.constant 0 : i32
        %dma_start3A_160 = arith.constant 0 : i32
        %dma_start3A_161 = arith.constant 0 : i32
        %dma_start3A_162 = tpu.memref_slice %arg8[%dma_start3A_158, %dma_start3A_159, %dma_start3A_160, %dma_start3A_161] : memref<2x2x128x32xf32, #tpu.memory_space<vmem>> -> memref<1x1x128x32xf32, #tpu.memory_space<vmem>>
        %dma_start3A_163 = tpu.memref_squeeze %dma_start3A_162 : memref<1x1x128x32xf32, #tpu.memory_space<vmem>> -> memref<128x32xf32, #tpu.memory_space<vmem>>
        %dma_start3A_164 = arith.constant 0 : i32
        %dma_start3A_165 = tpu.memref_slice %arg6[%dma_start3A_156, %dma_start3A_157, %dma_start3A_164] : memref<2x2x128xi32, #tpu.memory_space<vmem>> -> memref<1x1x128xi32, #tpu.memory_space<vmem>>
        %dma_start3A_166 = tpu.memref_squeeze %dma_start3A_165 : memref<1x1x128xi32, #tpu.memory_space<vmem>> -> memref<128xi32, #tpu.memory_space<vmem>>
        %dma_start3A_167 = arith.constant 0 : i32
        %dma_start3A_168 = arith.constant 0 : i32
        %dma_start3A_169 = tpu.memref_slice %arg2[%dma_start3A_167, %dma_start3A_168] : memref<50000x32xf32, #tpu.memory_space<hbm>> -> memref<50000x32xf32, #tpu.memory_space<hbm>>
        tpu.enqueue_indirect_dma source(%dma_start3A_169 : memref<50000x32xf32, #tpu.memory_space<hbm>>) target(%dma_start3A_163 : memref<128x32xf32, #tpu.memory_space<vmem>>) offsets(%dma_start3A_166 : memref<128xi32, #tpu.memory_space<vmem>>) semaphore(%arg12 : memref<!tpu.dma_semaphore, #tpu.memory_space<semaphore_mem>>)
        %dma_start3A_170 = arith.constant 1 : i32
        %dma_start3A_171 = arith.constant 1 : i32
        %dma_start3A_172 = arith.constant 1 : i32
        %dma_start3A_173 = arith.constant 1 : i32
        %dma_start3A_174 = arith.constant 0 : i32
        %dma_start3A_175 = arith.constant 0 : i32
        %dma_start3A_176 = tpu.memref_slice %arg8[%dma_start3A_172, %dma_start3A_173, %dma_start3A_174, %dma_start3A_175] : memref<2x2x128x32xf32, #tpu.memory_space<vmem>> -> memref<1x1x128x32xf32, #tpu.memory_space<vmem>>
        %dma_start3A_177 = tpu.memref_squeeze %dma_start3A_176 : memref<1x1x128x32xf32, #tpu.memory_space<vmem>> -> memref<128x32xf32, #tpu.memory_space<vmem>>
        %dma_start3A_178 = arith.constant 0 : i32
        %dma_start3A_179 = tpu.memref_slice %arg6[%dma_start3A_170, %dma_start3A_171, %dma_start3A_178] : memref<2x2x128xi32, #tpu.memory_space<vmem>> -> memref<1x1x128xi32, #tpu.memory_space<vmem>>
        %dma_start3A_180 = tpu.memref_squeeze %dma_start3A_179 : memref<1x1x128xi32, #tpu.memory_space<vmem>> -> memref<128xi32, #tpu.memory_space<vmem>>
        %dma_start3A_181 = arith.constant 0 : i32
        %dma_start3A_182 = arith.constant 0 : i32
        %dma_start3A_183 = tpu.memref_slice %arg2[%dma_start3A_181, %dma_start3A_182] : memref<50000x32xf32, #tpu.memory_space<hbm>> -> memref<50000x32xf32, #tpu.memory_space<hbm>>
        tpu.enqueue_indirect_dma source(%dma_start3A_183 : memref<50000x32xf32, #tpu.memory_space<hbm>>) target(%dma_start3A_177 : memref<128x32xf32, #tpu.memory_space<vmem>>) offsets(%dma_start3A_180 : memref<128xi32, #tpu.memory_space<vmem>>) semaphore(%arg12 : memref<!tpu.dma_semaphore, #tpu.memory_space<semaphore_mem>>)
      } else {
      }
      %dma_wait3A = arith.constant 0 : i32
      %dma_wait3A_66 = arith.constant 0 : i32
      %dma_wait3A_67 = arith.constant 0 : i32
      %dma_wait3A_68 = arith.constant 0 : i32
      %dma_wait3A_69 = arith.constant 0 : i32
      %dma_wait3A_70 = arith.constant 0 : i32
      %dma_wait3A_71 = tpu.memref_slice %arg8[%dma_wait3A_67, %dma_wait3A_68, %dma_wait3A_69, %dma_wait3A_70] : memref<2x2x128x32xf32, #tpu.memory_space<vmem>> -> memref<1x1x128x32xf32, #tpu.memory_space<vmem>>
      %dma_wait3A_72 = tpu.memref_squeeze %dma_wait3A_71 : memref<1x1x128x32xf32, #tpu.memory_space<vmem>> -> memref<128x32xf32, #tpu.memory_space<vmem>>
      %dma_wait3A_73 = arith.constant 0 : i32
      %dma_wait3A_74 = tpu.memref_slice %arg6[%dma_wait3A, %dma_wait3A_66, %dma_wait3A_73] : memref<2x2x128xi32, #tpu.memory_space<vmem>> -> memref<1x1x128xi32, #tpu.memory_space<vmem>>
      %dma_wait3A_75 = tpu.memref_squeeze %dma_wait3A_74 : memref<1x1x128xi32, #tpu.memory_space<vmem>> -> memref<128xi32, #tpu.memory_space<vmem>>
      %dma_wait3A_76 = arith.constant 0 : i32
      %dma_wait3A_77 = arith.constant 0 : i32
      %dma_wait3A_78 = tpu.memref_slice %arg2[%dma_wait3A_76, %dma_wait3A_77] : memref<50000x32xf32, #tpu.memory_space<hbm>> -> memref<50000x32xf32, #tpu.memory_space<hbm>>
      tpu.wait_indirect_dma semaphore(%arg11 : memref<!tpu.dma_semaphore, #tpu.memory_space<semaphore_mem>>) src(%dma_wait3A_78 : memref<50000x32xf32, #tpu.memory_space<hbm>>) dst(%dma_wait3A_72 : memref<128x32xf32, #tpu.memory_space<vmem>>)
      %dma_wait3A_79 = arith.constant 0 : i32
      %dma_wait3A_80 = arith.constant 1 : i32
      %dma_wait3A_81 = arith.constant 0 : i32
      %dma_wait3A_82 = arith.constant 1 : i32
      %dma_wait3A_83 = arith.constant 0 : i32
      %dma_wait3A_84 = arith.constant 0 : i32
      %dma_wait3A_85 = tpu.memref_slice %arg8[%dma_wait3A_81, %dma_wait3A_82, %dma_wait3A_83, %dma_wait3A_84] : memref<2x2x128x32xf32, #tpu.memory_space<vmem>> -> memref<1x1x128x32xf32, #tpu.memory_space<vmem>>
      %dma_wait3A_86 = tpu.memref_squeeze %dma_wait3A_85 : memref<1x1x128x32xf32, #tpu.memory_space<vmem>> -> memref<128x32xf32, #tpu.memory_space<vmem>>
      %dma_wait3A_87 = arith.constant 0 : i32
      %dma_wait3A_88 = tpu.memref_slice %arg6[%dma_wait3A_79, %dma_wait3A_80, %dma_wait3A_87] : memref<2x2x128xi32, #tpu.memory_space<vmem>> -> memref<1x1x128xi32, #tpu.memory_space<vmem>>
      %dma_wait3A_89 = tpu.memref_squeeze %dma_wait3A_88 : memref<1x1x128xi32, #tpu.memory_space<vmem>> -> memref<128xi32, #tpu.memory_space<vmem>>
      %dma_wait3A_90 = arith.constant 0 : i32
      %dma_wait3A_91 = arith.constant 0 : i32
      %dma_wait3A_92 = tpu.memref_slice %arg2[%dma_wait3A_90, %dma_wait3A_91] : memref<50000x32xf32, #tpu.memory_space<hbm>> -> memref<50000x32xf32, #tpu.memory_space<hbm>>
      tpu.wait_indirect_dma semaphore(%arg11 : memref<!tpu.dma_semaphore, #tpu.memory_space<semaphore_mem>>) src(%dma_wait3A_92 : memref<50000x32xf32, #tpu.memory_space<hbm>>) dst(%dma_wait3A_86 : memref<128x32xf32, #tpu.memory_space<vmem>>)
      %run_scoped3A_93 = arith.constant 0 : i32
      %run_scoped3A_94 = arith.constant 0 : i32
      %run_scoped3A_95 = arith.constant 0 : i32
      %run_scoped3A_96 = arith.constant 0 : i32
      "tpu.region"() ({
        %run_scoped3A_146 = tpu.sem_alloc : memref<!tpu.dma_semaphore, #tpu.memory_space<semaphore_mem>>
        %dma_start3A_147 = arith.constant 0 : i32
        %dma_start3A_148 = arith.constant 0 : i32
        %dma_start3A_149 = tpu.memref_slice %arg8[%run_scoped3A_93, %run_scoped3A_94, %dma_start3A_147, %dma_start3A_148] : memref<2x2x128x32xf32, #tpu.memory_space<vmem>> -> memref<1x1x128x32xf32, #tpu.memory_space<vmem>>
        %dma_start3A_150 = tpu.memref_squeeze %dma_start3A_149 : memref<1x1x128x32xf32, #tpu.memory_space<vmem>> -> memref<128x32xf32, #tpu.memory_space<vmem>>
        %dma_start3A_151 = arith.constant 0 : i32
        %dma_start3A_152 = tpu.memref_slice %arg7[%run_scoped3A_95, %run_scoped3A_96, %dma_start3A_151] : memref<2x2x128xi32, #tpu.memory_space<vmem>> -> memref<1x1x128xi32, #tpu.memory_space<vmem>>
        %dma_start3A_153 = tpu.memref_squeeze %dma_start3A_152 : memref<1x1x128xi32, #tpu.memory_space<vmem>> -> memref<128xi32, #tpu.memory_space<vmem>>
        %dma_start3A_154 = arith.constant 0 : i32
        %dma_start3A_155 = arith.constant 0 : i32
        %dma_start3A_156 = tpu.memref_slice %arg10[%dma_start3A_154, %dma_start3A_155] : memref<50176x32xf32, #tpu.memory_space<vmem_shared>> -> memref<50176x32xf32, #tpu.memory_space<vmem_shared>>
        tpu.enqueue_indirect_dma source(%dma_start3A_150 : memref<128x32xf32, #tpu.memory_space<vmem>>) target(%dma_start3A_156 : memref<50176x32xf32, #tpu.memory_space<vmem_shared>>) offsets(%dma_start3A_153 : memref<128xi32, #tpu.memory_space<vmem>>) semaphore(%run_scoped3A_146 : memref<!tpu.dma_semaphore, #tpu.memory_space<semaphore_mem>>) {add = true}
        %dma_wait3A_157 = arith.constant 0 : i32
        %dma_wait3A_158 = arith.constant 0 : i32
        %dma_wait3A_159 = tpu.memref_slice %arg8[%run_scoped3A_93, %run_scoped3A_94, %dma_wait3A_157, %dma_wait3A_158] : memref<2x2x128x32xf32, #tpu.memory_space<vmem>> -> memref<1x1x128x32xf32, #tpu.memory_space<vmem>>
        %dma_wait3A_160 = tpu.memref_squeeze %dma_wait3A_159 : memref<1x1x128x32xf32, #tpu.memory_space<vmem>> -> memref<128x32xf32, #tpu.memory_space<vmem>>
        %dma_wait3A_161 = arith.constant 0 : i32
        %dma_wait3A_162 = tpu.memref_slice %arg7[%run_scoped3A_95, %run_scoped3A_96, %dma_wait3A_161] : memref<2x2x128xi32, #tpu.memory_space<vmem>> -> memref<1x1x128xi32, #tpu.memory_space<vmem>>
        %dma_wait3A_163 = tpu.memref_squeeze %dma_wait3A_162 : memref<1x1x128xi32, #tpu.memory_space<vmem>> -> memref<128xi32, #tpu.memory_space<vmem>>
        %dma_wait3A_164 = arith.constant 0 : i32
        %dma_wait3A_165 = arith.constant 0 : i32
        %dma_wait3A_166 = tpu.memref_slice %arg10[%dma_wait3A_164, %dma_wait3A_165] : memref<50176x32xf32, #tpu.memory_space<vmem_shared>> -> memref<50176x32xf32, #tpu.memory_space<vmem_shared>>
        tpu.wait_indirect_dma semaphore(%run_scoped3A_146 : memref<!tpu.dma_semaphore, #tpu.memory_space<semaphore_mem>>) src(%dma_wait3A_160 : memref<128x32xf32, #tpu.memory_space<vmem>>) dst(%dma_wait3A_166 : memref<50176x32xf32, #tpu.memory_space<vmem_shared>>)
        tpu.yield
      }) : () -> ()
      %run_scoped3A_97 = arith.constant 0 : i32
      %run_scoped3A_98 = arith.constant 1 : i32
      %run_scoped3A_99 = arith.constant 0 : i32
      %run_scoped3A_100 = arith.constant 1 : i32
      "tpu.region"() ({
        %run_scoped3A_146 = tpu.sem_alloc : memref<!tpu.dma_semaphore, #tpu.memory_space<semaphore_mem>>
        %dma_start3A_147 = arith.constant 0 : i32
        %dma_start3A_148 = arith.constant 0 : i32
        %dma_start3A_149 = tpu.memref_slice %arg8[%run_scoped3A_97, %run_scoped3A_98, %dma_start3A_147, %dma_start3A_148] : memref<2x2x128x32xf32, #tpu.memory_space<vmem>> -> memref<1x1x128x32xf32, #tpu.memory_space<vmem>>
        %dma_start3A_150 = tpu.memref_squeeze %dma_start3A_149 : memref<1x1x128x32xf32, #tpu.memory_space<vmem>> -> memref<128x32xf32, #tpu.memory_space<vmem>>
        %dma_start3A_151 = arith.constant 0 : i32
        %dma_start3A_152 = tpu.memref_slice %arg7[%run_scoped3A_99, %run_scoped3A_100, %dma_start3A_151] : memref<2x2x128xi32, #tpu.memory_space<vmem>> -> memref<1x1x128xi32, #tpu.memory_space<vmem>>
        %dma_start3A_153 = tpu.memref_squeeze %dma_start3A_152 : memref<1x1x128xi32, #tpu.memory_space<vmem>> -> memref<128xi32, #tpu.memory_space<vmem>>
        %dma_start3A_154 = arith.constant 0 : i32
        %dma_start3A_155 = arith.constant 0 : i32
        %dma_start3A_156 = tpu.memref_slice %arg10[%dma_start3A_154, %dma_start3A_155] : memref<50176x32xf32, #tpu.memory_space<vmem_shared>> -> memref<50176x32xf32, #tpu.memory_space<vmem_shared>>
        tpu.enqueue_indirect_dma source(%dma_start3A_150 : memref<128x32xf32, #tpu.memory_space<vmem>>) target(%dma_start3A_156 : memref<50176x32xf32, #tpu.memory_space<vmem_shared>>) offsets(%dma_start3A_153 : memref<128xi32, #tpu.memory_space<vmem>>) semaphore(%run_scoped3A_146 : memref<!tpu.dma_semaphore, #tpu.memory_space<semaphore_mem>>) {add = true}
        %dma_wait3A_157 = arith.constant 0 : i32
        %dma_wait3A_158 = arith.constant 0 : i32
        %dma_wait3A_159 = tpu.memref_slice %arg8[%run_scoped3A_97, %run_scoped3A_98, %dma_wait3A_157, %dma_wait3A_158] : memref<2x2x128x32xf32, #tpu.memory_space<vmem>> -> memref<1x1x128x32xf32, #tpu.memory_space<vmem>>
        %dma_wait3A_160 = tpu.memref_squeeze %dma_wait3A_159 : memref<1x1x128x32xf32, #tpu.memory_space<vmem>> -> memref<128x32xf32, #tpu.memory_space<vmem>>
        %dma_wait3A_161 = arith.constant 0 : i32
        %dma_wait3A_162 = tpu.memref_slice %arg7[%run_scoped3A_99, %run_scoped3A_100, %dma_wait3A_161] : memref<2x2x128xi32, #tpu.memory_space<vmem>> -> memref<1x1x128xi32, #tpu.memory_space<vmem>>
        %dma_wait3A_163 = tpu.memref_squeeze %dma_wait3A_162 : memref<1x1x128xi32, #tpu.memory_space<vmem>> -> memref<128xi32, #tpu.memory_space<vmem>>
        %dma_wait3A_164 = arith.constant 0 : i32
        %dma_wait3A_165 = arith.constant 0 : i32
        %dma_wait3A_166 = tpu.memref_slice %arg10[%dma_wait3A_164, %dma_wait3A_165] : memref<50176x32xf32, #tpu.memory_space<vmem_shared>> -> memref<50176x32xf32, #tpu.memory_space<vmem_shared>>
        tpu.wait_indirect_dma semaphore(%run_scoped3A_146 : memref<!tpu.dma_semaphore, #tpu.memory_space<semaphore_mem>>) src(%dma_wait3A_160 : memref<128x32xf32, #tpu.memory_space<vmem>>) dst(%dma_wait3A_166 : memref<50176x32xf32, #tpu.memory_space<vmem_shared>>)
        tpu.yield
      }) : () -> ()
      %add3A_101 = arith.constant 1 : i32
      %add3A_102 = arith.addi %add3A_59, %add3A_101 : i32
      %add3A_103 = arith.constant 1 : i32
      %add3A_104 = arith.addi %add3A_102, %add3A_103 : i32
      %lt3A_105 = arith.constant 196 : i32
      %lt3A_106 = arith.cmpi slt, %add3A_104, %lt3A_105 : i32
      %convert_element_type3A_107 = arith.extui %lt3A_106 : i1 to i32
      %cond3A_108 = arith.constant 0 : i32
      %cond3A_109 = arith.cmpi ne, %convert_element_type3A_107, %cond3A_108 : i32
      scf.if %cond3A_109 {
        %add3A_146 = arith.constant 1 : i32
        %add3A_147 = arith.addi %add3A_102, %add3A_146 : i32
        %mul3A_148 = arith.constant 2 : i32
        %mul3A_149 = arith.muli %add3A_147, %mul3A_148 : i32
        %add3A_150 = arith.addi %mul3A_11, %mul3A_149 : i32
        %run_scoped3A_151 = arith.constant 0 : i32
        "tpu.region"() ({
          %run_scoped3A_184 = tpu.sem_alloc : memref<!tpu.dma_semaphore, #tpu.memory_space<semaphore_mem>>
          %dma_start3A_185 = arith.constant 0 : i32
          %dma_start3A_186 = arith.constant 0 : i32
          %dma_start3A_187 = tpu.memref_slice %arg6[%run_scoped3A_151, %dma_start3A_185, %dma_start3A_186] : memref<2x2x128xi32, #tpu.memory_space<vmem>> -> memref<1x2x128xi32, #tpu.memory_space<vmem>>
          %dma_start3A_188 = tpu.memref_squeeze %dma_start3A_187 : memref<1x2x128xi32, #tpu.memory_space<vmem>> -> memref<2x128xi32, #tpu.memory_space<vmem>>
          %dma_start3A_189 = arith.constant 0 : i32
          %dma_start3A_190 = tpu.memref_slice %arg3[%add3A_150, %dma_start3A_189] : memref<12544x128xi32, #tpu.memory_space<hbm>> -> memref<2x128xi32, #tpu.memory_space<hbm>>
          %dma_start3A_191 = arith.constant 0 : i32
          %dma_start3A_192 = arith.constant 0 : i32
          %dma_start3A_193 = tpu.memref_slice %arg6[%run_scoped3A_151, %dma_start3A_191, %dma_start3A_192] : memref<2x2x128xi32, #tpu.memory_space<vmem>> -> memref<1x2x128xi32, #tpu.memory_space<vmem>>
          %dma_start3A_194 = tpu.memref_squeeze %dma_start3A_193 : memref<1x2x128xi32, #tpu.memory_space<vmem>> -> memref<2x128xi32, #tpu.memory_space<vmem>>
          %dma_start3A_195 = arith.constant 0 : i32
          %dma_start3A_196 = tpu.memref_slice %arg3[%add3A_150, %dma_start3A_195] : memref<12544x128xi32, #tpu.memory_space<hbm>> -> memref<2x128xi32, #tpu.memory_space<hbm>>
          tpu.enqueue_dma source(%dma_start3A_196 : memref<2x128xi32, #tpu.memory_space<hbm>>) target(%dma_start3A_194 : memref<2x128xi32, #tpu.memory_space<vmem>>) target_semaphore(%run_scoped3A_184 : memref<!tpu.dma_semaphore, #tpu.memory_space<semaphore_mem>>)
          %dma_wait3A_197 = arith.constant 0 : i32
          %dma_wait3A_198 = arith.constant 0 : i32
          %dma_wait3A_199 = tpu.memref_slice %arg6[%run_scoped3A_151, %dma_wait3A_197, %dma_wait3A_198] : memref<2x2x128xi32, #tpu.memory_space<vmem>> -> memref<1x2x128xi32, #tpu.memory_space<vmem>>
          %dma_wait3A_200 = tpu.memref_squeeze %dma_wait3A_199 : memref<1x2x128xi32, #tpu.memory_space<vmem>> -> memref<2x128xi32, #tpu.memory_space<vmem>>
          %dma_wait3A_201 = arith.constant 0 : i32
          %dma_wait3A_202 = tpu.memref_slice %arg3[%add3A_150, %dma_wait3A_201] : memref<12544x128xi32, #tpu.memory_space<hbm>> -> memref<2x128xi32, #tpu.memory_space<hbm>>
          %dma_wait3A_203 = arith.constant 0 : i32
          %dma_wait3A_204 = arith.constant 0 : i32
          %dma_wait3A_205 = tpu.memref_slice %arg6[%run_scoped3A_151, %dma_wait3A_203, %dma_wait3A_204] : memref<2x2x128xi32, #tpu.memory_space<vmem>> -> memref<1x2x128xi32, #tpu.memory_space<vmem>>
          %dma_wait3A_206 = tpu.memref_squeeze %dma_wait3A_205 : memref<1x2x128xi32, #tpu.memory_space<vmem>> -> memref<2x128xi32, #tpu.memory_space<vmem>>
          %dma_wait3A_207 = arith.constant 0 : i32
          %dma_wait3A_208 = tpu.memref_slice %arg3[%add3A_150, %dma_wait3A_207] : memref<12544x128xi32, #tpu.memory_space<hbm>> -> memref<2x128xi32, #tpu.memory_space<hbm>>
          tpu.wait_dma2 semaphore(%run_scoped3A_184 : memref<!tpu.dma_semaphore, #tpu.memory_space<semaphore_mem>>) src(%dma_wait3A_208 : memref<2x128xi32, #tpu.memory_space<hbm>>) dst(%dma_wait3A_206 : memref<2x128xi32, #tpu.memory_space<vmem>>)
          tpu.yield
        }) : () -> ()
        %mul3A_152 = arith.constant 2 : i32
        %mul3A_153 = arith.muli %add3A_147, %mul3A_152 : i32
        %add3A_154 = arith.addi %mul3A_11, %mul3A_153 : i32
        %run_scoped3A_155 = arith.constant 0 : i32
        "tpu.region"() ({
          %run_scoped3A_184 = tpu.sem_alloc : memref<!tpu.dma_semaphore, #tpu.memory_space<semaphore_mem>>
          %dma_start3A_185 = arith.constant 0 : i32
          %dma_start3A_186 = arith.constant 0 : i32
          %dma_start3A_187 = tpu.memref_slice %arg7[%run_scoped3A_155, %dma_start3A_185, %dma_start3A_186] : memref<2x2x128xi32, #tpu.memory_space<vmem>> -> memref<1x2x128xi32, #tpu.memory_space<vmem>>
          %dma_start3A_188 = tpu.memref_squeeze %dma_start3A_187 : memref<1x2x128xi32, #tpu.memory_space<vmem>> -> memref<2x128xi32, #tpu.memory_space<vmem>>
          %dma_start3A_189 = arith.constant 0 : i32
          %dma_start3A_190 = tpu.memref_slice %arg4[%add3A_154, %dma_start3A_189] : memref<12544x128xi32, #tpu.memory_space<hbm>> -> memref<2x128xi32, #tpu.memory_space<hbm>>
          %dma_start3A_191 = arith.constant 0 : i32
          %dma_start3A_192 = arith.constant 0 : i32
          %dma_start3A_193 = tpu.memref_slice %arg7[%run_scoped3A_155, %dma_start3A_191, %dma_start3A_192] : memref<2x2x128xi32, #tpu.memory_space<vmem>> -> memref<1x2x128xi32, #tpu.memory_space<vmem>>
          %dma_start3A_194 = tpu.memref_squeeze %dma_start3A_193 : memref<1x2x128xi32, #tpu.memory_space<vmem>> -> memref<2x128xi32, #tpu.memory_space<vmem>>
          %dma_start3A_195 = arith.constant 0 : i32
          %dma_start3A_196 = tpu.memref_slice %arg4[%add3A_154, %dma_start3A_195] : memref<12544x128xi32, #tpu.memory_space<hbm>> -> memref<2x128xi32, #tpu.memory_space<hbm>>
          tpu.enqueue_dma source(%dma_start3A_196 : memref<2x128xi32, #tpu.memory_space<hbm>>) target(%dma_start3A_194 : memref<2x128xi32, #tpu.memory_space<vmem>>) target_semaphore(%run_scoped3A_184 : memref<!tpu.dma_semaphore, #tpu.memory_space<semaphore_mem>>)
          %dma_wait3A_197 = arith.constant 0 : i32
          %dma_wait3A_198 = arith.constant 0 : i32
          %dma_wait3A_199 = tpu.memref_slice %arg7[%run_scoped3A_155, %dma_wait3A_197, %dma_wait3A_198] : memref<2x2x128xi32, #tpu.memory_space<vmem>> -> memref<1x2x128xi32, #tpu.memory_space<vmem>>
          %dma_wait3A_200 = tpu.memref_squeeze %dma_wait3A_199 : memref<1x2x128xi32, #tpu.memory_space<vmem>> -> memref<2x128xi32, #tpu.memory_space<vmem>>
          %dma_wait3A_201 = arith.constant 0 : i32
          %dma_wait3A_202 = tpu.memref_slice %arg4[%add3A_154, %dma_wait3A_201] : memref<12544x128xi32, #tpu.memory_space<hbm>> -> memref<2x128xi32, #tpu.memory_space<hbm>>
          %dma_wait3A_203 = arith.constant 0 : i32
          %dma_wait3A_204 = arith.constant 0 : i32
          %dma_wait3A_205 = tpu.memref_slice %arg7[%run_scoped3A_155, %dma_wait3A_203, %dma_wait3A_204] : memref<2x2x128xi32, #tpu.memory_space<vmem>> -> memref<1x2x128xi32, #tpu.memory_space<vmem>>
          %dma_wait3A_206 = tpu.memref_squeeze %dma_wait3A_205 : memref<1x2x128xi32, #tpu.memory_space<vmem>> -> memref<2x128xi32, #tpu.memory_space<vmem>>
          %dma_wait3A_207 = arith.constant 0 : i32
          %dma_wait3A_208 = tpu.memref_slice %arg4[%add3A_154, %dma_wait3A_207] : memref<12544x128xi32, #tpu.memory_space<hbm>> -> memref<2x128xi32, #tpu.memory_space<hbm>>
          tpu.wait_dma2 semaphore(%run_scoped3A_184 : memref<!tpu.dma_semaphore, #tpu.memory_space<semaphore_mem>>) src(%dma_wait3A_208 : memref<2x128xi32, #tpu.memory_space<hbm>>) dst(%dma_wait3A_206 : memref<2x128xi32, #tpu.memory_space<vmem>>)
          tpu.yield
        }) : () -> ()
        %dma_start3A_156 = arith.constant 0 : i32
        %dma_start3A_157 = arith.constant 0 : i32
        %dma_start3A_158 = arith.constant 0 : i32
        %dma_start3A_159 = arith.constant 0 : i32
        %dma_start3A_160 = arith.constant 0 : i32
        %dma_start3A_161 = arith.constant 0 : i32
        %dma_start3A_162 = tpu.memref_slice %arg8[%dma_start3A_158, %dma_start3A_159, %dma_start3A_160, %dma_start3A_161] : memref<2x2x128x32xf32, #tpu.memory_space<vmem>> -> memref<1x1x128x32xf32, #tpu.memory_space<vmem>>
        %dma_start3A_163 = tpu.memref_squeeze %dma_start3A_162 : memref<1x1x128x32xf32, #tpu.memory_space<vmem>> -> memref<128x32xf32, #tpu.memory_space<vmem>>
        %dma_start3A_164 = arith.constant 0 : i32
        %dma_start3A_165 = tpu.memref_slice %arg6[%dma_start3A_156, %dma_start3A_157, %dma_start3A_164] : memref<2x2x128xi32, #tpu.memory_space<vmem>> -> memref<1x1x128xi32, #tpu.memory_space<vmem>>
        %dma_start3A_166 = tpu.memref_squeeze %dma_start3A_165 : memref<1x1x128xi32, #tpu.memory_space<vmem>> -> memref<128xi32, #tpu.memory_space<vmem>>
        %dma_start3A_167 = arith.constant 0 : i32
        %dma_start3A_168 = arith.constant 0 : i32
        %dma_start3A_169 = tpu.memref_slice %arg2[%dma_start3A_167, %dma_start3A_168] : memref<50000x32xf32, #tpu.memory_space<hbm>> -> memref<50000x32xf32, #tpu.memory_space<hbm>>
        tpu.enqueue_indirect_dma source(%dma_start3A_169 : memref<50000x32xf32, #tpu.memory_space<hbm>>) target(%dma_start3A_163 : memref<128x32xf32, #tpu.memory_space<vmem>>) offsets(%dma_start3A_166 : memref<128xi32, #tpu.memory_space<vmem>>) semaphore(%arg11 : memref<!tpu.dma_semaphore, #tpu.memory_space<semaphore_mem>>)
        %dma_start3A_170 = arith.constant 0 : i32
        %dma_start3A_171 = arith.constant 1 : i32
        %dma_start3A_172 = arith.constant 0 : i32
        %dma_start3A_173 = arith.constant 1 : i32
        %dma_start3A_174 = arith.constant 0 : i32
        %dma_start3A_175 = arith.constant 0 : i32
        %dma_start3A_176 = tpu.memref_slice %arg8[%dma_start3A_172, %dma_start3A_173, %dma_start3A_174, %dma_start3A_175] : memref<2x2x128x32xf32, #tpu.memory_space<vmem>> -> memref<1x1x128x32xf32, #tpu.memory_space<vmem>>
        %dma_start3A_177 = tpu.memref_squeeze %dma_start3A_176 : memref<1x1x128x32xf32, #tpu.memory_space<vmem>> -> memref<128x32xf32, #tpu.memory_space<vmem>>
        %dma_start3A_178 = arith.constant 0 : i32
        %dma_start3A_179 = tpu.memref_slice %arg6[%dma_start3A_170, %dma_start3A_171, %dma_start3A_178] : memref<2x2x128xi32, #tpu.memory_space<vmem>> -> memref<1x1x128xi32, #tpu.memory_space<vmem>>
        %dma_start3A_180 = tpu.memref_squeeze %dma_start3A_179 : memref<1x1x128xi32, #tpu.memory_space<vmem>> -> memref<128xi32, #tpu.memory_space<vmem>>
        %dma_start3A_181 = arith.constant 0 : i32
        %dma_start3A_182 = arith.constant 0 : i32
        %dma_start3A_183 = tpu.memref_slice %arg2[%dma_start3A_181, %dma_start3A_182] : memref<50000x32xf32, #tpu.memory_space<hbm>> -> memref<50000x32xf32, #tpu.memory_space<hbm>>
        tpu.enqueue_indirect_dma source(%dma_start3A_183 : memref<50000x32xf32, #tpu.memory_space<hbm>>) target(%dma_start3A_177 : memref<128x32xf32, #tpu.memory_space<vmem>>) offsets(%dma_start3A_180 : memref<128xi32, #tpu.memory_space<vmem>>) semaphore(%arg11 : memref<!tpu.dma_semaphore, #tpu.memory_space<semaphore_mem>>)
      } else {
      }
      %dma_wait3A_110 = arith.constant 1 : i32
      %dma_wait3A_111 = arith.constant 0 : i32
      %dma_wait3A_112 = arith.constant 1 : i32
      %dma_wait3A_113 = arith.constant 0 : i32
      %dma_wait3A_114 = arith.constant 0 : i32
      %dma_wait3A_115 = arith.constant 0 : i32
      %dma_wait3A_116 = tpu.memref_slice %arg8[%dma_wait3A_112, %dma_wait3A_113, %dma_wait3A_114, %dma_wait3A_115] : memref<2x2x128x32xf32, #tpu.memory_space<vmem>> -> memref<1x1x128x32xf32, #tpu.memory_space<vmem>>
      %dma_wait3A_117 = tpu.memref_squeeze %dma_wait3A_116 : memref<1x1x128x32xf32, #tpu.memory_space<vmem>> -> memref<128x32xf32, #tpu.memory_space<vmem>>
      %dma_wait3A_118 = arith.constant 0 : i32
      %dma_wait3A_119 = tpu.memref_slice %arg6[%dma_wait3A_110, %dma_wait3A_111, %dma_wait3A_118] : memref<2x2x128xi32, #tpu.memory_space<vmem>> -> memref<1x1x128xi32, #tpu.memory_space<vmem>>
      %dma_wait3A_120 = tpu.memref_squeeze %dma_wait3A_119 : memref<1x1x128xi32, #tpu.memory_space<vmem>> -> memref<128xi32, #tpu.memory_space<vmem>>
      %dma_wait3A_121 = arith.constant 0 : i32
      %dma_wait3A_122 = arith.constant 0 : i32
      %dma_wait3A_123 = tpu.memref_slice %arg2[%dma_wait3A_121, %dma_wait3A_122] : memref<50000x32xf32, #tpu.memory_space<hbm>> -> memref<50000x32xf32, #tpu.memory_space<hbm>>
      tpu.wait_indirect_dma semaphore(%arg12 : memref<!tpu.dma_semaphore, #tpu.memory_space<semaphore_mem>>) src(%dma_wait3A_123 : memref<50000x32xf32, #tpu.memory_space<hbm>>) dst(%dma_wait3A_117 : memref<128x32xf32, #tpu.memory_space<vmem>>)
      %dma_wait3A_124 = arith.constant 1 : i32
      %dma_wait3A_125 = arith.constant 1 : i32
      %dma_wait3A_126 = arith.constant 1 : i32
      %dma_wait3A_127 = arith.constant 1 : i32
      %dma_wait3A_128 = arith.constant 0 : i32
      %dma_wait3A_129 = arith.constant 0 : i32
      %dma_wait3A_130 = tpu.memref_slice %arg8[%dma_wait3A_126, %dma_wait3A_127, %dma_wait3A_128, %dma_wait3A_129] : memref<2x2x128x32xf32, #tpu.memory_space<vmem>> -> memref<1x1x128x32xf32, #tpu.memory_space<vmem>>
      %dma_wait3A_131 = tpu.memref_squeeze %dma_wait3A_130 : memref<1x1x128x32xf32, #tpu.memory_space<vmem>> -> memref<128x32xf32, #tpu.memory_space<vmem>>
      %dma_wait3A_132 = arith.constant 0 : i32
      %dma_wait3A_133 = tpu.memref_slice %arg6[%dma_wait3A_124, %dma_wait3A_125, %dma_wait3A_132] : memref<2x2x128xi32, #tpu.memory_space<vmem>> -> memref<1x1x128xi32, #tpu.memory_space<vmem>>
      %dma_wait3A_134 = tpu.memref_squeeze %dma_wait3A_133 : memref<1x1x128xi32, #tpu.memory_space<vmem>> -> memref<128xi32, #tpu.memory_space<vmem>>
      %dma_wait3A_135 = arith.constant 0 : i32
      %dma_wait3A_136 = arith.constant 0 : i32
      %dma_wait3A_137 = tpu.memref_slice %arg2[%dma_wait3A_135, %dma_wait3A_136] : memref<50000x32xf32, #tpu.memory_space<hbm>> -> memref<50000x32xf32, #tpu.memory_space<hbm>>
      tpu.wait_indirect_dma semaphore(%arg12 : memref<!tpu.dma_semaphore, #tpu.memory_space<semaphore_mem>>) src(%dma_wait3A_137 : memref<50000x32xf32, #tpu.memory_space<hbm>>) dst(%dma_wait3A_131 : memref<128x32xf32, #tpu.memory_space<vmem>>)
      %run_scoped3A_138 = arith.constant 1 : i32
      %run_scoped3A_139 = arith.constant 0 : i32
      %run_scoped3A_140 = arith.constant 1 : i32
      %run_scoped3A_141 = arith.constant 0 : i32
      "tpu.region"() ({
        %run_scoped3A_146 = tpu.sem_alloc : memref<!tpu.dma_semaphore, #tpu.memory_space<semaphore_mem>>
        %dma_start3A_147 = arith.constant 0 : i32
        %dma_start3A_148 = arith.constant 0 : i32
        %dma_start3A_149 = tpu.memref_slice %arg8[%run_scoped3A_138, %run_scoped3A_139, %dma_start3A_147, %dma_start3A_148] : memref<2x2x128x32xf32, #tpu.memory_space<vmem>> -> memref<1x1x128x32xf32, #tpu.memory_space<vmem>>
        %dma_start3A_150 = tpu.memref_squeeze %dma_start3A_149 : memref<1x1x128x32xf32, #tpu.memory_space<vmem>> -> memref<128x32xf32, #tpu.memory_space<vmem>>
        %dma_start3A_151 = arith.constant 0 : i32
        %dma_start3A_152 = tpu.memref_slice %arg7[%run_scoped3A_140, %run_scoped3A_141, %dma_start3A_151] : memref<2x2x128xi32, #tpu.memory_space<vmem>> -> memref<1x1x128xi32, #tpu.memory_space<vmem>>
        %dma_start3A_153 = tpu.memref_squeeze %dma_start3A_152 : memref<1x1x128xi32, #tpu.memory_space<vmem>> -> memref<128xi32, #tpu.memory_space<vmem>>
        %dma_start3A_154 = arith.constant 0 : i32
        %dma_start3A_155 = arith.constant 0 : i32
        %dma_start3A_156 = tpu.memref_slice %arg10[%dma_start3A_154, %dma_start3A_155] : memref<50176x32xf32, #tpu.memory_space<vmem_shared>> -> memref<50176x32xf32, #tpu.memory_space<vmem_shared>>
        tpu.enqueue_indirect_dma source(%dma_start3A_150 : memref<128x32xf32, #tpu.memory_space<vmem>>) target(%dma_start3A_156 : memref<50176x32xf32, #tpu.memory_space<vmem_shared>>) offsets(%dma_start3A_153 : memref<128xi32, #tpu.memory_space<vmem>>) semaphore(%run_scoped3A_146 : memref<!tpu.dma_semaphore, #tpu.memory_space<semaphore_mem>>) {add = true}
        %dma_wait3A_157 = arith.constant 0 : i32
        %dma_wait3A_158 = arith.constant 0 : i32
        %dma_wait3A_159 = tpu.memref_slice %arg8[%run_scoped3A_138, %run_scoped3A_139, %dma_wait3A_157, %dma_wait3A_158] : memref<2x2x128x32xf32, #tpu.memory_space<vmem>> -> memref<1x1x128x32xf32, #tpu.memory_space<vmem>>
        %dma_wait3A_160 = tpu.memref_squeeze %dma_wait3A_159 : memref<1x1x128x32xf32, #tpu.memory_space<vmem>> -> memref<128x32xf32, #tpu.memory_space<vmem>>
        %dma_wait3A_161 = arith.constant 0 : i32
        %dma_wait3A_162 = tpu.memref_slice %arg7[%run_scoped3A_140, %run_scoped3A_141, %dma_wait3A_161] : memref<2x2x128xi32, #tpu.memory_space<vmem>> -> memref<1x1x128xi32, #tpu.memory_space<vmem>>
        %dma_wait3A_163 = tpu.memref_squeeze %dma_wait3A_162 : memref<1x1x128xi32, #tpu.memory_space<vmem>> -> memref<128xi32, #tpu.memory_space<vmem>>
        %dma_wait3A_164 = arith.constant 0 : i32
        %dma_wait3A_165 = arith.constant 0 : i32
        %dma_wait3A_166 = tpu.memref_slice %arg10[%dma_wait3A_164, %dma_wait3A_165] : memref<50176x32xf32, #tpu.memory_space<vmem_shared>> -> memref<50176x32xf32, #tpu.memory_space<vmem_shared>>
        tpu.wait_indirect_dma semaphore(%run_scoped3A_146 : memref<!tpu.dma_semaphore, #tpu.memory_space<semaphore_mem>>) src(%dma_wait3A_160 : memref<128x32xf32, #tpu.memory_space<vmem>>) dst(%dma_wait3A_166 : memref<50176x32xf32, #tpu.memory_space<vmem_shared>>)
        tpu.yield
      }) : () -> ()
      %run_scoped3A_142 = arith.constant 1 : i32
      %run_scoped3A_143 = arith.constant 1 : i32
      %run_scoped3A_144 = arith.constant 1 : i32
      %run_scoped3A_145 = arith.constant 1 : i32
      "tpu.region"() ({
        %run_scoped3A_146 = tpu.sem_alloc : memref<!tpu.dma_semaphore, #tpu.memory_space<semaphore_mem>>
        %dma_start3A_147 = arith.constant 0 : i32
        %dma_start3A_148 = arith.constant 0 : i32
        %dma_start3A_149 = tpu.memref_slice %arg8[%run_scoped3A_142, %run_scoped3A_143, %dma_start3A_147, %dma_start3A_148] : memref<2x2x128x32xf32, #tpu.memory_space<vmem>> -> memref<1x1x128x32xf32, #tpu.memory_space<vmem>>
        %dma_start3A_150 = tpu.memref_squeeze %dma_start3A_149 : memref<1x1x128x32xf32, #tpu.memory_space<vmem>> -> memref<128x32xf32, #tpu.memory_space<vmem>>
        %dma_start3A_151 = arith.constant 0 : i32
        %dma_start3A_152 = tpu.memref_slice %arg7[%run_scoped3A_144, %run_scoped3A_145, %dma_start3A_151] : memref<2x2x128xi32, #tpu.memory_space<vmem>> -> memref<1x1x128xi32, #tpu.memory_space<vmem>>
        %dma_start3A_153 = tpu.memref_squeeze %dma_start3A_152 : memref<1x1x128xi32, #tpu.memory_space<vmem>> -> memref<128xi32, #tpu.memory_space<vmem>>
        %dma_start3A_154 = arith.constant 0 : i32
        %dma_start3A_155 = arith.constant 0 : i32
        %dma_start3A_156 = tpu.memref_slice %arg10[%dma_start3A_154, %dma_start3A_155] : memref<50176x32xf32, #tpu.memory_space<vmem_shared>> -> memref<50176x32xf32, #tpu.memory_space<vmem_shared>>
        tpu.enqueue_indirect_dma source(%dma_start3A_150 : memref<128x32xf32, #tpu.memory_space<vmem>>) target(%dma_start3A_156 : memref<50176x32xf32, #tpu.memory_space<vmem_shared>>) offsets(%dma_start3A_153 : memref<128xi32, #tpu.memory_space<vmem>>) semaphore(%run_scoped3A_146 : memref<!tpu.dma_semaphore, #tpu.memory_space<semaphore_mem>>) {add = true}
        %dma_wait3A_157 = arith.constant 0 : i32
        %dma_wait3A_158 = arith.constant 0 : i32
        %dma_wait3A_159 = tpu.memref_slice %arg8[%run_scoped3A_142, %run_scoped3A_143, %dma_wait3A_157, %dma_wait3A_158] : memref<2x2x128x32xf32, #tpu.memory_space<vmem>> -> memref<1x1x128x32xf32, #tpu.memory_space<vmem>>
        %dma_wait3A_160 = tpu.memref_squeeze %dma_wait3A_159 : memref<1x1x128x32xf32, #tpu.memory_space<vmem>> -> memref<128x32xf32, #tpu.memory_space<vmem>>
        %dma_wait3A_161 = arith.constant 0 : i32
        %dma_wait3A_162 = tpu.memref_slice %arg7[%run_scoped3A_144, %run_scoped3A_145, %dma_wait3A_161] : memref<2x2x128xi32, #tpu.memory_space<vmem>> -> memref<1x1x128xi32, #tpu.memory_space<vmem>>
        %dma_wait3A_163 = tpu.memref_squeeze %dma_wait3A_162 : memref<1x1x128xi32, #tpu.memory_space<vmem>> -> memref<128xi32, #tpu.memory_space<vmem>>
        %dma_wait3A_164 = arith.constant 0 : i32
        %dma_wait3A_165 = arith.constant 0 : i32
        %dma_wait3A_166 = tpu.memref_slice %arg10[%dma_wait3A_164, %dma_wait3A_165] : memref<50176x32xf32, #tpu.memory_space<vmem_shared>> -> memref<50176x32xf32, #tpu.memory_space<vmem_shared>>
        tpu.wait_indirect_dma semaphore(%run_scoped3A_146 : memref<!tpu.dma_semaphore, #tpu.memory_space<semaphore_mem>>) src(%dma_wait3A_160 : memref<128x32xf32, #tpu.memory_space<vmem>>) dst(%dma_wait3A_166 : memref<50176x32xf32, #tpu.memory_space<vmem_shared>>)
        tpu.yield
      }) : () -> ()
    }
    %scan3A_48 = arith.constant 98 : i32
    %barrier3A_49 = arith.constant 0 : index
    tpu.barrier barrier_id(%barrier3A_49)
    %scan3A_50 = arith.constant 0 : i32
    %scan3A_51 = arith.constant 14 : i32
    %scan3A_52 = arith.addi %scan3A_50, %scan3A_51 : i32
    %scan3A_53 = arith.constant 1 : i32
    scf.for %scan3A_55 = %scan3A_50 to %scan3A_52 step %scan3A_53  : i32 {
      %mul3A_56 = arith.constant 224 : i32
      %mul3A_57 = arith.muli %scan3A_55, %mul3A_56 : i32
      %add3A_58 = arith.constant 0 : i32
      %add3A_59 = arith.addi %add3A_58, %mul3A_57 : i32
      %mul3A_60 = arith.constant 3136 : i32
      %mul3A_61 = arith.muli %arg1, %mul3A_60 : i32
      %add3A_62 = arith.addi %mul3A_61, %add3A_59 : i32
      "tpu.region"() ({
        %run_scoped3A_66 = tpu.sem_alloc : memref<!tpu.dma_semaphore, #tpu.memory_space<semaphore_mem>>
        %dma_start3A_67 = arith.constant 0 : i32
        %dma_start3A_68 = tpu.memref_slice %arg10[%add3A_62, %dma_start3A_67] : memref<50176x32xf32, #tpu.memory_space<vmem_shared>> -> memref<224x32xf32, #tpu.memory_space<vmem_shared>>
        %dma_start3A_69 = arith.constant 0 : i32
        %dma_start3A_70 = tpu.memref_slice %arg10[%add3A_62, %dma_start3A_69] : memref<50176x32xf32, #tpu.memory_space<vmem_shared>> -> memref<224x32xf32, #tpu.memory_space<vmem_shared>>
        tpu.enqueue_dma source(%dma_start3A_70 : memref<224x32xf32, #tpu.memory_space<vmem_shared>>) target(%arg9 : memref<224x32xf32, #tpu.memory_space<vmem>>) target_semaphore(%run_scoped3A_66 : memref<!tpu.dma_semaphore, #tpu.memory_space<semaphore_mem>>)
        %dma_wait3A = arith.constant 0 : i32
        %dma_wait3A_71 = tpu.memref_slice %arg10[%add3A_62, %dma_wait3A] : memref<50176x32xf32, #tpu.memory_space<vmem_shared>> -> memref<224x32xf32, #tpu.memory_space<vmem_shared>>
        %dma_wait3A_72 = arith.constant 0 : i32
        %dma_wait3A_73 = tpu.memref_slice %arg10[%add3A_62, %dma_wait3A_72] : memref<50176x32xf32, #tpu.memory_space<vmem_shared>> -> memref<224x32xf32, #tpu.memory_space<vmem_shared>>
        tpu.wait_dma2 semaphore(%run_scoped3A_66 : memref<!tpu.dma_semaphore, #tpu.memory_space<semaphore_mem>>) src(%dma_wait3A_73 : memref<224x32xf32, #tpu.memory_space<vmem_shared>>) dst(%arg9 : memref<224x32xf32, #tpu.memory_space<vmem>>)
        tpu.yield
      }) : () -> ()
      %mul3A_63 = arith.constant 3136 : i32
      %mul3A_64 = arith.muli %arg1, %mul3A_63 : i32
      %add3A_65 = arith.addi %mul3A_64, %add3A_59 : i32
      "tpu.region"() ({
        %run_scoped3A_66 = tpu.sem_alloc : memref<!tpu.dma_semaphore, #tpu.memory_space<semaphore_mem>>
        %dma_start3A_67 = arith.constant 0 : i32
        %dma_start3A_68 = tpu.memref_slice %arg5[%arg0, %add3A_65, %dma_start3A_67] : memref<2x50176x32xf32, #tpu.memory_space<hbm>> -> memref<1x224x32xf32, #tpu.memory_space<hbm>>
        %dma_start3A_69 = tpu.memref_squeeze %dma_start3A_68 : memref<1x224x32xf32, #tpu.memory_space<hbm>> -> memref<224x32xf32, #tpu.memory_space<hbm>>
        %dma_start3A_70 = arith.constant 0 : i32
        %dma_start3A_71 = tpu.memref_slice %arg5[%arg0, %add3A_65, %dma_start3A_70] : memref<2x50176x32xf32, #tpu.memory_space<hbm>> -> memref<1x224x32xf32, #tpu.memory_space<hbm>>
        %dma_start3A_72 = tpu.memref_squeeze %dma_start3A_71 : memref<1x224x32xf32, #tpu.memory_space<hbm>> -> memref<224x32xf32, #tpu.memory_space<hbm>>
        tpu.enqueue_dma source(%arg9 : memref<224x32xf32, #tpu.memory_space<vmem>>) target(%dma_start3A_72 : memref<224x32xf32, #tpu.memory_space<hbm>>) target_semaphore(%run_scoped3A_66 : memref<!tpu.dma_semaphore, #tpu.memory_space<semaphore_mem>>)
        %dma_wait3A = arith.constant 0 : i32
        %dma_wait3A_73 = tpu.memref_slice %arg5[%arg0, %add3A_65, %dma_wait3A] : memref<2x50176x32xf32, #tpu.memory_space<hbm>> -> memref<1x224x32xf32, #tpu.memory_space<hbm>>
        %dma_wait3A_74 = tpu.memref_squeeze %dma_wait3A_73 : memref<1x224x32xf32, #tpu.memory_space<hbm>> -> memref<224x32xf32, #tpu.memory_space<hbm>>
        %dma_wait3A_75 = arith.constant 0 : i32
        %dma_wait3A_76 = tpu.memref_slice %arg5[%arg0, %add3A_65, %dma_wait3A_75] : memref<2x50176x32xf32, #tpu.memory_space<hbm>> -> memref<1x224x32xf32, #tpu.memory_space<hbm>>
        %dma_wait3A_77 = tpu.memref_squeeze %dma_wait3A_76 : memref<1x224x32xf32, #tpu.memory_space<hbm>> -> memref<224x32xf32, #tpu.memory_space<hbm>>
        tpu.wait_dma2 semaphore(%run_scoped3A_66 : memref<!tpu.dma_semaphore, #tpu.memory_space<semaphore_mem>>) src(%arg9 : memref<224x32xf32, #tpu.memory_space<vmem>>) dst(%dma_wait3A_77 : memref<224x32xf32, #tpu.memory_space<hbm>>)
        tpu.yield
      }) : () -> ()
    }
    %scan3A_54 = arith.constant 14 : i32
    return
  }
}

#map = affine_map<(d0, d1) -> (0, 0)>
#map1 = affine_map<(d0, d1) -> (0, 0, 0)>
module attributes {stable_mosaic.version = 14 : i64} {
  func.func @_deg_body(%arg0: i32, %arg1: i32, %arg2: memref<12544x128xi32, #tpu.memory_space<hbm>>, %arg3: memref<2x50176x16xf32, #tpu.memory_space<hbm>>, %arg4: memref<2x128xi32, #tpu.memory_space<vmem>>, %arg5: memref<128x16xf32, #tpu.memory_space<vmem>>, %arg6: memref<224x16xf32, #tpu.memory_space<vmem>>, %arg7: memref<50176x16xf32, #tpu.memory_space<vmem_shared>>) attributes {dimension_semantics = [#tpu.dimension_semantics<core_parallel>, #tpu.dimension_semantics<subcore_parallel>], iteration_bounds = array<i64: 2, 16>, scalar_prefetch = 0 : i64, scratch_operands = 4 : i64, tpu.core_type = #tpu.core_type<sc_vector_subcore>, window_params = [{transform_indices = #map}, {transform_indices = #map1}]} {
    %mul3A = arith.constant 16 : i32
    %mul3A_0 = arith.muli %arg0, %mul3A : i32
    %add3A = arith.addi %mul3A_0, %arg1 : i32
    %scan3A = arith.constant 0 : i32
    %scan3A_1 = arith.constant 128 : i32
    %scan3A_2 = arith.addi %scan3A, %scan3A_1 : i32
    %scan3A_3 = arith.constant 1 : i32
    scf.for %scan3A_26 = %scan3A to %scan3A_2 step %scan3A_3  : i32 {
      %mul3A_27 = arith.constant 1 : i32
      %mul3A_28 = arith.muli %scan3A_26, %mul3A_27 : i32
      %add3A_29 = arith.constant 0 : i32
      %add3A_30 = arith.addi %add3A_29, %mul3A_28 : i32
      %broadcast_in_dim3A = arith.constant 1.000000e+00 : f32
      %broadcast_in_dim3A_31 = vector.broadcast %broadcast_in_dim3A : f32 to vector<16xf32>
      %swap3A = arith.index_cast %add3A_30 : i32 to index
      %swap3A_32 = arith.constant 0 : index
      %swap3A_33 = tpu.vector_load %arg5[%swap3A, %swap3A_32] {strides = array<i32>} : memref<128x16xf32, #tpu.memory_space<vmem>>, vector<1x16xf32>,
      %swap3A_34 = vector.shape_cast %swap3A_33 : vector<1x16xf32> to vector<16xf32>
      %swap3A_35 = vector.shape_cast %broadcast_in_dim3A_31 : vector<16xf32> to vector<1x16xf32>
      tpu.vector_store %arg5[%swap3A, %swap3A_32], %swap3A_35 {strides = array<i32>} : memref<128x16xf32, #tpu.memory_space<vmem>>, vector<1x16xf32>,
    }
    %scan3A_4 = arith.constant 128 : i32
    %scan3A_5 = arith.constant 0 : i32
    %scan3A_6 = arith.constant 224 : i32
    %scan3A_7 = arith.addi %scan3A_5, %scan3A_6 : i32
    %scan3A_8 = arith.constant 1 : i32
    scf.for %scan3A_26 = %scan3A_5 to %scan3A_7 step %scan3A_8  : i32 {
      %mul3A_27 = arith.constant 1 : i32
      %mul3A_28 = arith.muli %scan3A_26, %mul3A_27 : i32
      %add3A_29 = arith.constant 0 : i32
      %add3A_30 = arith.addi %add3A_29, %mul3A_28 : i32
      %broadcast_in_dim3A = arith.constant 0.000000e+00 : f32
      %broadcast_in_dim3A_31 = vector.broadcast %broadcast_in_dim3A : f32 to vector<16xf32>
      %swap3A = arith.index_cast %add3A_30 : i32 to index
      %swap3A_32 = arith.constant 0 : index
      %swap3A_33 = tpu.vector_load %arg6[%swap3A, %swap3A_32] {strides = array<i32>} : memref<224x16xf32, #tpu.memory_space<vmem>>, vector<1x16xf32>,
      %swap3A_34 = vector.shape_cast %swap3A_33 : vector<1x16xf32> to vector<16xf32>
      %swap3A_35 = vector.shape_cast %broadcast_in_dim3A_31 : vector<16xf32> to vector<1x16xf32>
      tpu.vector_store %arg6[%swap3A, %swap3A_32], %swap3A_35 {strides = array<i32>} : memref<224x16xf32, #tpu.memory_space<vmem>>, vector<1x16xf32>,
    }
    %scan3A_9 = arith.constant 224 : i32
    %scan3A_10 = arith.constant 0 : i32
    %scan3A_11 = arith.constant 14 : i32
    %scan3A_12 = arith.addi %scan3A_10, %scan3A_11 : i32
    %scan3A_13 = arith.constant 1 : i32
    scf.for %scan3A_26 = %scan3A_10 to %scan3A_12 step %scan3A_13  : i32 {
      %mul3A_27 = arith.constant 224 : i32
      %mul3A_28 = arith.muli %scan3A_26, %mul3A_27 : i32
      %add3A_29 = arith.constant 0 : i32
      %add3A_30 = arith.addi %add3A_29, %mul3A_28 : i32
      %mul3A_31 = arith.constant 3136 : i32
      %mul3A_32 = arith.muli %arg1, %mul3A_31 : i32
      %add3A_33 = arith.addi %mul3A_32, %add3A_30 : i32
      "tpu.region"() ({
        %run_scoped3A = tpu.sem_alloc : memref<!tpu.dma_semaphore, #tpu.memory_space<semaphore_mem>>
        %dma_start3A = arith.constant 0 : i32
        %dma_start3A_34 = tpu.memref_slice %arg7[%add3A_33, %dma_start3A] : memref<50176x16xf32, #tpu.memory_space<vmem_shared>> -> memref<224x16xf32, #tpu.memory_space<vmem_shared>>
        %dma_start3A_35 = arith.constant 0 : i32
        %dma_start3A_36 = tpu.memref_slice %arg7[%add3A_33, %dma_start3A_35] : memref<50176x16xf32, #tpu.memory_space<vmem_shared>> -> memref<224x16xf32, #tpu.memory_space<vmem_shared>>
        tpu.enqueue_dma source(%arg6 : memref<224x16xf32, #tpu.memory_space<vmem>>) target(%dma_start3A_36 : memref<224x16xf32, #tpu.memory_space<vmem_shared>>) target_semaphore(%run_scoped3A : memref<!tpu.dma_semaphore, #tpu.memory_space<semaphore_mem>>)
        %dma_wait3A = arith.constant 0 : i32
        %dma_wait3A_37 = tpu.memref_slice %arg7[%add3A_33, %dma_wait3A] : memref<50176x16xf32, #tpu.memory_space<vmem_shared>> -> memref<224x16xf32, #tpu.memory_space<vmem_shared>>
        %dma_wait3A_38 = arith.constant 0 : i32
        %dma_wait3A_39 = tpu.memref_slice %arg7[%add3A_33, %dma_wait3A_38] : memref<50176x16xf32, #tpu.memory_space<vmem_shared>> -> memref<224x16xf32, #tpu.memory_space<vmem_shared>>
        tpu.wait_dma2 semaphore(%run_scoped3A : memref<!tpu.dma_semaphore, #tpu.memory_space<semaphore_mem>>) src(%arg6 : memref<224x16xf32, #tpu.memory_space<vmem>>) dst(%dma_wait3A_39 : memref<224x16xf32, #tpu.memory_space<vmem_shared>>)
        tpu.yield
      }) : () -> ()
    }
    %scan3A_14 = arith.constant 14 : i32
    %barrier3A = arith.constant 0 : index
    tpu.barrier barrier_id(%barrier3A)
    %scan3A_15 = arith.constant 0 : i32
    %scan3A_16 = arith.constant 196 : i32
    %scan3A_17 = arith.addi %scan3A_15, %scan3A_16 : i32
    %scan3A_18 = arith.constant 1 : i32
    scf.for %scan3A_26 = %scan3A_15 to %scan3A_17 step %scan3A_18  : i32 {
      %mul3A_27 = arith.constant 1 : i32
      %mul3A_28 = arith.muli %scan3A_26, %mul3A_27 : i32
      %add3A_29 = arith.constant 0 : i32
      %add3A_30 = arith.addi %add3A_29, %mul3A_28 : i32
      %mul3A_31 = arith.constant 392 : i32
      %mul3A_32 = arith.muli %add3A, %mul3A_31 : i32
      %mul3A_33 = arith.constant 2 : i32
      %mul3A_34 = arith.muli %add3A_30, %mul3A_33 : i32
      %add3A_35 = arith.addi %mul3A_32, %mul3A_34 : i32
      "tpu.region"() ({
        %run_scoped3A_37 = tpu.sem_alloc : memref<!tpu.dma_semaphore, #tpu.memory_space<semaphore_mem>>
        %dma_start3A = arith.constant 0 : i32
        %dma_start3A_38 = tpu.memref_slice %arg2[%add3A_35, %dma_start3A] : memref<12544x128xi32, #tpu.memory_space<hbm>> -> memref<2x128xi32, #tpu.memory_space<hbm>>
        %dma_start3A_39 = arith.constant 0 : i32
        %dma_start3A_40 = tpu.memref_slice %arg2[%add3A_35, %dma_start3A_39] : memref<12544x128xi32, #tpu.memory_space<hbm>> -> memref<2x128xi32, #tpu.memory_space<hbm>>
        tpu.enqueue_dma source(%dma_start3A_40 : memref<2x128xi32, #tpu.memory_space<hbm>>) target(%arg4 : memref<2x128xi32, #tpu.memory_space<vmem>>) target_semaphore(%run_scoped3A_37 : memref<!tpu.dma_semaphore, #tpu.memory_space<semaphore_mem>>)
        %dma_wait3A = arith.constant 0 : i32
        %dma_wait3A_41 = tpu.memref_slice %arg2[%add3A_35, %dma_wait3A] : memref<12544x128xi32, #tpu.memory_space<hbm>> -> memref<2x128xi32, #tpu.memory_space<hbm>>
        %dma_wait3A_42 = arith.constant 0 : i32
        %dma_wait3A_43 = tpu.memref_slice %arg2[%add3A_35, %dma_wait3A_42] : memref<12544x128xi32, #tpu.memory_space<hbm>> -> memref<2x128xi32, #tpu.memory_space<hbm>>
        tpu.wait_dma2 semaphore(%run_scoped3A_37 : memref<!tpu.dma_semaphore, #tpu.memory_space<semaphore_mem>>) src(%dma_wait3A_43 : memref<2x128xi32, #tpu.memory_space<hbm>>) dst(%arg4 : memref<2x128xi32, #tpu.memory_space<vmem>>)
        tpu.yield
      }) : () -> ()
      %run_scoped3A = arith.constant 0 : i32
      "tpu.region"() ({
        %run_scoped3A_37 = tpu.sem_alloc : memref<!tpu.dma_semaphore, #tpu.memory_space<semaphore_mem>>
        %dma_start3A = arith.constant 0 : i32
        %dma_start3A_38 = tpu.memref_slice %arg4[%run_scoped3A, %dma_start3A] : memref<2x128xi32, #tpu.memory_space<vmem>> -> memref<1x128xi32, #tpu.memory_space<vmem>>
        %dma_start3A_39 = tpu.memref_squeeze %dma_start3A_38 : memref<1x128xi32, #tpu.memory_space<vmem>> -> memref<128xi32, #tpu.memory_space<vmem>>
        %dma_start3A_40 = arith.constant 0 : i32
        %dma_start3A_41 = arith.constant 0 : i32
        %dma_start3A_42 = tpu.memref_slice %arg7[%dma_start3A_40, %dma_start3A_41] : memref<50176x16xf32, #tpu.memory_space<vmem_shared>> -> memref<50176x16xf32, #tpu.memory_space<vmem_shared>>
        tpu.enqueue_indirect_dma source(%arg5 : memref<128x16xf32, #tpu.memory_space<vmem>>) target(%dma_start3A_42 : memref<50176x16xf32, #tpu.memory_space<vmem_shared>>) offsets(%dma_start3A_39 : memref<128xi32, #tpu.memory_space<vmem>>) semaphore(%run_scoped3A_37 : memref<!tpu.dma_semaphore, #tpu.memory_space<semaphore_mem>>) {add = true}
        %dma_wait3A = arith.constant 0 : i32
        %dma_wait3A_43 = tpu.memref_slice %arg4[%run_scoped3A, %dma_wait3A] : memref<2x128xi32, #tpu.memory_space<vmem>> -> memref<1x128xi32, #tpu.memory_space<vmem>>
        %dma_wait3A_44 = tpu.memref_squeeze %dma_wait3A_43 : memref<1x128xi32, #tpu.memory_space<vmem>> -> memref<128xi32, #tpu.memory_space<vmem>>
        %dma_wait3A_45 = arith.constant 0 : i32
        %dma_wait3A_46 = arith.constant 0 : i32
        %dma_wait3A_47 = tpu.memref_slice %arg7[%dma_wait3A_45, %dma_wait3A_46] : memref<50176x16xf32, #tpu.memory_space<vmem_shared>> -> memref<50176x16xf32, #tpu.memory_space<vmem_shared>>
        tpu.wait_indirect_dma semaphore(%run_scoped3A_37 : memref<!tpu.dma_semaphore, #tpu.memory_space<semaphore_mem>>) src(%arg5 : memref<128x16xf32, #tpu.memory_space<vmem>>) dst(%dma_wait3A_47 : memref<50176x16xf32, #tpu.memory_space<vmem_shared>>)
        tpu.yield
      }) : () -> ()
      %run_scoped3A_36 = arith.constant 1 : i32
      "tpu.region"() ({
        %run_scoped3A_37 = tpu.sem_alloc : memref<!tpu.dma_semaphore, #tpu.memory_space<semaphore_mem>>
        %dma_start3A = arith.constant 0 : i32
        %dma_start3A_38 = tpu.memref_slice %arg4[%run_scoped3A_36, %dma_start3A] : memref<2x128xi32, #tpu.memory_space<vmem>> -> memref<1x128xi32, #tpu.memory_space<vmem>>
        %dma_start3A_39 = tpu.memref_squeeze %dma_start3A_38 : memref<1x128xi32, #tpu.memory_space<vmem>> -> memref<128xi32, #tpu.memory_space<vmem>>
        %dma_start3A_40 = arith.constant 0 : i32
        %dma_start3A_41 = arith.constant 0 : i32
        %dma_start3A_42 = tpu.memref_slice %arg7[%dma_start3A_40, %dma_start3A_41] : memref<50176x16xf32, #tpu.memory_space<vmem_shared>> -> memref<50176x16xf32, #tpu.memory_space<vmem_shared>>
        tpu.enqueue_indirect_dma source(%arg5 : memref<128x16xf32, #tpu.memory_space<vmem>>) target(%dma_start3A_42 : memref<50176x16xf32, #tpu.memory_space<vmem_shared>>) offsets(%dma_start3A_39 : memref<128xi32, #tpu.memory_space<vmem>>) semaphore(%run_scoped3A_37 : memref<!tpu.dma_semaphore, #tpu.memory_space<semaphore_mem>>) {add = true}
        %dma_wait3A = arith.constant 0 : i32
        %dma_wait3A_43 = tpu.memref_slice %arg4[%run_scoped3A_36, %dma_wait3A] : memref<2x128xi32, #tpu.memory_space<vmem>> -> memref<1x128xi32, #tpu.memory_space<vmem>>
        %dma_wait3A_44 = tpu.memref_squeeze %dma_wait3A_43 : memref<1x128xi32, #tpu.memory_space<vmem>> -> memref<128xi32, #tpu.memory_space<vmem>>
        %dma_wait3A_45 = arith.constant 0 : i32
        %dma_wait3A_46 = arith.constant 0 : i32
        %dma_wait3A_47 = tpu.memref_slice %arg7[%dma_wait3A_45, %dma_wait3A_46] : memref<50176x16xf32, #tpu.memory_space<vmem_shared>> -> memref<50176x16xf32, #tpu.memory_space<vmem_shared>>
        tpu.wait_indirect_dma semaphore(%run_scoped3A_37 : memref<!tpu.dma_semaphore, #tpu.memory_space<semaphore_mem>>) src(%arg5 : memref<128x16xf32, #tpu.memory_space<vmem>>) dst(%dma_wait3A_47 : memref<50176x16xf32, #tpu.memory_space<vmem_shared>>)
        tpu.yield
      }) : () -> ()
    }
    %scan3A_19 = arith.constant 196 : i32
    %barrier3A_20 = arith.constant 0 : index
    tpu.barrier barrier_id(%barrier3A_20)
    %scan3A_21 = arith.constant 0 : i32
    %scan3A_22 = arith.constant 14 : i32
    %scan3A_23 = arith.addi %scan3A_21, %scan3A_22 : i32
    %scan3A_24 = arith.constant 1 : i32
    scf.for %scan3A_26 = %scan3A_21 to %scan3A_23 step %scan3A_24  : i32 {
      %mul3A_27 = arith.constant 224 : i32
      %mul3A_28 = arith.muli %scan3A_26, %mul3A_27 : i32
      %add3A_29 = arith.constant 0 : i32
      %add3A_30 = arith.addi %add3A_29, %mul3A_28 : i32
      %mul3A_31 = arith.constant 3136 : i32
      %mul3A_32 = arith.muli %arg1, %mul3A_31 : i32
      %add3A_33 = arith.addi %mul3A_32, %add3A_30 : i32
      "tpu.region"() ({
        %run_scoped3A = tpu.sem_alloc : memref<!tpu.dma_semaphore, #tpu.memory_space<semaphore_mem>>
        %dma_start3A = arith.constant 0 : i32
        %dma_start3A_37 = tpu.memref_slice %arg7[%add3A_33, %dma_start3A] : memref<50176x16xf32, #tpu.memory_space<vmem_shared>> -> memref<224x16xf32, #tpu.memory_space<vmem_shared>>
        %dma_start3A_38 = arith.constant 0 : i32
        %dma_start3A_39 = tpu.memref_slice %arg7[%add3A_33, %dma_start3A_38] : memref<50176x16xf32, #tpu.memory_space<vmem_shared>> -> memref<224x16xf32, #tpu.memory_space<vmem_shared>>
        tpu.enqueue_dma source(%dma_start3A_39 : memref<224x16xf32, #tpu.memory_space<vmem_shared>>) target(%arg6 : memref<224x16xf32, #tpu.memory_space<vmem>>) target_semaphore(%run_scoped3A : memref<!tpu.dma_semaphore, #tpu.memory_space<semaphore_mem>>)
        %dma_wait3A = arith.constant 0 : i32
        %dma_wait3A_40 = tpu.memref_slice %arg7[%add3A_33, %dma_wait3A] : memref<50176x16xf32, #tpu.memory_space<vmem_shared>> -> memref<224x16xf32, #tpu.memory_space<vmem_shared>>
        %dma_wait3A_41 = arith.constant 0 : i32
        %dma_wait3A_42 = tpu.memref_slice %arg7[%add3A_33, %dma_wait3A_41] : memref<50176x16xf32, #tpu.memory_space<vmem_shared>> -> memref<224x16xf32, #tpu.memory_space<vmem_shared>>
        tpu.wait_dma2 semaphore(%run_scoped3A : memref<!tpu.dma_semaphore, #tpu.memory_space<semaphore_mem>>) src(%dma_wait3A_42 : memref<224x16xf32, #tpu.memory_space<vmem_shared>>) dst(%arg6 : memref<224x16xf32, #tpu.memory_space<vmem>>)
        tpu.yield
      }) : () -> ()
      %mul3A_34 = arith.constant 3136 : i32
      %mul3A_35 = arith.muli %arg1, %mul3A_34 : i32
      %add3A_36 = arith.addi %mul3A_35, %add3A_30 : i32
      "tpu.region"() ({
        %run_scoped3A = tpu.sem_alloc : memref<!tpu.dma_semaphore, #tpu.memory_space<semaphore_mem>>
        %dma_start3A = arith.constant 0 : i32
        %dma_start3A_37 = tpu.memref_slice %arg3[%arg0, %add3A_36, %dma_start3A] : memref<2x50176x16xf32, #tpu.memory_space<hbm>> -> memref<1x224x16xf32, #tpu.memory_space<hbm>>
        %dma_start3A_38 = tpu.memref_squeeze %dma_start3A_37 : memref<1x224x16xf32, #tpu.memory_space<hbm>> -> memref<224x16xf32, #tpu.memory_space<hbm>>
        %dma_start3A_39 = arith.constant 0 : i32
        %dma_start3A_40 = tpu.memref_slice %arg3[%arg0, %add3A_36, %dma_start3A_39] : memref<2x50176x16xf32, #tpu.memory_space<hbm>> -> memref<1x224x16xf32, #tpu.memory_space<hbm>>
        %dma_start3A_41 = tpu.memref_squeeze %dma_start3A_40 : memref<1x224x16xf32, #tpu.memory_space<hbm>> -> memref<224x16xf32, #tpu.memory_space<hbm>>
        tpu.enqueue_dma source(%arg6 : memref<224x16xf32, #tpu.memory_space<vmem>>) target(%dma_start3A_41 : memref<224x16xf32, #tpu.memory_space<hbm>>) target_semaphore(%run_scoped3A : memref<!tpu.dma_semaphore, #tpu.memory_space<semaphore_mem>>)
        %dma_wait3A = arith.constant 0 : i32
        %dma_wait3A_42 = tpu.memref_slice %arg3[%arg0, %add3A_36, %dma_wait3A] : memref<2x50176x16xf32, #tpu.memory_space<hbm>> -> memref<1x224x16xf32, #tpu.memory_space<hbm>>
        %dma_wait3A_43 = tpu.memref_squeeze %dma_wait3A_42 : memref<1x224x16xf32, #tpu.memory_space<hbm>> -> memref<224x16xf32, #tpu.memory_space<hbm>>
        %dma_wait3A_44 = arith.constant 0 : i32
        %dma_wait3A_45 = tpu.memref_slice %arg3[%arg0, %add3A_36, %dma_wait3A_44] : memref<2x50176x16xf32, #tpu.memory_space<hbm>> -> memref<1x224x16xf32, #tpu.memory_space<hbm>>
        %dma_wait3A_46 = tpu.memref_squeeze %dma_wait3A_45 : memref<1x224x16xf32, #tpu.memory_space<hbm>> -> memref<224x16xf32, #tpu.memory_space<hbm>>
        tpu.wait_dma2 semaphore(%run_scoped3A : memref<!tpu.dma_semaphore, #tpu.memory_space<semaphore_mem>>) src(%arg6 : memref<224x16xf32, #tpu.memory_space<vmem>>) dst(%dma_wait3A_46 : memref<224x16xf32, #tpu.memory_space<hbm>>)
        tpu.yield
      }) : () -> ()
    }
    %scan3A_25 = arith.constant 14 : i32
    return
  }
}

#map = affine_map<(d0, d1) -> (0, 0)>
#map1 = affine_map<(d0, d1) -> (0, 0, 0)>
module attributes {stable_mosaic.version = 14 : i64} {
  func.func @_agg_body(%arg0: i32, %arg1: i32, %arg2: memref<50000x32xf32, #tpu.memory_space<hbm>>, %arg3: memref<12544x128xi32, #tpu.memory_space<hbm>>, %arg4: memref<12544x128xi32, #tpu.memory_space<hbm>>, %arg5: memref<2x50176x32xf32, #tpu.memory_space<hbm>>, %arg6: memref<2x2x128xi32, #tpu.memory_space<vmem>>, %arg7: memref<2x2x128xi32, #tpu.memory_space<vmem>>, %arg8: memref<2x2x128x32xf32, #tpu.memory_space<vmem>>, %arg9: memref<224x32xf32, #tpu.memory_space<vmem>>, %arg10: memref<50176x32xf32, #tpu.memory_space<vmem_shared>>, %arg11: memref<!tpu.dma_semaphore, #tpu.memory_space<semaphore_mem>>, %arg12: memref<!tpu.dma_semaphore, #tpu.memory_space<semaphore_mem>>) attributes {dimension_semantics = [#tpu.dimension_semantics<core_parallel>, #tpu.dimension_semantics<subcore_parallel>], iteration_bounds = array<i64: 2, 16>, scalar_prefetch = 0 : i64, scratch_operands = 7 : i64, tpu.core_type = #tpu.core_type<sc_vector_subcore>, window_params = [{transform_indices = #map}, {transform_indices = #map}, {transform_indices = #map}, {transform_indices = #map1}]} {
    %mul3A = arith.constant 16 : i32
    %mul3A_0 = arith.muli %arg0, %mul3A : i32
    %add3A = arith.addi %mul3A_0, %arg1 : i32
    %scan3A = arith.constant 0 : i32
    %scan3A_1 = arith.constant 224 : i32
    %scan3A_2 = arith.addi %scan3A, %scan3A_1 : i32
    %scan3A_3 = arith.constant 1 : i32
    scf.for %scan3A_55 = %scan3A to %scan3A_2 step %scan3A_3  : i32 {
      %mul3A_56 = arith.constant 1 : i32
      %mul3A_57 = arith.muli %scan3A_55, %mul3A_56 : i32
      %add3A_58 = arith.constant 0 : i32
      %add3A_59 = arith.addi %add3A_58, %mul3A_57 : i32
      %scan3A_60 = arith.constant 0 : i32
      %scan3A_61 = arith.constant 2 : i32
      %scan3A_62 = arith.addi %scan3A_60, %scan3A_61 : i32
      %scan3A_63 = arith.constant 1 : i32
      scf.for %scan3A_65 = %scan3A_60 to %scan3A_62 step %scan3A_63  : i32 {
        %mul3A_66 = arith.constant 16 : i32
        %mul3A_67 = arith.muli %scan3A_65, %mul3A_66 : i32
        %add3A_68 = arith.constant 0 : i32
        %add3A_69 = arith.addi %add3A_68, %mul3A_67 : i32
        %broadcast_in_dim3A = arith.constant 0.000000e+00 : f32
        %broadcast_in_dim3A_70 = vector.broadcast %broadcast_in_dim3A : f32 to vector<16xf32>
        %swap3A = arith.index_cast %add3A_59 : i32 to index
        %swap3A_71 = arith.index_cast %add3A_69 : i32 to index
        %swap3A_72 = tpu.vector_load %arg9[%swap3A, %swap3A_71] {strides = array<i32>} : memref<224x32xf32, #tpu.memory_space<vmem>>, vector<1x16xf32>,
        %swap3A_73 = vector.shape_cast %swap3A_72 : vector<1x16xf32> to vector<16xf32>
        %swap3A_74 = vector.shape_cast %broadcast_in_dim3A_70 : vector<16xf32> to vector<1x16xf32>
        tpu.vector_store %arg9[%swap3A, %swap3A_71], %swap3A_74 {strides = array<i32>} : memref<224x32xf32, #tpu.memory_space<vmem>>, vector<1x16xf32>,
      }
      %scan3A_64 = arith.constant 2 : i32
    }
    %scan3A_4 = arith.constant 224 : i32
    %scan3A_5 = arith.constant 0 : i32
    %scan3A_6 = arith.constant 14 : i32
    %scan3A_7 = arith.addi %scan3A_5, %scan3A_6 : i32
    %scan3A_8 = arith.constant 1 : i32
    scf.for %scan3A_55 = %scan3A_5 to %scan3A_7 step %scan3A_8  : i32 {
      %mul3A_56 = arith.constant 224 : i32
      %mul3A_57 = arith.muli %scan3A_55, %mul3A_56 : i32
      %add3A_58 = arith.constant 0 : i32
      %add3A_59 = arith.addi %add3A_58, %mul3A_57 : i32
      %mul3A_60 = arith.constant 3136 : i32
      %mul3A_61 = arith.muli %arg1, %mul3A_60 : i32
      %add3A_62 = arith.addi %mul3A_61, %add3A_59 : i32
      "tpu.region"() ({
        %run_scoped3A_63 = tpu.sem_alloc : memref<!tpu.dma_semaphore, #tpu.memory_space<semaphore_mem>>
        %dma_start3A_64 = arith.constant 0 : i32
        %dma_start3A_65 = tpu.memref_slice %arg10[%add3A_62, %dma_start3A_64] : memref<50176x32xf32, #tpu.memory_space<vmem_shared>> -> memref<224x32xf32, #tpu.memory_space<vmem_shared>>
        %dma_start3A_66 = arith.constant 0 : i32
        %dma_start3A_67 = tpu.memref_slice %arg10[%add3A_62, %dma_start3A_66] : memref<50176x32xf32, #tpu.memory_space<vmem_shared>> -> memref<224x32xf32, #tpu.memory_space<vmem_shared>>
        tpu.enqueue_dma source(%arg9 : memref<224x32xf32, #tpu.memory_space<vmem>>) target(%dma_start3A_67 : memref<224x32xf32, #tpu.memory_space<vmem_shared>>) target_semaphore(%run_scoped3A_63 : memref<!tpu.dma_semaphore, #tpu.memory_space<semaphore_mem>>)
        %dma_wait3A = arith.constant 0 : i32
        %dma_wait3A_68 = tpu.memref_slice %arg10[%add3A_62, %dma_wait3A] : memref<50176x32xf32, #tpu.memory_space<vmem_shared>> -> memref<224x32xf32, #tpu.memory_space<vmem_shared>>
        %dma_wait3A_69 = arith.constant 0 : i32
        %dma_wait3A_70 = tpu.memref_slice %arg10[%add3A_62, %dma_wait3A_69] : memref<50176x32xf32, #tpu.memory_space<vmem_shared>> -> memref<224x32xf32, #tpu.memory_space<vmem_shared>>
        tpu.wait_dma2 semaphore(%run_scoped3A_63 : memref<!tpu.dma_semaphore, #tpu.memory_space<semaphore_mem>>) src(%arg9 : memref<224x32xf32, #tpu.memory_space<vmem>>) dst(%dma_wait3A_70 : memref<224x32xf32, #tpu.memory_space<vmem_shared>>)
        tpu.yield
      }) : () -> ()
    }
    %scan3A_9 = arith.constant 14 : i32
    %barrier3A = arith.constant 0 : index
    tpu.barrier barrier_id(%barrier3A)
    %mul3A_10 = arith.constant 392 : i32
    %mul3A_11 = arith.muli %add3A, %mul3A_10 : i32
    %add3A_12 = arith.constant 0 : i32
    %add3A_13 = arith.addi %mul3A_11, %add3A_12 : i32
    %run_scoped3A = arith.constant 0 : i32
    "tpu.region"() ({
      %run_scoped3A_55 = tpu.sem_alloc : memref<!tpu.dma_semaphore, #tpu.memory_space<semaphore_mem>>
      %dma_start3A_56 = arith.constant 0 : i32
      %dma_start3A_57 = arith.constant 0 : i32
      %dma_start3A_58 = tpu.memref_slice %arg6[%run_scoped3A, %dma_start3A_56, %dma_start3A_57] : memref<2x2x128xi32, #tpu.memory_space<vmem>> -> memref<1x2x128xi32, #tpu.memory_space<vmem>>
      %dma_start3A_59 = tpu.memref_squeeze %dma_start3A_58 : memref<1x2x128xi32, #tpu.memory_space<vmem>> -> memref<2x128xi32, #tpu.memory_space<vmem>>
      %dma_start3A_60 = arith.constant 0 : i32
      %dma_start3A_61 = tpu.memref_slice %arg3[%add3A_13, %dma_start3A_60] : memref<12544x128xi32, #tpu.memory_space<hbm>> -> memref<2x128xi32, #tpu.memory_space<hbm>>
      %dma_start3A_62 = arith.constant 0 : i32
      %dma_start3A_63 = arith.constant 0 : i32
      %dma_start3A_64 = tpu.memref_slice %arg6[%run_scoped3A, %dma_start3A_62, %dma_start3A_63] : memref<2x2x128xi32, #tpu.memory_space<vmem>> -> memref<1x2x128xi32, #tpu.memory_space<vmem>>
      %dma_start3A_65 = tpu.memref_squeeze %dma_start3A_64 : memref<1x2x128xi32, #tpu.memory_space<vmem>> -> memref<2x128xi32, #tpu.memory_space<vmem>>
      %dma_start3A_66 = arith.constant 0 : i32
      %dma_start3A_67 = tpu.memref_slice %arg3[%add3A_13, %dma_start3A_66] : memref<12544x128xi32, #tpu.memory_space<hbm>> -> memref<2x128xi32, #tpu.memory_space<hbm>>
      tpu.enqueue_dma source(%dma_start3A_67 : memref<2x128xi32, #tpu.memory_space<hbm>>) target(%dma_start3A_65 : memref<2x128xi32, #tpu.memory_space<vmem>>) target_semaphore(%run_scoped3A_55 : memref<!tpu.dma_semaphore, #tpu.memory_space<semaphore_mem>>)
      %dma_wait3A = arith.constant 0 : i32
      %dma_wait3A_68 = arith.constant 0 : i32
      %dma_wait3A_69 = tpu.memref_slice %arg6[%run_scoped3A, %dma_wait3A, %dma_wait3A_68] : memref<2x2x128xi32, #tpu.memory_space<vmem>> -> memref<1x2x128xi32, #tpu.memory_space<vmem>>
      %dma_wait3A_70 = tpu.memref_squeeze %dma_wait3A_69 : memref<1x2x128xi32, #tpu.memory_space<vmem>> -> memref<2x128xi32, #tpu.memory_space<vmem>>
      %dma_wait3A_71 = arith.constant 0 : i32
      %dma_wait3A_72 = tpu.memref_slice %arg3[%add3A_13, %dma_wait3A_71] : memref<12544x128xi32, #tpu.memory_space<hbm>> -> memref<2x128xi32, #tpu.memory_space<hbm>>
      %dma_wait3A_73 = arith.constant 0 : i32
      %dma_wait3A_74 = arith.constant 0 : i32
      %dma_wait3A_75 = tpu.memref_slice %arg6[%run_scoped3A, %dma_wait3A_73, %dma_wait3A_74] : memref<2x2x128xi32, #tpu.memory_space<vmem>> -> memref<1x2x128xi32, #tpu.memory_space<vmem>>
      %dma_wait3A_76 = tpu.memref_squeeze %dma_wait3A_75 : memref<1x2x128xi32, #tpu.memory_space<vmem>> -> memref<2x128xi32, #tpu.memory_space<vmem>>
      %dma_wait3A_77 = arith.constant 0 : i32
      %dma_wait3A_78 = tpu.memref_slice %arg3[%add3A_13, %dma_wait3A_77] : memref<12544x128xi32, #tpu.memory_space<hbm>> -> memref<2x128xi32, #tpu.memory_space<hbm>>
      tpu.wait_dma2 semaphore(%run_scoped3A_55 : memref<!tpu.dma_semaphore, #tpu.memory_space<semaphore_mem>>) src(%dma_wait3A_78 : memref<2x128xi32, #tpu.memory_space<hbm>>) dst(%dma_wait3A_76 : memref<2x128xi32, #tpu.memory_space<vmem>>)
      tpu.yield
    }) : () -> ()
    %add3A_14 = arith.constant 0 : i32
    %add3A_15 = arith.addi %mul3A_11, %add3A_14 : i32
    %run_scoped3A_16 = arith.constant 0 : i32
    "tpu.region"() ({
      %run_scoped3A_55 = tpu.sem_alloc : memref<!tpu.dma_semaphore, #tpu.memory_space<semaphore_mem>>
      %dma_start3A_56 = arith.constant 0 : i32
      %dma_start3A_57 = arith.constant 0 : i32
      %dma_start3A_58 = tpu.memref_slice %arg7[%run_scoped3A_16, %dma_start3A_56, %dma_start3A_57] : memref<2x2x128xi32, #tpu.memory_space<vmem>> -> memref<1x2x128xi32, #tpu.memory_space<vmem>>
      %dma_start3A_59 = tpu.memref_squeeze %dma_start3A_58 : memref<1x2x128xi32, #tpu.memory_space<vmem>> -> memref<2x128xi32, #tpu.memory_space<vmem>>
      %dma_start3A_60 = arith.constant 0 : i32
      %dma_start3A_61 = tpu.memref_slice %arg4[%add3A_15, %dma_start3A_60] : memref<12544x128xi32, #tpu.memory_space<hbm>> -> memref<2x128xi32, #tpu.memory_space<hbm>>
      %dma_start3A_62 = arith.constant 0 : i32
      %dma_start3A_63 = arith.constant 0 : i32
      %dma_start3A_64 = tpu.memref_slice %arg7[%run_scoped3A_16, %dma_start3A_62, %dma_start3A_63] : memref<2x2x128xi32, #tpu.memory_space<vmem>> -> memref<1x2x128xi32, #tpu.memory_space<vmem>>
      %dma_start3A_65 = tpu.memref_squeeze %dma_start3A_64 : memref<1x2x128xi32, #tpu.memory_space<vmem>> -> memref<2x128xi32, #tpu.memory_space<vmem>>
      %dma_start3A_66 = arith.constant 0 : i32
      %dma_start3A_67 = tpu.memref_slice %arg4[%add3A_15, %dma_start3A_66] : memref<12544x128xi32, #tpu.memory_space<hbm>> -> memref<2x128xi32, #tpu.memory_space<hbm>>
      tpu.enqueue_dma source(%dma_start3A_67 : memref<2x128xi32, #tpu.memory_space<hbm>>) target(%dma_start3A_65 : memref<2x128xi32, #tpu.memory_space<vmem>>) target_semaphore(%run_scoped3A_55 : memref<!tpu.dma_semaphore, #tpu.memory_space<semaphore_mem>>)
      %dma_wait3A = arith.constant 0 : i32
      %dma_wait3A_68 = arith.constant 0 : i32
      %dma_wait3A_69 = tpu.memref_slice %arg7[%run_scoped3A_16, %dma_wait3A, %dma_wait3A_68] : memref<2x2x128xi32, #tpu.memory_space<vmem>> -> memref<1x2x128xi32, #tpu.memory_space<vmem>>
      %dma_wait3A_70 = tpu.memref_squeeze %dma_wait3A_69 : memref<1x2x128xi32, #tpu.memory_space<vmem>> -> memref<2x128xi32, #tpu.memory_space<vmem>>
      %dma_wait3A_71 = arith.constant 0 : i32
      %dma_wait3A_72 = tpu.memref_slice %arg4[%add3A_15, %dma_wait3A_71] : memref<12544x128xi32, #tpu.memory_space<hbm>> -> memref<2x128xi32, #tpu.memory_space<hbm>>
      %dma_wait3A_73 = arith.constant 0 : i32
      %dma_wait3A_74 = arith.constant 0 : i32
      %dma_wait3A_75 = tpu.memref_slice %arg7[%run_scoped3A_16, %dma_wait3A_73, %dma_wait3A_74] : memref<2x2x128xi32, #tpu.memory_space<vmem>> -> memref<1x2x128xi32, #tpu.memory_space<vmem>>
      %dma_wait3A_76 = tpu.memref_squeeze %dma_wait3A_75 : memref<1x2x128xi32, #tpu.memory_space<vmem>> -> memref<2x128xi32, #tpu.memory_space<vmem>>
      %dma_wait3A_77 = arith.constant 0 : i32
      %dma_wait3A_78 = tpu.memref_slice %arg4[%add3A_15, %dma_wait3A_77] : memref<12544x128xi32, #tpu.memory_space<hbm>> -> memref<2x128xi32, #tpu.memory_space<hbm>>
      tpu.wait_dma2 semaphore(%run_scoped3A_55 : memref<!tpu.dma_semaphore, #tpu.memory_space<semaphore_mem>>) src(%dma_wait3A_78 : memref<2x128xi32, #tpu.memory_space<hbm>>) dst(%dma_wait3A_76 : memref<2x128xi32, #tpu.memory_space<vmem>>)
      tpu.yield
    }) : () -> ()
    %dma_start3A = arith.constant 0 : i32
    %dma_start3A_17 = arith.constant 0 : i32
    %dma_start3A_18 = arith.constant 0 : i32
    %dma_start3A_19 = arith.constant 0 : i32
    %dma_start3A_20 = arith.constant 0 : i32
    %dma_start3A_21 = arith.constant 0 : i32
    %dma_start3A_22 = tpu.memref_slice %arg8[%dma_start3A_18, %dma_start3A_19, %dma_start3A_20, %dma_start3A_21] : memref<2x2x128x32xf32, #tpu.memory_space<vmem>> -> memref<1x1x128x32xf32, #tpu.memory_space<vmem>>
    %dma_start3A_23 = tpu.memref_squeeze %dma_start3A_22 : memref<1x1x128x32xf32, #tpu.memory_space<vmem>> -> memref<128x32xf32, #tpu.memory_space<vmem>>
    %dma_start3A_24 = arith.constant 0 : i32
    %dma_start3A_25 = tpu.memref_slice %arg6[%dma_start3A, %dma_start3A_17, %dma_start3A_24] : memref<2x2x128xi32, #tpu.memory_space<vmem>> -> memref<1x1x128xi32, #tpu.memory_space<vmem>>
    %dma_start3A_26 = tpu.memref_squeeze %dma_start3A_25 : memref<1x1x128xi32, #tpu.memory_space<vmem>> -> memref<128xi32, #tpu.memory_space<vmem>>
    %dma_start3A_27 = arith.constant 0 : i32
    %dma_start3A_28 = arith.constant 0 : i32
    %dma_start3A_29 = tpu.memref_slice %arg2[%dma_start3A_27, %dma_start3A_28] : memref<50000x32xf32, #tpu.memory_space<hbm>> -> memref<50000x32xf32, #tpu.memory_space<hbm>>
    tpu.enqueue_indirect_dma source(%dma_start3A_29 : memref<50000x32xf32, #tpu.memory_space<hbm>>) target(%dma_start3A_23 : memref<128x32xf32, #tpu.memory_space<vmem>>) offsets(%dma_start3A_26 : memref<128xi32, #tpu.memory_space<vmem>>) semaphore(%arg11 : memref<!tpu.dma_semaphore, #tpu.memory_space<semaphore_mem>>)
    %dma_start3A_30 = arith.constant 0 : i32
    %dma_start3A_31 = arith.constant 1 : i32
    %dma_start3A_32 = arith.constant 0 : i32
    %dma_start3A_33 = arith.constant 1 : i32
    %dma_start3A_34 = arith.constant 0 : i32
    %dma_start3A_35 = arith.constant 0 : i32
    %dma_start3A_36 = tpu.memref_slice %arg8[%dma_start3A_32, %dma_start3A_33, %dma_start3A_34, %dma_start3A_35] : memref<2x2x128x32xf32, #tpu.memory_space<vmem>> -> memref<1x1x128x32xf32, #tpu.memory_space<vmem>>
    %dma_start3A_37 = tpu.memref_squeeze %dma_start3A_36 : memref<1x1x128x32xf32, #tpu.memory_space<vmem>> -> memref<128x32xf32, #tpu.memory_space<vmem>>
    %dma_start3A_38 = arith.constant 0 : i32
    %dma_start3A_39 = tpu.memref_slice %arg6[%dma_start3A_30, %dma_start3A_31, %dma_start3A_38] : memref<2x2x128xi32, #tpu.memory_space<vmem>> -> memref<1x1x128xi32, #tpu.memory_space<vmem>>
    %dma_start3A_40 = tpu.memref_squeeze %dma_start3A_39 : memref<1x1x128xi32, #tpu.memory_space<vmem>> -> memref<128xi32, #tpu.memory_space<vmem>>
    %dma_start3A_41 = arith.constant 0 : i32
    %dma_start3A_42 = arith.constant 0 : i32
    %dma_start3A_43 = tpu.memref_slice %arg2[%dma_start3A_41, %dma_start3A_42] : memref<50000x32xf32, #tpu.memory_space<hbm>> -> memref<50000x32xf32, #tpu.memory_space<hbm>>
    tpu.enqueue_indirect_dma source(%dma_start3A_43 : memref<50000x32xf32, #tpu.memory_space<hbm>>) target(%dma_start3A_37 : memref<128x32xf32, #tpu.memory_space<vmem>>) offsets(%dma_start3A_40 : memref<128xi32, #tpu.memory_space<vmem>>) semaphore(%arg11 : memref<!tpu.dma_semaphore, #tpu.memory_space<semaphore_mem>>)
    %scan3A_44 = arith.constant 0 : i32
    %scan3A_45 = arith.constant 98 : i32
    %scan3A_46 = arith.addi %scan3A_44, %scan3A_45 : i32
    %scan3A_47 = arith.constant 1 : i32
    scf.for %scan3A_55 = %scan3A_44 to %scan3A_46 step %scan3A_47  : i32 {
      %mul3A_56 = arith.constant 2 : i32
      %mul3A_57 = arith.muli %scan3A_55, %mul3A_56 : i32
      %add3A_58 = arith.constant 0 : i32
      %add3A_59 = arith.addi %add3A_58, %mul3A_57 : i32
      %add3A_60 = arith.constant 0 : i32
      %add3A_61 = arith.addi %add3A_59, %add3A_60 : i32
      %add3A_62 = arith.constant 1 : i32
      %add3A_63 = arith.addi %add3A_61, %add3A_62 : i32
      %lt3A = arith.constant 196 : i32
      %lt3A_64 = arith.cmpi slt, %add3A_63, %lt3A : i32
      %convert_element_type3A = arith.extui %lt3A_64 : i1 to i32
      %cond3A = arith.constant 0 : i32
      %cond3A_65 = arith.cmpi ne, %convert_element_type3A, %cond3A : i32
      scf.if %cond3A_65 {
        %add3A_146 = arith.constant 1 : i32
        %add3A_147 = arith.addi %add3A_61, %add3A_146 : i32
        %mul3A_148 = arith.constant 2 : i32
        %mul3A_149 = arith.muli %add3A_147, %mul3A_148 : i32
        %add3A_150 = arith.addi %mul3A_11, %mul3A_149 : i32
        %run_scoped3A_151 = arith.constant 1 : i32
        "tpu.region"() ({
          %run_scoped3A_184 = tpu.sem_alloc : memref<!tpu.dma_semaphore, #tpu.memory_space<semaphore_mem>>
          %dma_start3A_185 = arith.constant 0 : i32
          %dma_start3A_186 = arith.constant 0 : i32
          %dma_start3A_187 = tpu.memref_slice %arg6[%run_scoped3A_151, %dma_start3A_185, %dma_start3A_186] : memref<2x2x128xi32, #tpu.memory_space<vmem>> -> memref<1x2x128xi32, #tpu.memory_space<vmem>>
          %dma_start3A_188 = tpu.memref_squeeze %dma_start3A_187 : memref<1x2x128xi32, #tpu.memory_space<vmem>> -> memref<2x128xi32, #tpu.memory_space<vmem>>
          %dma_start3A_189 = arith.constant 0 : i32
          %dma_start3A_190 = tpu.memref_slice %arg3[%add3A_150, %dma_start3A_189] : memref<12544x128xi32, #tpu.memory_space<hbm>> -> memref<2x128xi32, #tpu.memory_space<hbm>>
          %dma_start3A_191 = arith.constant 0 : i32
          %dma_start3A_192 = arith.constant 0 : i32
          %dma_start3A_193 = tpu.memref_slice %arg6[%run_scoped3A_151, %dma_start3A_191, %dma_start3A_192] : memref<2x2x128xi32, #tpu.memory_space<vmem>> -> memref<1x2x128xi32, #tpu.memory_space<vmem>>
          %dma_start3A_194 = tpu.memref_squeeze %dma_start3A_193 : memref<1x2x128xi32, #tpu.memory_space<vmem>> -> memref<2x128xi32, #tpu.memory_space<vmem>>
          %dma_start3A_195 = arith.constant 0 : i32
          %dma_start3A_196 = tpu.memref_slice %arg3[%add3A_150, %dma_start3A_195] : memref<12544x128xi32, #tpu.memory_space<hbm>> -> memref<2x128xi32, #tpu.memory_space<hbm>>
          tpu.enqueue_dma source(%dma_start3A_196 : memref<2x128xi32, #tpu.memory_space<hbm>>) target(%dma_start3A_194 : memref<2x128xi32, #tpu.memory_space<vmem>>) target_semaphore(%run_scoped3A_184 : memref<!tpu.dma_semaphore, #tpu.memory_space<semaphore_mem>>)
          %dma_wait3A_197 = arith.constant 0 : i32
          %dma_wait3A_198 = arith.constant 0 : i32
          %dma_wait3A_199 = tpu.memref_slice %arg6[%run_scoped3A_151, %dma_wait3A_197, %dma_wait3A_198] : memref<2x2x128xi32, #tpu.memory_space<vmem>> -> memref<1x2x128xi32, #tpu.memory_space<vmem>>
          %dma_wait3A_200 = tpu.memref_squeeze %dma_wait3A_199 : memref<1x2x128xi32, #tpu.memory_space<vmem>> -> memref<2x128xi32, #tpu.memory_space<vmem>>
          %dma_wait3A_201 = arith.constant 0 : i32
          %dma_wait3A_202 = tpu.memref_slice %arg3[%add3A_150, %dma_wait3A_201] : memref<12544x128xi32, #tpu.memory_space<hbm>> -> memref<2x128xi32, #tpu.memory_space<hbm>>
          %dma_wait3A_203 = arith.constant 0 : i32
          %dma_wait3A_204 = arith.constant 0 : i32
          %dma_wait3A_205 = tpu.memref_slice %arg6[%run_scoped3A_151, %dma_wait3A_203, %dma_wait3A_204] : memref<2x2x128xi32, #tpu.memory_space<vmem>> -> memref<1x2x128xi32, #tpu.memory_space<vmem>>
          %dma_wait3A_206 = tpu.memref_squeeze %dma_wait3A_205 : memref<1x2x128xi32, #tpu.memory_space<vmem>> -> memref<2x128xi32, #tpu.memory_space<vmem>>
          %dma_wait3A_207 = arith.constant 0 : i32
          %dma_wait3A_208 = tpu.memref_slice %arg3[%add3A_150, %dma_wait3A_207] : memref<12544x128xi32, #tpu.memory_space<hbm>> -> memref<2x128xi32, #tpu.memory_space<hbm>>
          tpu.wait_dma2 semaphore(%run_scoped3A_184 : memref<!tpu.dma_semaphore, #tpu.memory_space<semaphore_mem>>) src(%dma_wait3A_208 : memref<2x128xi32, #tpu.memory_space<hbm>>) dst(%dma_wait3A_206 : memref<2x128xi32, #tpu.memory_space<vmem>>)
          tpu.yield
        }) : () -> ()
        %mul3A_152 = arith.constant 2 : i32
        %mul3A_153 = arith.muli %add3A_147, %mul3A_152 : i32
        %add3A_154 = arith.addi %mul3A_11, %mul3A_153 : i32
        %run_scoped3A_155 = arith.constant 1 : i32
        "tpu.region"() ({
          %run_scoped3A_184 = tpu.sem_alloc : memref<!tpu.dma_semaphore, #tpu.memory_space<semaphore_mem>>
          %dma_start3A_185 = arith.constant 0 : i32
          %dma_start3A_186 = arith.constant 0 : i32
          %dma_start3A_187 = tpu.memref_slice %arg7[%run_scoped3A_155, %dma_start3A_185, %dma_start3A_186] : memref<2x2x128xi32, #tpu.memory_space<vmem>> -> memref<1x2x128xi32, #tpu.memory_space<vmem>>
          %dma_start3A_188 = tpu.memref_squeeze %dma_start3A_187 : memref<1x2x128xi32, #tpu.memory_space<vmem>> -> memref<2x128xi32, #tpu.memory_space<vmem>>
          %dma_start3A_189 = arith.constant 0 : i32
          %dma_start3A_190 = tpu.memref_slice %arg4[%add3A_154, %dma_start3A_189] : memref<12544x128xi32, #tpu.memory_space<hbm>> -> memref<2x128xi32, #tpu.memory_space<hbm>>
          %dma_start3A_191 = arith.constant 0 : i32
          %dma_start3A_192 = arith.constant 0 : i32
          %dma_start3A_193 = tpu.memref_slice %arg7[%run_scoped3A_155, %dma_start3A_191, %dma_start3A_192] : memref<2x2x128xi32, #tpu.memory_space<vmem>> -> memref<1x2x128xi32, #tpu.memory_space<vmem>>
          %dma_start3A_194 = tpu.memref_squeeze %dma_start3A_193 : memref<1x2x128xi32, #tpu.memory_space<vmem>> -> memref<2x128xi32, #tpu.memory_space<vmem>>
          %dma_start3A_195 = arith.constant 0 : i32
          %dma_start3A_196 = tpu.memref_slice %arg4[%add3A_154, %dma_start3A_195] : memref<12544x128xi32, #tpu.memory_space<hbm>> -> memref<2x128xi32, #tpu.memory_space<hbm>>
          tpu.enqueue_dma source(%dma_start3A_196 : memref<2x128xi32, #tpu.memory_space<hbm>>) target(%dma_start3A_194 : memref<2x128xi32, #tpu.memory_space<vmem>>) target_semaphore(%run_scoped3A_184 : memref<!tpu.dma_semaphore, #tpu.memory_space<semaphore_mem>>)
          %dma_wait3A_197 = arith.constant 0 : i32
          %dma_wait3A_198 = arith.constant 0 : i32
          %dma_wait3A_199 = tpu.memref_slice %arg7[%run_scoped3A_155, %dma_wait3A_197, %dma_wait3A_198] : memref<2x2x128xi32, #tpu.memory_space<vmem>> -> memref<1x2x128xi32, #tpu.memory_space<vmem>>
          %dma_wait3A_200 = tpu.memref_squeeze %dma_wait3A_199 : memref<1x2x128xi32, #tpu.memory_space<vmem>> -> memref<2x128xi32, #tpu.memory_space<vmem>>
          %dma_wait3A_201 = arith.constant 0 : i32
          %dma_wait3A_202 = tpu.memref_slice %arg4[%add3A_154, %dma_wait3A_201] : memref<12544x128xi32, #tpu.memory_space<hbm>> -> memref<2x128xi32, #tpu.memory_space<hbm>>
          %dma_wait3A_203 = arith.constant 0 : i32
          %dma_wait3A_204 = arith.constant 0 : i32
          %dma_wait3A_205 = tpu.memref_slice %arg7[%run_scoped3A_155, %dma_wait3A_203, %dma_wait3A_204] : memref<2x2x128xi32, #tpu.memory_space<vmem>> -> memref<1x2x128xi32, #tpu.memory_space<vmem>>
          %dma_wait3A_206 = tpu.memref_squeeze %dma_wait3A_205 : memref<1x2x128xi32, #tpu.memory_space<vmem>> -> memref<2x128xi32, #tpu.memory_space<vmem>>
          %dma_wait3A_207 = arith.constant 0 : i32
          %dma_wait3A_208 = tpu.memref_slice %arg4[%add3A_154, %dma_wait3A_207] : memref<12544x128xi32, #tpu.memory_space<hbm>> -> memref<2x128xi32, #tpu.memory_space<hbm>>
          tpu.wait_dma2 semaphore(%run_scoped3A_184 : memref<!tpu.dma_semaphore, #tpu.memory_space<semaphore_mem>>) src(%dma_wait3A_208 : memref<2x128xi32, #tpu.memory_space<hbm>>) dst(%dma_wait3A_206 : memref<2x128xi32, #tpu.memory_space<vmem>>)
          tpu.yield
        }) : () -> ()
        %dma_start3A_156 = arith.constant 1 : i32
        %dma_start3A_157 = arith.constant 0 : i32
        %dma_start3A_158 = arith.constant 1 : i32
        %dma_start3A_159 = arith.constant 0 : i32
        %dma_start3A_160 = arith.constant 0 : i32
        %dma_start3A_161 = arith.constant 0 : i32
        %dma_start3A_162 = tpu.memref_slice %arg8[%dma_start3A_158, %dma_start3A_159, %dma_start3A_160, %dma_start3A_161] : memref<2x2x128x32xf32, #tpu.memory_space<vmem>> -> memref<1x1x128x32xf32, #tpu.memory_space<vmem>>
        %dma_start3A_163 = tpu.memref_squeeze %dma_start3A_162 : memref<1x1x128x32xf32, #tpu.memory_space<vmem>> -> memref<128x32xf32, #tpu.memory_space<vmem>>
        %dma_start3A_164 = arith.constant 0 : i32
        %dma_start3A_165 = tpu.memref_slice %arg6[%dma_start3A_156, %dma_start3A_157, %dma_start3A_164] : memref<2x2x128xi32, #tpu.memory_space<vmem>> -> memref<1x1x128xi32, #tpu.memory_space<vmem>>
        %dma_start3A_166 = tpu.memref_squeeze %dma_start3A_165 : memref<1x1x128xi32, #tpu.memory_space<vmem>> -> memref<128xi32, #tpu.memory_space<vmem>>
        %dma_start3A_167 = arith.constant 0 : i32
        %dma_start3A_168 = arith.constant 0 : i32
        %dma_start3A_169 = tpu.memref_slice %arg2[%dma_start3A_167, %dma_start3A_168] : memref<50000x32xf32, #tpu.memory_space<hbm>> -> memref<50000x32xf32, #tpu.memory_space<hbm>>
        tpu.enqueue_indirect_dma source(%dma_start3A_169 : memref<50000x32xf32, #tpu.memory_space<hbm>>) target(%dma_start3A_163 : memref<128x32xf32, #tpu.memory_space<vmem>>) offsets(%dma_start3A_166 : memref<128xi32, #tpu.memory_space<vmem>>) semaphore(%arg12 : memref<!tpu.dma_semaphore, #tpu.memory_space<semaphore_mem>>)
        %dma_start3A_170 = arith.constant 1 : i32
        %dma_start3A_171 = arith.constant 1 : i32
        %dma_start3A_172 = arith.constant 1 : i32
        %dma_start3A_173 = arith.constant 1 : i32
        %dma_start3A_174 = arith.constant 0 : i32
        %dma_start3A_175 = arith.constant 0 : i32
        %dma_start3A_176 = tpu.memref_slice %arg8[%dma_start3A_172, %dma_start3A_173, %dma_start3A_174, %dma_start3A_175] : memref<2x2x128x32xf32, #tpu.memory_space<vmem>> -> memref<1x1x128x32xf32, #tpu.memory_space<vmem>>
        %dma_start3A_177 = tpu.memref_squeeze %dma_start3A_176 : memref<1x1x128x32xf32, #tpu.memory_space<vmem>> -> memref<128x32xf32, #tpu.memory_space<vmem>>
        %dma_start3A_178 = arith.constant 0 : i32
        %dma_start3A_179 = tpu.memref_slice %arg6[%dma_start3A_170, %dma_start3A_171, %dma_start3A_178] : memref<2x2x128xi32, #tpu.memory_space<vmem>> -> memref<1x1x128xi32, #tpu.memory_space<vmem>>
        %dma_start3A_180 = tpu.memref_squeeze %dma_start3A_179 : memref<1x1x128xi32, #tpu.memory_space<vmem>> -> memref<128xi32, #tpu.memory_space<vmem>>
        %dma_start3A_181 = arith.constant 0 : i32
        %dma_start3A_182 = arith.constant 0 : i32
        %dma_start3A_183 = tpu.memref_slice %arg2[%dma_start3A_181, %dma_start3A_182] : memref<50000x32xf32, #tpu.memory_space<hbm>> -> memref<50000x32xf32, #tpu.memory_space<hbm>>
        tpu.enqueue_indirect_dma source(%dma_start3A_183 : memref<50000x32xf32, #tpu.memory_space<hbm>>) target(%dma_start3A_177 : memref<128x32xf32, #tpu.memory_space<vmem>>) offsets(%dma_start3A_180 : memref<128xi32, #tpu.memory_space<vmem>>) semaphore(%arg12 : memref<!tpu.dma_semaphore, #tpu.memory_space<semaphore_mem>>)
      } else {
      }
      %dma_wait3A = arith.constant 0 : i32
      %dma_wait3A_66 = arith.constant 0 : i32
      %dma_wait3A_67 = arith.constant 0 : i32
      %dma_wait3A_68 = arith.constant 0 : i32
      %dma_wait3A_69 = arith.constant 0 : i32
      %dma_wait3A_70 = arith.constant 0 : i32
      %dma_wait3A_71 = tpu.memref_slice %arg8[%dma_wait3A_67, %dma_wait3A_68, %dma_wait3A_69, %dma_wait3A_70] : memref<2x2x128x32xf32, #tpu.memory_space<vmem>> -> memref<1x1x128x32xf32, #tpu.memory_space<vmem>>
      %dma_wait3A_72 = tpu.memref_squeeze %dma_wait3A_71 : memref<1x1x128x32xf32, #tpu.memory_space<vmem>> -> memref<128x32xf32, #tpu.memory_space<vmem>>
      %dma_wait3A_73 = arith.constant 0 : i32
      %dma_wait3A_74 = tpu.memref_slice %arg6[%dma_wait3A, %dma_wait3A_66, %dma_wait3A_73] : memref<2x2x128xi32, #tpu.memory_space<vmem>> -> memref<1x1x128xi32, #tpu.memory_space<vmem>>
      %dma_wait3A_75 = tpu.memref_squeeze %dma_wait3A_74 : memref<1x1x128xi32, #tpu.memory_space<vmem>> -> memref<128xi32, #tpu.memory_space<vmem>>
      %dma_wait3A_76 = arith.constant 0 : i32
      %dma_wait3A_77 = arith.constant 0 : i32
      %dma_wait3A_78 = tpu.memref_slice %arg2[%dma_wait3A_76, %dma_wait3A_77] : memref<50000x32xf32, #tpu.memory_space<hbm>> -> memref<50000x32xf32, #tpu.memory_space<hbm>>
      tpu.wait_indirect_dma semaphore(%arg11 : memref<!tpu.dma_semaphore, #tpu.memory_space<semaphore_mem>>) src(%dma_wait3A_78 : memref<50000x32xf32, #tpu.memory_space<hbm>>) dst(%dma_wait3A_72 : memref<128x32xf32, #tpu.memory_space<vmem>>)
      %dma_wait3A_79 = arith.constant 0 : i32
      %dma_wait3A_80 = arith.constant 1 : i32
      %dma_wait3A_81 = arith.constant 0 : i32
      %dma_wait3A_82 = arith.constant 1 : i32
      %dma_wait3A_83 = arith.constant 0 : i32
      %dma_wait3A_84 = arith.constant 0 : i32
      %dma_wait3A_85 = tpu.memref_slice %arg8[%dma_wait3A_81, %dma_wait3A_82, %dma_wait3A_83, %dma_wait3A_84] : memref<2x2x128x32xf32, #tpu.memory_space<vmem>> -> memref<1x1x128x32xf32, #tpu.memory_space<vmem>>
      %dma_wait3A_86 = tpu.memref_squeeze %dma_wait3A_85 : memref<1x1x128x32xf32, #tpu.memory_space<vmem>> -> memref<128x32xf32, #tpu.memory_space<vmem>>
      %dma_wait3A_87 = arith.constant 0 : i32
      %dma_wait3A_88 = tpu.memref_slice %arg6[%dma_wait3A_79, %dma_wait3A_80, %dma_wait3A_87] : memref<2x2x128xi32, #tpu.memory_space<vmem>> -> memref<1x1x128xi32, #tpu.memory_space<vmem>>
      %dma_wait3A_89 = tpu.memref_squeeze %dma_wait3A_88 : memref<1x1x128xi32, #tpu.memory_space<vmem>> -> memref<128xi32, #tpu.memory_space<vmem>>
      %dma_wait3A_90 = arith.constant 0 : i32
      %dma_wait3A_91 = arith.constant 0 : i32
      %dma_wait3A_92 = tpu.memref_slice %arg2[%dma_wait3A_90, %dma_wait3A_91] : memref<50000x32xf32, #tpu.memory_space<hbm>> -> memref<50000x32xf32, #tpu.memory_space<hbm>>
      tpu.wait_indirect_dma semaphore(%arg11 : memref<!tpu.dma_semaphore, #tpu.memory_space<semaphore_mem>>) src(%dma_wait3A_92 : memref<50000x32xf32, #tpu.memory_space<hbm>>) dst(%dma_wait3A_86 : memref<128x32xf32, #tpu.memory_space<vmem>>)
      %run_scoped3A_93 = arith.constant 0 : i32
      %run_scoped3A_94 = arith.constant 0 : i32
      %run_scoped3A_95 = arith.constant 0 : i32
      %run_scoped3A_96 = arith.constant 0 : i32
      "tpu.region"() ({
        %run_scoped3A_146 = tpu.sem_alloc : memref<!tpu.dma_semaphore, #tpu.memory_space<semaphore_mem>>
        %dma_start3A_147 = arith.constant 0 : i32
        %dma_start3A_148 = arith.constant 0 : i32
        %dma_start3A_149 = tpu.memref_slice %arg8[%run_scoped3A_93, %run_scoped3A_94, %dma_start3A_147, %dma_start3A_148] : memref<2x2x128x32xf32, #tpu.memory_space<vmem>> -> memref<1x1x128x32xf32, #tpu.memory_space<vmem>>
        %dma_start3A_150 = tpu.memref_squeeze %dma_start3A_149 : memref<1x1x128x32xf32, #tpu.memory_space<vmem>> -> memref<128x32xf32, #tpu.memory_space<vmem>>
        %dma_start3A_151 = arith.constant 0 : i32
        %dma_start3A_152 = tpu.memref_slice %arg7[%run_scoped3A_95, %run_scoped3A_96, %dma_start3A_151] : memref<2x2x128xi32, #tpu.memory_space<vmem>> -> memref<1x1x128xi32, #tpu.memory_space<vmem>>
        %dma_start3A_153 = tpu.memref_squeeze %dma_start3A_152 : memref<1x1x128xi32, #tpu.memory_space<vmem>> -> memref<128xi32, #tpu.memory_space<vmem>>
        %dma_start3A_154 = arith.constant 0 : i32
        %dma_start3A_155 = arith.constant 0 : i32
        %dma_start3A_156 = tpu.memref_slice %arg10[%dma_start3A_154, %dma_start3A_155] : memref<50176x32xf32, #tpu.memory_space<vmem_shared>> -> memref<50176x32xf32, #tpu.memory_space<vmem_shared>>
        tpu.enqueue_indirect_dma source(%dma_start3A_150 : memref<128x32xf32, #tpu.memory_space<vmem>>) target(%dma_start3A_156 : memref<50176x32xf32, #tpu.memory_space<vmem_shared>>) offsets(%dma_start3A_153 : memref<128xi32, #tpu.memory_space<vmem>>) semaphore(%run_scoped3A_146 : memref<!tpu.dma_semaphore, #tpu.memory_space<semaphore_mem>>) {add = true}
        %dma_wait3A_157 = arith.constant 0 : i32
        %dma_wait3A_158 = arith.constant 0 : i32
        %dma_wait3A_159 = tpu.memref_slice %arg8[%run_scoped3A_93, %run_scoped3A_94, %dma_wait3A_157, %dma_wait3A_158] : memref<2x2x128x32xf32, #tpu.memory_space<vmem>> -> memref<1x1x128x32xf32, #tpu.memory_space<vmem>>
        %dma_wait3A_160 = tpu.memref_squeeze %dma_wait3A_159 : memref<1x1x128x32xf32, #tpu.memory_space<vmem>> -> memref<128x32xf32, #tpu.memory_space<vmem>>
        %dma_wait3A_161 = arith.constant 0 : i32
        %dma_wait3A_162 = tpu.memref_slice %arg7[%run_scoped3A_95, %run_scoped3A_96, %dma_wait3A_161] : memref<2x2x128xi32, #tpu.memory_space<vmem>> -> memref<1x1x128xi32, #tpu.memory_space<vmem>>
        %dma_wait3A_163 = tpu.memref_squeeze %dma_wait3A_162 : memref<1x1x128xi32, #tpu.memory_space<vmem>> -> memref<128xi32, #tpu.memory_space<vmem>>
        %dma_wait3A_164 = arith.constant 0 : i32
        %dma_wait3A_165 = arith.constant 0 : i32
        %dma_wait3A_166 = tpu.memref_slice %arg10[%dma_wait3A_164, %dma_wait3A_165] : memref<50176x32xf32, #tpu.memory_space<vmem_shared>> -> memref<50176x32xf32, #tpu.memory_space<vmem_shared>>
        tpu.wait_indirect_dma semaphore(%run_scoped3A_146 : memref<!tpu.dma_semaphore, #tpu.memory_space<semaphore_mem>>) src(%dma_wait3A_160 : memref<128x32xf32, #tpu.memory_space<vmem>>) dst(%dma_wait3A_166 : memref<50176x32xf32, #tpu.memory_space<vmem_shared>>)
        tpu.yield
      }) : () -> ()
      %run_scoped3A_97 = arith.constant 0 : i32
      %run_scoped3A_98 = arith.constant 1 : i32
      %run_scoped3A_99 = arith.constant 0 : i32
      %run_scoped3A_100 = arith.constant 1 : i32
      "tpu.region"() ({
        %run_scoped3A_146 = tpu.sem_alloc : memref<!tpu.dma_semaphore, #tpu.memory_space<semaphore_mem>>
        %dma_start3A_147 = arith.constant 0 : i32
        %dma_start3A_148 = arith.constant 0 : i32
        %dma_start3A_149 = tpu.memref_slice %arg8[%run_scoped3A_97, %run_scoped3A_98, %dma_start3A_147, %dma_start3A_148] : memref<2x2x128x32xf32, #tpu.memory_space<vmem>> -> memref<1x1x128x32xf32, #tpu.memory_space<vmem>>
        %dma_start3A_150 = tpu.memref_squeeze %dma_start3A_149 : memref<1x1x128x32xf32, #tpu.memory_space<vmem>> -> memref<128x32xf32, #tpu.memory_space<vmem>>
        %dma_start3A_151 = arith.constant 0 : i32
        %dma_start3A_152 = tpu.memref_slice %arg7[%run_scoped3A_99, %run_scoped3A_100, %dma_start3A_151] : memref<2x2x128xi32, #tpu.memory_space<vmem>> -> memref<1x1x128xi32, #tpu.memory_space<vmem>>
        %dma_start3A_153 = tpu.memref_squeeze %dma_start3A_152 : memref<1x1x128xi32, #tpu.memory_space<vmem>> -> memref<128xi32, #tpu.memory_space<vmem>>
        %dma_start3A_154 = arith.constant 0 : i32
        %dma_start3A_155 = arith.constant 0 : i32
        %dma_start3A_156 = tpu.memref_slice %arg10[%dma_start3A_154, %dma_start3A_155] : memref<50176x32xf32, #tpu.memory_space<vmem_shared>> -> memref<50176x32xf32, #tpu.memory_space<vmem_shared>>
        tpu.enqueue_indirect_dma source(%dma_start3A_150 : memref<128x32xf32, #tpu.memory_space<vmem>>) target(%dma_start3A_156 : memref<50176x32xf32, #tpu.memory_space<vmem_shared>>) offsets(%dma_start3A_153 : memref<128xi32, #tpu.memory_space<vmem>>) semaphore(%run_scoped3A_146 : memref<!tpu.dma_semaphore, #tpu.memory_space<semaphore_mem>>) {add = true}
        %dma_wait3A_157 = arith.constant 0 : i32
        %dma_wait3A_158 = arith.constant 0 : i32
        %dma_wait3A_159 = tpu.memref_slice %arg8[%run_scoped3A_97, %run_scoped3A_98, %dma_wait3A_157, %dma_wait3A_158] : memref<2x2x128x32xf32, #tpu.memory_space<vmem>> -> memref<1x1x128x32xf32, #tpu.memory_space<vmem>>
        %dma_wait3A_160 = tpu.memref_squeeze %dma_wait3A_159 : memref<1x1x128x32xf32, #tpu.memory_space<vmem>> -> memref<128x32xf32, #tpu.memory_space<vmem>>
        %dma_wait3A_161 = arith.constant 0 : i32
        %dma_wait3A_162 = tpu.memref_slice %arg7[%run_scoped3A_99, %run_scoped3A_100, %dma_wait3A_161] : memref<2x2x128xi32, #tpu.memory_space<vmem>> -> memref<1x1x128xi32, #tpu.memory_space<vmem>>
        %dma_wait3A_163 = tpu.memref_squeeze %dma_wait3A_162 : memref<1x1x128xi32, #tpu.memory_space<vmem>> -> memref<128xi32, #tpu.memory_space<vmem>>
        %dma_wait3A_164 = arith.constant 0 : i32
        %dma_wait3A_165 = arith.constant 0 : i32
        %dma_wait3A_166 = tpu.memref_slice %arg10[%dma_wait3A_164, %dma_wait3A_165] : memref<50176x32xf32, #tpu.memory_space<vmem_shared>> -> memref<50176x32xf32, #tpu.memory_space<vmem_shared>>
        tpu.wait_indirect_dma semaphore(%run_scoped3A_146 : memref<!tpu.dma_semaphore, #tpu.memory_space<semaphore_mem>>) src(%dma_wait3A_160 : memref<128x32xf32, #tpu.memory_space<vmem>>) dst(%dma_wait3A_166 : memref<50176x32xf32, #tpu.memory_space<vmem_shared>>)
        tpu.yield
      }) : () -> ()
      %add3A_101 = arith.constant 1 : i32
      %add3A_102 = arith.addi %add3A_59, %add3A_101 : i32
      %add3A_103 = arith.constant 1 : i32
      %add3A_104 = arith.addi %add3A_102, %add3A_103 : i32
      %lt3A_105 = arith.constant 196 : i32
      %lt3A_106 = arith.cmpi slt, %add3A_104, %lt3A_105 : i32
      %convert_element_type3A_107 = arith.extui %lt3A_106 : i1 to i32
      %cond3A_108 = arith.constant 0 : i32
      %cond3A_109 = arith.cmpi ne, %convert_element_type3A_107, %cond3A_108 : i32
      scf.if %cond3A_109 {
        %add3A_146 = arith.constant 1 : i32
        %add3A_147 = arith.addi %add3A_102, %add3A_146 : i32
        %mul3A_148 = arith.constant 2 : i32
        %mul3A_149 = arith.muli %add3A_147, %mul3A_148 : i32
        %add3A_150 = arith.addi %mul3A_11, %mul3A_149 : i32
        %run_scoped3A_151 = arith.constant 0 : i32
        "tpu.region"() ({
          %run_scoped3A_184 = tpu.sem_alloc : memref<!tpu.dma_semaphore, #tpu.memory_space<semaphore_mem>>
          %dma_start3A_185 = arith.constant 0 : i32
          %dma_start3A_186 = arith.constant 0 : i32
          %dma_start3A_187 = tpu.memref_slice %arg6[%run_scoped3A_151, %dma_start3A_185, %dma_start3A_186] : memref<2x2x128xi32, #tpu.memory_space<vmem>> -> memref<1x2x128xi32, #tpu.memory_space<vmem>>
          %dma_start3A_188 = tpu.memref_squeeze %dma_start3A_187 : memref<1x2x128xi32, #tpu.memory_space<vmem>> -> memref<2x128xi32, #tpu.memory_space<vmem>>
          %dma_start3A_189 = arith.constant 0 : i32
          %dma_start3A_190 = tpu.memref_slice %arg3[%add3A_150, %dma_start3A_189] : memref<12544x128xi32, #tpu.memory_space<hbm>> -> memref<2x128xi32, #tpu.memory_space<hbm>>
          %dma_start3A_191 = arith.constant 0 : i32
          %dma_start3A_192 = arith.constant 0 : i32
          %dma_start3A_193 = tpu.memref_slice %arg6[%run_scoped3A_151, %dma_start3A_191, %dma_start3A_192] : memref<2x2x128xi32, #tpu.memory_space<vmem>> -> memref<1x2x128xi32, #tpu.memory_space<vmem>>
          %dma_start3A_194 = tpu.memref_squeeze %dma_start3A_193 : memref<1x2x128xi32, #tpu.memory_space<vmem>> -> memref<2x128xi32, #tpu.memory_space<vmem>>
          %dma_start3A_195 = arith.constant 0 : i32
          %dma_start3A_196 = tpu.memref_slice %arg3[%add3A_150, %dma_start3A_195] : memref<12544x128xi32, #tpu.memory_space<hbm>> -> memref<2x128xi32, #tpu.memory_space<hbm>>
          tpu.enqueue_dma source(%dma_start3A_196 : memref<2x128xi32, #tpu.memory_space<hbm>>) target(%dma_start3A_194 : memref<2x128xi32, #tpu.memory_space<vmem>>) target_semaphore(%run_scoped3A_184 : memref<!tpu.dma_semaphore, #tpu.memory_space<semaphore_mem>>)
          %dma_wait3A_197 = arith.constant 0 : i32
          %dma_wait3A_198 = arith.constant 0 : i32
          %dma_wait3A_199 = tpu.memref_slice %arg6[%run_scoped3A_151, %dma_wait3A_197, %dma_wait3A_198] : memref<2x2x128xi32, #tpu.memory_space<vmem>> -> memref<1x2x128xi32, #tpu.memory_space<vmem>>
          %dma_wait3A_200 = tpu.memref_squeeze %dma_wait3A_199 : memref<1x2x128xi32, #tpu.memory_space<vmem>> -> memref<2x128xi32, #tpu.memory_space<vmem>>
          %dma_wait3A_201 = arith.constant 0 : i32
          %dma_wait3A_202 = tpu.memref_slice %arg3[%add3A_150, %dma_wait3A_201] : memref<12544x128xi32, #tpu.memory_space<hbm>> -> memref<2x128xi32, #tpu.memory_space<hbm>>
          %dma_wait3A_203 = arith.constant 0 : i32
          %dma_wait3A_204 = arith.constant 0 : i32
          %dma_wait3A_205 = tpu.memref_slice %arg6[%run_scoped3A_151, %dma_wait3A_203, %dma_wait3A_204] : memref<2x2x128xi32, #tpu.memory_space<vmem>> -> memref<1x2x128xi32, #tpu.memory_space<vmem>>
          %dma_wait3A_206 = tpu.memref_squeeze %dma_wait3A_205 : memref<1x2x128xi32, #tpu.memory_space<vmem>> -> memref<2x128xi32, #tpu.memory_space<vmem>>
          %dma_wait3A_207 = arith.constant 0 : i32
          %dma_wait3A_208 = tpu.memref_slice %arg3[%add3A_150, %dma_wait3A_207] : memref<12544x128xi32, #tpu.memory_space<hbm>> -> memref<2x128xi32, #tpu.memory_space<hbm>>
          tpu.wait_dma2 semaphore(%run_scoped3A_184 : memref<!tpu.dma_semaphore, #tpu.memory_space<semaphore_mem>>) src(%dma_wait3A_208 : memref<2x128xi32, #tpu.memory_space<hbm>>) dst(%dma_wait3A_206 : memref<2x128xi32, #tpu.memory_space<vmem>>)
          tpu.yield
        }) : () -> ()
        %mul3A_152 = arith.constant 2 : i32
        %mul3A_153 = arith.muli %add3A_147, %mul3A_152 : i32
        %add3A_154 = arith.addi %mul3A_11, %mul3A_153 : i32
        %run_scoped3A_155 = arith.constant 0 : i32
        "tpu.region"() ({
          %run_scoped3A_184 = tpu.sem_alloc : memref<!tpu.dma_semaphore, #tpu.memory_space<semaphore_mem>>
          %dma_start3A_185 = arith.constant 0 : i32
          %dma_start3A_186 = arith.constant 0 : i32
          %dma_start3A_187 = tpu.memref_slice %arg7[%run_scoped3A_155, %dma_start3A_185, %dma_start3A_186] : memref<2x2x128xi32, #tpu.memory_space<vmem>> -> memref<1x2x128xi32, #tpu.memory_space<vmem>>
          %dma_start3A_188 = tpu.memref_squeeze %dma_start3A_187 : memref<1x2x128xi32, #tpu.memory_space<vmem>> -> memref<2x128xi32, #tpu.memory_space<vmem>>
          %dma_start3A_189 = arith.constant 0 : i32
          %dma_start3A_190 = tpu.memref_slice %arg4[%add3A_154, %dma_start3A_189] : memref<12544x128xi32, #tpu.memory_space<hbm>> -> memref<2x128xi32, #tpu.memory_space<hbm>>
          %dma_start3A_191 = arith.constant 0 : i32
          %dma_start3A_192 = arith.constant 0 : i32
          %dma_start3A_193 = tpu.memref_slice %arg7[%run_scoped3A_155, %dma_start3A_191, %dma_start3A_192] : memref<2x2x128xi32, #tpu.memory_space<vmem>> -> memref<1x2x128xi32, #tpu.memory_space<vmem>>
          %dma_start3A_194 = tpu.memref_squeeze %dma_start3A_193 : memref<1x2x128xi32, #tpu.memory_space<vmem>> -> memref<2x128xi32, #tpu.memory_space<vmem>>
          %dma_start3A_195 = arith.constant 0 : i32
          %dma_start3A_196 = tpu.memref_slice %arg4[%add3A_154, %dma_start3A_195] : memref<12544x128xi32, #tpu.memory_space<hbm>> -> memref<2x128xi32, #tpu.memory_space<hbm>>
          tpu.enqueue_dma source(%dma_start3A_196 : memref<2x128xi32, #tpu.memory_space<hbm>>) target(%dma_start3A_194 : memref<2x128xi32, #tpu.memory_space<vmem>>) target_semaphore(%run_scoped3A_184 : memref<!tpu.dma_semaphore, #tpu.memory_space<semaphore_mem>>)
          %dma_wait3A_197 = arith.constant 0 : i32
          %dma_wait3A_198 = arith.constant 0 : i32
          %dma_wait3A_199 = tpu.memref_slice %arg7[%run_scoped3A_155, %dma_wait3A_197, %dma_wait3A_198] : memref<2x2x128xi32, #tpu.memory_space<vmem>> -> memref<1x2x128xi32, #tpu.memory_space<vmem>>
          %dma_wait3A_200 = tpu.memref_squeeze %dma_wait3A_199 : memref<1x2x128xi32, #tpu.memory_space<vmem>> -> memref<2x128xi32, #tpu.memory_space<vmem>>
          %dma_wait3A_201 = arith.constant 0 : i32
          %dma_wait3A_202 = tpu.memref_slice %arg4[%add3A_154, %dma_wait3A_201] : memref<12544x128xi32, #tpu.memory_space<hbm>> -> memref<2x128xi32, #tpu.memory_space<hbm>>
          %dma_wait3A_203 = arith.constant 0 : i32
          %dma_wait3A_204 = arith.constant 0 : i32
          %dma_wait3A_205 = tpu.memref_slice %arg7[%run_scoped3A_155, %dma_wait3A_203, %dma_wait3A_204] : memref<2x2x128xi32, #tpu.memory_space<vmem>> -> memref<1x2x128xi32, #tpu.memory_space<vmem>>
          %dma_wait3A_206 = tpu.memref_squeeze %dma_wait3A_205 : memref<1x2x128xi32, #tpu.memory_space<vmem>> -> memref<2x128xi32, #tpu.memory_space<vmem>>
          %dma_wait3A_207 = arith.constant 0 : i32
          %dma_wait3A_208 = tpu.memref_slice %arg4[%add3A_154, %dma_wait3A_207] : memref<12544x128xi32, #tpu.memory_space<hbm>> -> memref<2x128xi32, #tpu.memory_space<hbm>>
          tpu.wait_dma2 semaphore(%run_scoped3A_184 : memref<!tpu.dma_semaphore, #tpu.memory_space<semaphore_mem>>) src(%dma_wait3A_208 : memref<2x128xi32, #tpu.memory_space<hbm>>) dst(%dma_wait3A_206 : memref<2x128xi32, #tpu.memory_space<vmem>>)
          tpu.yield
        }) : () -> ()
        %dma_start3A_156 = arith.constant 0 : i32
        %dma_start3A_157 = arith.constant 0 : i32
        %dma_start3A_158 = arith.constant 0 : i32
        %dma_start3A_159 = arith.constant 0 : i32
        %dma_start3A_160 = arith.constant 0 : i32
        %dma_start3A_161 = arith.constant 0 : i32
        %dma_start3A_162 = tpu.memref_slice %arg8[%dma_start3A_158, %dma_start3A_159, %dma_start3A_160, %dma_start3A_161] : memref<2x2x128x32xf32, #tpu.memory_space<vmem>> -> memref<1x1x128x32xf32, #tpu.memory_space<vmem>>
        %dma_start3A_163 = tpu.memref_squeeze %dma_start3A_162 : memref<1x1x128x32xf32, #tpu.memory_space<vmem>> -> memref<128x32xf32, #tpu.memory_space<vmem>>
        %dma_start3A_164 = arith.constant 0 : i32
        %dma_start3A_165 = tpu.memref_slice %arg6[%dma_start3A_156, %dma_start3A_157, %dma_start3A_164] : memref<2x2x128xi32, #tpu.memory_space<vmem>> -> memref<1x1x128xi32, #tpu.memory_space<vmem>>
        %dma_start3A_166 = tpu.memref_squeeze %dma_start3A_165 : memref<1x1x128xi32, #tpu.memory_space<vmem>> -> memref<128xi32, #tpu.memory_space<vmem>>
        %dma_start3A_167 = arith.constant 0 : i32
        %dma_start3A_168 = arith.constant 0 : i32
        %dma_start3A_169 = tpu.memref_slice %arg2[%dma_start3A_167, %dma_start3A_168] : memref<50000x32xf32, #tpu.memory_space<hbm>> -> memref<50000x32xf32, #tpu.memory_space<hbm>>
        tpu.enqueue_indirect_dma source(%dma_start3A_169 : memref<50000x32xf32, #tpu.memory_space<hbm>>) target(%dma_start3A_163 : memref<128x32xf32, #tpu.memory_space<vmem>>) offsets(%dma_start3A_166 : memref<128xi32, #tpu.memory_space<vmem>>) semaphore(%arg11 : memref<!tpu.dma_semaphore, #tpu.memory_space<semaphore_mem>>)
        %dma_start3A_170 = arith.constant 0 : i32
        %dma_start3A_171 = arith.constant 1 : i32
        %dma_start3A_172 = arith.constant 0 : i32
        %dma_start3A_173 = arith.constant 1 : i32
        %dma_start3A_174 = arith.constant 0 : i32
        %dma_start3A_175 = arith.constant 0 : i32
        %dma_start3A_176 = tpu.memref_slice %arg8[%dma_start3A_172, %dma_start3A_173, %dma_start3A_174, %dma_start3A_175] : memref<2x2x128x32xf32, #tpu.memory_space<vmem>> -> memref<1x1x128x32xf32, #tpu.memory_space<vmem>>
        %dma_start3A_177 = tpu.memref_squeeze %dma_start3A_176 : memref<1x1x128x32xf32, #tpu.memory_space<vmem>> -> memref<128x32xf32, #tpu.memory_space<vmem>>
        %dma_start3A_178 = arith.constant 0 : i32
        %dma_start3A_179 = tpu.memref_slice %arg6[%dma_start3A_170, %dma_start3A_171, %dma_start3A_178] : memref<2x2x128xi32, #tpu.memory_space<vmem>> -> memref<1x1x128xi32, #tpu.memory_space<vmem>>
        %dma_start3A_180 = tpu.memref_squeeze %dma_start3A_179 : memref<1x1x128xi32, #tpu.memory_space<vmem>> -> memref<128xi32, #tpu.memory_space<vmem>>
        %dma_start3A_181 = arith.constant 0 : i32
        %dma_start3A_182 = arith.constant 0 : i32
        %dma_start3A_183 = tpu.memref_slice %arg2[%dma_start3A_181, %dma_start3A_182] : memref<50000x32xf32, #tpu.memory_space<hbm>> -> memref<50000x32xf32, #tpu.memory_space<hbm>>
        tpu.enqueue_indirect_dma source(%dma_start3A_183 : memref<50000x32xf32, #tpu.memory_space<hbm>>) target(%dma_start3A_177 : memref<128x32xf32, #tpu.memory_space<vmem>>) offsets(%dma_start3A_180 : memref<128xi32, #tpu.memory_space<vmem>>) semaphore(%arg11 : memref<!tpu.dma_semaphore, #tpu.memory_space<semaphore_mem>>)
      } else {
      }
      %dma_wait3A_110 = arith.constant 1 : i32
      %dma_wait3A_111 = arith.constant 0 : i32
      %dma_wait3A_112 = arith.constant 1 : i32
      %dma_wait3A_113 = arith.constant 0 : i32
      %dma_wait3A_114 = arith.constant 0 : i32
      %dma_wait3A_115 = arith.constant 0 : i32
      %dma_wait3A_116 = tpu.memref_slice %arg8[%dma_wait3A_112, %dma_wait3A_113, %dma_wait3A_114, %dma_wait3A_115] : memref<2x2x128x32xf32, #tpu.memory_space<vmem>> -> memref<1x1x128x32xf32, #tpu.memory_space<vmem>>
      %dma_wait3A_117 = tpu.memref_squeeze %dma_wait3A_116 : memref<1x1x128x32xf32, #tpu.memory_space<vmem>> -> memref<128x32xf32, #tpu.memory_space<vmem>>
      %dma_wait3A_118 = arith.constant 0 : i32
      %dma_wait3A_119 = tpu.memref_slice %arg6[%dma_wait3A_110, %dma_wait3A_111, %dma_wait3A_118] : memref<2x2x128xi32, #tpu.memory_space<vmem>> -> memref<1x1x128xi32, #tpu.memory_space<vmem>>
      %dma_wait3A_120 = tpu.memref_squeeze %dma_wait3A_119 : memref<1x1x128xi32, #tpu.memory_space<vmem>> -> memref<128xi32, #tpu.memory_space<vmem>>
      %dma_wait3A_121 = arith.constant 0 : i32
      %dma_wait3A_122 = arith.constant 0 : i32
      %dma_wait3A_123 = tpu.memref_slice %arg2[%dma_wait3A_121, %dma_wait3A_122] : memref<50000x32xf32, #tpu.memory_space<hbm>> -> memref<50000x32xf32, #tpu.memory_space<hbm>>
      tpu.wait_indirect_dma semaphore(%arg12 : memref<!tpu.dma_semaphore, #tpu.memory_space<semaphore_mem>>) src(%dma_wait3A_123 : memref<50000x32xf32, #tpu.memory_space<hbm>>) dst(%dma_wait3A_117 : memref<128x32xf32, #tpu.memory_space<vmem>>)
      %dma_wait3A_124 = arith.constant 1 : i32
      %dma_wait3A_125 = arith.constant 1 : i32
      %dma_wait3A_126 = arith.constant 1 : i32
      %dma_wait3A_127 = arith.constant 1 : i32
      %dma_wait3A_128 = arith.constant 0 : i32
      %dma_wait3A_129 = arith.constant 0 : i32
      %dma_wait3A_130 = tpu.memref_slice %arg8[%dma_wait3A_126, %dma_wait3A_127, %dma_wait3A_128, %dma_wait3A_129] : memref<2x2x128x32xf32, #tpu.memory_space<vmem>> -> memref<1x1x128x32xf32, #tpu.memory_space<vmem>>
      %dma_wait3A_131 = tpu.memref_squeeze %dma_wait3A_130 : memref<1x1x128x32xf32, #tpu.memory_space<vmem>> -> memref<128x32xf32, #tpu.memory_space<vmem>>
      %dma_wait3A_132 = arith.constant 0 : i32
      %dma_wait3A_133 = tpu.memref_slice %arg6[%dma_wait3A_124, %dma_wait3A_125, %dma_wait3A_132] : memref<2x2x128xi32, #tpu.memory_space<vmem>> -> memref<1x1x128xi32, #tpu.memory_space<vmem>>
      %dma_wait3A_134 = tpu.memref_squeeze %dma_wait3A_133 : memref<1x1x128xi32, #tpu.memory_space<vmem>> -> memref<128xi32, #tpu.memory_space<vmem>>
      %dma_wait3A_135 = arith.constant 0 : i32
      %dma_wait3A_136 = arith.constant 0 : i32
      %dma_wait3A_137 = tpu.memref_slice %arg2[%dma_wait3A_135, %dma_wait3A_136] : memref<50000x32xf32, #tpu.memory_space<hbm>> -> memref<50000x32xf32, #tpu.memory_space<hbm>>
      tpu.wait_indirect_dma semaphore(%arg12 : memref<!tpu.dma_semaphore, #tpu.memory_space<semaphore_mem>>) src(%dma_wait3A_137 : memref<50000x32xf32, #tpu.memory_space<hbm>>) dst(%dma_wait3A_131 : memref<128x32xf32, #tpu.memory_space<vmem>>)
      %run_scoped3A_138 = arith.constant 1 : i32
      %run_scoped3A_139 = arith.constant 0 : i32
      %run_scoped3A_140 = arith.constant 1 : i32
      %run_scoped3A_141 = arith.constant 0 : i32
      "tpu.region"() ({
        %run_scoped3A_146 = tpu.sem_alloc : memref<!tpu.dma_semaphore, #tpu.memory_space<semaphore_mem>>
        %dma_start3A_147 = arith.constant 0 : i32
        %dma_start3A_148 = arith.constant 0 : i32
        %dma_start3A_149 = tpu.memref_slice %arg8[%run_scoped3A_138, %run_scoped3A_139, %dma_start3A_147, %dma_start3A_148] : memref<2x2x128x32xf32, #tpu.memory_space<vmem>> -> memref<1x1x128x32xf32, #tpu.memory_space<vmem>>
        %dma_start3A_150 = tpu.memref_squeeze %dma_start3A_149 : memref<1x1x128x32xf32, #tpu.memory_space<vmem>> -> memref<128x32xf32, #tpu.memory_space<vmem>>
        %dma_start3A_151 = arith.constant 0 : i32
        %dma_start3A_152 = tpu.memref_slice %arg7[%run_scoped3A_140, %run_scoped3A_141, %dma_start3A_151] : memref<2x2x128xi32, #tpu.memory_space<vmem>> -> memref<1x1x128xi32, #tpu.memory_space<vmem>>
        %dma_start3A_153 = tpu.memref_squeeze %dma_start3A_152 : memref<1x1x128xi32, #tpu.memory_space<vmem>> -> memref<128xi32, #tpu.memory_space<vmem>>
        %dma_start3A_154 = arith.constant 0 : i32
        %dma_start3A_155 = arith.constant 0 : i32
        %dma_start3A_156 = tpu.memref_slice %arg10[%dma_start3A_154, %dma_start3A_155] : memref<50176x32xf32, #tpu.memory_space<vmem_shared>> -> memref<50176x32xf32, #tpu.memory_space<vmem_shared>>
        tpu.enqueue_indirect_dma source(%dma_start3A_150 : memref<128x32xf32, #tpu.memory_space<vmem>>) target(%dma_start3A_156 : memref<50176x32xf32, #tpu.memory_space<vmem_shared>>) offsets(%dma_start3A_153 : memref<128xi32, #tpu.memory_space<vmem>>) semaphore(%run_scoped3A_146 : memref<!tpu.dma_semaphore, #tpu.memory_space<semaphore_mem>>) {add = true}
        %dma_wait3A_157 = arith.constant 0 : i32
        %dma_wait3A_158 = arith.constant 0 : i32
        %dma_wait3A_159 = tpu.memref_slice %arg8[%run_scoped3A_138, %run_scoped3A_139, %dma_wait3A_157, %dma_wait3A_158] : memref<2x2x128x32xf32, #tpu.memory_space<vmem>> -> memref<1x1x128x32xf32, #tpu.memory_space<vmem>>
        %dma_wait3A_160 = tpu.memref_squeeze %dma_wait3A_159 : memref<1x1x128x32xf32, #tpu.memory_space<vmem>> -> memref<128x32xf32, #tpu.memory_space<vmem>>
        %dma_wait3A_161 = arith.constant 0 : i32
        %dma_wait3A_162 = tpu.memref_slice %arg7[%run_scoped3A_140, %run_scoped3A_141, %dma_wait3A_161] : memref<2x2x128xi32, #tpu.memory_space<vmem>> -> memref<1x1x128xi32, #tpu.memory_space<vmem>>
        %dma_wait3A_163 = tpu.memref_squeeze %dma_wait3A_162 : memref<1x1x128xi32, #tpu.memory_space<vmem>> -> memref<128xi32, #tpu.memory_space<vmem>>
        %dma_wait3A_164 = arith.constant 0 : i32
        %dma_wait3A_165 = arith.constant 0 : i32
        %dma_wait3A_166 = tpu.memref_slice %arg10[%dma_wait3A_164, %dma_wait3A_165] : memref<50176x32xf32, #tpu.memory_space<vmem_shared>> -> memref<50176x32xf32, #tpu.memory_space<vmem_shared>>
        tpu.wait_indirect_dma semaphore(%run_scoped3A_146 : memref<!tpu.dma_semaphore, #tpu.memory_space<semaphore_mem>>) src(%dma_wait3A_160 : memref<128x32xf32, #tpu.memory_space<vmem>>) dst(%dma_wait3A_166 : memref<50176x32xf32, #tpu.memory_space<vmem_shared>>)
        tpu.yield
      }) : () -> ()
      %run_scoped3A_142 = arith.constant 1 : i32
      %run_scoped3A_143 = arith.constant 1 : i32
      %run_scoped3A_144 = arith.constant 1 : i32
      %run_scoped3A_145 = arith.constant 1 : i32
      "tpu.region"() ({
        %run_scoped3A_146 = tpu.sem_alloc : memref<!tpu.dma_semaphore, #tpu.memory_space<semaphore_mem>>
        %dma_start3A_147 = arith.constant 0 : i32
        %dma_start3A_148 = arith.constant 0 : i32
        %dma_start3A_149 = tpu.memref_slice %arg8[%run_scoped3A_142, %run_scoped3A_143, %dma_start3A_147, %dma_start3A_148] : memref<2x2x128x32xf32, #tpu.memory_space<vmem>> -> memref<1x1x128x32xf32, #tpu.memory_space<vmem>>
        %dma_start3A_150 = tpu.memref_squeeze %dma_start3A_149 : memref<1x1x128x32xf32, #tpu.memory_space<vmem>> -> memref<128x32xf32, #tpu.memory_space<vmem>>
        %dma_start3A_151 = arith.constant 0 : i32
        %dma_start3A_152 = tpu.memref_slice %arg7[%run_scoped3A_144, %run_scoped3A_145, %dma_start3A_151] : memref<2x2x128xi32, #tpu.memory_space<vmem>> -> memref<1x1x128xi32, #tpu.memory_space<vmem>>
        %dma_start3A_153 = tpu.memref_squeeze %dma_start3A_152 : memref<1x1x128xi32, #tpu.memory_space<vmem>> -> memref<128xi32, #tpu.memory_space<vmem>>
        %dma_start3A_154 = arith.constant 0 : i32
        %dma_start3A_155 = arith.constant 0 : i32
        %dma_start3A_156 = tpu.memref_slice %arg10[%dma_start3A_154, %dma_start3A_155] : memref<50176x32xf32, #tpu.memory_space<vmem_shared>> -> memref<50176x32xf32, #tpu.memory_space<vmem_shared>>
        tpu.enqueue_indirect_dma source(%dma_start3A_150 : memref<128x32xf32, #tpu.memory_space<vmem>>) target(%dma_start3A_156 : memref<50176x32xf32, #tpu.memory_space<vmem_shared>>) offsets(%dma_start3A_153 : memref<128xi32, #tpu.memory_space<vmem>>) semaphore(%run_scoped3A_146 : memref<!tpu.dma_semaphore, #tpu.memory_space<semaphore_mem>>) {add = true}
        %dma_wait3A_157 = arith.constant 0 : i32
        %dma_wait3A_158 = arith.constant 0 : i32
        %dma_wait3A_159 = tpu.memref_slice %arg8[%run_scoped3A_142, %run_scoped3A_143, %dma_wait3A_157, %dma_wait3A_158] : memref<2x2x128x32xf32, #tpu.memory_space<vmem>> -> memref<1x1x128x32xf32, #tpu.memory_space<vmem>>
        %dma_wait3A_160 = tpu.memref_squeeze %dma_wait3A_159 : memref<1x1x128x32xf32, #tpu.memory_space<vmem>> -> memref<128x32xf32, #tpu.memory_space<vmem>>
        %dma_wait3A_161 = arith.constant 0 : i32
        %dma_wait3A_162 = tpu.memref_slice %arg7[%run_scoped3A_144, %run_scoped3A_145, %dma_wait3A_161] : memref<2x2x128xi32, #tpu.memory_space<vmem>> -> memref<1x1x128xi32, #tpu.memory_space<vmem>>
        %dma_wait3A_163 = tpu.memref_squeeze %dma_wait3A_162 : memref<1x1x128xi32, #tpu.memory_space<vmem>> -> memref<128xi32, #tpu.memory_space<vmem>>
        %dma_wait3A_164 = arith.constant 0 : i32
        %dma_wait3A_165 = arith.constant 0 : i32
        %dma_wait3A_166 = tpu.memref_slice %arg10[%dma_wait3A_164, %dma_wait3A_165] : memref<50176x32xf32, #tpu.memory_space<vmem_shared>> -> memref<50176x32xf32, #tpu.memory_space<vmem_shared>>
        tpu.wait_indirect_dma semaphore(%run_scoped3A_146 : memref<!tpu.dma_semaphore, #tpu.memory_space<semaphore_mem>>) src(%dma_wait3A_160 : memref<128x32xf32, #tpu.memory_space<vmem>>) dst(%dma_wait3A_166 : memref<50176x32xf32, #tpu.memory_space<vmem_shared>>)
        tpu.yield
      }) : () -> ()
    }
    %scan3A_48 = arith.constant 98 : i32
    %barrier3A_49 = arith.constant 0 : index
    tpu.barrier barrier_id(%barrier3A_49)
    %scan3A_50 = arith.constant 0 : i32
    %scan3A_51 = arith.constant 14 : i32
    %scan3A_52 = arith.addi %scan3A_50, %scan3A_51 : i32
    %scan3A_53 = arith.constant 1 : i32
    scf.for %scan3A_55 = %scan3A_50 to %scan3A_52 step %scan3A_53  : i32 {
      %mul3A_56 = arith.constant 224 : i32
      %mul3A_57 = arith.muli %scan3A_55, %mul3A_56 : i32
      %add3A_58 = arith.constant 0 : i32
      %add3A_59 = arith.addi %add3A_58, %mul3A_57 : i32
      %mul3A_60 = arith.constant 3136 : i32
      %mul3A_61 = arith.muli %arg1, %mul3A_60 : i32
      %add3A_62 = arith.addi %mul3A_61, %add3A_59 : i32
      "tpu.region"() ({
        %run_scoped3A_66 = tpu.sem_alloc : memref<!tpu.dma_semaphore, #tpu.memory_space<semaphore_mem>>
        %dma_start3A_67 = arith.constant 0 : i32
        %dma_start3A_68 = tpu.memref_slice %arg10[%add3A_62, %dma_start3A_67] : memref<50176x32xf32, #tpu.memory_space<vmem_shared>> -> memref<224x32xf32, #tpu.memory_space<vmem_shared>>
        %dma_start3A_69 = arith.constant 0 : i32
        %dma_start3A_70 = tpu.memref_slice %arg10[%add3A_62, %dma_start3A_69] : memref<50176x32xf32, #tpu.memory_space<vmem_shared>> -> memref<224x32xf32, #tpu.memory_space<vmem_shared>>
        tpu.enqueue_dma source(%dma_start3A_70 : memref<224x32xf32, #tpu.memory_space<vmem_shared>>) target(%arg9 : memref<224x32xf32, #tpu.memory_space<vmem>>) target_semaphore(%run_scoped3A_66 : memref<!tpu.dma_semaphore, #tpu.memory_space<semaphore_mem>>)
        %dma_wait3A = arith.constant 0 : i32
        %dma_wait3A_71 = tpu.memref_slice %arg10[%add3A_62, %dma_wait3A] : memref<50176x32xf32, #tpu.memory_space<vmem_shared>> -> memref<224x32xf32, #tpu.memory_space<vmem_shared>>
        %dma_wait3A_72 = arith.constant 0 : i32
        %dma_wait3A_73 = tpu.memref_slice %arg10[%add3A_62, %dma_wait3A_72] : memref<50176x32xf32, #tpu.memory_space<vmem_shared>> -> memref<224x32xf32, #tpu.memory_space<vmem_shared>>
        tpu.wait_dma2 semaphore(%run_scoped3A_66 : memref<!tpu.dma_semaphore, #tpu.memory_space<semaphore_mem>>) src(%dma_wait3A_73 : memref<224x32xf32, #tpu.memory_space<vmem_shared>>) dst(%arg9 : memref<224x32xf32, #tpu.memory_space<vmem>>)
        tpu.yield
      }) : () -> ()
      %mul3A_63 = arith.constant 3136 : i32
      %mul3A_64 = arith.muli %arg1, %mul3A_63 : i32
      %add3A_65 = arith.addi %mul3A_64, %add3A_59 : i32
      "tpu.region"() ({
        %run_scoped3A_66 = tpu.sem_alloc : memref<!tpu.dma_semaphore, #tpu.memory_space<semaphore_mem>>
        %dma_start3A_67 = arith.constant 0 : i32
        %dma_start3A_68 = tpu.memref_slice %arg5[%arg0, %add3A_65, %dma_start3A_67] : memref<2x50176x32xf32, #tpu.memory_space<hbm>> -> memref<1x224x32xf32, #tpu.memory_space<hbm>>
        %dma_start3A_69 = tpu.memref_squeeze %dma_start3A_68 : memref<1x224x32xf32, #tpu.memory_space<hbm>> -> memref<224x32xf32, #tpu.memory_space<hbm>>
        %dma_start3A_70 = arith.constant 0 : i32
        %dma_start3A_71 = tpu.memref_slice %arg5[%arg0, %add3A_65, %dma_start3A_70] : memref<2x50176x32xf32, #tpu.memory_space<hbm>> -> memref<1x224x32xf32, #tpu.memory_space<hbm>>
        %dma_start3A_72 = tpu.memref_squeeze %dma_start3A_71 : memref<1x224x32xf32, #tpu.memory_space<hbm>> -> memref<224x32xf32, #tpu.memory_space<hbm>>
        tpu.enqueue_dma source(%arg9 : memref<224x32xf32, #tpu.memory_space<vmem>>) target(%dma_start3A_72 : memref<224x32xf32, #tpu.memory_space<hbm>>) target_semaphore(%run_scoped3A_66 : memref<!tpu.dma_semaphore, #tpu.memory_space<semaphore_mem>>)
        %dma_wait3A = arith.constant 0 : i32
        %dma_wait3A_73 = tpu.memref_slice %arg5[%arg0, %add3A_65, %dma_wait3A] : memref<2x50176x32xf32, #tpu.memory_space<hbm>> -> memref<1x224x32xf32, #tpu.memory_space<hbm>>
        %dma_wait3A_74 = tpu.memref_squeeze %dma_wait3A_73 : memref<1x224x32xf32, #tpu.memory_space<hbm>> -> memref<224x32xf32, #tpu.memory_space<hbm>>
        %dma_wait3A_75 = arith.constant 0 : i32
        %dma_wait3A_76 = tpu.memref_slice %arg5[%arg0, %add3A_65, %dma_wait3A_75] : memref<2x50176x32xf32, #tpu.memory_space<hbm>> -> memref<1x224x32xf32, #tpu.memory_space<hbm>>
        %dma_wait3A_77 = tpu.memref_squeeze %dma_wait3A_76 : memref<1x224x32xf32, #tpu.memory_space<hbm>> -> memref<224x32xf32, #tpu.memory_space<hbm>>
        tpu.wait_dma2 semaphore(%run_scoped3A_66 : memref<!tpu.dma_semaphore, #tpu.memory_space<semaphore_mem>>) src(%arg9 : memref<224x32xf32, #tpu.memory_space<vmem>>) dst(%dma_wait3A_77 : memref<224x32xf32, #tpu.memory_space<hbm>>)
        tpu.yield
      }) : () -> ()
    }
    %scan3A_54 = arith.constant 14 : i32
    return
  }
}

module attributes {stable_mosaic.version = 14 : i64} {
  func.func @_kan1_body(%arg0: i32, %arg1: memref<1000x128xf32, #tpu.memory_space<vmem>>, %arg2: memref<11x128x5xf32, #tpu.memory_space<vmem>>, %arg3: memref<128x5xf32, #tpu.memory_space<vmem>>, %arg4: memref<11x5x32xf32, #tpu.memory_space<vmem>>, %arg5: memref<5x32xf32, #tpu.memory_space<vmem>>, %arg6: memref<1000x32xf32, #tpu.memory_space<vmem>>) attributes {dimension_semantics = [#tpu.dimension_semantics<arbitrary>], iteration_bounds = array<i64: 50>, scalar_prefetch = 0 : i64, scratch_operands = 0 : i64, tpu.core_type = #tpu.core_type<tc>, window_params = [{transform_indices = @transform_0, window_bounds = array<i64: 1000, 128>}, {pipeline_mode = #tpu.pipeline_mode<synchronous>, transform_indices = @transform_1, window_bounds = array<i64: 11, 128, 5>}, {pipeline_mode = #tpu.pipeline_mode<synchronous>, transform_indices = @transform_2, window_bounds = array<i64: 128, 5>}, {pipeline_mode = #tpu.pipeline_mode<synchronous>, transform_indices = @transform_3, window_bounds = array<i64: 11, 5, 32>}, {pipeline_mode = #tpu.pipeline_mode<synchronous>, transform_indices = @transform_4, window_bounds = array<i64: 5, 32>}, {transform_indices = @transform_5, window_bounds = array<i64: 1000, 32>}]} {
    %get3A = arith.constant 0 : index
    %get3A_0 = arith.constant 0 : index
    %get3A_1 = vector.load %arg1[%get3A, %get3A_0] : memref<1000x128xf32, #tpu.memory_space<vmem>>, vector<1000x128xf32>
    %get3A_2 = arith.constant 0 : index
    %get3A_3 = arith.constant 0 : index
    %get3A_4 = arith.constant 0 : index
    %get3A_5 = vector.load %arg2[%get3A_2, %get3A_3, %get3A_4] : memref<11x128x5xf32, #tpu.memory_space<vmem>>, vector<11x128x5xf32>
    %get3A_6 = arith.constant 0 : index
    %get3A_7 = arith.constant 0 : index
    %get3A_8 = vector.load %arg3[%get3A_6, %get3A_7] : memref<128x5xf32, #tpu.memory_space<vmem>>, vector<128x5xf32>
    %get3A_9 = arith.constant 0 : index
    %get3A_10 = arith.constant 0 : index
    %get3A_11 = arith.constant 0 : index
    %get3A_12 = vector.load %arg4[%get3A_9, %get3A_10, %get3A_11] : memref<11x5x32xf32, #tpu.memory_space<vmem>>, vector<11x5x32xf32>
    %get3A_13 = arith.constant 0 : index
    %get3A_14 = arith.constant 0 : index
    %get3A_15 = vector.load %arg5[%get3A_13, %get3A_14] : memref<5x32xf32, #tpu.memory_space<vmem>>, vector<5x32xf32>
    %add3A = arith.constant 1.750000e+00 : f32
    %add3A_16 = vector.broadcast %add3A : f32 to vector<1000x128xf32>
    %add3A_17 = arith.addf %get3A_1, %add3A_16 : vector<1000x128xf32>
    %mul3A = arith.constant 4.000000e+00 : f32
    %mul3A_18 = vector.broadcast %mul3A : f32 to vector<1000x128xf32>
    %mul3A_19 = arith.mulf %add3A_17, %mul3A_18 : vector<1000x128xf32>
    %floor3A = math.floor %mul3A_19 : vector<1000x128xf32>
    %sub3A = arith.subf %mul3A_19, %floor3A : vector<1000x128xf32>
    %mul3A_20 = arith.mulf %sub3A, %sub3A : vector<1000x128xf32>
    %mul3A_21 = arith.mulf %mul3A_20, %sub3A : vector<1000x128xf32>
    %mul3A_22 = arith.constant 0.166666672 : f32
    %mul3A_23 = vector.broadcast %mul3A_22 : f32 to vector<1000x128xf32>
    %mul3A_24 = arith.mulf %mul3A_21, %mul3A_23 : vector<1000x128xf32>
    %sub3A_25 = arith.constant 1.000000e+00 : f32
    %sub3A_26 = vector.broadcast %sub3A_25 : f32 to vector<1000x128xf32>
    %sub3A_27 = arith.subf %sub3A_26, %sub3A : vector<1000x128xf32>
    %mul3A_28 = arith.mulf %sub3A_27, %sub3A_27 : vector<1000x128xf32>
    %mul3A_29 = arith.mulf %mul3A_28, %sub3A_27 : vector<1000x128xf32>
    %mul3A_30 = arith.constant 0.166666672 : f32
    %mul3A_31 = vector.broadcast %mul3A_30 : f32 to vector<1000x128xf32>
    %mul3A_32 = arith.mulf %mul3A_29, %mul3A_31 : vector<1000x128xf32>
    %mul3A_33 = arith.constant 3.000000e+00 : f32
    %mul3A_34 = vector.broadcast %mul3A_33 : f32 to vector<1000x128xf32>
    %mul3A_35 = arith.mulf %mul3A_34, %sub3A : vector<1000x128xf32>
    %add3A_36 = arith.constant 1.000000e+00 : f32
    %add3A_37 = vector.broadcast %add3A_36 : f32 to vector<1000x128xf32>
    %add3A_38 = arith.addf %add3A_37, %mul3A_35 : vector<1000x128xf32>
    %mul3A_39 = arith.constant 3.000000e+00 : f32
    %mul3A_40 = vector.broadcast %mul3A_39 : f32 to vector<1000x128xf32>
    %mul3A_41 = arith.mulf %mul3A_40, %mul3A_20 : vector<1000x128xf32>
    %add3A_42 = arith.addf %add3A_38, %mul3A_41 : vector<1000x128xf32>
    %mul3A_43 = arith.constant 3.000000e+00 : f32
    %mul3A_44 = vector.broadcast %mul3A_43 : f32 to vector<1000x128xf32>
    %mul3A_45 = arith.mulf %mul3A_44, %mul3A_21 : vector<1000x128xf32>
    %sub3A_46 = arith.subf %add3A_42, %mul3A_45 : vector<1000x128xf32>
    %mul3A_47 = arith.constant 0.166666672 : f32
    %mul3A_48 = vector.broadcast %mul3A_47 : f32 to vector<1000x128xf32>
    %mul3A_49 = arith.mulf %sub3A_46, %mul3A_48 : vector<1000x128xf32>
    %mul3A_50 = arith.constant 6.000000e+00 : f32
    %mul3A_51 = vector.broadcast %mul3A_50 : f32 to vector<1000x128xf32>
    %mul3A_52 = arith.mulf %mul3A_51, %mul3A_20 : vector<1000x128xf32>
    %sub3A_53 = arith.constant 4.000000e+00 : f32
    %sub3A_54 = vector.broadcast %sub3A_53 : f32 to vector<1000x128xf32>
    %sub3A_55 = arith.subf %sub3A_54, %mul3A_52 : vector<1000x128xf32>
    %mul3A_56 = arith.constant 3.000000e+00 : f32
    %mul3A_57 = vector.broadcast %mul3A_56 : f32 to vector<1000x128xf32>
    %mul3A_58 = arith.mulf %mul3A_57, %mul3A_21 : vector<1000x128xf32>
    %add3A_59 = arith.addf %sub3A_55, %mul3A_58 : vector<1000x128xf32>
    %mul3A_60 = arith.constant 0.166666672 : f32
    %mul3A_61 = vector.broadcast %mul3A_60 : f32 to vector<1000x128xf32>
    %mul3A_62 = arith.mulf %add3A_59, %mul3A_61 : vector<1000x128xf32>
    %broadcast_in_dim3A = arith.constant 0.000000e+00 : f32
    %broadcast_in_dim3A_63 = vector.broadcast %broadcast_in_dim3A : f32 to vector<1000x128xf32>
    %eq3A = arith.constant 0.000000e+00 : f32
    %eq3A_64 = vector.broadcast %eq3A : f32 to vector<1000x128xf32>
    %eq3A_65 = arith.cmpf oeq, %floor3A, %eq3A_64 : vector<1000x128xf32>
    %select_n3A = arith.select %eq3A_65, %mul3A_24, %broadcast_in_dim3A_63 : vector<1000x128xi1>, vector<1000x128xf32>
    %eq3A_66 = arith.constant 1.000000e+00 : f32
    %eq3A_67 = vector.broadcast %eq3A_66 : f32 to vector<1000x128xf32>
    %eq3A_68 = arith.cmpf oeq, %floor3A, %eq3A_67 : vector<1000x128xf32>
    %select_n3A_69 = arith.select %eq3A_68, %mul3A_49, %broadcast_in_dim3A_63 : vector<1000x128xi1>, vector<1000x128xf32>
    %add3A_70 = arith.addf %select_n3A, %select_n3A_69 : vector<1000x128xf32>
    %eq3A_71 = arith.constant 2.000000e+00 : f32
    %eq3A_72 = vector.broadcast %eq3A_71 : f32 to vector<1000x128xf32>
    %eq3A_73 = arith.cmpf oeq, %floor3A, %eq3A_72 : vector<1000x128xf32>
    %select_n3A_74 = arith.select %eq3A_73, %mul3A_62, %broadcast_in_dim3A_63 : vector<1000x128xi1>, vector<1000x128xf32>
    %add3A_75 = arith.addf %add3A_70, %select_n3A_74 : vector<1000x128xf32>
    %eq3A_76 = arith.constant 3.000000e+00 : f32
    %eq3A_77 = vector.broadcast %eq3A_76 : f32 to vector<1000x128xf32>
    %eq3A_78 = arith.cmpf oeq, %floor3A, %eq3A_77 : vector<1000x128xf32>
    %select_n3A_79 = arith.select %eq3A_78, %mul3A_32, %broadcast_in_dim3A_63 : vector<1000x128xi1>, vector<1000x128xf32>
    %add3A_80 = arith.addf %add3A_75, %select_n3A_79 : vector<1000x128xf32>
    %eq3A_81 = arith.constant 1.000000e+00 : f32
    %eq3A_82 = vector.broadcast %eq3A_81 : f32 to vector<1000x128xf32>
    %eq3A_83 = arith.cmpf oeq, %floor3A, %eq3A_82 : vector<1000x128xf32>
    %select_n3A_84 = arith.select %eq3A_83, %mul3A_24, %broadcast_in_dim3A_63 : vector<1000x128xi1>, vector<1000x128xf32>
    %eq3A_85 = arith.constant 2.000000e+00 : f32
    %eq3A_86 = vector.broadcast %eq3A_85 : f32 to vector<1000x128xf32>
    %eq3A_87 = arith.cmpf oeq, %floor3A, %eq3A_86 : vector<1000x128xf32>
    %select_n3A_88 = arith.select %eq3A_87, %mul3A_49, %broadcast_in_dim3A_63 : vector<1000x128xi1>, vector<1000x128xf32>
    %add3A_89 = arith.addf %select_n3A_84, %select_n3A_88 : vector<1000x128xf32>
    %eq3A_90 = arith.constant 3.000000e+00 : f32
    %eq3A_91 = vector.broadcast %eq3A_90 : f32 to vector<1000x128xf32>
    %eq3A_92 = arith.cmpf oeq, %floor3A, %eq3A_91 : vector<1000x128xf32>
    %select_n3A_93 = arith.select %eq3A_92, %mul3A_62, %broadcast_in_dim3A_63 : vector<1000x128xi1>, vector<1000x128xf32>
    %add3A_94 = arith.addf %add3A_89, %select_n3A_93 : vector<1000x128xf32>
    %eq3A_95 = arith.constant 4.000000e+00 : f32
    %eq3A_96 = vector.broadcast %eq3A_95 : f32 to vector<1000x128xf32>
    %eq3A_97 = arith.cmpf oeq, %floor3A, %eq3A_96 : vector<1000x128xf32>
    %select_n3A_98 = arith.select %eq3A_97, %mul3A_32, %broadcast_in_dim3A_63 : vector<1000x128xi1>, vector<1000x128xf32>
    %add3A_99 = arith.addf %add3A_94, %select_n3A_98 : vector<1000x128xf32>
    %eq3A_100 = arith.constant 2.000000e+00 : f32
    %eq3A_101 = vector.broadcast %eq3A_100 : f32 to vector<1000x128xf32>
    %eq3A_102 = arith.cmpf oeq, %floor3A, %eq3A_101 : vector<1000x128xf32>
    %select_n3A_103 = arith.select %eq3A_102, %mul3A_24, %broadcast_in_dim3A_63 : vector<1000x128xi1>, vector<1000x128xf32>
    %eq3A_104 = arith.constant 3.000000e+00 : f32
    %eq3A_105 = vector.broadcast %eq3A_104 : f32 to vector<1000x128xf32>
    %eq3A_106 = arith.cmpf oeq, %floor3A, %eq3A_105 : vector<1000x128xf32>
    %select_n3A_107 = arith.select %eq3A_106, %mul3A_49, %broadcast_in_dim3A_63 : vector<1000x128xi1>, vector<1000x128xf32>
    %add3A_108 = arith.addf %select_n3A_103, %select_n3A_107 : vector<1000x128xf32>
    %eq3A_109 = arith.constant 4.000000e+00 : f32
    %eq3A_110 = vector.broadcast %eq3A_109 : f32 to vector<1000x128xf32>
    %eq3A_111 = arith.cmpf oeq, %floor3A, %eq3A_110 : vector<1000x128xf32>
    %select_n3A_112 = arith.select %eq3A_111, %mul3A_62, %broadcast_in_dim3A_63 : vector<1000x128xi1>, vector<1000x128xf32>
    %add3A_113 = arith.addf %add3A_108, %select_n3A_112 : vector<1000x128xf32>
    %eq3A_114 = arith.constant 5.000000e+00 : f32
    %eq3A_115 = vector.broadcast %eq3A_114 : f32 to vector<1000x128xf32>
    %eq3A_116 = arith.cmpf oeq, %floor3A, %eq3A_115 : vector<1000x128xf32>
    %select_n3A_117 = arith.select %eq3A_116, %mul3A_32, %broadcast_in_dim3A_63 : vector<1000x128xi1>, vector<1000x128xf32>
    %add3A_118 = arith.addf %add3A_113, %select_n3A_117 : vector<1000x128xf32>
    %eq3A_119 = arith.constant 3.000000e+00 : f32
    %eq3A_120 = vector.broadcast %eq3A_119 : f32 to vector<1000x128xf32>
    %eq3A_121 = arith.cmpf oeq, %floor3A, %eq3A_120 : vector<1000x128xf32>
    %select_n3A_122 = arith.select %eq3A_121, %mul3A_24, %broadcast_in_dim3A_63 : vector<1000x128xi1>, vector<1000x128xf32>
    %eq3A_123 = arith.constant 4.000000e+00 : f32
    %eq3A_124 = vector.broadcast %eq3A_123 : f32 to vector<1000x128xf32>
    %eq3A_125 = arith.cmpf oeq, %floor3A, %eq3A_124 : vector<1000x128xf32>
    %select_n3A_126 = arith.select %eq3A_125, %mul3A_49, %broadcast_in_dim3A_63 : vector<1000x128xi1>, vector<1000x128xf32>
    %add3A_127 = arith.addf %select_n3A_122, %select_n3A_126 : vector<1000x128xf32>
    %eq3A_128 = arith.constant 5.000000e+00 : f32
    %eq3A_129 = vector.broadcast %eq3A_128 : f32 to vector<1000x128xf32>
    %eq3A_130 = arith.cmpf oeq, %floor3A, %eq3A_129 : vector<1000x128xf32>
    %select_n3A_131 = arith.select %eq3A_130, %mul3A_62, %broadcast_in_dim3A_63 : vector<1000x128xi1>, vector<1000x128xf32>
    %add3A_132 = arith.addf %add3A_127, %select_n3A_131 : vector<1000x128xf32>
    %eq3A_133 = arith.constant 6.000000e+00 : f32
    %eq3A_134 = vector.broadcast %eq3A_133 : f32 to vector<1000x128xf32>
    %eq3A_135 = arith.cmpf oeq, %floor3A, %eq3A_134 : vector<1000x128xf32>
    %select_n3A_136 = arith.select %eq3A_135, %mul3A_32, %broadcast_in_dim3A_63 : vector<1000x128xi1>, vector<1000x128xf32>
    %add3A_137 = arith.addf %add3A_132, %select_n3A_136 : vector<1000x128xf32>
    %eq3A_138 = arith.constant 4.000000e+00 : f32
    %eq3A_139 = vector.broadcast %eq3A_138 : f32 to vector<1000x128xf32>
    %eq3A_140 = arith.cmpf oeq, %floor3A, %eq3A_139 : vector<1000x128xf32>
    %select_n3A_141 = arith.select %eq3A_140, %mul3A_24, %broadcast_in_dim3A_63 : vector<1000x128xi1>, vector<1000x128xf32>
    %eq3A_142 = arith.constant 5.000000e+00 : f32
    %eq3A_143 = vector.broadcast %eq3A_142 : f32 to vector<1000x128xf32>
    %eq3A_144 = arith.cmpf oeq, %floor3A, %eq3A_143 : vector<1000x128xf32>
    %select_n3A_145 = arith.select %eq3A_144, %mul3A_49, %broadcast_in_dim3A_63 : vector<1000x128xi1>, vector<1000x128xf32>
    %add3A_146 = arith.addf %select_n3A_141, %select_n3A_145 : vector<1000x128xf32>
    %eq3A_147 = arith.constant 6.000000e+00 : f32
    %eq3A_148 = vector.broadcast %eq3A_147 : f32 to vector<1000x128xf32>
    %eq3A_149 = arith.cmpf oeq, %floor3A, %eq3A_148 : vector<1000x128xf32>
    %select_n3A_150 = arith.select %eq3A_149, %mul3A_62, %broadcast_in_dim3A_63 : vector<1000x128xi1>, vector<1000x128xf32>
    %add3A_151 = arith.addf %add3A_146, %select_n3A_150 : vector<1000x128xf32>
    %eq3A_152 = arith.constant 7.000000e+00 : f32
    %eq3A_153 = vector.broadcast %eq3A_152 : f32 to vector<1000x128xf32>
    %eq3A_154 = arith.cmpf oeq, %floor3A, %eq3A_153 : vector<1000x128xf32>
    %select_n3A_155 = arith.select %eq3A_154, %mul3A_32, %broadcast_in_dim3A_63 : vector<1000x128xi1>, vector<1000x128xf32>
    %add3A_156 = arith.addf %add3A_151, %select_n3A_155 : vector<1000x128xf32>
    %eq3A_157 = arith.constant 5.000000e+00 : f32
    %eq3A_158 = vector.broadcast %eq3A_157 : f32 to vector<1000x128xf32>
    %eq3A_159 = arith.cmpf oeq, %floor3A, %eq3A_158 : vector<1000x128xf32>
    %select_n3A_160 = arith.select %eq3A_159, %mul3A_24, %broadcast_in_dim3A_63 : vector<1000x128xi1>, vector<1000x128xf32>
    %eq3A_161 = arith.constant 6.000000e+00 : f32
    %eq3A_162 = vector.broadcast %eq3A_161 : f32 to vector<1000x128xf32>
    %eq3A_163 = arith.cmpf oeq, %floor3A, %eq3A_162 : vector<1000x128xf32>
    %select_n3A_164 = arith.select %eq3A_163, %mul3A_49, %broadcast_in_dim3A_63 : vector<1000x128xi1>, vector<1000x128xf32>
    %add3A_165 = arith.addf %select_n3A_160, %select_n3A_164 : vector<1000x128xf32>
    %eq3A_166 = arith.constant 7.000000e+00 : f32
    %eq3A_167 = vector.broadcast %eq3A_166 : f32 to vector<1000x128xf32>
    %eq3A_168 = arith.cmpf oeq, %floor3A, %eq3A_167 : vector<1000x128xf32>
    %select_n3A_169 = arith.select %eq3A_168, %mul3A_62, %broadcast_in_dim3A_63 : vector<1000x128xi1>, vector<1000x128xf32>
    %add3A_170 = arith.addf %add3A_165, %select_n3A_169 : vector<1000x128xf32>
    %eq3A_171 = arith.constant 8.000000e+00 : f32
    %eq3A_172 = vector.broadcast %eq3A_171 : f32 to vector<1000x128xf32>
    %eq3A_173 = arith.cmpf oeq, %floor3A, %eq3A_172 : vector<1000x128xf32>
    %select_n3A_174 = arith.select %eq3A_173, %mul3A_32, %broadcast_in_dim3A_63 : vector<1000x128xi1>, vector<1000x128xf32>
    %add3A_175 = arith.addf %add3A_170, %select_n3A_174 : vector<1000x128xf32>
    %eq3A_176 = arith.constant 6.000000e+00 : f32
    %eq3A_177 = vector.broadcast %eq3A_176 : f32 to vector<1000x128xf32>
    %eq3A_178 = arith.cmpf oeq, %floor3A, %eq3A_177 : vector<1000x128xf32>
    %select_n3A_179 = arith.select %eq3A_178, %mul3A_24, %broadcast_in_dim3A_63 : vector<1000x128xi1>, vector<1000x128xf32>
    %eq3A_180 = arith.constant 7.000000e+00 : f32
    %eq3A_181 = vector.broadcast %eq3A_180 : f32 to vector<1000x128xf32>
    %eq3A_182 = arith.cmpf oeq, %floor3A, %eq3A_181 : vector<1000x128xf32>
    %select_n3A_183 = arith.select %eq3A_182, %mul3A_49, %broadcast_in_dim3A_63 : vector<1000x128xi1>, vector<1000x128xf32>
    %add3A_184 = arith.addf %select_n3A_179, %select_n3A_183 : vector<1000x128xf32>
    %eq3A_185 = arith.constant 8.000000e+00 : f32
    %eq3A_186 = vector.broadcast %eq3A_185 : f32 to vector<1000x128xf32>
    %eq3A_187 = arith.cmpf oeq, %floor3A, %eq3A_186 : vector<1000x128xf32>
    %select_n3A_188 = arith.select %eq3A_187, %mul3A_62, %broadcast_in_dim3A_63 : vector<1000x128xi1>, vector<1000x128xf32>
    %add3A_189 = arith.addf %add3A_184, %select_n3A_188 : vector<1000x128xf32>
    %eq3A_190 = arith.constant 9.000000e+00 : f32
    %eq3A_191 = vector.broadcast %eq3A_190 : f32 to vector<1000x128xf32>
    %eq3A_192 = arith.cmpf oeq, %floor3A, %eq3A_191 : vector<1000x128xf32>
    %select_n3A_193 = arith.select %eq3A_192, %mul3A_32, %broadcast_in_dim3A_63 : vector<1000x128xi1>, vector<1000x128xf32>
    %add3A_194 = arith.addf %add3A_189, %select_n3A_193 : vector<1000x128xf32>
    %eq3A_195 = arith.constant 7.000000e+00 : f32
    %eq3A_196 = vector.broadcast %eq3A_195 : f32 to vector<1000x128xf32>
    %eq3A_197 = arith.cmpf oeq, %floor3A, %eq3A_196 : vector<1000x128xf32>
    %select_n3A_198 = arith.select %eq3A_197, %mul3A_24, %broadcast_in_dim3A_63 : vector<1000x128xi1>, vector<1000x128xf32>
    %eq3A_199 = arith.constant 8.000000e+00 : f32
    %eq3A_200 = vector.broadcast %eq3A_199 : f32 to vector<1000x128xf32>
    %eq3A_201 = arith.cmpf oeq, %floor3A, %eq3A_200 : vector<1000x128xf32>
    %select_n3A_202 = arith.select %eq3A_201, %mul3A_49, %broadcast_in_dim3A_63 : vector<1000x128xi1>, vector<1000x128xf32>
    %add3A_203 = arith.addf %select_n3A_198, %select_n3A_202 : vector<1000x128xf32>
    %eq3A_204 = arith.constant 9.000000e+00 : f32
    %eq3A_205 = vector.broadcast %eq3A_204 : f32 to vector<1000x128xf32>
    %eq3A_206 = arith.cmpf oeq, %floor3A, %eq3A_205 : vector<1000x128xf32>
    %select_n3A_207 = arith.select %eq3A_206, %mul3A_62, %broadcast_in_dim3A_63 : vector<1000x128xi1>, vector<1000x128xf32>
    %add3A_208 = arith.addf %add3A_203, %select_n3A_207 : vector<1000x128xf32>
    %eq3A_209 = arith.constant 1.000000e+01 : f32
    %eq3A_210 = vector.broadcast %eq3A_209 : f32 to vector<1000x128xf32>
    %eq3A_211 = arith.cmpf oeq, %floor3A, %eq3A_210 : vector<1000x128xf32>
    %select_n3A_212 = arith.select %eq3A_211, %mul3A_32, %broadcast_in_dim3A_63 : vector<1000x128xi1>, vector<1000x128xf32>
    %add3A_213 = arith.addf %add3A_208, %select_n3A_212 : vector<1000x128xf32>
    %eq3A_214 = arith.constant 8.000000e+00 : f32
    %eq3A_215 = vector.broadcast %eq3A_214 : f32 to vector<1000x128xf32>
    %eq3A_216 = arith.cmpf oeq, %floor3A, %eq3A_215 : vector<1000x128xf32>
    %select_n3A_217 = arith.select %eq3A_216, %mul3A_24, %broadcast_in_dim3A_63 : vector<1000x128xi1>, vector<1000x128xf32>
    %eq3A_218 = arith.constant 9.000000e+00 : f32
    %eq3A_219 = vector.broadcast %eq3A_218 : f32 to vector<1000x128xf32>
    %eq3A_220 = arith.cmpf oeq, %floor3A, %eq3A_219 : vector<1000x128xf32>
    %select_n3A_221 = arith.select %eq3A_220, %mul3A_49, %broadcast_in_dim3A_63 : vector<1000x128xi1>, vector<1000x128xf32>
    %add3A_222 = arith.addf %select_n3A_217, %select_n3A_221 : vector<1000x128xf32>
    %eq3A_223 = arith.constant 1.000000e+01 : f32
    %eq3A_224 = vector.broadcast %eq3A_223 : f32 to vector<1000x128xf32>
    %eq3A_225 = arith.cmpf oeq, %floor3A, %eq3A_224 : vector<1000x128xf32>
    %select_n3A_226 = arith.select %eq3A_225, %mul3A_62, %broadcast_in_dim3A_63 : vector<1000x128xi1>, vector<1000x128xf32>
    %add3A_227 = arith.addf %add3A_222, %select_n3A_226 : vector<1000x128xf32>
    %eq3A_228 = arith.constant 1.100000e+01 : f32
    %eq3A_229 = vector.broadcast %eq3A_228 : f32 to vector<1000x128xf32>
    %eq3A_230 = arith.cmpf oeq, %floor3A, %eq3A_229 : vector<1000x128xf32>
    %select_n3A_231 = arith.select %eq3A_230, %mul3A_32, %broadcast_in_dim3A_63 : vector<1000x128xi1>, vector<1000x128xf32>
    %add3A_232 = arith.addf %add3A_227, %select_n3A_231 : vector<1000x128xf32>
    %eq3A_233 = arith.constant 9.000000e+00 : f32
    %eq3A_234 = vector.broadcast %eq3A_233 : f32 to vector<1000x128xf32>
    %eq3A_235 = arith.cmpf oeq, %floor3A, %eq3A_234 : vector<1000x128xf32>
    %select_n3A_236 = arith.select %eq3A_235, %mul3A_24, %broadcast_in_dim3A_63 : vector<1000x128xi1>, vector<1000x128xf32>
    %eq3A_237 = arith.constant 1.000000e+01 : f32
    %eq3A_238 = vector.broadcast %eq3A_237 : f32 to vector<1000x128xf32>
    %eq3A_239 = arith.cmpf oeq, %floor3A, %eq3A_238 : vector<1000x128xf32>
    %select_n3A_240 = arith.select %eq3A_239, %mul3A_49, %broadcast_in_dim3A_63 : vector<1000x128xi1>, vector<1000x128xf32>
    %add3A_241 = arith.addf %select_n3A_236, %select_n3A_240 : vector<1000x128xf32>
    %eq3A_242 = arith.constant 1.100000e+01 : f32
    %eq3A_243 = vector.broadcast %eq3A_242 : f32 to vector<1000x128xf32>
    %eq3A_244 = arith.cmpf oeq, %floor3A, %eq3A_243 : vector<1000x128xf32>
    %select_n3A_245 = arith.select %eq3A_244, %mul3A_62, %broadcast_in_dim3A_63 : vector<1000x128xi1>, vector<1000x128xf32>
    %add3A_246 = arith.addf %add3A_241, %select_n3A_245 : vector<1000x128xf32>
    %eq3A_247 = arith.constant 1.200000e+01 : f32
    %eq3A_248 = vector.broadcast %eq3A_247 : f32 to vector<1000x128xf32>
    %eq3A_249 = arith.cmpf oeq, %floor3A, %eq3A_248 : vector<1000x128xf32>
    %select_n3A_250 = arith.select %eq3A_249, %mul3A_32, %broadcast_in_dim3A_63 : vector<1000x128xi1>, vector<1000x128xf32>
    %add3A_251 = arith.addf %add3A_246, %select_n3A_250 : vector<1000x128xf32>
    %eq3A_252 = arith.constant 1.000000e+01 : f32
    %eq3A_253 = vector.broadcast %eq3A_252 : f32 to vector<1000x128xf32>
    %eq3A_254 = arith.cmpf oeq, %floor3A, %eq3A_253 : vector<1000x128xf32>
    %select_n3A_255 = arith.select %eq3A_254, %mul3A_24, %broadcast_in_dim3A_63 : vector<1000x128xi1>, vector<1000x128xf32>
    %eq3A_256 = arith.constant 1.100000e+01 : f32
    %eq3A_257 = vector.broadcast %eq3A_256 : f32 to vector<1000x128xf32>
    %eq3A_258 = arith.cmpf oeq, %floor3A, %eq3A_257 : vector<1000x128xf32>
    %select_n3A_259 = arith.select %eq3A_258, %mul3A_49, %broadcast_in_dim3A_63 : vector<1000x128xi1>, vector<1000x128xf32>
    %add3A_260 = arith.addf %select_n3A_255, %select_n3A_259 : vector<1000x128xf32>
    %eq3A_261 = arith.constant 1.200000e+01 : f32
    %eq3A_262 = vector.broadcast %eq3A_261 : f32 to vector<1000x128xf32>
    %eq3A_263 = arith.cmpf oeq, %floor3A, %eq3A_262 : vector<1000x128xf32>
    %select_n3A_264 = arith.select %eq3A_263, %mul3A_62, %broadcast_in_dim3A_63 : vector<1000x128xi1>, vector<1000x128xf32>
    %add3A_265 = arith.addf %add3A_260, %select_n3A_264 : vector<1000x128xf32>
    %eq3A_266 = arith.constant 1.300000e+01 : f32
    %eq3A_267 = vector.broadcast %eq3A_266 : f32 to vector<1000x128xf32>
    %eq3A_268 = arith.cmpf oeq, %floor3A, %eq3A_267 : vector<1000x128xf32>
    %select_n3A_269 = arith.select %eq3A_268, %mul3A_32, %broadcast_in_dim3A_63 : vector<1000x128xi1>, vector<1000x128xf32>
    %add3A_270 = arith.addf %add3A_265, %select_n3A_269 : vector<1000x128xf32>
    %neg3A = arith.constant 0.000000e+00 : f32
    %neg3A_271 = vector.broadcast %neg3A : f32 to vector<1000x128xf32>
    %neg3A_272 = arith.subf %neg3A_271, %get3A_1 : vector<1000x128xf32>
    %exp3A = math.exp %neg3A_272 : vector<1000x128xf32>
    %add3A_273 = arith.constant 1.000000e+00 : f32
    %add3A_274 = vector.broadcast %add3A_273 : f32 to vector<1000x128xf32>
    %add3A_275 = arith.addf %add3A_274, %exp3A : vector<1000x128xf32>
    %div3A = arith.constant 1.000000e+00 : f32
    %div3A_276 = vector.broadcast %div3A : f32 to vector<1000x128xf32>
    %div3A_277 = arith.divf %div3A_276, %add3A_275 : vector<1000x128xf32>
    %mul3A_278 = arith.mulf %get3A_1, %div3A_277 : vector<1000x128xf32>
    %dot_general3A = arith.constant dense<0.000000e+00> : vector<1000x5xf32>
    %dot_general3A_279 = tpu.matmul %mul3A_278, %get3A_8, %dot_general3A {dimension_numbers = #tpu.dot_dimension_numbers<[1], [0], [0], [1], [0, 0, 1, 1], [], []>, transpose_lhs_hint = false} : vector<1000x128xf32>, vector<128x5xf32>, vector<1000x5xf32> -> vector<1000x5xf32>
    %slice3A = vector.extract_strided_slice %get3A_5 {offsets = [0, 0, 0], sizes = [1, 128, 5], strides = [1, 1, 1]} : vector<11x128x5xf32> to vector<1x128x5xf32>
    %squeeze3A = vector.shape_cast %slice3A : vector<1x128x5xf32> to vector<128x5xf32>
    %dot_general3A_280 = arith.constant dense<0.000000e+00> : vector<1000x5xf32>
    %dot_general3A_281 = tpu.matmul %add3A_80, %squeeze3A, %dot_general3A_280 {dimension_numbers = #tpu.dot_dimension_numbers<[1], [0], [0], [1], [0, 0, 1, 1], [], []>, transpose_lhs_hint = false} : vector<1000x128xf32>, vector<128x5xf32>, vector<1000x5xf32> -> vector<1000x5xf32>
    %add3A_282 = arith.addf %dot_general3A_279, %dot_general3A_281 : vector<1000x5xf32>
    %slice3A_283 = vector.extract_strided_slice %get3A_5 {offsets = [1, 0, 0], sizes = [1, 128, 5], strides = [1, 1, 1]} : vector<11x128x5xf32> to vector<1x128x5xf32>
    %squeeze3A_284 = vector.shape_cast %slice3A_283 : vector<1x128x5xf32> to vector<128x5xf32>
    %dot_general3A_285 = arith.constant dense<0.000000e+00> : vector<1000x5xf32>
    %dot_general3A_286 = tpu.matmul %add3A_99, %squeeze3A_284, %dot_general3A_285 {dimension_numbers = #tpu.dot_dimension_numbers<[1], [0], [0], [1], [0, 0, 1, 1], [], []>, transpose_lhs_hint = false} : vector<1000x128xf32>, vector<128x5xf32>, vector<1000x5xf32> -> vector<1000x5xf32>
    %add3A_287 = arith.addf %add3A_282, %dot_general3A_286 : vector<1000x5xf32>
    %slice3A_288 = vector.extract_strided_slice %get3A_5 {offsets = [2, 0, 0], sizes = [1, 128, 5], strides = [1, 1, 1]} : vector<11x128x5xf32> to vector<1x128x5xf32>
    %squeeze3A_289 = vector.shape_cast %slice3A_288 : vector<1x128x5xf32> to vector<128x5xf32>
    %dot_general3A_290 = arith.constant dense<0.000000e+00> : vector<1000x5xf32>
    %dot_general3A_291 = tpu.matmul %add3A_118, %squeeze3A_289, %dot_general3A_290 {dimension_numbers = #tpu.dot_dimension_numbers<[1], [0], [0], [1], [0, 0, 1, 1], [], []>, transpose_lhs_hint = false} : vector<1000x128xf32>, vector<128x5xf32>, vector<1000x5xf32> -> vector<1000x5xf32>
    %add3A_292 = arith.addf %add3A_287, %dot_general3A_291 : vector<1000x5xf32>
    %slice3A_293 = vector.extract_strided_slice %get3A_5 {offsets = [3, 0, 0], sizes = [1, 128, 5], strides = [1, 1, 1]} : vector<11x128x5xf32> to vector<1x128x5xf32>
    %squeeze3A_294 = vector.shape_cast %slice3A_293 : vector<1x128x5xf32> to vector<128x5xf32>
    %dot_general3A_295 = arith.constant dense<0.000000e+00> : vector<1000x5xf32>
    %dot_general3A_296 = tpu.matmul %add3A_137, %squeeze3A_294, %dot_general3A_295 {dimension_numbers = #tpu.dot_dimension_numbers<[1], [0], [0], [1], [0, 0, 1, 1], [], []>, transpose_lhs_hint = false} : vector<1000x128xf32>, vector<128x5xf32>, vector<1000x5xf32> -> vector<1000x5xf32>
    %add3A_297 = arith.addf %add3A_292, %dot_general3A_296 : vector<1000x5xf32>
    %slice3A_298 = vector.extract_strided_slice %get3A_5 {offsets = [4, 0, 0], sizes = [1, 128, 5], strides = [1, 1, 1]} : vector<11x128x5xf32> to vector<1x128x5xf32>
    %squeeze3A_299 = vector.shape_cast %slice3A_298 : vector<1x128x5xf32> to vector<128x5xf32>
    %dot_general3A_300 = arith.constant dense<0.000000e+00> : vector<1000x5xf32>
    %dot_general3A_301 = tpu.matmul %add3A_156, %squeeze3A_299, %dot_general3A_300 {dimension_numbers = #tpu.dot_dimension_numbers<[1], [0], [0], [1], [0, 0, 1, 1], [], []>, transpose_lhs_hint = false} : vector<1000x128xf32>, vector<128x5xf32>, vector<1000x5xf32> -> vector<1000x5xf32>
    %add3A_302 = arith.addf %add3A_297, %dot_general3A_301 : vector<1000x5xf32>
    %slice3A_303 = vector.extract_strided_slice %get3A_5 {offsets = [5, 0, 0], sizes = [1, 128, 5], strides = [1, 1, 1]} : vector<11x128x5xf32> to vector<1x128x5xf32>
    %squeeze3A_304 = vector.shape_cast %slice3A_303 : vector<1x128x5xf32> to vector<128x5xf32>
    %dot_general3A_305 = arith.constant dense<0.000000e+00> : vector<1000x5xf32>
    %dot_general3A_306 = tpu.matmul %add3A_175, %squeeze3A_304, %dot_general3A_305 {dimension_numbers = #tpu.dot_dimension_numbers<[1], [0], [0], [1], [0, 0, 1, 1], [], []>, transpose_lhs_hint = false} : vector<1000x128xf32>, vector<128x5xf32>, vector<1000x5xf32> -> vector<1000x5xf32>
    %add3A_307 = arith.addf %add3A_302, %dot_general3A_306 : vector<1000x5xf32>
    %slice3A_308 = vector.extract_strided_slice %get3A_5 {offsets = [6, 0, 0], sizes = [1, 128, 5], strides = [1, 1, 1]} : vector<11x128x5xf32> to vector<1x128x5xf32>
    %squeeze3A_309 = vector.shape_cast %slice3A_308 : vector<1x128x5xf32> to vector<128x5xf32>
    %dot_general3A_310 = arith.constant dense<0.000000e+00> : vector<1000x5xf32>
    %dot_general3A_311 = tpu.matmul %add3A_194, %squeeze3A_309, %dot_general3A_310 {dimension_numbers = #tpu.dot_dimension_numbers<[1], [0], [0], [1], [0, 0, 1, 1], [], []>, transpose_lhs_hint = false} : vector<1000x128xf32>, vector<128x5xf32>, vector<1000x5xf32> -> vector<1000x5xf32>
    %add3A_312 = arith.addf %add3A_307, %dot_general3A_311 : vector<1000x5xf32>
    %slice3A_313 = vector.extract_strided_slice %get3A_5 {offsets = [7, 0, 0], sizes = [1, 128, 5], strides = [1, 1, 1]} : vector<11x128x5xf32> to vector<1x128x5xf32>
    %squeeze3A_314 = vector.shape_cast %slice3A_313 : vector<1x128x5xf32> to vector<128x5xf32>
    %dot_general3A_315 = arith.constant dense<0.000000e+00> : vector<1000x5xf32>
    %dot_general3A_316 = tpu.matmul %add3A_213, %squeeze3A_314, %dot_general3A_315 {dimension_numbers = #tpu.dot_dimension_numbers<[1], [0], [0], [1], [0, 0, 1, 1], [], []>, transpose_lhs_hint = false} : vector<1000x128xf32>, vector<128x5xf32>, vector<1000x5xf32> -> vector<1000x5xf32>
    %add3A_317 = arith.addf %add3A_312, %dot_general3A_316 : vector<1000x5xf32>
    %slice3A_318 = vector.extract_strided_slice %get3A_5 {offsets = [8, 0, 0], sizes = [1, 128, 5], strides = [1, 1, 1]} : vector<11x128x5xf32> to vector<1x128x5xf32>
    %squeeze3A_319 = vector.shape_cast %slice3A_318 : vector<1x128x5xf32> to vector<128x5xf32>
    %dot_general3A_320 = arith.constant dense<0.000000e+00> : vector<1000x5xf32>
    %dot_general3A_321 = tpu.matmul %add3A_232, %squeeze3A_319, %dot_general3A_320 {dimension_numbers = #tpu.dot_dimension_numbers<[1], [0], [0], [1], [0, 0, 1, 1], [], []>, transpose_lhs_hint = false} : vector<1000x128xf32>, vector<128x5xf32>, vector<1000x5xf32> -> vector<1000x5xf32>
    %add3A_322 = arith.addf %add3A_317, %dot_general3A_321 : vector<1000x5xf32>
    %slice3A_323 = vector.extract_strided_slice %get3A_5 {offsets = [9, 0, 0], sizes = [1, 128, 5], strides = [1, 1, 1]} : vector<11x128x5xf32> to vector<1x128x5xf32>
    %squeeze3A_324 = vector.shape_cast %slice3A_323 : vector<1x128x5xf32> to vector<128x5xf32>
    %dot_general3A_325 = arith.constant dense<0.000000e+00> : vector<1000x5xf32>
    %dot_general3A_326 = tpu.matmul %add3A_251, %squeeze3A_324, %dot_general3A_325 {dimension_numbers = #tpu.dot_dimension_numbers<[1], [0], [0], [1], [0, 0, 1, 1], [], []>, transpose_lhs_hint = false} : vector<1000x128xf32>, vector<128x5xf32>, vector<1000x5xf32> -> vector<1000x5xf32>
    %add3A_327 = arith.addf %add3A_322, %dot_general3A_326 : vector<1000x5xf32>
    %slice3A_328 = vector.extract_strided_slice %get3A_5 {offsets = [10, 0, 0], sizes = [1, 128, 5], strides = [1, 1, 1]} : vector<11x128x5xf32> to vector<1x128x5xf32>
    %squeeze3A_329 = vector.shape_cast %slice3A_328 : vector<1x128x5xf32> to vector<128x5xf32>
    %dot_general3A_330 = arith.constant dense<0.000000e+00> : vector<1000x5xf32>
    %dot_general3A_331 = tpu.matmul %add3A_270, %squeeze3A_329, %dot_general3A_330 {dimension_numbers = #tpu.dot_dimension_numbers<[1], [0], [0], [1], [0, 0, 1, 1], [], []>, transpose_lhs_hint = false} : vector<1000x128xf32>, vector<128x5xf32>, vector<1000x5xf32> -> vector<1000x5xf32>
    %add3A_332 = arith.addf %add3A_327, %dot_general3A_331 : vector<1000x5xf32>
    %add3A_333 = arith.constant 1.750000e+00 : f32
    %add3A_334 = vector.broadcast %add3A_333 : f32 to vector<1000x5xf32>
    %add3A_335 = arith.addf %add3A_332, %add3A_334 : vector<1000x5xf32>
    %mul3A_336 = arith.constant 4.000000e+00 : f32
    %mul3A_337 = vector.broadcast %mul3A_336 : f32 to vector<1000x5xf32>
    %mul3A_338 = arith.mulf %add3A_335, %mul3A_337 : vector<1000x5xf32>
    %floor3A_339 = math.floor %mul3A_338 : vector<1000x5xf32>
    %sub3A_340 = arith.subf %mul3A_338, %floor3A_339 : vector<1000x5xf32>
    %mul3A_341 = arith.mulf %sub3A_340, %sub3A_340 : vector<1000x5xf32>
    %mul3A_342 = arith.mulf %mul3A_341, %sub3A_340 : vector<1000x5xf32>
    %mul3A_343 = arith.constant 0.166666672 : f32
    %mul3A_344 = vector.broadcast %mul3A_343 : f32 to vector<1000x5xf32>
    %mul3A_345 = arith.mulf %mul3A_342, %mul3A_344 : vector<1000x5xf32>
    %sub3A_346 = arith.constant 1.000000e+00 : f32
    %sub3A_347 = vector.broadcast %sub3A_346 : f32 to vector<1000x5xf32>
    %sub3A_348 = arith.subf %sub3A_347, %sub3A_340 : vector<1000x5xf32>
    %mul3A_349 = arith.mulf %sub3A_348, %sub3A_348 : vector<1000x5xf32>
    %mul3A_350 = arith.mulf %mul3A_349, %sub3A_348 : vector<1000x5xf32>
    %mul3A_351 = arith.constant 0.166666672 : f32
    %mul3A_352 = vector.broadcast %mul3A_351 : f32 to vector<1000x5xf32>
    %mul3A_353 = arith.mulf %mul3A_350, %mul3A_352 : vector<1000x5xf32>
    %mul3A_354 = arith.constant 3.000000e+00 : f32
    %mul3A_355 = vector.broadcast %mul3A_354 : f32 to vector<1000x5xf32>
    %mul3A_356 = arith.mulf %mul3A_355, %sub3A_340 : vector<1000x5xf32>
    %add3A_357 = arith.constant 1.000000e+00 : f32
    %add3A_358 = vector.broadcast %add3A_357 : f32 to vector<1000x5xf32>
    %add3A_359 = arith.addf %add3A_358, %mul3A_356 : vector<1000x5xf32>
    %mul3A_360 = arith.constant 3.000000e+00 : f32
    %mul3A_361 = vector.broadcast %mul3A_360 : f32 to vector<1000x5xf32>
    %mul3A_362 = arith.mulf %mul3A_361, %mul3A_341 : vector<1000x5xf32>
    %add3A_363 = arith.addf %add3A_359, %mul3A_362 : vector<1000x5xf32>
    %mul3A_364 = arith.constant 3.000000e+00 : f32
    %mul3A_365 = vector.broadcast %mul3A_364 : f32 to vector<1000x5xf32>
    %mul3A_366 = arith.mulf %mul3A_365, %mul3A_342 : vector<1000x5xf32>
    %sub3A_367 = arith.subf %add3A_363, %mul3A_366 : vector<1000x5xf32>
    %mul3A_368 = arith.constant 0.166666672 : f32
    %mul3A_369 = vector.broadcast %mul3A_368 : f32 to vector<1000x5xf32>
    %mul3A_370 = arith.mulf %sub3A_367, %mul3A_369 : vector<1000x5xf32>
    %mul3A_371 = arith.constant 6.000000e+00 : f32
    %mul3A_372 = vector.broadcast %mul3A_371 : f32 to vector<1000x5xf32>
    %mul3A_373 = arith.mulf %mul3A_372, %mul3A_341 : vector<1000x5xf32>
    %sub3A_374 = arith.constant 4.000000e+00 : f32
    %sub3A_375 = vector.broadcast %sub3A_374 : f32 to vector<1000x5xf32>
    %sub3A_376 = arith.subf %sub3A_375, %mul3A_373 : vector<1000x5xf32>
    %mul3A_377 = arith.constant 3.000000e+00 : f32
    %mul3A_378 = vector.broadcast %mul3A_377 : f32 to vector<1000x5xf32>
    %mul3A_379 = arith.mulf %mul3A_378, %mul3A_342 : vector<1000x5xf32>
    %add3A_380 = arith.addf %sub3A_376, %mul3A_379 : vector<1000x5xf32>
    %mul3A_381 = arith.constant 0.166666672 : f32
    %mul3A_382 = vector.broadcast %mul3A_381 : f32 to vector<1000x5xf32>
    %mul3A_383 = arith.mulf %add3A_380, %mul3A_382 : vector<1000x5xf32>
    %broadcast_in_dim3A_384 = arith.constant 0.000000e+00 : f32
    %broadcast_in_dim3A_385 = vector.broadcast %broadcast_in_dim3A_384 : f32 to vector<1000x5xf32>
    %eq3A_386 = arith.constant 0.000000e+00 : f32
    %eq3A_387 = vector.broadcast %eq3A_386 : f32 to vector<1000x5xf32>
    %eq3A_388 = arith.cmpf oeq, %floor3A_339, %eq3A_387 : vector<1000x5xf32>
    %select_n3A_389 = arith.select %eq3A_388, %mul3A_345, %broadcast_in_dim3A_385 : vector<1000x5xi1>, vector<1000x5xf32>
    %eq3A_390 = arith.constant 1.000000e+00 : f32
    %eq3A_391 = vector.broadcast %eq3A_390 : f32 to vector<1000x5xf32>
    %eq3A_392 = arith.cmpf oeq, %floor3A_339, %eq3A_391 : vector<1000x5xf32>
    %select_n3A_393 = arith.select %eq3A_392, %mul3A_370, %broadcast_in_dim3A_385 : vector<1000x5xi1>, vector<1000x5xf32>
    %add3A_394 = arith.addf %select_n3A_389, %select_n3A_393 : vector<1000x5xf32>
    %eq3A_395 = arith.constant 2.000000e+00 : f32
    %eq3A_396 = vector.broadcast %eq3A_395 : f32 to vector<1000x5xf32>
    %eq3A_397 = arith.cmpf oeq, %floor3A_339, %eq3A_396 : vector<1000x5xf32>
    %select_n3A_398 = arith.select %eq3A_397, %mul3A_383, %broadcast_in_dim3A_385 : vector<1000x5xi1>, vector<1000x5xf32>
    %add3A_399 = arith.addf %add3A_394, %select_n3A_398 : vector<1000x5xf32>
    %eq3A_400 = arith.constant 3.000000e+00 : f32
    %eq3A_401 = vector.broadcast %eq3A_400 : f32 to vector<1000x5xf32>
    %eq3A_402 = arith.cmpf oeq, %floor3A_339, %eq3A_401 : vector<1000x5xf32>
    %select_n3A_403 = arith.select %eq3A_402, %mul3A_353, %broadcast_in_dim3A_385 : vector<1000x5xi1>, vector<1000x5xf32>
    %add3A_404 = arith.addf %add3A_399, %select_n3A_403 : vector<1000x5xf32>
    %eq3A_405 = arith.constant 1.000000e+00 : f32
    %eq3A_406 = vector.broadcast %eq3A_405 : f32 to vector<1000x5xf32>
    %eq3A_407 = arith.cmpf oeq, %floor3A_339, %eq3A_406 : vector<1000x5xf32>
    %select_n3A_408 = arith.select %eq3A_407, %mul3A_345, %broadcast_in_dim3A_385 : vector<1000x5xi1>, vector<1000x5xf32>
    %eq3A_409 = arith.constant 2.000000e+00 : f32
    %eq3A_410 = vector.broadcast %eq3A_409 : f32 to vector<1000x5xf32>
    %eq3A_411 = arith.cmpf oeq, %floor3A_339, %eq3A_410 : vector<1000x5xf32>
    %select_n3A_412 = arith.select %eq3A_411, %mul3A_370, %broadcast_in_dim3A_385 : vector<1000x5xi1>, vector<1000x5xf32>
    %add3A_413 = arith.addf %select_n3A_408, %select_n3A_412 : vector<1000x5xf32>
    %eq3A_414 = arith.constant 3.000000e+00 : f32
    %eq3A_415 = vector.broadcast %eq3A_414 : f32 to vector<1000x5xf32>
    %eq3A_416 = arith.cmpf oeq, %floor3A_339, %eq3A_415 : vector<1000x5xf32>
    %select_n3A_417 = arith.select %eq3A_416, %mul3A_383, %broadcast_in_dim3A_385 : vector<1000x5xi1>, vector<1000x5xf32>
    %add3A_418 = arith.addf %add3A_413, %select_n3A_417 : vector<1000x5xf32>
    %eq3A_419 = arith.constant 4.000000e+00 : f32
    %eq3A_420 = vector.broadcast %eq3A_419 : f32 to vector<1000x5xf32>
    %eq3A_421 = arith.cmpf oeq, %floor3A_339, %eq3A_420 : vector<1000x5xf32>
    %select_n3A_422 = arith.select %eq3A_421, %mul3A_353, %broadcast_in_dim3A_385 : vector<1000x5xi1>, vector<1000x5xf32>
    %add3A_423 = arith.addf %add3A_418, %select_n3A_422 : vector<1000x5xf32>
    %eq3A_424 = arith.constant 2.000000e+00 : f32
    %eq3A_425 = vector.broadcast %eq3A_424 : f32 to vector<1000x5xf32>
    %eq3A_426 = arith.cmpf oeq, %floor3A_339, %eq3A_425 : vector<1000x5xf32>
    %select_n3A_427 = arith.select %eq3A_426, %mul3A_345, %broadcast_in_dim3A_385 : vector<1000x5xi1>, vector<1000x5xf32>
    %eq3A_428 = arith.constant 3.000000e+00 : f32
    %eq3A_429 = vector.broadcast %eq3A_428 : f32 to vector<1000x5xf32>
    %eq3A_430 = arith.cmpf oeq, %floor3A_339, %eq3A_429 : vector<1000x5xf32>
    %select_n3A_431 = arith.select %eq3A_430, %mul3A_370, %broadcast_in_dim3A_385 : vector<1000x5xi1>, vector<1000x5xf32>
    %add3A_432 = arith.addf %select_n3A_427, %select_n3A_431 : vector<1000x5xf32>
    %eq3A_433 = arith.constant 4.000000e+00 : f32
    %eq3A_434 = vector.broadcast %eq3A_433 : f32 to vector<1000x5xf32>
    %eq3A_435 = arith.cmpf oeq, %floor3A_339, %eq3A_434 : vector<1000x5xf32>
    %select_n3A_436 = arith.select %eq3A_435, %mul3A_383, %broadcast_in_dim3A_385 : vector<1000x5xi1>, vector<1000x5xf32>
    %add3A_437 = arith.addf %add3A_432, %select_n3A_436 : vector<1000x5xf32>
    %eq3A_438 = arith.constant 5.000000e+00 : f32
    %eq3A_439 = vector.broadcast %eq3A_438 : f32 to vector<1000x5xf32>
    %eq3A_440 = arith.cmpf oeq, %floor3A_339, %eq3A_439 : vector<1000x5xf32>
    %select_n3A_441 = arith.select %eq3A_440, %mul3A_353, %broadcast_in_dim3A_385 : vector<1000x5xi1>, vector<1000x5xf32>
    %add3A_442 = arith.addf %add3A_437, %select_n3A_441 : vector<1000x5xf32>
    %eq3A_443 = arith.constant 3.000000e+00 : f32
    %eq3A_444 = vector.broadcast %eq3A_443 : f32 to vector<1000x5xf32>
    %eq3A_445 = arith.cmpf oeq, %floor3A_339, %eq3A_444 : vector<1000x5xf32>
    %select_n3A_446 = arith.select %eq3A_445, %mul3A_345, %broadcast_in_dim3A_385 : vector<1000x5xi1>, vector<1000x5xf32>
    %eq3A_447 = arith.constant 4.000000e+00 : f32
    %eq3A_448 = vector.broadcast %eq3A_447 : f32 to vector<1000x5xf32>
    %eq3A_449 = arith.cmpf oeq, %floor3A_339, %eq3A_448 : vector<1000x5xf32>
    %select_n3A_450 = arith.select %eq3A_449, %mul3A_370, %broadcast_in_dim3A_385 : vector<1000x5xi1>, vector<1000x5xf32>
    %add3A_451 = arith.addf %select_n3A_446, %select_n3A_450 : vector<1000x5xf32>
    %eq3A_452 = arith.constant 5.000000e+00 : f32
    %eq3A_453 = vector.broadcast %eq3A_452 : f32 to vector<1000x5xf32>
    %eq3A_454 = arith.cmpf oeq, %floor3A_339, %eq3A_453 : vector<1000x5xf32>
    %select_n3A_455 = arith.select %eq3A_454, %mul3A_383, %broadcast_in_dim3A_385 : vector<1000x5xi1>, vector<1000x5xf32>
    %add3A_456 = arith.addf %add3A_451, %select_n3A_455 : vector<1000x5xf32>
    %eq3A_457 = arith.constant 6.000000e+00 : f32
    %eq3A_458 = vector.broadcast %eq3A_457 : f32 to vector<1000x5xf32>
    %eq3A_459 = arith.cmpf oeq, %floor3A_339, %eq3A_458 : vector<1000x5xf32>
    %select_n3A_460 = arith.select %eq3A_459, %mul3A_353, %broadcast_in_dim3A_385 : vector<1000x5xi1>, vector<1000x5xf32>
    %add3A_461 = arith.addf %add3A_456, %select_n3A_460 : vector<1000x5xf32>
    %eq3A_462 = arith.constant 4.000000e+00 : f32
    %eq3A_463 = vector.broadcast %eq3A_462 : f32 to vector<1000x5xf32>
    %eq3A_464 = arith.cmpf oeq, %floor3A_339, %eq3A_463 : vector<1000x5xf32>
    %select_n3A_465 = arith.select %eq3A_464, %mul3A_345, %broadcast_in_dim3A_385 : vector<1000x5xi1>, vector<1000x5xf32>
    %eq3A_466 = arith.constant 5.000000e+00 : f32
    %eq3A_467 = vector.broadcast %eq3A_466 : f32 to vector<1000x5xf32>
    %eq3A_468 = arith.cmpf oeq, %floor3A_339, %eq3A_467 : vector<1000x5xf32>
    %select_n3A_469 = arith.select %eq3A_468, %mul3A_370, %broadcast_in_dim3A_385 : vector<1000x5xi1>, vector<1000x5xf32>
    %add3A_470 = arith.addf %select_n3A_465, %select_n3A_469 : vector<1000x5xf32>
    %eq3A_471 = arith.constant 6.000000e+00 : f32
    %eq3A_472 = vector.broadcast %eq3A_471 : f32 to vector<1000x5xf32>
    %eq3A_473 = arith.cmpf oeq, %floor3A_339, %eq3A_472 : vector<1000x5xf32>
    %select_n3A_474 = arith.select %eq3A_473, %mul3A_383, %broadcast_in_dim3A_385 : vector<1000x5xi1>, vector<1000x5xf32>
    %add3A_475 = arith.addf %add3A_470, %select_n3A_474 : vector<1000x5xf32>
    %eq3A_476 = arith.constant 7.000000e+00 : f32
    %eq3A_477 = vector.broadcast %eq3A_476 : f32 to vector<1000x5xf32>
    %eq3A_478 = arith.cmpf oeq, %floor3A_339, %eq3A_477 : vector<1000x5xf32>
    %select_n3A_479 = arith.select %eq3A_478, %mul3A_353, %broadcast_in_dim3A_385 : vector<1000x5xi1>, vector<1000x5xf32>
    %add3A_480 = arith.addf %add3A_475, %select_n3A_479 : vector<1000x5xf32>
    %eq3A_481 = arith.constant 5.000000e+00 : f32
    %eq3A_482 = vector.broadcast %eq3A_481 : f32 to vector<1000x5xf32>
    %eq3A_483 = arith.cmpf oeq, %floor3A_339, %eq3A_482 : vector<1000x5xf32>
    %select_n3A_484 = arith.select %eq3A_483, %mul3A_345, %broadcast_in_dim3A_385 : vector<1000x5xi1>, vector<1000x5xf32>
    %eq3A_485 = arith.constant 6.000000e+00 : f32
    %eq3A_486 = vector.broadcast %eq3A_485 : f32 to vector<1000x5xf32>
    %eq3A_487 = arith.cmpf oeq, %floor3A_339, %eq3A_486 : vector<1000x5xf32>
    %select_n3A_488 = arith.select %eq3A_487, %mul3A_370, %broadcast_in_dim3A_385 : vector<1000x5xi1>, vector<1000x5xf32>
    %add3A_489 = arith.addf %select_n3A_484, %select_n3A_488 : vector<1000x5xf32>
    %eq3A_490 = arith.constant 7.000000e+00 : f32
    %eq3A_491 = vector.broadcast %eq3A_490 : f32 to vector<1000x5xf32>
    %eq3A_492 = arith.cmpf oeq, %floor3A_339, %eq3A_491 : vector<1000x5xf32>
    %select_n3A_493 = arith.select %eq3A_492, %mul3A_383, %broadcast_in_dim3A_385 : vector<1000x5xi1>, vector<1000x5xf32>
    %add3A_494 = arith.addf %add3A_489, %select_n3A_493 : vector<1000x5xf32>
    %eq3A_495 = arith.constant 8.000000e+00 : f32
    %eq3A_496 = vector.broadcast %eq3A_495 : f32 to vector<1000x5xf32>
    %eq3A_497 = arith.cmpf oeq, %floor3A_339, %eq3A_496 : vector<1000x5xf32>
    %select_n3A_498 = arith.select %eq3A_497, %mul3A_353, %broadcast_in_dim3A_385 : vector<1000x5xi1>, vector<1000x5xf32>
    %add3A_499 = arith.addf %add3A_494, %select_n3A_498 : vector<1000x5xf32>
    %eq3A_500 = arith.constant 6.000000e+00 : f32
    %eq3A_501 = vector.broadcast %eq3A_500 : f32 to vector<1000x5xf32>
    %eq3A_502 = arith.cmpf oeq, %floor3A_339, %eq3A_501 : vector<1000x5xf32>
    %select_n3A_503 = arith.select %eq3A_502, %mul3A_345, %broadcast_in_dim3A_385 : vector<1000x5xi1>, vector<1000x5xf32>
    %eq3A_504 = arith.constant 7.000000e+00 : f32
    %eq3A_505 = vector.broadcast %eq3A_504 : f32 to vector<1000x5xf32>
    %eq3A_506 = arith.cmpf oeq, %floor3A_339, %eq3A_505 : vector<1000x5xf32>
    %select_n3A_507 = arith.select %eq3A_506, %mul3A_370, %broadcast_in_dim3A_385 : vector<1000x5xi1>, vector<1000x5xf32>
    %add3A_508 = arith.addf %select_n3A_503, %select_n3A_507 : vector<1000x5xf32>
    %eq3A_509 = arith.constant 8.000000e+00 : f32
    %eq3A_510 = vector.broadcast %eq3A_509 : f32 to vector<1000x5xf32>
    %eq3A_511 = arith.cmpf oeq, %floor3A_339, %eq3A_510 : vector<1000x5xf32>
    %select_n3A_512 = arith.select %eq3A_511, %mul3A_383, %broadcast_in_dim3A_385 : vector<1000x5xi1>, vector<1000x5xf32>
    %add3A_513 = arith.addf %add3A_508, %select_n3A_512 : vector<1000x5xf32>
    %eq3A_514 = arith.constant 9.000000e+00 : f32
    %eq3A_515 = vector.broadcast %eq3A_514 : f32 to vector<1000x5xf32>
    %eq3A_516 = arith.cmpf oeq, %floor3A_339, %eq3A_515 : vector<1000x5xf32>
    %select_n3A_517 = arith.select %eq3A_516, %mul3A_353, %broadcast_in_dim3A_385 : vector<1000x5xi1>, vector<1000x5xf32>
    %add3A_518 = arith.addf %add3A_513, %select_n3A_517 : vector<1000x5xf32>
    %eq3A_519 = arith.constant 7.000000e+00 : f32
    %eq3A_520 = vector.broadcast %eq3A_519 : f32 to vector<1000x5xf32>
    %eq3A_521 = arith.cmpf oeq, %floor3A_339, %eq3A_520 : vector<1000x5xf32>
    %select_n3A_522 = arith.select %eq3A_521, %mul3A_345, %broadcast_in_dim3A_385 : vector<1000x5xi1>, vector<1000x5xf32>
    %eq3A_523 = arith.constant 8.000000e+00 : f32
    %eq3A_524 = vector.broadcast %eq3A_523 : f32 to vector<1000x5xf32>
    %eq3A_525 = arith.cmpf oeq, %floor3A_339, %eq3A_524 : vector<1000x5xf32>
    %select_n3A_526 = arith.select %eq3A_525, %mul3A_370, %broadcast_in_dim3A_385 : vector<1000x5xi1>, vector<1000x5xf32>
    %add3A_527 = arith.addf %select_n3A_522, %select_n3A_526 : vector<1000x5xf32>
    %eq3A_528 = arith.constant 9.000000e+00 : f32
    %eq3A_529 = vector.broadcast %eq3A_528 : f32 to vector<1000x5xf32>
    %eq3A_530 = arith.cmpf oeq, %floor3A_339, %eq3A_529 : vector<1000x5xf32>
    %select_n3A_531 = arith.select %eq3A_530, %mul3A_383, %broadcast_in_dim3A_385 : vector<1000x5xi1>, vector<1000x5xf32>
    %add3A_532 = arith.addf %add3A_527, %select_n3A_531 : vector<1000x5xf32>
    %eq3A_533 = arith.constant 1.000000e+01 : f32
    %eq3A_534 = vector.broadcast %eq3A_533 : f32 to vector<1000x5xf32>
    %eq3A_535 = arith.cmpf oeq, %floor3A_339, %eq3A_534 : vector<1000x5xf32>
    %select_n3A_536 = arith.select %eq3A_535, %mul3A_353, %broadcast_in_dim3A_385 : vector<1000x5xi1>, vector<1000x5xf32>
    %add3A_537 = arith.addf %add3A_532, %select_n3A_536 : vector<1000x5xf32>
    %eq3A_538 = arith.constant 8.000000e+00 : f32
    %eq3A_539 = vector.broadcast %eq3A_538 : f32 to vector<1000x5xf32>
    %eq3A_540 = arith.cmpf oeq, %floor3A_339, %eq3A_539 : vector<1000x5xf32>
    %select_n3A_541 = arith.select %eq3A_540, %mul3A_345, %broadcast_in_dim3A_385 : vector<1000x5xi1>, vector<1000x5xf32>
    %eq3A_542 = arith.constant 9.000000e+00 : f32
    %eq3A_543 = vector.broadcast %eq3A_542 : f32 to vector<1000x5xf32>
    %eq3A_544 = arith.cmpf oeq, %floor3A_339, %eq3A_543 : vector<1000x5xf32>
    %select_n3A_545 = arith.select %eq3A_544, %mul3A_370, %broadcast_in_dim3A_385 : vector<1000x5xi1>, vector<1000x5xf32>
    %add3A_546 = arith.addf %select_n3A_541, %select_n3A_545 : vector<1000x5xf32>
    %eq3A_547 = arith.constant 1.000000e+01 : f32
    %eq3A_548 = vector.broadcast %eq3A_547 : f32 to vector<1000x5xf32>
    %eq3A_549 = arith.cmpf oeq, %floor3A_339, %eq3A_548 : vector<1000x5xf32>
    %select_n3A_550 = arith.select %eq3A_549, %mul3A_383, %broadcast_in_dim3A_385 : vector<1000x5xi1>, vector<1000x5xf32>
    %add3A_551 = arith.addf %add3A_546, %select_n3A_550 : vector<1000x5xf32>
    %eq3A_552 = arith.constant 1.100000e+01 : f32
    %eq3A_553 = vector.broadcast %eq3A_552 : f32 to vector<1000x5xf32>
    %eq3A_554 = arith.cmpf oeq, %floor3A_339, %eq3A_553 : vector<1000x5xf32>
    %select_n3A_555 = arith.select %eq3A_554, %mul3A_353, %broadcast_in_dim3A_385 : vector<1000x5xi1>, vector<1000x5xf32>
    %add3A_556 = arith.addf %add3A_551, %select_n3A_555 : vector<1000x5xf32>
    %eq3A_557 = arith.constant 9.000000e+00 : f32
    %eq3A_558 = vector.broadcast %eq3A_557 : f32 to vector<1000x5xf32>
    %eq3A_559 = arith.cmpf oeq, %floor3A_339, %eq3A_558 : vector<1000x5xf32>
    %select_n3A_560 = arith.select %eq3A_559, %mul3A_345, %broadcast_in_dim3A_385 : vector<1000x5xi1>, vector<1000x5xf32>
    %eq3A_561 = arith.constant 1.000000e+01 : f32
    %eq3A_562 = vector.broadcast %eq3A_561 : f32 to vector<1000x5xf32>
    %eq3A_563 = arith.cmpf oeq, %floor3A_339, %eq3A_562 : vector<1000x5xf32>
    %select_n3A_564 = arith.select %eq3A_563, %mul3A_370, %broadcast_in_dim3A_385 : vector<1000x5xi1>, vector<1000x5xf32>
    %add3A_565 = arith.addf %select_n3A_560, %select_n3A_564 : vector<1000x5xf32>
    %eq3A_566 = arith.constant 1.100000e+01 : f32
    %eq3A_567 = vector.broadcast %eq3A_566 : f32 to vector<1000x5xf32>
    %eq3A_568 = arith.cmpf oeq, %floor3A_339, %eq3A_567 : vector<1000x5xf32>
    %select_n3A_569 = arith.select %eq3A_568, %mul3A_383, %broadcast_in_dim3A_385 : vector<1000x5xi1>, vector<1000x5xf32>
    %add3A_570 = arith.addf %add3A_565, %select_n3A_569 : vector<1000x5xf32>
    %eq3A_571 = arith.constant 1.200000e+01 : f32
    %eq3A_572 = vector.broadcast %eq3A_571 : f32 to vector<1000x5xf32>
    %eq3A_573 = arith.cmpf oeq, %floor3A_339, %eq3A_572 : vector<1000x5xf32>
    %select_n3A_574 = arith.select %eq3A_573, %mul3A_353, %broadcast_in_dim3A_385 : vector<1000x5xi1>, vector<1000x5xf32>
    %add3A_575 = arith.addf %add3A_570, %select_n3A_574 : vector<1000x5xf32>
    %eq3A_576 = arith.constant 1.000000e+01 : f32
    %eq3A_577 = vector.broadcast %eq3A_576 : f32 to vector<1000x5xf32>
    %eq3A_578 = arith.cmpf oeq, %floor3A_339, %eq3A_577 : vector<1000x5xf32>
    %select_n3A_579 = arith.select %eq3A_578, %mul3A_345, %broadcast_in_dim3A_385 : vector<1000x5xi1>, vector<1000x5xf32>
    %eq3A_580 = arith.constant 1.100000e+01 : f32
    %eq3A_581 = vector.broadcast %eq3A_580 : f32 to vector<1000x5xf32>
    %eq3A_582 = arith.cmpf oeq, %floor3A_339, %eq3A_581 : vector<1000x5xf32>
    %select_n3A_583 = arith.select %eq3A_582, %mul3A_370, %broadcast_in_dim3A_385 : vector<1000x5xi1>, vector<1000x5xf32>
    %add3A_584 = arith.addf %select_n3A_579, %select_n3A_583 : vector<1000x5xf32>
    %eq3A_585 = arith.constant 1.200000e+01 : f32
    %eq3A_586 = vector.broadcast %eq3A_585 : f32 to vector<1000x5xf32>
    %eq3A_587 = arith.cmpf oeq, %floor3A_339, %eq3A_586 : vector<1000x5xf32>
    %select_n3A_588 = arith.select %eq3A_587, %mul3A_383, %broadcast_in_dim3A_385 : vector<1000x5xi1>, vector<1000x5xf32>
    %add3A_589 = arith.addf %add3A_584, %select_n3A_588 : vector<1000x5xf32>
    %eq3A_590 = arith.constant 1.300000e+01 : f32
    %eq3A_591 = vector.broadcast %eq3A_590 : f32 to vector<1000x5xf32>
    %eq3A_592 = arith.cmpf oeq, %floor3A_339, %eq3A_591 : vector<1000x5xf32>
    %select_n3A_593 = arith.select %eq3A_592, %mul3A_353, %broadcast_in_dim3A_385 : vector<1000x5xi1>, vector<1000x5xf32>
    %add3A_594 = arith.addf %add3A_589, %select_n3A_593 : vector<1000x5xf32>
    %neg3A_595 = arith.constant 0.000000e+00 : f32
    %neg3A_596 = vector.broadcast %neg3A_595 : f32 to vector<1000x5xf32>
    %neg3A_597 = arith.subf %neg3A_596, %add3A_332 : vector<1000x5xf32>
    %exp3A_598 = math.exp %neg3A_597 : vector<1000x5xf32>
    %add3A_599 = arith.constant 1.000000e+00 : f32
    %add3A_600 = vector.broadcast %add3A_599 : f32 to vector<1000x5xf32>
    %add3A_601 = arith.addf %add3A_600, %exp3A_598 : vector<1000x5xf32>
    %div3A_602 = arith.constant 1.000000e+00 : f32
    %div3A_603 = vector.broadcast %div3A_602 : f32 to vector<1000x5xf32>
    %div3A_604 = arith.divf %div3A_603, %add3A_601 : vector<1000x5xf32>
    %mul3A_605 = arith.mulf %add3A_332, %div3A_604 : vector<1000x5xf32>
    %dot_general3A_606 = arith.constant dense<0.000000e+00> : vector<1000x32xf32>
    %dot_general3A_607 = tpu.matmul %mul3A_605, %get3A_15, %dot_general3A_606 {dimension_numbers = #tpu.dot_dimension_numbers<[1], [0], [0], [1], [0, 0, 1, 1], [], []>, transpose_lhs_hint = false} : vector<1000x5xf32>, vector<5x32xf32>, vector<1000x32xf32> -> vector<1000x32xf32>
    %slice3A_608 = vector.extract_strided_slice %get3A_12 {offsets = [0, 0, 0], sizes = [1, 5, 32], strides = [1, 1, 1]} : vector<11x5x32xf32> to vector<1x5x32xf32>
    %squeeze3A_609 = vector.shape_cast %slice3A_608 : vector<1x5x32xf32> to vector<5x32xf32>
    %dot_general3A_610 = arith.constant dense<0.000000e+00> : vector<1000x32xf32>
    %dot_general3A_611 = tpu.matmul %add3A_404, %squeeze3A_609, %dot_general3A_610 {dimension_numbers = #tpu.dot_dimension_numbers<[1], [0], [0], [1], [0, 0, 1, 1], [], []>, transpose_lhs_hint = false} : vector<1000x5xf32>, vector<5x32xf32>, vector<1000x32xf32> -> vector<1000x32xf32>
    %add3A_612 = arith.addf %dot_general3A_607, %dot_general3A_611 : vector<1000x32xf32>
    %slice3A_613 = vector.extract_strided_slice %get3A_12 {offsets = [1, 0, 0], sizes = [1, 5, 32], strides = [1, 1, 1]} : vector<11x5x32xf32> to vector<1x5x32xf32>
    %squeeze3A_614 = vector.shape_cast %slice3A_613 : vector<1x5x32xf32> to vector<5x32xf32>
    %dot_general3A_615 = arith.constant dense<0.000000e+00> : vector<1000x32xf32>
    %dot_general3A_616 = tpu.matmul %add3A_423, %squeeze3A_614, %dot_general3A_615 {dimension_numbers = #tpu.dot_dimension_numbers<[1], [0], [0], [1], [0, 0, 1, 1], [], []>, transpose_lhs_hint = false} : vector<1000x5xf32>, vector<5x32xf32>, vector<1000x32xf32> -> vector<1000x32xf32>
    %add3A_617 = arith.addf %add3A_612, %dot_general3A_616 : vector<1000x32xf32>
    %slice3A_618 = vector.extract_strided_slice %get3A_12 {offsets = [2, 0, 0], sizes = [1, 5, 32], strides = [1, 1, 1]} : vector<11x5x32xf32> to vector<1x5x32xf32>
    %squeeze3A_619 = vector.shape_cast %slice3A_618 : vector<1x5x32xf32> to vector<5x32xf32>
    %dot_general3A_620 = arith.constant dense<0.000000e+00> : vector<1000x32xf32>
    %dot_general3A_621 = tpu.matmul %add3A_442, %squeeze3A_619, %dot_general3A_620 {dimension_numbers = #tpu.dot_dimension_numbers<[1], [0], [0], [1], [0, 0, 1, 1], [], []>, transpose_lhs_hint = false} : vector<1000x5xf32>, vector<5x32xf32>, vector<1000x32xf32> -> vector<1000x32xf32>
    %add3A_622 = arith.addf %add3A_617, %dot_general3A_621 : vector<1000x32xf32>
    %slice3A_623 = vector.extract_strided_slice %get3A_12 {offsets = [3, 0, 0], sizes = [1, 5, 32], strides = [1, 1, 1]} : vector<11x5x32xf32> to vector<1x5x32xf32>
    %squeeze3A_624 = vector.shape_cast %slice3A_623 : vector<1x5x32xf32> to vector<5x32xf32>
    %dot_general3A_625 = arith.constant dense<0.000000e+00> : vector<1000x32xf32>
    %dot_general3A_626 = tpu.matmul %add3A_461, %squeeze3A_624, %dot_general3A_625 {dimension_numbers = #tpu.dot_dimension_numbers<[1], [0], [0], [1], [0, 0, 1, 1], [], []>, transpose_lhs_hint = false} : vector<1000x5xf32>, vector<5x32xf32>, vector<1000x32xf32> -> vector<1000x32xf32>
    %add3A_627 = arith.addf %add3A_622, %dot_general3A_626 : vector<1000x32xf32>
    %slice3A_628 = vector.extract_strided_slice %get3A_12 {offsets = [4, 0, 0], sizes = [1, 5, 32], strides = [1, 1, 1]} : vector<11x5x32xf32> to vector<1x5x32xf32>
    %squeeze3A_629 = vector.shape_cast %slice3A_628 : vector<1x5x32xf32> to vector<5x32xf32>
    %dot_general3A_630 = arith.constant dense<0.000000e+00> : vector<1000x32xf32>
    %dot_general3A_631 = tpu.matmul %add3A_480, %squeeze3A_629, %dot_general3A_630 {dimension_numbers = #tpu.dot_dimension_numbers<[1], [0], [0], [1], [0, 0, 1, 1], [], []>, transpose_lhs_hint = false} : vector<1000x5xf32>, vector<5x32xf32>, vector<1000x32xf32> -> vector<1000x32xf32>
    %add3A_632 = arith.addf %add3A_627, %dot_general3A_631 : vector<1000x32xf32>
    %slice3A_633 = vector.extract_strided_slice %get3A_12 {offsets = [5, 0, 0], sizes = [1, 5, 32], strides = [1, 1, 1]} : vector<11x5x32xf32> to vector<1x5x32xf32>
    %squeeze3A_634 = vector.shape_cast %slice3A_633 : vector<1x5x32xf32> to vector<5x32xf32>
    %dot_general3A_635 = arith.constant dense<0.000000e+00> : vector<1000x32xf32>
    %dot_general3A_636 = tpu.matmul %add3A_499, %squeeze3A_634, %dot_general3A_635 {dimension_numbers = #tpu.dot_dimension_numbers<[1], [0], [0], [1], [0, 0, 1, 1], [], []>, transpose_lhs_hint = false} : vector<1000x5xf32>, vector<5x32xf32>, vector<1000x32xf32> -> vector<1000x32xf32>
    %add3A_637 = arith.addf %add3A_632, %dot_general3A_636 : vector<1000x32xf32>
    %slice3A_638 = vector.extract_strided_slice %get3A_12 {offsets = [6, 0, 0], sizes = [1, 5, 32], strides = [1, 1, 1]} : vector<11x5x32xf32> to vector<1x5x32xf32>
    %squeeze3A_639 = vector.shape_cast %slice3A_638 : vector<1x5x32xf32> to vector<5x32xf32>
    %dot_general3A_640 = arith.constant dense<0.000000e+00> : vector<1000x32xf32>
    %dot_general3A_641 = tpu.matmul %add3A_518, %squeeze3A_639, %dot_general3A_640 {dimension_numbers = #tpu.dot_dimension_numbers<[1], [0], [0], [1], [0, 0, 1, 1], [], []>, transpose_lhs_hint = false} : vector<1000x5xf32>, vector<5x32xf32>, vector<1000x32xf32> -> vector<1000x32xf32>
    %add3A_642 = arith.addf %add3A_637, %dot_general3A_641 : vector<1000x32xf32>
    %slice3A_643 = vector.extract_strided_slice %get3A_12 {offsets = [7, 0, 0], sizes = [1, 5, 32], strides = [1, 1, 1]} : vector<11x5x32xf32> to vector<1x5x32xf32>
    %squeeze3A_644 = vector.shape_cast %slice3A_643 : vector<1x5x32xf32> to vector<5x32xf32>
    %dot_general3A_645 = arith.constant dense<0.000000e+00> : vector<1000x32xf32>
    %dot_general3A_646 = tpu.matmul %add3A_537, %squeeze3A_644, %dot_general3A_645 {dimension_numbers = #tpu.dot_dimension_numbers<[1], [0], [0], [1], [0, 0, 1, 1], [], []>, transpose_lhs_hint = false} : vector<1000x5xf32>, vector<5x32xf32>, vector<1000x32xf32> -> vector<1000x32xf32>
    %add3A_647 = arith.addf %add3A_642, %dot_general3A_646 : vector<1000x32xf32>
    %slice3A_648 = vector.extract_strided_slice %get3A_12 {offsets = [8, 0, 0], sizes = [1, 5, 32], strides = [1, 1, 1]} : vector<11x5x32xf32> to vector<1x5x32xf32>
    %squeeze3A_649 = vector.shape_cast %slice3A_648 : vector<1x5x32xf32> to vector<5x32xf32>
    %dot_general3A_650 = arith.constant dense<0.000000e+00> : vector<1000x32xf32>
    %dot_general3A_651 = tpu.matmul %add3A_556, %squeeze3A_649, %dot_general3A_650 {dimension_numbers = #tpu.dot_dimension_numbers<[1], [0], [0], [1], [0, 0, 1, 1], [], []>, transpose_lhs_hint = false} : vector<1000x5xf32>, vector<5x32xf32>, vector<1000x32xf32> -> vector<1000x32xf32>
    %add3A_652 = arith.addf %add3A_647, %dot_general3A_651 : vector<1000x32xf32>
    %slice3A_653 = vector.extract_strided_slice %get3A_12 {offsets = [9, 0, 0], sizes = [1, 5, 32], strides = [1, 1, 1]} : vector<11x5x32xf32> to vector<1x5x32xf32>
    %squeeze3A_654 = vector.shape_cast %slice3A_653 : vector<1x5x32xf32> to vector<5x32xf32>
    %dot_general3A_655 = arith.constant dense<0.000000e+00> : vector<1000x32xf32>
    %dot_general3A_656 = tpu.matmul %add3A_575, %squeeze3A_654, %dot_general3A_655 {dimension_numbers = #tpu.dot_dimension_numbers<[1], [0], [0], [1], [0, 0, 1, 1], [], []>, transpose_lhs_hint = false} : vector<1000x5xf32>, vector<5x32xf32>, vector<1000x32xf32> -> vector<1000x32xf32>
    %add3A_657 = arith.addf %add3A_652, %dot_general3A_656 : vector<1000x32xf32>
    %slice3A_658 = vector.extract_strided_slice %get3A_12 {offsets = [10, 0, 0], sizes = [1, 5, 32], strides = [1, 1, 1]} : vector<11x5x32xf32> to vector<1x5x32xf32>
    %squeeze3A_659 = vector.shape_cast %slice3A_658 : vector<1x5x32xf32> to vector<5x32xf32>
    %dot_general3A_660 = arith.constant dense<0.000000e+00> : vector<1000x32xf32>
    %dot_general3A_661 = tpu.matmul %add3A_594, %squeeze3A_659, %dot_general3A_660 {dimension_numbers = #tpu.dot_dimension_numbers<[1], [0], [0], [1], [0, 0, 1, 1], [], []>, transpose_lhs_hint = false} : vector<1000x5xf32>, vector<5x32xf32>, vector<1000x32xf32> -> vector<1000x32xf32>
    %add3A_662 = arith.addf %add3A_657, %dot_general3A_661 : vector<1000x32xf32>
    %swap3A = arith.constant 0 : index
    %swap3A_663 = arith.constant 0 : index
    %swap3A_664 = vector.load %arg6[%swap3A, %swap3A_663] : memref<1000x32xf32, #tpu.memory_space<vmem>>, vector<1000x32xf32>
    tpu.vector_store %arg6[%swap3A, %swap3A_663], %add3A_662 {strides = array<i32>} : memref<1000x32xf32, #tpu.memory_space<vmem>>, vector<1000x32xf32>,
    return
  }
  func.func @transform_0(%arg0: i32) -> (i32, i32) {
    %c0_i32 = arith.constant 0 : i32
    %c0_i32_0 = arith.constant 0 : i32
    return %arg0, %c0_i32 : i32, i32
  }
  func.func @transform_1(%arg0: i32) -> (i32, i32, i32) {
    %c0_i32 = arith.constant 0 : i32
    %c0_i32_0 = arith.constant 0 : i32
    %c0_i32_1 = arith.constant 0 : i32
    %c0_i32_2 = arith.constant 0 : i32
    return %c0_i32, %c0_i32_0, %c0_i32_1 : i32, i32, i32
  }
  func.func @transform_2(%arg0: i32) -> (i32, i32) {
    %c0_i32 = arith.constant 0 : i32
    %c0_i32_0 = arith.constant 0 : i32
    %c0_i32_1 = arith.constant 0 : i32
    return %c0_i32, %c0_i32_0 : i32, i32
  }
  func.func @transform_3(%arg0: i32) -> (i32, i32, i32) {
    %c0_i32 = arith.constant 0 : i32
    %c0_i32_0 = arith.constant 0 : i32
    %c0_i32_1 = arith.constant 0 : i32
    %c0_i32_2 = arith.constant 0 : i32
    return %c0_i32, %c0_i32_0, %c0_i32_1 : i32, i32, i32
  }
  func.func @transform_4(%arg0: i32) -> (i32, i32) {
    %c0_i32 = arith.constant 0 : i32
    %c0_i32_0 = arith.constant 0 : i32
    %c0_i32_1 = arith.constant 0 : i32
    return %c0_i32, %c0_i32_0 : i32, i32
  }
  func.func @transform_5(%arg0: i32) -> (i32, i32) {
    %c0_i32 = arith.constant 0 : i32
    %c0_i32_0 = arith.constant 0 : i32
    return %arg0, %c0_i32 : i32, i32
  }
}

module attributes {stable_mosaic.version = 14 : i64} {
  func.func @_sage_body(%arg0: i32, %arg1: memref<2000x32xf32, #tpu.memory_space<vmem>>, %arg2: memref<2x2000x32xf32, #tpu.memory_space<vmem>>, %arg3: memref<2x2000x16xf32, #tpu.memory_space<vmem>>, %arg4: memref<32x32xf32, #tpu.memory_space<vmem>>, %arg5: memref<32x32xf32, #tpu.memory_space<vmem>>, %arg6: memref<2000x32xf32, #tpu.memory_space<vmem>>) attributes {dimension_semantics = [#tpu.dimension_semantics<arbitrary>], iteration_bounds = array<i64: 25>, scalar_prefetch = 0 : i64, scratch_operands = 0 : i64, tpu.core_type = #tpu.core_type<tc>, window_params = [{transform_indices = @transform_0, window_bounds = array<i64: 2000, 32>}, {transform_indices = @transform_1, window_bounds = array<i64: 2, 2000, 32>}, {transform_indices = @transform_2, window_bounds = array<i64: 2, 2000, 16>}, {pipeline_mode = #tpu.pipeline_mode<synchronous>, transform_indices = @transform_3, window_bounds = array<i64: 32, 32>}, {pipeline_mode = #tpu.pipeline_mode<synchronous>, transform_indices = @transform_4, window_bounds = array<i64: 32, 32>}, {transform_indices = @transform_5, window_bounds = array<i64: 2000, 32>}]} {
    %get3A = arith.constant 0 : index
    %get3A_0 = arith.constant 0 : index
    %get3A_1 = vector.load %arg1[%get3A, %get3A_0] : memref<2000x32xf32, #tpu.memory_space<vmem>>, vector<2000x32xf32>
    %get3A_2 = arith.constant 0 : index
    %get3A_3 = arith.constant 0 : index
    %get3A_4 = arith.constant 0 : index
    %get3A_5 = vector.load %arg2[%get3A_2, %get3A_3, %get3A_4] : memref<2x2000x32xf32, #tpu.memory_space<vmem>>, vector<1x2000x32xf32>
    %get3A_6 = vector.shape_cast %get3A_5 : vector<1x2000x32xf32> to vector<2000x32xf32>
    %get3A_7 = arith.constant 1 : index
    %get3A_8 = arith.constant 0 : index
    %get3A_9 = arith.constant 0 : index
    %get3A_10 = vector.load %arg2[%get3A_7, %get3A_8, %get3A_9] : memref<2x2000x32xf32, #tpu.memory_space<vmem>>, vector<1x2000x32xf32>
    %get3A_11 = vector.shape_cast %get3A_10 : vector<1x2000x32xf32> to vector<2000x32xf32>
    %add3A = arith.addf %get3A_6, %get3A_11 : vector<2000x32xf32>
    %get3A_12 = arith.constant 0 : index
    %get3A_13 = arith.constant 0 : index
    %get3A_14 = arith.constant 0 : index
    %get3A_15 = vector.load %arg3[%get3A_12, %get3A_13, %get3A_14] : memref<2x2000x16xf32, #tpu.memory_space<vmem>>, vector<1x2000x1xf32>
    %get3A_16 = vector.shape_cast %get3A_15 : vector<1x2000x1xf32> to vector<2000x1xf32>
    %get3A_17 = arith.constant 1 : index
    %get3A_18 = arith.constant 0 : index
    %get3A_19 = arith.constant 0 : index
    %get3A_20 = vector.load %arg3[%get3A_17, %get3A_18, %get3A_19] : memref<2x2000x16xf32, #tpu.memory_space<vmem>>, vector<1x2000x1xf32>
    %get3A_21 = vector.shape_cast %get3A_20 : vector<1x2000x1xf32> to vector<2000x1xf32>
    %add3A_22 = arith.addf %get3A_16, %get3A_21 : vector<2000x1xf32>
    %max3A = arith.constant 1.000000e+00 : f32
    %max3A_23 = vector.broadcast %max3A : f32 to vector<2000x1xf32>
    %max3A_24 = arith.maximumf %add3A_22, %max3A_23 : vector<2000x1xf32>
    %div3A = arith.constant 1.000000e+00 : f32
    %div3A_25 = vector.broadcast %div3A : f32 to vector<2000x1xf32>
    %div3A_26 = arith.divf %div3A_25, %max3A_24 : vector<2000x1xf32>
    %mul3A = vector.broadcast %div3A_26 : vector<2000x1xf32> to vector<2000x32xf32>
    %mul3A_27 = arith.mulf %add3A, %mul3A : vector<2000x32xf32>
    %get3A_28 = arith.constant 0 : index
    %get3A_29 = arith.constant 0 : index
    %get3A_30 = vector.load %arg4[%get3A_28, %get3A_29] : memref<32x32xf32, #tpu.memory_space<vmem>>, vector<32x32xf32>
    %dot_general3A = arith.constant dense<0.000000e+00> : vector<2000x32xf32>
    %dot_general3A_31 = tpu.matmul %get3A_1, %get3A_30, %dot_general3A {dimension_numbers = #tpu.dot_dimension_numbers<[1], [0], [0], [1], [0, 0, 1, 1], [], []>, transpose_lhs_hint = false} : vector<2000x32xf32>, vector<32x32xf32>, vector<2000x32xf32> -> vector<2000x32xf32>
    %get3A_32 = arith.constant 0 : index
    %get3A_33 = arith.constant 0 : index
    %get3A_34 = vector.load %arg5[%get3A_32, %get3A_33] : memref<32x32xf32, #tpu.memory_space<vmem>>, vector<32x32xf32>
    %dot_general3A_35 = arith.constant dense<0.000000e+00> : vector<2000x32xf32>
    %dot_general3A_36 = tpu.matmul %mul3A_27, %get3A_34, %dot_general3A_35 {dimension_numbers = #tpu.dot_dimension_numbers<[1], [0], [0], [1], [0, 0, 1, 1], [], []>, transpose_lhs_hint = false} : vector<2000x32xf32>, vector<32x32xf32>, vector<2000x32xf32> -> vector<2000x32xf32>
    %add3A_37 = arith.addf %dot_general3A_31, %dot_general3A_36 : vector<2000x32xf32>
    %add3A_38 = arith.addf %add3A_37, %get3A_1 : vector<2000x32xf32>
    %ge3A = arith.constant 0.000000e+00 : f32
    %ge3A_39 = vector.broadcast %ge3A : f32 to vector<2000x32xf32>
    %ge3A_40 = arith.cmpf oge, %add3A_38, %ge3A_39 : vector<2000x32xf32>
    %mul3A_41 = arith.constant 0.00999999977 : f32
    %mul3A_42 = vector.broadcast %mul3A_41 : f32 to vector<2000x32xf32>
    %mul3A_43 = arith.mulf %mul3A_42, %add3A_38 : vector<2000x32xf32>
    %select_n3A = arith.select %ge3A_40, %add3A_38, %mul3A_43 : vector<2000x32xi1>, vector<2000x32xf32>
    %swap3A = arith.constant 0 : index
    %swap3A_44 = arith.constant 0 : index
    %swap3A_45 = vector.load %arg6[%swap3A, %swap3A_44] : memref<2000x32xf32, #tpu.memory_space<vmem>>, vector<2000x32xf32>
    tpu.vector_store %arg6[%swap3A, %swap3A_44], %select_n3A {strides = array<i32>} : memref<2000x32xf32, #tpu.memory_space<vmem>>, vector<2000x32xf32>,
    return
  }
  func.func @transform_0(%arg0: i32) -> (i32, i32) {
    %c0_i32 = arith.constant 0 : i32
    %c0_i32_0 = arith.constant 0 : i32
    return %arg0, %c0_i32 : i32, i32
  }
  func.func @transform_1(%arg0: i32) -> (i32, i32, i32) {
    %c0_i32 = arith.constant 0 : i32
    %c0_i32_0 = arith.constant 0 : i32
    %c0_i32_1 = arith.constant 0 : i32
    return %c0_i32, %arg0, %c0_i32_0 : i32, i32, i32
  }
  func.func @transform_2(%arg0: i32) -> (i32, i32, i32) {
    %c0_i32 = arith.constant 0 : i32
    %c0_i32_0 = arith.constant 0 : i32
    %c0_i32_1 = arith.constant 0 : i32
    return %c0_i32, %arg0, %c0_i32_0 : i32, i32, i32
  }
  func.func @transform_3(%arg0: i32) -> (i32, i32) {
    %c0_i32 = arith.constant 0 : i32
    %c0_i32_0 = arith.constant 0 : i32
    %c0_i32_1 = arith.constant 0 : i32
    return %c0_i32, %c0_i32_0 : i32, i32
  }
  func.func @transform_4(%arg0: i32) -> (i32, i32) {
    %c0_i32 = arith.constant 0 : i32
    %c0_i32_0 = arith.constant 0 : i32
    %c0_i32_1 = arith.constant 0 : i32
    return %c0_i32, %c0_i32_0 : i32, i32
  }
  func.func @transform_5(%arg0: i32) -> (i32, i32) {
    %c0_i32 = arith.constant 0 : i32
    %c0_i32_0 = arith.constant 0 : i32
    return %arg0, %c0_i32 : i32, i32
  }
}

module attributes {stable_mosaic.version = 14 : i64} {
  func.func @_final_body(%arg0: i32, %arg1: memref<2000x32xf32, #tpu.memory_space<vmem>>, %arg2: memref<2x2000x32xf32, #tpu.memory_space<vmem>>, %arg3: memref<2x2000x16xf32, #tpu.memory_space<vmem>>, %arg4: memref<32x32xf32, #tpu.memory_space<vmem>>, %arg5: memref<32x32xf32, #tpu.memory_space<vmem>>, %arg6: memref<11x32x5xf32, #tpu.memory_space<vmem>>, %arg7: memref<32x5xf32, #tpu.memory_space<vmem>>, %arg8: memref<11x5x16xf32, #tpu.memory_space<vmem>>, %arg9: memref<5x16xf32, #tpu.memory_space<vmem>>, %arg10: memref<1x16xf32, #tpu.memory_space<vmem>>, %arg11: memref<1x32xf32, #tpu.memory_space<vmem>>) attributes {dimension_semantics = [#tpu.dimension_semantics<arbitrary>], iteration_bounds = array<i64: 25>, scalar_prefetch = 0 : i64, scratch_operands = 1 : i64, tpu.core_type = #tpu.core_type<tc>, window_params = [{transform_indices = @transform_0, window_bounds = array<i64: 2000, 32>}, {transform_indices = @transform_1, window_bounds = array<i64: 2, 2000, 32>}, {transform_indices = @transform_2, window_bounds = array<i64: 2, 2000, 16>}, {pipeline_mode = #tpu.pipeline_mode<synchronous>, transform_indices = @transform_3, window_bounds = array<i64: 32, 32>}, {pipeline_mode = #tpu.pipeline_mode<synchronous>, transform_indices = @transform_4, window_bounds = array<i64: 32, 32>}, {pipeline_mode = #tpu.pipeline_mode<synchronous>, transform_indices = @transform_5, window_bounds = array<i64: 11, 32, 5>}, {pipeline_mode = #tpu.pipeline_mode<synchronous>, transform_indices = @transform_6, window_bounds = array<i64: 32, 5>}, {pipeline_mode = #tpu.pipeline_mode<synchronous>, transform_indices = @transform_7, window_bounds = array<i64: 11, 5, 16>}, {pipeline_mode = #tpu.pipeline_mode<synchronous>, transform_indices = @transform_8, window_bounds = array<i64: 5, 16>}, {pipeline_mode = #tpu.pipeline_mode<synchronous>, transform_indices = @transform_9, window_bounds = array<i64: 1, 16>}]} {
    %get3A = arith.constant 0 : index
    %get3A_0 = arith.constant 0 : index
    %get3A_1 = vector.load %arg1[%get3A, %get3A_0] : memref<2000x32xf32, #tpu.memory_space<vmem>>, vector<2000x32xf32>
    %get3A_2 = arith.constant 0 : index
    %get3A_3 = arith.constant 0 : index
    %get3A_4 = arith.constant 0 : index
    %get3A_5 = vector.load %arg2[%get3A_2, %get3A_3, %get3A_4] : memref<2x2000x32xf32, #tpu.memory_space<vmem>>, vector<1x2000x32xf32>
    %get3A_6 = vector.shape_cast %get3A_5 : vector<1x2000x32xf32> to vector<2000x32xf32>
    %get3A_7 = arith.constant 1 : index
    %get3A_8 = arith.constant 0 : index
    %get3A_9 = arith.constant 0 : index
    %get3A_10 = vector.load %arg2[%get3A_7, %get3A_8, %get3A_9] : memref<2x2000x32xf32, #tpu.memory_space<vmem>>, vector<1x2000x32xf32>
    %get3A_11 = vector.shape_cast %get3A_10 : vector<1x2000x32xf32> to vector<2000x32xf32>
    %add3A = arith.addf %get3A_6, %get3A_11 : vector<2000x32xf32>
    %get3A_12 = arith.constant 0 : index
    %get3A_13 = arith.constant 0 : index
    %get3A_14 = arith.constant 0 : index
    %get3A_15 = vector.load %arg3[%get3A_12, %get3A_13, %get3A_14] : memref<2x2000x16xf32, #tpu.memory_space<vmem>>, vector<1x2000x1xf32>
    %get3A_16 = vector.shape_cast %get3A_15 : vector<1x2000x1xf32> to vector<2000x1xf32>
    %get3A_17 = arith.constant 1 : index
    %get3A_18 = arith.constant 0 : index
    %get3A_19 = arith.constant 0 : index
    %get3A_20 = vector.load %arg3[%get3A_17, %get3A_18, %get3A_19] : memref<2x2000x16xf32, #tpu.memory_space<vmem>>, vector<1x2000x1xf32>
    %get3A_21 = vector.shape_cast %get3A_20 : vector<1x2000x1xf32> to vector<2000x1xf32>
    %add3A_22 = arith.addf %get3A_16, %get3A_21 : vector<2000x1xf32>
    %max3A = arith.constant 1.000000e+00 : f32
    %max3A_23 = vector.broadcast %max3A : f32 to vector<2000x1xf32>
    %max3A_24 = arith.maximumf %add3A_22, %max3A_23 : vector<2000x1xf32>
    %div3A = arith.constant 1.000000e+00 : f32
    %div3A_25 = vector.broadcast %div3A : f32 to vector<2000x1xf32>
    %div3A_26 = arith.divf %div3A_25, %max3A_24 : vector<2000x1xf32>
    %mul3A = vector.broadcast %div3A_26 : vector<2000x1xf32> to vector<2000x32xf32>
    %mul3A_27 = arith.mulf %add3A, %mul3A : vector<2000x32xf32>
    %get3A_28 = arith.constant 0 : index
    %get3A_29 = arith.constant 0 : index
    %get3A_30 = vector.load %arg4[%get3A_28, %get3A_29] : memref<32x32xf32, #tpu.memory_space<vmem>>, vector<32x32xf32>
    %dot_general3A = arith.constant dense<0.000000e+00> : vector<2000x32xf32>
    %dot_general3A_31 = tpu.matmul %get3A_1, %get3A_30, %dot_general3A {dimension_numbers = #tpu.dot_dimension_numbers<[1], [0], [0], [1], [0, 0, 1, 1], [], []>, transpose_lhs_hint = false} : vector<2000x32xf32>, vector<32x32xf32>, vector<2000x32xf32> -> vector<2000x32xf32>
    %get3A_32 = arith.constant 0 : index
    %get3A_33 = arith.constant 0 : index
    %get3A_34 = vector.load %arg5[%get3A_32, %get3A_33] : memref<32x32xf32, #tpu.memory_space<vmem>>, vector<32x32xf32>
    %dot_general3A_35 = arith.constant dense<0.000000e+00> : vector<2000x32xf32>
    %dot_general3A_36 = tpu.matmul %mul3A_27, %get3A_34, %dot_general3A_35 {dimension_numbers = #tpu.dot_dimension_numbers<[1], [0], [0], [1], [0, 0, 1, 1], [], []>, transpose_lhs_hint = false} : vector<2000x32xf32>, vector<32x32xf32>, vector<2000x32xf32> -> vector<2000x32xf32>
    %add3A_37 = arith.addf %dot_general3A_31, %dot_general3A_36 : vector<2000x32xf32>
    %add3A_38 = arith.addf %add3A_37, %get3A_1 : vector<2000x32xf32>
    %ge3A = arith.constant 0.000000e+00 : f32
    %ge3A_39 = vector.broadcast %ge3A : f32 to vector<2000x32xf32>
    %ge3A_40 = arith.cmpf oge, %add3A_38, %ge3A_39 : vector<2000x32xf32>
    %mul3A_41 = arith.constant 0.00999999977 : f32
    %mul3A_42 = vector.broadcast %mul3A_41 : f32 to vector<2000x32xf32>
    %mul3A_43 = arith.mulf %mul3A_42, %add3A_38 : vector<2000x32xf32>
    %select_n3A = arith.select %ge3A_40, %add3A_38, %mul3A_43 : vector<2000x32xi1>, vector<2000x32xf32>
    %reduce_sum3A = arith.constant dense<0.000000e+00> : vector<32xf32>
    %reduce_sum3A_44 = vector.multi_reduction <add>, %select_n3A, %reduce_sum3A [0] : vector<2000x32xf32> to vector<32xf32>
    %broadcast_in_dim3A = vector.shape_cast %reduce_sum3A_44 : vector<32xf32> to vector<1x32xf32>
    %eq3A = arith.constant 0 : i32
    %eq3A_45 = arith.cmpi eq, %arg0, %eq3A : i32
    %convert_element_type3A = arith.extui %eq3A_45 : i1 to i32
    %cond3A = arith.constant 0 : i32
    %cond3A_46 = arith.cmpi ne, %convert_element_type3A, %cond3A : i32
    scf.if %cond3A_46 {
      %swap3A = arith.constant 0 : index
      %swap3A_56 = arith.constant 0 : index
      %swap3A_57 = vector.load %arg11[%swap3A, %swap3A_56] : memref<1x32xf32, #tpu.memory_space<vmem>>, vector<1x32xf32>
      tpu.vector_store %arg11[%swap3A, %swap3A_56], %broadcast_in_dim3A {strides = array<i32>} : memref<1x32xf32, #tpu.memory_space<vmem>>, vector<1x32xf32>,
    } else {
    }
    %gt3A = arith.constant 0 : i32
    %gt3A_47 = arith.cmpi sgt, %arg0, %gt3A : i32
    %convert_element_type3A_48 = arith.extui %gt3A_47 : i1 to i32
    %cond3A_49 = arith.constant 0 : i32
    %cond3A_50 = arith.cmpi ne, %convert_element_type3A_48, %cond3A_49 : i32
    scf.if %cond3A_50 {
      %get3A_56 = arith.constant 0 : index
      %get3A_57 = arith.constant 0 : index
      %get3A_58 = vector.load %arg11[%get3A_56, %get3A_57] : memref<1x32xf32, #tpu.memory_space<vmem>>, vector<1x32xf32>
      %add3A_59 = arith.addf %get3A_58, %broadcast_in_dim3A : vector<1x32xf32>
      %swap3A = arith.constant 0 : index
      %swap3A_60 = arith.constant 0 : index
      %swap3A_61 = vector.load %arg11[%swap3A, %swap3A_60] : memref<1x32xf32, #tpu.memory_space<vmem>>, vector<1x32xf32>
      tpu.vector_store %arg11[%swap3A, %swap3A_60], %add3A_59 {strides = array<i32>} : memref<1x32xf32, #tpu.memory_space<vmem>>, vector<1x32xf32>,
    } else {
    }
    %eq3A_51 = arith.constant 24 : i32
    %eq3A_52 = arith.cmpi eq, %arg0, %eq3A_51 : i32
    %convert_element_type3A_53 = arith.extui %eq3A_52 : i1 to i32
    %cond3A_54 = arith.constant 0 : i32
    %cond3A_55 = arith.cmpi ne, %convert_element_type3A_53, %cond3A_54 : i32
    scf.if %cond3A_55 {
      %get3A_56 = arith.constant 0 : index
      %get3A_57 = arith.constant 0 : index
      %get3A_58 = vector.load %arg11[%get3A_56, %get3A_57] : memref<1x32xf32, #tpu.memory_space<vmem>>, vector<1x32xf32>
      %get3A_59 = arith.constant 0 : index
      %get3A_60 = arith.constant 0 : index
      %get3A_61 = arith.constant 0 : index
      %get3A_62 = vector.load %arg6[%get3A_59, %get3A_60, %get3A_61] : memref<11x32x5xf32, #tpu.memory_space<vmem>>, vector<11x32x5xf32>
      %get3A_63 = arith.constant 0 : index
      %get3A_64 = arith.constant 0 : index
      %get3A_65 = vector.load %arg7[%get3A_63, %get3A_64] : memref<32x5xf32, #tpu.memory_space<vmem>>, vector<32x5xf32>
      %get3A_66 = arith.constant 0 : index
      %get3A_67 = arith.constant 0 : index
      %get3A_68 = arith.constant 0 : index
      %get3A_69 = vector.load %arg8[%get3A_66, %get3A_67, %get3A_68] : memref<11x5x16xf32, #tpu.memory_space<vmem>>, vector<11x5x16xf32>
      %get3A_70 = arith.constant 0 : index
      %get3A_71 = arith.constant 0 : index
      %get3A_72 = vector.load %arg9[%get3A_70, %get3A_71] : memref<5x16xf32, #tpu.memory_space<vmem>>, vector<5x16xf32>
      %add3A_73 = arith.constant 1.750000e+00 : f32
      %add3A_74 = vector.broadcast %add3A_73 : f32 to vector<1x32xf32>
      %add3A_75 = arith.addf %get3A_58, %add3A_74 : vector<1x32xf32>
      %mul3A_76 = arith.constant 4.000000e+00 : f32
      %mul3A_77 = vector.broadcast %mul3A_76 : f32 to vector<1x32xf32>
      %mul3A_78 = arith.mulf %add3A_75, %mul3A_77 : vector<1x32xf32>
      %floor3A = math.floor %mul3A_78 : vector<1x32xf32>
      %sub3A = arith.subf %mul3A_78, %floor3A : vector<1x32xf32>
      %mul3A_79 = arith.mulf %sub3A, %sub3A : vector<1x32xf32>
      %mul3A_80 = arith.mulf %mul3A_79, %sub3A : vector<1x32xf32>
      %mul3A_81 = arith.constant 0.166666672 : f32
      %mul3A_82 = vector.broadcast %mul3A_81 : f32 to vector<1x32xf32>
      %mul3A_83 = arith.mulf %mul3A_80, %mul3A_82 : vector<1x32xf32>
      %sub3A_84 = arith.constant 1.000000e+00 : f32
      %sub3A_85 = vector.broadcast %sub3A_84 : f32 to vector<1x32xf32>
      %sub3A_86 = arith.subf %sub3A_85, %sub3A : vector<1x32xf32>
      %mul3A_87 = arith.mulf %sub3A_86, %sub3A_86 : vector<1x32xf32>
      %mul3A_88 = arith.mulf %mul3A_87, %sub3A_86 : vector<1x32xf32>
      %mul3A_89 = arith.constant 0.166666672 : f32
      %mul3A_90 = vector.broadcast %mul3A_89 : f32 to vector<1x32xf32>
      %mul3A_91 = arith.mulf %mul3A_88, %mul3A_90 : vector<1x32xf32>
      %mul3A_92 = arith.constant 3.000000e+00 : f32
      %mul3A_93 = vector.broadcast %mul3A_92 : f32 to vector<1x32xf32>
      %mul3A_94 = arith.mulf %mul3A_93, %sub3A : vector<1x32xf32>
      %add3A_95 = arith.constant 1.000000e+00 : f32
      %add3A_96 = vector.broadcast %add3A_95 : f32 to vector<1x32xf32>
      %add3A_97 = arith.addf %add3A_96, %mul3A_94 : vector<1x32xf32>
      %mul3A_98 = arith.constant 3.000000e+00 : f32
      %mul3A_99 = vector.broadcast %mul3A_98 : f32 to vector<1x32xf32>
      %mul3A_100 = arith.mulf %mul3A_99, %mul3A_79 : vector<1x32xf32>
      %add3A_101 = arith.addf %add3A_97, %mul3A_100 : vector<1x32xf32>
      %mul3A_102 = arith.constant 3.000000e+00 : f32
      %mul3A_103 = vector.broadcast %mul3A_102 : f32 to vector<1x32xf32>
      %mul3A_104 = arith.mulf %mul3A_103, %mul3A_80 : vector<1x32xf32>
      %sub3A_105 = arith.subf %add3A_101, %mul3A_104 : vector<1x32xf32>
      %mul3A_106 = arith.constant 0.166666672 : f32
      %mul3A_107 = vector.broadcast %mul3A_106 : f32 to vector<1x32xf32>
      %mul3A_108 = arith.mulf %sub3A_105, %mul3A_107 : vector<1x32xf32>
      %mul3A_109 = arith.constant 6.000000e+00 : f32
      %mul3A_110 = vector.broadcast %mul3A_109 : f32 to vector<1x32xf32>
      %mul3A_111 = arith.mulf %mul3A_110, %mul3A_79 : vector<1x32xf32>
      %sub3A_112 = arith.constant 4.000000e+00 : f32
      %sub3A_113 = vector.broadcast %sub3A_112 : f32 to vector<1x32xf32>
      %sub3A_114 = arith.subf %sub3A_113, %mul3A_111 : vector<1x32xf32>
      %mul3A_115 = arith.constant 3.000000e+00 : f32
      %mul3A_116 = vector.broadcast %mul3A_115 : f32 to vector<1x32xf32>
      %mul3A_117 = arith.mulf %mul3A_116, %mul3A_80 : vector<1x32xf32>
      %add3A_118 = arith.addf %sub3A_114, %mul3A_117 : vector<1x32xf32>
      %mul3A_119 = arith.constant 0.166666672 : f32
      %mul3A_120 = vector.broadcast %mul3A_119 : f32 to vector<1x32xf32>
      %mul3A_121 = arith.mulf %add3A_118, %mul3A_120 : vector<1x32xf32>
      %broadcast_in_dim3A_122 = arith.constant 0.000000e+00 : f32
      %broadcast_in_dim3A_123 = vector.broadcast %broadcast_in_dim3A_122 : f32 to vector<1x32xf32>
      %eq3A_124 = arith.constant 0.000000e+00 : f32
      %eq3A_125 = vector.broadcast %eq3A_124 : f32 to vector<1x32xf32>
      %eq3A_126 = arith.cmpf oeq, %floor3A, %eq3A_125 : vector<1x32xf32>
      %select_n3A_127 = arith.select %eq3A_126, %mul3A_83, %broadcast_in_dim3A_123 : vector<1x32xi1>, vector<1x32xf32>
      %eq3A_128 = arith.constant 1.000000e+00 : f32
      %eq3A_129 = vector.broadcast %eq3A_128 : f32 to vector<1x32xf32>
      %eq3A_130 = arith.cmpf oeq, %floor3A, %eq3A_129 : vector<1x32xf32>
      %select_n3A_131 = arith.select %eq3A_130, %mul3A_108, %broadcast_in_dim3A_123 : vector<1x32xi1>, vector<1x32xf32>
      %add3A_132 = arith.addf %select_n3A_127, %select_n3A_131 : vector<1x32xf32>
      %eq3A_133 = arith.constant 2.000000e+00 : f32
      %eq3A_134 = vector.broadcast %eq3A_133 : f32 to vector<1x32xf32>
      %eq3A_135 = arith.cmpf oeq, %floor3A, %eq3A_134 : vector<1x32xf32>
      %select_n3A_136 = arith.select %eq3A_135, %mul3A_121, %broadcast_in_dim3A_123 : vector<1x32xi1>, vector<1x32xf32>
      %add3A_137 = arith.addf %add3A_132, %select_n3A_136 : vector<1x32xf32>
      %eq3A_138 = arith.constant 3.000000e+00 : f32
      %eq3A_139 = vector.broadcast %eq3A_138 : f32 to vector<1x32xf32>
      %eq3A_140 = arith.cmpf oeq, %floor3A, %eq3A_139 : vector<1x32xf32>
      %select_n3A_141 = arith.select %eq3A_140, %mul3A_91, %broadcast_in_dim3A_123 : vector<1x32xi1>, vector<1x32xf32>
      %add3A_142 = arith.addf %add3A_137, %select_n3A_141 : vector<1x32xf32>
      %eq3A_143 = arith.constant 1.000000e+00 : f32
      %eq3A_144 = vector.broadcast %eq3A_143 : f32 to vector<1x32xf32>
      %eq3A_145 = arith.cmpf oeq, %floor3A, %eq3A_144 : vector<1x32xf32>
      %select_n3A_146 = arith.select %eq3A_145, %mul3A_83, %broadcast_in_dim3A_123 : vector<1x32xi1>, vector<1x32xf32>
      %eq3A_147 = arith.constant 2.000000e+00 : f32
      %eq3A_148 = vector.broadcast %eq3A_147 : f32 to vector<1x32xf32>
      %eq3A_149 = arith.cmpf oeq, %floor3A, %eq3A_148 : vector<1x32xf32>
      %select_n3A_150 = arith.select %eq3A_149, %mul3A_108, %broadcast_in_dim3A_123 : vector<1x32xi1>, vector<1x32xf32>
      %add3A_151 = arith.addf %select_n3A_146, %select_n3A_150 : vector<1x32xf32>
      %eq3A_152 = arith.constant 3.000000e+00 : f32
      %eq3A_153 = vector.broadcast %eq3A_152 : f32 to vector<1x32xf32>
      %eq3A_154 = arith.cmpf oeq, %floor3A, %eq3A_153 : vector<1x32xf32>
      %select_n3A_155 = arith.select %eq3A_154, %mul3A_121, %broadcast_in_dim3A_123 : vector<1x32xi1>, vector<1x32xf32>
      %add3A_156 = arith.addf %add3A_151, %select_n3A_155 : vector<1x32xf32>
      %eq3A_157 = arith.constant 4.000000e+00 : f32
      %eq3A_158 = vector.broadcast %eq3A_157 : f32 to vector<1x32xf32>
      %eq3A_159 = arith.cmpf oeq, %floor3A, %eq3A_158 : vector<1x32xf32>
      %select_n3A_160 = arith.select %eq3A_159, %mul3A_91, %broadcast_in_dim3A_123 : vector<1x32xi1>, vector<1x32xf32>
      %add3A_161 = arith.addf %add3A_156, %select_n3A_160 : vector<1x32xf32>
      %eq3A_162 = arith.constant 2.000000e+00 : f32
      %eq3A_163 = vector.broadcast %eq3A_162 : f32 to vector<1x32xf32>
      %eq3A_164 = arith.cmpf oeq, %floor3A, %eq3A_163 : vector<1x32xf32>
      %select_n3A_165 = arith.select %eq3A_164, %mul3A_83, %broadcast_in_dim3A_123 : vector<1x32xi1>, vector<1x32xf32>
      %eq3A_166 = arith.constant 3.000000e+00 : f32
      %eq3A_167 = vector.broadcast %eq3A_166 : f32 to vector<1x32xf32>
      %eq3A_168 = arith.cmpf oeq, %floor3A, %eq3A_167 : vector<1x32xf32>
      %select_n3A_169 = arith.select %eq3A_168, %mul3A_108, %broadcast_in_dim3A_123 : vector<1x32xi1>, vector<1x32xf32>
      %add3A_170 = arith.addf %select_n3A_165, %select_n3A_169 : vector<1x32xf32>
      %eq3A_171 = arith.constant 4.000000e+00 : f32
      %eq3A_172 = vector.broadcast %eq3A_171 : f32 to vector<1x32xf32>
      %eq3A_173 = arith.cmpf oeq, %floor3A, %eq3A_172 : vector<1x32xf32>
      %select_n3A_174 = arith.select %eq3A_173, %mul3A_121, %broadcast_in_dim3A_123 : vector<1x32xi1>, vector<1x32xf32>
      %add3A_175 = arith.addf %add3A_170, %select_n3A_174 : vector<1x32xf32>
      %eq3A_176 = arith.constant 5.000000e+00 : f32
      %eq3A_177 = vector.broadcast %eq3A_176 : f32 to vector<1x32xf32>
      %eq3A_178 = arith.cmpf oeq, %floor3A, %eq3A_177 : vector<1x32xf32>
      %select_n3A_179 = arith.select %eq3A_178, %mul3A_91, %broadcast_in_dim3A_123 : vector<1x32xi1>, vector<1x32xf32>
      %add3A_180 = arith.addf %add3A_175, %select_n3A_179 : vector<1x32xf32>
      %eq3A_181 = arith.constant 3.000000e+00 : f32
      %eq3A_182 = vector.broadcast %eq3A_181 : f32 to vector<1x32xf32>
      %eq3A_183 = arith.cmpf oeq, %floor3A, %eq3A_182 : vector<1x32xf32>
      %select_n3A_184 = arith.select %eq3A_183, %mul3A_83, %broadcast_in_dim3A_123 : vector<1x32xi1>, vector<1x32xf32>
      %eq3A_185 = arith.constant 4.000000e+00 : f32
      %eq3A_186 = vector.broadcast %eq3A_185 : f32 to vector<1x32xf32>
      %eq3A_187 = arith.cmpf oeq, %floor3A, %eq3A_186 : vector<1x32xf32>
      %select_n3A_188 = arith.select %eq3A_187, %mul3A_108, %broadcast_in_dim3A_123 : vector<1x32xi1>, vector<1x32xf32>
      %add3A_189 = arith.addf %select_n3A_184, %select_n3A_188 : vector<1x32xf32>
      %eq3A_190 = arith.constant 5.000000e+00 : f32
      %eq3A_191 = vector.broadcast %eq3A_190 : f32 to vector<1x32xf32>
      %eq3A_192 = arith.cmpf oeq, %floor3A, %eq3A_191 : vector<1x32xf32>
      %select_n3A_193 = arith.select %eq3A_192, %mul3A_121, %broadcast_in_dim3A_123 : vector<1x32xi1>, vector<1x32xf32>
      %add3A_194 = arith.addf %add3A_189, %select_n3A_193 : vector<1x32xf32>
      %eq3A_195 = arith.constant 6.000000e+00 : f32
      %eq3A_196 = vector.broadcast %eq3A_195 : f32 to vector<1x32xf32>
      %eq3A_197 = arith.cmpf oeq, %floor3A, %eq3A_196 : vector<1x32xf32>
      %select_n3A_198 = arith.select %eq3A_197, %mul3A_91, %broadcast_in_dim3A_123 : vector<1x32xi1>, vector<1x32xf32>
      %add3A_199 = arith.addf %add3A_194, %select_n3A_198 : vector<1x32xf32>
      %eq3A_200 = arith.constant 4.000000e+00 : f32
      %eq3A_201 = vector.broadcast %eq3A_200 : f32 to vector<1x32xf32>
      %eq3A_202 = arith.cmpf oeq, %floor3A, %eq3A_201 : vector<1x32xf32>
      %select_n3A_203 = arith.select %eq3A_202, %mul3A_83, %broadcast_in_dim3A_123 : vector<1x32xi1>, vector<1x32xf32>
      %eq3A_204 = arith.constant 5.000000e+00 : f32
      %eq3A_205 = vector.broadcast %eq3A_204 : f32 to vector<1x32xf32>
      %eq3A_206 = arith.cmpf oeq, %floor3A, %eq3A_205 : vector<1x32xf32>
      %select_n3A_207 = arith.select %eq3A_206, %mul3A_108, %broadcast_in_dim3A_123 : vector<1x32xi1>, vector<1x32xf32>
      %add3A_208 = arith.addf %select_n3A_203, %select_n3A_207 : vector<1x32xf32>
      %eq3A_209 = arith.constant 6.000000e+00 : f32
      %eq3A_210 = vector.broadcast %eq3A_209 : f32 to vector<1x32xf32>
      %eq3A_211 = arith.cmpf oeq, %floor3A, %eq3A_210 : vector<1x32xf32>
      %select_n3A_212 = arith.select %eq3A_211, %mul3A_121, %broadcast_in_dim3A_123 : vector<1x32xi1>, vector<1x32xf32>
      %add3A_213 = arith.addf %add3A_208, %select_n3A_212 : vector<1x32xf32>
      %eq3A_214 = arith.constant 7.000000e+00 : f32
      %eq3A_215 = vector.broadcast %eq3A_214 : f32 to vector<1x32xf32>
      %eq3A_216 = arith.cmpf oeq, %floor3A, %eq3A_215 : vector<1x32xf32>
      %select_n3A_217 = arith.select %eq3A_216, %mul3A_91, %broadcast_in_dim3A_123 : vector<1x32xi1>, vector<1x32xf32>
      %add3A_218 = arith.addf %add3A_213, %select_n3A_217 : vector<1x32xf32>
      %eq3A_219 = arith.constant 5.000000e+00 : f32
      %eq3A_220 = vector.broadcast %eq3A_219 : f32 to vector<1x32xf32>
      %eq3A_221 = arith.cmpf oeq, %floor3A, %eq3A_220 : vector<1x32xf32>
      %select_n3A_222 = arith.select %eq3A_221, %mul3A_83, %broadcast_in_dim3A_123 : vector<1x32xi1>, vector<1x32xf32>
      %eq3A_223 = arith.constant 6.000000e+00 : f32
      %eq3A_224 = vector.broadcast %eq3A_223 : f32 to vector<1x32xf32>
      %eq3A_225 = arith.cmpf oeq, %floor3A, %eq3A_224 : vector<1x32xf32>
      %select_n3A_226 = arith.select %eq3A_225, %mul3A_108, %broadcast_in_dim3A_123 : vector<1x32xi1>, vector<1x32xf32>
      %add3A_227 = arith.addf %select_n3A_222, %select_n3A_226 : vector<1x32xf32>
      %eq3A_228 = arith.constant 7.000000e+00 : f32
      %eq3A_229 = vector.broadcast %eq3A_228 : f32 to vector<1x32xf32>
      %eq3A_230 = arith.cmpf oeq, %floor3A, %eq3A_229 : vector<1x32xf32>
      %select_n3A_231 = arith.select %eq3A_230, %mul3A_121, %broadcast_in_dim3A_123 : vector<1x32xi1>, vector<1x32xf32>
      %add3A_232 = arith.addf %add3A_227, %select_n3A_231 : vector<1x32xf32>
      %eq3A_233 = arith.constant 8.000000e+00 : f32
      %eq3A_234 = vector.broadcast %eq3A_233 : f32 to vector<1x32xf32>
      %eq3A_235 = arith.cmpf oeq, %floor3A, %eq3A_234 : vector<1x32xf32>
      %select_n3A_236 = arith.select %eq3A_235, %mul3A_91, %broadcast_in_dim3A_123 : vector<1x32xi1>, vector<1x32xf32>
      %add3A_237 = arith.addf %add3A_232, %select_n3A_236 : vector<1x32xf32>
      %eq3A_238 = arith.constant 6.000000e+00 : f32
      %eq3A_239 = vector.broadcast %eq3A_238 : f32 to vector<1x32xf32>
      %eq3A_240 = arith.cmpf oeq, %floor3A, %eq3A_239 : vector<1x32xf32>
      %select_n3A_241 = arith.select %eq3A_240, %mul3A_83, %broadcast_in_dim3A_123 : vector<1x32xi1>, vector<1x32xf32>
      %eq3A_242 = arith.constant 7.000000e+00 : f32
      %eq3A_243 = vector.broadcast %eq3A_242 : f32 to vector<1x32xf32>
      %eq3A_244 = arith.cmpf oeq, %floor3A, %eq3A_243 : vector<1x32xf32>
      %select_n3A_245 = arith.select %eq3A_244, %mul3A_108, %broadcast_in_dim3A_123 : vector<1x32xi1>, vector<1x32xf32>
      %add3A_246 = arith.addf %select_n3A_241, %select_n3A_245 : vector<1x32xf32>
      %eq3A_247 = arith.constant 8.000000e+00 : f32
      %eq3A_248 = vector.broadcast %eq3A_247 : f32 to vector<1x32xf32>
      %eq3A_249 = arith.cmpf oeq, %floor3A, %eq3A_248 : vector<1x32xf32>
      %select_n3A_250 = arith.select %eq3A_249, %mul3A_121, %broadcast_in_dim3A_123 : vector<1x32xi1>, vector<1x32xf32>
      %add3A_251 = arith.addf %add3A_246, %select_n3A_250 : vector<1x32xf32>
      %eq3A_252 = arith.constant 9.000000e+00 : f32
      %eq3A_253 = vector.broadcast %eq3A_252 : f32 to vector<1x32xf32>
      %eq3A_254 = arith.cmpf oeq, %floor3A, %eq3A_253 : vector<1x32xf32>
      %select_n3A_255 = arith.select %eq3A_254, %mul3A_91, %broadcast_in_dim3A_123 : vector<1x32xi1>, vector<1x32xf32>
      %add3A_256 = arith.addf %add3A_251, %select_n3A_255 : vector<1x32xf32>
      %eq3A_257 = arith.constant 7.000000e+00 : f32
      %eq3A_258 = vector.broadcast %eq3A_257 : f32 to vector<1x32xf32>
      %eq3A_259 = arith.cmpf oeq, %floor3A, %eq3A_258 : vector<1x32xf32>
      %select_n3A_260 = arith.select %eq3A_259, %mul3A_83, %broadcast_in_dim3A_123 : vector<1x32xi1>, vector<1x32xf32>
      %eq3A_261 = arith.constant 8.000000e+00 : f32
      %eq3A_262 = vector.broadcast %eq3A_261 : f32 to vector<1x32xf32>
      %eq3A_263 = arith.cmpf oeq, %floor3A, %eq3A_262 : vector<1x32xf32>
      %select_n3A_264 = arith.select %eq3A_263, %mul3A_108, %broadcast_in_dim3A_123 : vector<1x32xi1>, vector<1x32xf32>
      %add3A_265 = arith.addf %select_n3A_260, %select_n3A_264 : vector<1x32xf32>
      %eq3A_266 = arith.constant 9.000000e+00 : f32
      %eq3A_267 = vector.broadcast %eq3A_266 : f32 to vector<1x32xf32>
      %eq3A_268 = arith.cmpf oeq, %floor3A, %eq3A_267 : vector<1x32xf32>
      %select_n3A_269 = arith.select %eq3A_268, %mul3A_121, %broadcast_in_dim3A_123 : vector<1x32xi1>, vector<1x32xf32>
      %add3A_270 = arith.addf %add3A_265, %select_n3A_269 : vector<1x32xf32>
      %eq3A_271 = arith.constant 1.000000e+01 : f32
      %eq3A_272 = vector.broadcast %eq3A_271 : f32 to vector<1x32xf32>
      %eq3A_273 = arith.cmpf oeq, %floor3A, %eq3A_272 : vector<1x32xf32>
      %select_n3A_274 = arith.select %eq3A_273, %mul3A_91, %broadcast_in_dim3A_123 : vector<1x32xi1>, vector<1x32xf32>
      %add3A_275 = arith.addf %add3A_270, %select_n3A_274 : vector<1x32xf32>
      %eq3A_276 = arith.constant 8.000000e+00 : f32
      %eq3A_277 = vector.broadcast %eq3A_276 : f32 to vector<1x32xf32>
      %eq3A_278 = arith.cmpf oeq, %floor3A, %eq3A_277 : vector<1x32xf32>
      %select_n3A_279 = arith.select %eq3A_278, %mul3A_83, %broadcast_in_dim3A_123 : vector<1x32xi1>, vector<1x32xf32>
      %eq3A_280 = arith.constant 9.000000e+00 : f32
      %eq3A_281 = vector.broadcast %eq3A_280 : f32 to vector<1x32xf32>
      %eq3A_282 = arith.cmpf oeq, %floor3A, %eq3A_281 : vector<1x32xf32>
      %select_n3A_283 = arith.select %eq3A_282, %mul3A_108, %broadcast_in_dim3A_123 : vector<1x32xi1>, vector<1x32xf32>
      %add3A_284 = arith.addf %select_n3A_279, %select_n3A_283 : vector<1x32xf32>
      %eq3A_285 = arith.constant 1.000000e+01 : f32
      %eq3A_286 = vector.broadcast %eq3A_285 : f32 to vector<1x32xf32>
      %eq3A_287 = arith.cmpf oeq, %floor3A, %eq3A_286 : vector<1x32xf32>
      %select_n3A_288 = arith.select %eq3A_287, %mul3A_121, %broadcast_in_dim3A_123 : vector<1x32xi1>, vector<1x32xf32>
      %add3A_289 = arith.addf %add3A_284, %select_n3A_288 : vector<1x32xf32>
      %eq3A_290 = arith.constant 1.100000e+01 : f32
      %eq3A_291 = vector.broadcast %eq3A_290 : f32 to vector<1x32xf32>
      %eq3A_292 = arith.cmpf oeq, %floor3A, %eq3A_291 : vector<1x32xf32>
      %select_n3A_293 = arith.select %eq3A_292, %mul3A_91, %broadcast_in_dim3A_123 : vector<1x32xi1>, vector<1x32xf32>
      %add3A_294 = arith.addf %add3A_289, %select_n3A_293 : vector<1x32xf32>
      %eq3A_295 = arith.constant 9.000000e+00 : f32
      %eq3A_296 = vector.broadcast %eq3A_295 : f32 to vector<1x32xf32>
      %eq3A_297 = arith.cmpf oeq, %floor3A, %eq3A_296 : vector<1x32xf32>
      %select_n3A_298 = arith.select %eq3A_297, %mul3A_83, %broadcast_in_dim3A_123 : vector<1x32xi1>, vector<1x32xf32>
      %eq3A_299 = arith.constant 1.000000e+01 : f32
      %eq3A_300 = vector.broadcast %eq3A_299 : f32 to vector<1x32xf32>
      %eq3A_301 = arith.cmpf oeq, %floor3A, %eq3A_300 : vector<1x32xf32>
      %select_n3A_302 = arith.select %eq3A_301, %mul3A_108, %broadcast_in_dim3A_123 : vector<1x32xi1>, vector<1x32xf32>
      %add3A_303 = arith.addf %select_n3A_298, %select_n3A_302 : vector<1x32xf32>
      %eq3A_304 = arith.constant 1.100000e+01 : f32
      %eq3A_305 = vector.broadcast %eq3A_304 : f32 to vector<1x32xf32>
      %eq3A_306 = arith.cmpf oeq, %floor3A, %eq3A_305 : vector<1x32xf32>
      %select_n3A_307 = arith.select %eq3A_306, %mul3A_121, %broadcast_in_dim3A_123 : vector<1x32xi1>, vector<1x32xf32>
      %add3A_308 = arith.addf %add3A_303, %select_n3A_307 : vector<1x32xf32>
      %eq3A_309 = arith.constant 1.200000e+01 : f32
      %eq3A_310 = vector.broadcast %eq3A_309 : f32 to vector<1x32xf32>
      %eq3A_311 = arith.cmpf oeq, %floor3A, %eq3A_310 : vector<1x32xf32>
      %select_n3A_312 = arith.select %eq3A_311, %mul3A_91, %broadcast_in_dim3A_123 : vector<1x32xi1>, vector<1x32xf32>
      %add3A_313 = arith.addf %add3A_308, %select_n3A_312 : vector<1x32xf32>
      %eq3A_314 = arith.constant 1.000000e+01 : f32
      %eq3A_315 = vector.broadcast %eq3A_314 : f32 to vector<1x32xf32>
      %eq3A_316 = arith.cmpf oeq, %floor3A, %eq3A_315 : vector<1x32xf32>
      %select_n3A_317 = arith.select %eq3A_316, %mul3A_83, %broadcast_in_dim3A_123 : vector<1x32xi1>, vector<1x32xf32>
      %eq3A_318 = arith.constant 1.100000e+01 : f32
      %eq3A_319 = vector.broadcast %eq3A_318 : f32 to vector<1x32xf32>
      %eq3A_320 = arith.cmpf oeq, %floor3A, %eq3A_319 : vector<1x32xf32>
      %select_n3A_321 = arith.select %eq3A_320, %mul3A_108, %broadcast_in_dim3A_123 : vector<1x32xi1>, vector<1x32xf32>
      %add3A_322 = arith.addf %select_n3A_317, %select_n3A_321 : vector<1x32xf32>
      %eq3A_323 = arith.constant 1.200000e+01 : f32
      %eq3A_324 = vector.broadcast %eq3A_323 : f32 to vector<1x32xf32>
      %eq3A_325 = arith.cmpf oeq, %floor3A, %eq3A_324 : vector<1x32xf32>
      %select_n3A_326 = arith.select %eq3A_325, %mul3A_121, %broadcast_in_dim3A_123 : vector<1x32xi1>, vector<1x32xf32>
      %add3A_327 = arith.addf %add3A_322, %select_n3A_326 : vector<1x32xf32>
      %eq3A_328 = arith.constant 1.300000e+01 : f32
      %eq3A_329 = vector.broadcast %eq3A_328 : f32 to vector<1x32xf32>
      %eq3A_330 = arith.cmpf oeq, %floor3A, %eq3A_329 : vector<1x32xf32>
      %select_n3A_331 = arith.select %eq3A_330, %mul3A_91, %broadcast_in_dim3A_123 : vector<1x32xi1>, vector<1x32xf32>
      %add3A_332 = arith.addf %add3A_327, %select_n3A_331 : vector<1x32xf32>
      %neg3A = arith.constant 0.000000e+00 : f32
      %neg3A_333 = vector.broadcast %neg3A : f32 to vector<1x32xf32>
      %neg3A_334 = arith.subf %neg3A_333, %get3A_58 : vector<1x32xf32>
      %exp3A = math.exp %neg3A_334 : vector<1x32xf32>
      %add3A_335 = arith.constant 1.000000e+00 : f32
      %add3A_336 = vector.broadcast %add3A_335 : f32 to vector<1x32xf32>
      %add3A_337 = arith.addf %add3A_336, %exp3A : vector<1x32xf32>
      %div3A_338 = arith.constant 1.000000e+00 : f32
      %div3A_339 = vector.broadcast %div3A_338 : f32 to vector<1x32xf32>
      %div3A_340 = arith.divf %div3A_339, %add3A_337 : vector<1x32xf32>
      %mul3A_341 = arith.mulf %get3A_58, %div3A_340 : vector<1x32xf32>
      %dot_general3A_342 = arith.constant dense<0.000000e+00> : vector<1x5xf32>
      %dot_general3A_343 = tpu.matmul %mul3A_341, %get3A_65, %dot_general3A_342 {dimension_numbers = #tpu.dot_dimension_numbers<[1], [0], [0], [1], [0, 0, 1, 1], [], []>, transpose_lhs_hint = false} : vector<1x32xf32>, vector<32x5xf32>, vector<1x5xf32> -> vector<1x5xf32>
      %slice3A = vector.extract_strided_slice %get3A_62 {offsets = [0, 0, 0], sizes = [1, 32, 5], strides = [1, 1, 1]} : vector<11x32x5xf32> to vector<1x32x5xf32>
      %squeeze3A = vector.shape_cast %slice3A : vector<1x32x5xf32> to vector<32x5xf32>
      %dot_general3A_344 = arith.constant dense<0.000000e+00> : vector<1x5xf32>
      %dot_general3A_345 = tpu.matmul %add3A_142, %squeeze3A, %dot_general3A_344 {dimension_numbers = #tpu.dot_dimension_numbers<[1], [0], [0], [1], [0, 0, 1, 1], [], []>, transpose_lhs_hint = false} : vector<1x32xf32>, vector<32x5xf32>, vector<1x5xf32> -> vector<1x5xf32>
      %add3A_346 = arith.addf %dot_general3A_343, %dot_general3A_345 : vector<1x5xf32>
      %slice3A_347 = vector.extract_strided_slice %get3A_62 {offsets = [1, 0, 0], sizes = [1, 32, 5], strides = [1, 1, 1]} : vector<11x32x5xf32> to vector<1x32x5xf32>
      %squeeze3A_348 = vector.shape_cast %slice3A_347 : vector<1x32x5xf32> to vector<32x5xf32>
      %dot_general3A_349 = arith.constant dense<0.000000e+00> : vector<1x5xf32>
      %dot_general3A_350 = tpu.matmul %add3A_161, %squeeze3A_348, %dot_general3A_349 {dimension_numbers = #tpu.dot_dimension_numbers<[1], [0], [0], [1], [0, 0, 1, 1], [], []>, transpose_lhs_hint = false} : vector<1x32xf32>, vector<32x5xf32>, vector<1x5xf32> -> vector<1x5xf32>
      %add3A_351 = arith.addf %add3A_346, %dot_general3A_350 : vector<1x5xf32>
      %slice3A_352 = vector.extract_strided_slice %get3A_62 {offsets = [2, 0, 0], sizes = [1, 32, 5], strides = [1, 1, 1]} : vector<11x32x5xf32> to vector<1x32x5xf32>
      %squeeze3A_353 = vector.shape_cast %slice3A_352 : vector<1x32x5xf32> to vector<32x5xf32>
      %dot_general3A_354 = arith.constant dense<0.000000e+00> : vector<1x5xf32>
      %dot_general3A_355 = tpu.matmul %add3A_180, %squeeze3A_353, %dot_general3A_354 {dimension_numbers = #tpu.dot_dimension_numbers<[1], [0], [0], [1], [0, 0, 1, 1], [], []>, transpose_lhs_hint = false} : vector<1x32xf32>, vector<32x5xf32>, vector<1x5xf32> -> vector<1x5xf32>
      %add3A_356 = arith.addf %add3A_351, %dot_general3A_355 : vector<1x5xf32>
      %slice3A_357 = vector.extract_strided_slice %get3A_62 {offsets = [3, 0, 0], sizes = [1, 32, 5], strides = [1, 1, 1]} : vector<11x32x5xf32> to vector<1x32x5xf32>
      %squeeze3A_358 = vector.shape_cast %slice3A_357 : vector<1x32x5xf32> to vector<32x5xf32>
      %dot_general3A_359 = arith.constant dense<0.000000e+00> : vector<1x5xf32>
      %dot_general3A_360 = tpu.matmul %add3A_199, %squeeze3A_358, %dot_general3A_359 {dimension_numbers = #tpu.dot_dimension_numbers<[1], [0], [0], [1], [0, 0, 1, 1], [], []>, transpose_lhs_hint = false} : vector<1x32xf32>, vector<32x5xf32>, vector<1x5xf32> -> vector<1x5xf32>
      %add3A_361 = arith.addf %add3A_356, %dot_general3A_360 : vector<1x5xf32>
      %slice3A_362 = vector.extract_strided_slice %get3A_62 {offsets = [4, 0, 0], sizes = [1, 32, 5], strides = [1, 1, 1]} : vector<11x32x5xf32> to vector<1x32x5xf32>
      %squeeze3A_363 = vector.shape_cast %slice3A_362 : vector<1x32x5xf32> to vector<32x5xf32>
      %dot_general3A_364 = arith.constant dense<0.000000e+00> : vector<1x5xf32>
      %dot_general3A_365 = tpu.matmul %add3A_218, %squeeze3A_363, %dot_general3A_364 {dimension_numbers = #tpu.dot_dimension_numbers<[1], [0], [0], [1], [0, 0, 1, 1], [], []>, transpose_lhs_hint = false} : vector<1x32xf32>, vector<32x5xf32>, vector<1x5xf32> -> vector<1x5xf32>
      %add3A_366 = arith.addf %add3A_361, %dot_general3A_365 : vector<1x5xf32>
      %slice3A_367 = vector.extract_strided_slice %get3A_62 {offsets = [5, 0, 0], sizes = [1, 32, 5], strides = [1, 1, 1]} : vector<11x32x5xf32> to vector<1x32x5xf32>
      %squeeze3A_368 = vector.shape_cast %slice3A_367 : vector<1x32x5xf32> to vector<32x5xf32>
      %dot_general3A_369 = arith.constant dense<0.000000e+00> : vector<1x5xf32>
      %dot_general3A_370 = tpu.matmul %add3A_237, %squeeze3A_368, %dot_general3A_369 {dimension_numbers = #tpu.dot_dimension_numbers<[1], [0], [0], [1], [0, 0, 1, 1], [], []>, transpose_lhs_hint = false} : vector<1x32xf32>, vector<32x5xf32>, vector<1x5xf32> -> vector<1x5xf32>
      %add3A_371 = arith.addf %add3A_366, %dot_general3A_370 : vector<1x5xf32>
      %slice3A_372 = vector.extract_strided_slice %get3A_62 {offsets = [6, 0, 0], sizes = [1, 32, 5], strides = [1, 1, 1]} : vector<11x32x5xf32> to vector<1x32x5xf32>
      %squeeze3A_373 = vector.shape_cast %slice3A_372 : vector<1x32x5xf32> to vector<32x5xf32>
      %dot_general3A_374 = arith.constant dense<0.000000e+00> : vector<1x5xf32>
      %dot_general3A_375 = tpu.matmul %add3A_256, %squeeze3A_373, %dot_general3A_374 {dimension_numbers = #tpu.dot_dimension_numbers<[1], [0], [0], [1], [0, 0, 1, 1], [], []>, transpose_lhs_hint = false} : vector<1x32xf32>, vector<32x5xf32>, vector<1x5xf32> -> vector<1x5xf32>
      %add3A_376 = arith.addf %add3A_371, %dot_general3A_375 : vector<1x5xf32>
      %slice3A_377 = vector.extract_strided_slice %get3A_62 {offsets = [7, 0, 0], sizes = [1, 32, 5], strides = [1, 1, 1]} : vector<11x32x5xf32> to vector<1x32x5xf32>
      %squeeze3A_378 = vector.shape_cast %slice3A_377 : vector<1x32x5xf32> to vector<32x5xf32>
      %dot_general3A_379 = arith.constant dense<0.000000e+00> : vector<1x5xf32>
      %dot_general3A_380 = tpu.matmul %add3A_275, %squeeze3A_378, %dot_general3A_379 {dimension_numbers = #tpu.dot_dimension_numbers<[1], [0], [0], [1], [0, 0, 1, 1], [], []>, transpose_lhs_hint = false} : vector<1x32xf32>, vector<32x5xf32>, vector<1x5xf32> -> vector<1x5xf32>
      %add3A_381 = arith.addf %add3A_376, %dot_general3A_380 : vector<1x5xf32>
      %slice3A_382 = vector.extract_strided_slice %get3A_62 {offsets = [8, 0, 0], sizes = [1, 32, 5], strides = [1, 1, 1]} : vector<11x32x5xf32> to vector<1x32x5xf32>
      %squeeze3A_383 = vector.shape_cast %slice3A_382 : vector<1x32x5xf32> to vector<32x5xf32>
      %dot_general3A_384 = arith.constant dense<0.000000e+00> : vector<1x5xf32>
      %dot_general3A_385 = tpu.matmul %add3A_294, %squeeze3A_383, %dot_general3A_384 {dimension_numbers = #tpu.dot_dimension_numbers<[1], [0], [0], [1], [0, 0, 1, 1], [], []>, transpose_lhs_hint = false} : vector<1x32xf32>, vector<32x5xf32>, vector<1x5xf32> -> vector<1x5xf32>
      %add3A_386 = arith.addf %add3A_381, %dot_general3A_385 : vector<1x5xf32>
      %slice3A_387 = vector.extract_strided_slice %get3A_62 {offsets = [9, 0, 0], sizes = [1, 32, 5], strides = [1, 1, 1]} : vector<11x32x5xf32> to vector<1x32x5xf32>
      %squeeze3A_388 = vector.shape_cast %slice3A_387 : vector<1x32x5xf32> to vector<32x5xf32>
      %dot_general3A_389 = arith.constant dense<0.000000e+00> : vector<1x5xf32>
      %dot_general3A_390 = tpu.matmul %add3A_313, %squeeze3A_388, %dot_general3A_389 {dimension_numbers = #tpu.dot_dimension_numbers<[1], [0], [0], [1], [0, 0, 1, 1], [], []>, transpose_lhs_hint = false} : vector<1x32xf32>, vector<32x5xf32>, vector<1x5xf32> -> vector<1x5xf32>
      %add3A_391 = arith.addf %add3A_386, %dot_general3A_390 : vector<1x5xf32>
      %slice3A_392 = vector.extract_strided_slice %get3A_62 {offsets = [10, 0, 0], sizes = [1, 32, 5], strides = [1, 1, 1]} : vector<11x32x5xf32> to vector<1x32x5xf32>
      %squeeze3A_393 = vector.shape_cast %slice3A_392 : vector<1x32x5xf32> to vector<32x5xf32>
      %dot_general3A_394 = arith.constant dense<0.000000e+00> : vector<1x5xf32>
      %dot_general3A_395 = tpu.matmul %add3A_332, %squeeze3A_393, %dot_general3A_394 {dimension_numbers = #tpu.dot_dimension_numbers<[1], [0], [0], [1], [0, 0, 1, 1], [], []>, transpose_lhs_hint = false} : vector<1x32xf32>, vector<32x5xf32>, vector<1x5xf32> -> vector<1x5xf32>
      %add3A_396 = arith.addf %add3A_391, %dot_general3A_395 : vector<1x5xf32>
      %add3A_397 = arith.constant 1.750000e+00 : f32
      %add3A_398 = vector.broadcast %add3A_397 : f32 to vector<1x5xf32>
      %add3A_399 = arith.addf %add3A_396, %add3A_398 : vector<1x5xf32>
      %mul3A_400 = arith.constant 4.000000e+00 : f32
      %mul3A_401 = vector.broadcast %mul3A_400 : f32 to vector<1x5xf32>
      %mul3A_402 = arith.mulf %add3A_399, %mul3A_401 : vector<1x5xf32>
      %floor3A_403 = math.floor %mul3A_402 : vector<1x5xf32>
      %sub3A_404 = arith.subf %mul3A_402, %floor3A_403 : vector<1x5xf32>
      %mul3A_405 = arith.mulf %sub3A_404, %sub3A_404 : vector<1x5xf32>
      %mul3A_406 = arith.mulf %mul3A_405, %sub3A_404 : vector<1x5xf32>
      %mul3A_407 = arith.constant 0.166666672 : f32
      %mul3A_408 = vector.broadcast %mul3A_407 : f32 to vector<1x5xf32>
      %mul3A_409 = arith.mulf %mul3A_406, %mul3A_408 : vector<1x5xf32>
      %sub3A_410 = arith.constant 1.000000e+00 : f32
      %sub3A_411 = vector.broadcast %sub3A_410 : f32 to vector<1x5xf32>
      %sub3A_412 = arith.subf %sub3A_411, %sub3A_404 : vector<1x5xf32>
      %mul3A_413 = arith.mulf %sub3A_412, %sub3A_412 : vector<1x5xf32>
      %mul3A_414 = arith.mulf %mul3A_413, %sub3A_412 : vector<1x5xf32>
      %mul3A_415 = arith.constant 0.166666672 : f32
      %mul3A_416 = vector.broadcast %mul3A_415 : f32 to vector<1x5xf32>
      %mul3A_417 = arith.mulf %mul3A_414, %mul3A_416 : vector<1x5xf32>
      %mul3A_418 = arith.constant 3.000000e+00 : f32
      %mul3A_419 = vector.broadcast %mul3A_418 : f32 to vector<1x5xf32>
      %mul3A_420 = arith.mulf %mul3A_419, %sub3A_404 : vector<1x5xf32>
      %add3A_421 = arith.constant 1.000000e+00 : f32
      %add3A_422 = vector.broadcast %add3A_421 : f32 to vector<1x5xf32>
      %add3A_423 = arith.addf %add3A_422, %mul3A_420 : vector<1x5xf32>
      %mul3A_424 = arith.constant 3.000000e+00 : f32
      %mul3A_425 = vector.broadcast %mul3A_424 : f32 to vector<1x5xf32>
      %mul3A_426 = arith.mulf %mul3A_425, %mul3A_405 : vector<1x5xf32>
      %add3A_427 = arith.addf %add3A_423, %mul3A_426 : vector<1x5xf32>
      %mul3A_428 = arith.constant 3.000000e+00 : f32
      %mul3A_429 = vector.broadcast %mul3A_428 : f32 to vector<1x5xf32>
      %mul3A_430 = arith.mulf %mul3A_429, %mul3A_406 : vector<1x5xf32>
      %sub3A_431 = arith.subf %add3A_427, %mul3A_430 : vector<1x5xf32>
      %mul3A_432 = arith.constant 0.166666672 : f32
      %mul3A_433 = vector.broadcast %mul3A_432 : f32 to vector<1x5xf32>
      %mul3A_434 = arith.mulf %sub3A_431, %mul3A_433 : vector<1x5xf32>
      %mul3A_435 = arith.constant 6.000000e+00 : f32
      %mul3A_436 = vector.broadcast %mul3A_435 : f32 to vector<1x5xf32>
      %mul3A_437 = arith.mulf %mul3A_436, %mul3A_405 : vector<1x5xf32>
      %sub3A_438 = arith.constant 4.000000e+00 : f32
      %sub3A_439 = vector.broadcast %sub3A_438 : f32 to vector<1x5xf32>
      %sub3A_440 = arith.subf %sub3A_439, %mul3A_437 : vector<1x5xf32>
      %mul3A_441 = arith.constant 3.000000e+00 : f32
      %mul3A_442 = vector.broadcast %mul3A_441 : f32 to vector<1x5xf32>
      %mul3A_443 = arith.mulf %mul3A_442, %mul3A_406 : vector<1x5xf32>
      %add3A_444 = arith.addf %sub3A_440, %mul3A_443 : vector<1x5xf32>
      %mul3A_445 = arith.constant 0.166666672 : f32
      %mul3A_446 = vector.broadcast %mul3A_445 : f32 to vector<1x5xf32>
      %mul3A_447 = arith.mulf %add3A_444, %mul3A_446 : vector<1x5xf32>
      %broadcast_in_dim3A_448 = arith.constant 0.000000e+00 : f32
      %broadcast_in_dim3A_449 = vector.broadcast %broadcast_in_dim3A_448 : f32 to vector<1x5xf32>
      %eq3A_450 = arith.constant 0.000000e+00 : f32
      %eq3A_451 = vector.broadcast %eq3A_450 : f32 to vector<1x5xf32>
      %eq3A_452 = arith.cmpf oeq, %floor3A_403, %eq3A_451 : vector<1x5xf32>
      %select_n3A_453 = arith.select %eq3A_452, %mul3A_409, %broadcast_in_dim3A_449 : vector<1x5xi1>, vector<1x5xf32>
      %eq3A_454 = arith.constant 1.000000e+00 : f32
      %eq3A_455 = vector.broadcast %eq3A_454 : f32 to vector<1x5xf32>
      %eq3A_456 = arith.cmpf oeq, %floor3A_403, %eq3A_455 : vector<1x5xf32>
      %select_n3A_457 = arith.select %eq3A_456, %mul3A_434, %broadcast_in_dim3A_449 : vector<1x5xi1>, vector<1x5xf32>
      %add3A_458 = arith.addf %select_n3A_453, %select_n3A_457 : vector<1x5xf32>
      %eq3A_459 = arith.constant 2.000000e+00 : f32
      %eq3A_460 = vector.broadcast %eq3A_459 : f32 to vector<1x5xf32>
      %eq3A_461 = arith.cmpf oeq, %floor3A_403, %eq3A_460 : vector<1x5xf32>
      %select_n3A_462 = arith.select %eq3A_461, %mul3A_447, %broadcast_in_dim3A_449 : vector<1x5xi1>, vector<1x5xf32>
      %add3A_463 = arith.addf %add3A_458, %select_n3A_462 : vector<1x5xf32>
      %eq3A_464 = arith.constant 3.000000e+00 : f32
      %eq3A_465 = vector.broadcast %eq3A_464 : f32 to vector<1x5xf32>
      %eq3A_466 = arith.cmpf oeq, %floor3A_403, %eq3A_465 : vector<1x5xf32>
      %select_n3A_467 = arith.select %eq3A_466, %mul3A_417, %broadcast_in_dim3A_449 : vector<1x5xi1>, vector<1x5xf32>
      %add3A_468 = arith.addf %add3A_463, %select_n3A_467 : vector<1x5xf32>
      %eq3A_469 = arith.constant 1.000000e+00 : f32
      %eq3A_470 = vector.broadcast %eq3A_469 : f32 to vector<1x5xf32>
      %eq3A_471 = arith.cmpf oeq, %floor3A_403, %eq3A_470 : vector<1x5xf32>
      %select_n3A_472 = arith.select %eq3A_471, %mul3A_409, %broadcast_in_dim3A_449 : vector<1x5xi1>, vector<1x5xf32>
      %eq3A_473 = arith.constant 2.000000e+00 : f32
      %eq3A_474 = vector.broadcast %eq3A_473 : f32 to vector<1x5xf32>
      %eq3A_475 = arith.cmpf oeq, %floor3A_403, %eq3A_474 : vector<1x5xf32>
      %select_n3A_476 = arith.select %eq3A_475, %mul3A_434, %broadcast_in_dim3A_449 : vector<1x5xi1>, vector<1x5xf32>
      %add3A_477 = arith.addf %select_n3A_472, %select_n3A_476 : vector<1x5xf32>
      %eq3A_478 = arith.constant 3.000000e+00 : f32
      %eq3A_479 = vector.broadcast %eq3A_478 : f32 to vector<1x5xf32>
      %eq3A_480 = arith.cmpf oeq, %floor3A_403, %eq3A_479 : vector<1x5xf32>
      %select_n3A_481 = arith.select %eq3A_480, %mul3A_447, %broadcast_in_dim3A_449 : vector<1x5xi1>, vector<1x5xf32>
      %add3A_482 = arith.addf %add3A_477, %select_n3A_481 : vector<1x5xf32>
      %eq3A_483 = arith.constant 4.000000e+00 : f32
      %eq3A_484 = vector.broadcast %eq3A_483 : f32 to vector<1x5xf32>
      %eq3A_485 = arith.cmpf oeq, %floor3A_403, %eq3A_484 : vector<1x5xf32>
      %select_n3A_486 = arith.select %eq3A_485, %mul3A_417, %broadcast_in_dim3A_449 : vector<1x5xi1>, vector<1x5xf32>
      %add3A_487 = arith.addf %add3A_482, %select_n3A_486 : vector<1x5xf32>
      %eq3A_488 = arith.constant 2.000000e+00 : f32
      %eq3A_489 = vector.broadcast %eq3A_488 : f32 to vector<1x5xf32>
      %eq3A_490 = arith.cmpf oeq, %floor3A_403, %eq3A_489 : vector<1x5xf32>
      %select_n3A_491 = arith.select %eq3A_490, %mul3A_409, %broadcast_in_dim3A_449 : vector<1x5xi1>, vector<1x5xf32>
      %eq3A_492 = arith.constant 3.000000e+00 : f32
      %eq3A_493 = vector.broadcast %eq3A_492 : f32 to vector<1x5xf32>
      %eq3A_494 = arith.cmpf oeq, %floor3A_403, %eq3A_493 : vector<1x5xf32>
      %select_n3A_495 = arith.select %eq3A_494, %mul3A_434, %broadcast_in_dim3A_449 : vector<1x5xi1>, vector<1x5xf32>
      %add3A_496 = arith.addf %select_n3A_491, %select_n3A_495 : vector<1x5xf32>
      %eq3A_497 = arith.constant 4.000000e+00 : f32
      %eq3A_498 = vector.broadcast %eq3A_497 : f32 to vector<1x5xf32>
      %eq3A_499 = arith.cmpf oeq, %floor3A_403, %eq3A_498 : vector<1x5xf32>
      %select_n3A_500 = arith.select %eq3A_499, %mul3A_447, %broadcast_in_dim3A_449 : vector<1x5xi1>, vector<1x5xf32>
      %add3A_501 = arith.addf %add3A_496, %select_n3A_500 : vector<1x5xf32>
      %eq3A_502 = arith.constant 5.000000e+00 : f32
      %eq3A_503 = vector.broadcast %eq3A_502 : f32 to vector<1x5xf32>
      %eq3A_504 = arith.cmpf oeq, %floor3A_403, %eq3A_503 : vector<1x5xf32>
      %select_n3A_505 = arith.select %eq3A_504, %mul3A_417, %broadcast_in_dim3A_449 : vector<1x5xi1>, vector<1x5xf32>
      %add3A_506 = arith.addf %add3A_501, %select_n3A_505 : vector<1x5xf32>
      %eq3A_507 = arith.constant 3.000000e+00 : f32
      %eq3A_508 = vector.broadcast %eq3A_507 : f32 to vector<1x5xf32>
      %eq3A_509 = arith.cmpf oeq, %floor3A_403, %eq3A_508 : vector<1x5xf32>
      %select_n3A_510 = arith.select %eq3A_509, %mul3A_409, %broadcast_in_dim3A_449 : vector<1x5xi1>, vector<1x5xf32>
      %eq3A_511 = arith.constant 4.000000e+00 : f32
      %eq3A_512 = vector.broadcast %eq3A_511 : f32 to vector<1x5xf32>
      %eq3A_513 = arith.cmpf oeq, %floor3A_403, %eq3A_512 : vector<1x5xf32>
      %select_n3A_514 = arith.select %eq3A_513, %mul3A_434, %broadcast_in_dim3A_449 : vector<1x5xi1>, vector<1x5xf32>
      %add3A_515 = arith.addf %select_n3A_510, %select_n3A_514 : vector<1x5xf32>
      %eq3A_516 = arith.constant 5.000000e+00 : f32
      %eq3A_517 = vector.broadcast %eq3A_516 : f32 to vector<1x5xf32>
      %eq3A_518 = arith.cmpf oeq, %floor3A_403, %eq3A_517 : vector<1x5xf32>
      %select_n3A_519 = arith.select %eq3A_518, %mul3A_447, %broadcast_in_dim3A_449 : vector<1x5xi1>, vector<1x5xf32>
      %add3A_520 = arith.addf %add3A_515, %select_n3A_519 : vector<1x5xf32>
      %eq3A_521 = arith.constant 6.000000e+00 : f32
      %eq3A_522 = vector.broadcast %eq3A_521 : f32 to vector<1x5xf32>
      %eq3A_523 = arith.cmpf oeq, %floor3A_403, %eq3A_522 : vector<1x5xf32>
      %select_n3A_524 = arith.select %eq3A_523, %mul3A_417, %broadcast_in_dim3A_449 : vector<1x5xi1>, vector<1x5xf32>
      %add3A_525 = arith.addf %add3A_520, %select_n3A_524 : vector<1x5xf32>
      %eq3A_526 = arith.constant 4.000000e+00 : f32
      %eq3A_527 = vector.broadcast %eq3A_526 : f32 to vector<1x5xf32>
      %eq3A_528 = arith.cmpf oeq, %floor3A_403, %eq3A_527 : vector<1x5xf32>
      %select_n3A_529 = arith.select %eq3A_528, %mul3A_409, %broadcast_in_dim3A_449 : vector<1x5xi1>, vector<1x5xf32>
      %eq3A_530 = arith.constant 5.000000e+00 : f32
      %eq3A_531 = vector.broadcast %eq3A_530 : f32 to vector<1x5xf32>
      %eq3A_532 = arith.cmpf oeq, %floor3A_403, %eq3A_531 : vector<1x5xf32>
      %select_n3A_533 = arith.select %eq3A_532, %mul3A_434, %broadcast_in_dim3A_449 : vector<1x5xi1>, vector<1x5xf32>
      %add3A_534 = arith.addf %select_n3A_529, %select_n3A_533 : vector<1x5xf32>
      %eq3A_535 = arith.constant 6.000000e+00 : f32
      %eq3A_536 = vector.broadcast %eq3A_535 : f32 to vector<1x5xf32>
      %eq3A_537 = arith.cmpf oeq, %floor3A_403, %eq3A_536 : vector<1x5xf32>
      %select_n3A_538 = arith.select %eq3A_537, %mul3A_447, %broadcast_in_dim3A_449 : vector<1x5xi1>, vector<1x5xf32>
      %add3A_539 = arith.addf %add3A_534, %select_n3A_538 : vector<1x5xf32>
      %eq3A_540 = arith.constant 7.000000e+00 : f32
      %eq3A_541 = vector.broadcast %eq3A_540 : f32 to vector<1x5xf32>
      %eq3A_542 = arith.cmpf oeq, %floor3A_403, %eq3A_541 : vector<1x5xf32>
      %select_n3A_543 = arith.select %eq3A_542, %mul3A_417, %broadcast_in_dim3A_449 : vector<1x5xi1>, vector<1x5xf32>
      %add3A_544 = arith.addf %add3A_539, %select_n3A_543 : vector<1x5xf32>
      %eq3A_545 = arith.constant 5.000000e+00 : f32
      %eq3A_546 = vector.broadcast %eq3A_545 : f32 to vector<1x5xf32>
      %eq3A_547 = arith.cmpf oeq, %floor3A_403, %eq3A_546 : vector<1x5xf32>
      %select_n3A_548 = arith.select %eq3A_547, %mul3A_409, %broadcast_in_dim3A_449 : vector<1x5xi1>, vector<1x5xf32>
      %eq3A_549 = arith.constant 6.000000e+00 : f32
      %eq3A_550 = vector.broadcast %eq3A_549 : f32 to vector<1x5xf32>
      %eq3A_551 = arith.cmpf oeq, %floor3A_403, %eq3A_550 : vector<1x5xf32>
      %select_n3A_552 = arith.select %eq3A_551, %mul3A_434, %broadcast_in_dim3A_449 : vector<1x5xi1>, vector<1x5xf32>
      %add3A_553 = arith.addf %select_n3A_548, %select_n3A_552 : vector<1x5xf32>
      %eq3A_554 = arith.constant 7.000000e+00 : f32
      %eq3A_555 = vector.broadcast %eq3A_554 : f32 to vector<1x5xf32>
      %eq3A_556 = arith.cmpf oeq, %floor3A_403, %eq3A_555 : vector<1x5xf32>
      %select_n3A_557 = arith.select %eq3A_556, %mul3A_447, %broadcast_in_dim3A_449 : vector<1x5xi1>, vector<1x5xf32>
      %add3A_558 = arith.addf %add3A_553, %select_n3A_557 : vector<1x5xf32>
      %eq3A_559 = arith.constant 8.000000e+00 : f32
      %eq3A_560 = vector.broadcast %eq3A_559 : f32 to vector<1x5xf32>
      %eq3A_561 = arith.cmpf oeq, %floor3A_403, %eq3A_560 : vector<1x5xf32>
      %select_n3A_562 = arith.select %eq3A_561, %mul3A_417, %broadcast_in_dim3A_449 : vector<1x5xi1>, vector<1x5xf32>
      %add3A_563 = arith.addf %add3A_558, %select_n3A_562 : vector<1x5xf32>
      %eq3A_564 = arith.constant 6.000000e+00 : f32
      %eq3A_565 = vector.broadcast %eq3A_564 : f32 to vector<1x5xf32>
      %eq3A_566 = arith.cmpf oeq, %floor3A_403, %eq3A_565 : vector<1x5xf32>
      %select_n3A_567 = arith.select %eq3A_566, %mul3A_409, %broadcast_in_dim3A_449 : vector<1x5xi1>, vector<1x5xf32>
      %eq3A_568 = arith.constant 7.000000e+00 : f32
      %eq3A_569 = vector.broadcast %eq3A_568 : f32 to vector<1x5xf32>
      %eq3A_570 = arith.cmpf oeq, %floor3A_403, %eq3A_569 : vector<1x5xf32>
      %select_n3A_571 = arith.select %eq3A_570, %mul3A_434, %broadcast_in_dim3A_449 : vector<1x5xi1>, vector<1x5xf32>
      %add3A_572 = arith.addf %select_n3A_567, %select_n3A_571 : vector<1x5xf32>
      %eq3A_573 = arith.constant 8.000000e+00 : f32
      %eq3A_574 = vector.broadcast %eq3A_573 : f32 to vector<1x5xf32>
      %eq3A_575 = arith.cmpf oeq, %floor3A_403, %eq3A_574 : vector<1x5xf32>
      %select_n3A_576 = arith.select %eq3A_575, %mul3A_447, %broadcast_in_dim3A_449 : vector<1x5xi1>, vector<1x5xf32>
      %add3A_577 = arith.addf %add3A_572, %select_n3A_576 : vector<1x5xf32>
      %eq3A_578 = arith.constant 9.000000e+00 : f32
      %eq3A_579 = vector.broadcast %eq3A_578 : f32 to vector<1x5xf32>
      %eq3A_580 = arith.cmpf oeq, %floor3A_403, %eq3A_579 : vector<1x5xf32>
      %select_n3A_581 = arith.select %eq3A_580, %mul3A_417, %broadcast_in_dim3A_449 : vector<1x5xi1>, vector<1x5xf32>
      %add3A_582 = arith.addf %add3A_577, %select_n3A_581 : vector<1x5xf32>
      %eq3A_583 = arith.constant 7.000000e+00 : f32
      %eq3A_584 = vector.broadcast %eq3A_583 : f32 to vector<1x5xf32>
      %eq3A_585 = arith.cmpf oeq, %floor3A_403, %eq3A_584 : vector<1x5xf32>
      %select_n3A_586 = arith.select %eq3A_585, %mul3A_409, %broadcast_in_dim3A_449 : vector<1x5xi1>, vector<1x5xf32>
      %eq3A_587 = arith.constant 8.000000e+00 : f32
      %eq3A_588 = vector.broadcast %eq3A_587 : f32 to vector<1x5xf32>
      %eq3A_589 = arith.cmpf oeq, %floor3A_403, %eq3A_588 : vector<1x5xf32>
      %select_n3A_590 = arith.select %eq3A_589, %mul3A_434, %broadcast_in_dim3A_449 : vector<1x5xi1>, vector<1x5xf32>
      %add3A_591 = arith.addf %select_n3A_586, %select_n3A_590 : vector<1x5xf32>
      %eq3A_592 = arith.constant 9.000000e+00 : f32
      %eq3A_593 = vector.broadcast %eq3A_592 : f32 to vector<1x5xf32>
      %eq3A_594 = arith.cmpf oeq, %floor3A_403, %eq3A_593 : vector<1x5xf32>
      %select_n3A_595 = arith.select %eq3A_594, %mul3A_447, %broadcast_in_dim3A_449 : vector<1x5xi1>, vector<1x5xf32>
      %add3A_596 = arith.addf %add3A_591, %select_n3A_595 : vector<1x5xf32>
      %eq3A_597 = arith.constant 1.000000e+01 : f32
      %eq3A_598 = vector.broadcast %eq3A_597 : f32 to vector<1x5xf32>
      %eq3A_599 = arith.cmpf oeq, %floor3A_403, %eq3A_598 : vector<1x5xf32>
      %select_n3A_600 = arith.select %eq3A_599, %mul3A_417, %broadcast_in_dim3A_449 : vector<1x5xi1>, vector<1x5xf32>
      %add3A_601 = arith.addf %add3A_596, %select_n3A_600 : vector<1x5xf32>
      %eq3A_602 = arith.constant 8.000000e+00 : f32
      %eq3A_603 = vector.broadcast %eq3A_602 : f32 to vector<1x5xf32>
      %eq3A_604 = arith.cmpf oeq, %floor3A_403, %eq3A_603 : vector<1x5xf32>
      %select_n3A_605 = arith.select %eq3A_604, %mul3A_409, %broadcast_in_dim3A_449 : vector<1x5xi1>, vector<1x5xf32>
      %eq3A_606 = arith.constant 9.000000e+00 : f32
      %eq3A_607 = vector.broadcast %eq3A_606 : f32 to vector<1x5xf32>
      %eq3A_608 = arith.cmpf oeq, %floor3A_403, %eq3A_607 : vector<1x5xf32>
      %select_n3A_609 = arith.select %eq3A_608, %mul3A_434, %broadcast_in_dim3A_449 : vector<1x5xi1>, vector<1x5xf32>
      %add3A_610 = arith.addf %select_n3A_605, %select_n3A_609 : vector<1x5xf32>
      %eq3A_611 = arith.constant 1.000000e+01 : f32
      %eq3A_612 = vector.broadcast %eq3A_611 : f32 to vector<1x5xf32>
      %eq3A_613 = arith.cmpf oeq, %floor3A_403, %eq3A_612 : vector<1x5xf32>
      %select_n3A_614 = arith.select %eq3A_613, %mul3A_447, %broadcast_in_dim3A_449 : vector<1x5xi1>, vector<1x5xf32>
      %add3A_615 = arith.addf %add3A_610, %select_n3A_614 : vector<1x5xf32>
      %eq3A_616 = arith.constant 1.100000e+01 : f32
      %eq3A_617 = vector.broadcast %eq3A_616 : f32 to vector<1x5xf32>
      %eq3A_618 = arith.cmpf oeq, %floor3A_403, %eq3A_617 : vector<1x5xf32>
      %select_n3A_619 = arith.select %eq3A_618, %mul3A_417, %broadcast_in_dim3A_449 : vector<1x5xi1>, vector<1x5xf32>
      %add3A_620 = arith.addf %add3A_615, %select_n3A_619 : vector<1x5xf32>
      %eq3A_621 = arith.constant 9.000000e+00 : f32
      %eq3A_622 = vector.broadcast %eq3A_621 : f32 to vector<1x5xf32>
      %eq3A_623 = arith.cmpf oeq, %floor3A_403, %eq3A_622 : vector<1x5xf32>
      %select_n3A_624 = arith.select %eq3A_623, %mul3A_409, %broadcast_in_dim3A_449 : vector<1x5xi1>, vector<1x5xf32>
      %eq3A_625 = arith.constant 1.000000e+01 : f32
      %eq3A_626 = vector.broadcast %eq3A_625 : f32 to vector<1x5xf32>
      %eq3A_627 = arith.cmpf oeq, %floor3A_403, %eq3A_626 : vector<1x5xf32>
      %select_n3A_628 = arith.select %eq3A_627, %mul3A_434, %broadcast_in_dim3A_449 : vector<1x5xi1>, vector<1x5xf32>
      %add3A_629 = arith.addf %select_n3A_624, %select_n3A_628 : vector<1x5xf32>
      %eq3A_630 = arith.constant 1.100000e+01 : f32
      %eq3A_631 = vector.broadcast %eq3A_630 : f32 to vector<1x5xf32>
      %eq3A_632 = arith.cmpf oeq, %floor3A_403, %eq3A_631 : vector<1x5xf32>
      %select_n3A_633 = arith.select %eq3A_632, %mul3A_447, %broadcast_in_dim3A_449 : vector<1x5xi1>, vector<1x5xf32>
      %add3A_634 = arith.addf %add3A_629, %select_n3A_633 : vector<1x5xf32>
      %eq3A_635 = arith.constant 1.200000e+01 : f32
      %eq3A_636 = vector.broadcast %eq3A_635 : f32 to vector<1x5xf32>
      %eq3A_637 = arith.cmpf oeq, %floor3A_403, %eq3A_636 : vector<1x5xf32>
      %select_n3A_638 = arith.select %eq3A_637, %mul3A_417, %broadcast_in_dim3A_449 : vector<1x5xi1>, vector<1x5xf32>
      %add3A_639 = arith.addf %add3A_634, %select_n3A_638 : vector<1x5xf32>
      %eq3A_640 = arith.constant 1.000000e+01 : f32
      %eq3A_641 = vector.broadcast %eq3A_640 : f32 to vector<1x5xf32>
      %eq3A_642 = arith.cmpf oeq, %floor3A_403, %eq3A_641 : vector<1x5xf32>
      %select_n3A_643 = arith.select %eq3A_642, %mul3A_409, %broadcast_in_dim3A_449 : vector<1x5xi1>, vector<1x5xf32>
      %eq3A_644 = arith.constant 1.100000e+01 : f32
      %eq3A_645 = vector.broadcast %eq3A_644 : f32 to vector<1x5xf32>
      %eq3A_646 = arith.cmpf oeq, %floor3A_403, %eq3A_645 : vector<1x5xf32>
      %select_n3A_647 = arith.select %eq3A_646, %mul3A_434, %broadcast_in_dim3A_449 : vector<1x5xi1>, vector<1x5xf32>
      %add3A_648 = arith.addf %select_n3A_643, %select_n3A_647 : vector<1x5xf32>
      %eq3A_649 = arith.constant 1.200000e+01 : f32
      %eq3A_650 = vector.broadcast %eq3A_649 : f32 to vector<1x5xf32>
      %eq3A_651 = arith.cmpf oeq, %floor3A_403, %eq3A_650 : vector<1x5xf32>
      %select_n3A_652 = arith.select %eq3A_651, %mul3A_447, %broadcast_in_dim3A_449 : vector<1x5xi1>, vector<1x5xf32>
      %add3A_653 = arith.addf %add3A_648, %select_n3A_652 : vector<1x5xf32>
      %eq3A_654 = arith.constant 1.300000e+01 : f32
      %eq3A_655 = vector.broadcast %eq3A_654 : f32 to vector<1x5xf32>
      %eq3A_656 = arith.cmpf oeq, %floor3A_403, %eq3A_655 : vector<1x5xf32>
      %select_n3A_657 = arith.select %eq3A_656, %mul3A_417, %broadcast_in_dim3A_449 : vector<1x5xi1>, vector<1x5xf32>
      %add3A_658 = arith.addf %add3A_653, %select_n3A_657 : vector<1x5xf32>
      %neg3A_659 = arith.constant 0.000000e+00 : f32
      %neg3A_660 = vector.broadcast %neg3A_659 : f32 to vector<1x5xf32>
      %neg3A_661 = arith.subf %neg3A_660, %add3A_396 : vector<1x5xf32>
      %exp3A_662 = math.exp %neg3A_661 : vector<1x5xf32>
      %add3A_663 = arith.constant 1.000000e+00 : f32
      %add3A_664 = vector.broadcast %add3A_663 : f32 to vector<1x5xf32>
      %add3A_665 = arith.addf %add3A_664, %exp3A_662 : vector<1x5xf32>
      %div3A_666 = arith.constant 1.000000e+00 : f32
      %div3A_667 = vector.broadcast %div3A_666 : f32 to vector<1x5xf32>
      %div3A_668 = arith.divf %div3A_667, %add3A_665 : vector<1x5xf32>
      %mul3A_669 = arith.mulf %add3A_396, %div3A_668 : vector<1x5xf32>
      %dot_general3A_670 = arith.constant dense<0.000000e+00> : vector<1x16xf32>
      %dot_general3A_671 = tpu.matmul %mul3A_669, %get3A_72, %dot_general3A_670 {dimension_numbers = #tpu.dot_dimension_numbers<[1], [0], [0], [1], [0, 0, 1, 1], [], []>, transpose_lhs_hint = false} : vector<1x5xf32>, vector<5x16xf32>, vector<1x16xf32> -> vector<1x16xf32>
      %slice3A_672 = vector.extract_strided_slice %get3A_69 {offsets = [0, 0, 0], sizes = [1, 5, 16], strides = [1, 1, 1]} : vector<11x5x16xf32> to vector<1x5x16xf32>
      %squeeze3A_673 = vector.shape_cast %slice3A_672 : vector<1x5x16xf32> to vector<5x16xf32>
      %dot_general3A_674 = arith.constant dense<0.000000e+00> : vector<1x16xf32>
      %dot_general3A_675 = tpu.matmul %add3A_468, %squeeze3A_673, %dot_general3A_674 {dimension_numbers = #tpu.dot_dimension_numbers<[1], [0], [0], [1], [0, 0, 1, 1], [], []>, transpose_lhs_hint = false} : vector<1x5xf32>, vector<5x16xf32>, vector<1x16xf32> -> vector<1x16xf32>
      %add3A_676 = arith.addf %dot_general3A_671, %dot_general3A_675 : vector<1x16xf32>
      %slice3A_677 = vector.extract_strided_slice %get3A_69 {offsets = [1, 0, 0], sizes = [1, 5, 16], strides = [1, 1, 1]} : vector<11x5x16xf32> to vector<1x5x16xf32>
      %squeeze3A_678 = vector.shape_cast %slice3A_677 : vector<1x5x16xf32> to vector<5x16xf32>
      %dot_general3A_679 = arith.constant dense<0.000000e+00> : vector<1x16xf32>
      %dot_general3A_680 = tpu.matmul %add3A_487, %squeeze3A_678, %dot_general3A_679 {dimension_numbers = #tpu.dot_dimension_numbers<[1], [0], [0], [1], [0, 0, 1, 1], [], []>, transpose_lhs_hint = false} : vector<1x5xf32>, vector<5x16xf32>, vector<1x16xf32> -> vector<1x16xf32>
      %add3A_681 = arith.addf %add3A_676, %dot_general3A_680 : vector<1x16xf32>
      %slice3A_682 = vector.extract_strided_slice %get3A_69 {offsets = [2, 0, 0], sizes = [1, 5, 16], strides = [1, 1, 1]} : vector<11x5x16xf32> to vector<1x5x16xf32>
      %squeeze3A_683 = vector.shape_cast %slice3A_682 : vector<1x5x16xf32> to vector<5x16xf32>
      %dot_general3A_684 = arith.constant dense<0.000000e+00> : vector<1x16xf32>
      %dot_general3A_685 = tpu.matmul %add3A_506, %squeeze3A_683, %dot_general3A_684 {dimension_numbers = #tpu.dot_dimension_numbers<[1], [0], [0], [1], [0, 0, 1, 1], [], []>, transpose_lhs_hint = false} : vector<1x5xf32>, vector<5x16xf32>, vector<1x16xf32> -> vector<1x16xf32>
      %add3A_686 = arith.addf %add3A_681, %dot_general3A_685 : vector<1x16xf32>
      %slice3A_687 = vector.extract_strided_slice %get3A_69 {offsets = [3, 0, 0], sizes = [1, 5, 16], strides = [1, 1, 1]} : vector<11x5x16xf32> to vector<1x5x16xf32>
      %squeeze3A_688 = vector.shape_cast %slice3A_687 : vector<1x5x16xf32> to vector<5x16xf32>
      %dot_general3A_689 = arith.constant dense<0.000000e+00> : vector<1x16xf32>
      %dot_general3A_690 = tpu.matmul %add3A_525, %squeeze3A_688, %dot_general3A_689 {dimension_numbers = #tpu.dot_dimension_numbers<[1], [0], [0], [1], [0, 0, 1, 1], [], []>, transpose_lhs_hint = false} : vector<1x5xf32>, vector<5x16xf32>, vector<1x16xf32> -> vector<1x16xf32>
      %add3A_691 = arith.addf %add3A_686, %dot_general3A_690 : vector<1x16xf32>
      %slice3A_692 = vector.extract_strided_slice %get3A_69 {offsets = [4, 0, 0], sizes = [1, 5, 16], strides = [1, 1, 1]} : vector<11x5x16xf32> to vector<1x5x16xf32>
      %squeeze3A_693 = vector.shape_cast %slice3A_692 : vector<1x5x16xf32> to vector<5x16xf32>
      %dot_general3A_694 = arith.constant dense<0.000000e+00> : vector<1x16xf32>
      %dot_general3A_695 = tpu.matmul %add3A_544, %squeeze3A_693, %dot_general3A_694 {dimension_numbers = #tpu.dot_dimension_numbers<[1], [0], [0], [1], [0, 0, 1, 1], [], []>, transpose_lhs_hint = false} : vector<1x5xf32>, vector<5x16xf32>, vector<1x16xf32> -> vector<1x16xf32>
      %add3A_696 = arith.addf %add3A_691, %dot_general3A_695 : vector<1x16xf32>
      %slice3A_697 = vector.extract_strided_slice %get3A_69 {offsets = [5, 0, 0], sizes = [1, 5, 16], strides = [1, 1, 1]} : vector<11x5x16xf32> to vector<1x5x16xf32>
      %squeeze3A_698 = vector.shape_cast %slice3A_697 : vector<1x5x16xf32> to vector<5x16xf32>
      %dot_general3A_699 = arith.constant dense<0.000000e+00> : vector<1x16xf32>
      %dot_general3A_700 = tpu.matmul %add3A_563, %squeeze3A_698, %dot_general3A_699 {dimension_numbers = #tpu.dot_dimension_numbers<[1], [0], [0], [1], [0, 0, 1, 1], [], []>, transpose_lhs_hint = false} : vector<1x5xf32>, vector<5x16xf32>, vector<1x16xf32> -> vector<1x16xf32>
      %add3A_701 = arith.addf %add3A_696, %dot_general3A_700 : vector<1x16xf32>
      %slice3A_702 = vector.extract_strided_slice %get3A_69 {offsets = [6, 0, 0], sizes = [1, 5, 16], strides = [1, 1, 1]} : vector<11x5x16xf32> to vector<1x5x16xf32>
      %squeeze3A_703 = vector.shape_cast %slice3A_702 : vector<1x5x16xf32> to vector<5x16xf32>
      %dot_general3A_704 = arith.constant dense<0.000000e+00> : vector<1x16xf32>
      %dot_general3A_705 = tpu.matmul %add3A_582, %squeeze3A_703, %dot_general3A_704 {dimension_numbers = #tpu.dot_dimension_numbers<[1], [0], [0], [1], [0, 0, 1, 1], [], []>, transpose_lhs_hint = false} : vector<1x5xf32>, vector<5x16xf32>, vector<1x16xf32> -> vector<1x16xf32>
      %add3A_706 = arith.addf %add3A_701, %dot_general3A_705 : vector<1x16xf32>
      %slice3A_707 = vector.extract_strided_slice %get3A_69 {offsets = [7, 0, 0], sizes = [1, 5, 16], strides = [1, 1, 1]} : vector<11x5x16xf32> to vector<1x5x16xf32>
      %squeeze3A_708 = vector.shape_cast %slice3A_707 : vector<1x5x16xf32> to vector<5x16xf32>
      %dot_general3A_709 = arith.constant dense<0.000000e+00> : vector<1x16xf32>
      %dot_general3A_710 = tpu.matmul %add3A_601, %squeeze3A_708, %dot_general3A_709 {dimension_numbers = #tpu.dot_dimension_numbers<[1], [0], [0], [1], [0, 0, 1, 1], [], []>, transpose_lhs_hint = false} : vector<1x5xf32>, vector<5x16xf32>, vector<1x16xf32> -> vector<1x16xf32>
      %add3A_711 = arith.addf %add3A_706, %dot_general3A_710 : vector<1x16xf32>
      %slice3A_712 = vector.extract_strided_slice %get3A_69 {offsets = [8, 0, 0], sizes = [1, 5, 16], strides = [1, 1, 1]} : vector<11x5x16xf32> to vector<1x5x16xf32>
      %squeeze3A_713 = vector.shape_cast %slice3A_712 : vector<1x5x16xf32> to vector<5x16xf32>
      %dot_general3A_714 = arith.constant dense<0.000000e+00> : vector<1x16xf32>
      %dot_general3A_715 = tpu.matmul %add3A_620, %squeeze3A_713, %dot_general3A_714 {dimension_numbers = #tpu.dot_dimension_numbers<[1], [0], [0], [1], [0, 0, 1, 1], [], []>, transpose_lhs_hint = false} : vector<1x5xf32>, vector<5x16xf32>, vector<1x16xf32> -> vector<1x16xf32>
      %add3A_716 = arith.addf %add3A_711, %dot_general3A_715 : vector<1x16xf32>
      %slice3A_717 = vector.extract_strided_slice %get3A_69 {offsets = [9, 0, 0], sizes = [1, 5, 16], strides = [1, 1, 1]} : vector<11x5x16xf32> to vector<1x5x16xf32>
      %squeeze3A_718 = vector.shape_cast %slice3A_717 : vector<1x5x16xf32> to vector<5x16xf32>
      %dot_general3A_719 = arith.constant dense<0.000000e+00> : vector<1x16xf32>
      %dot_general3A_720 = tpu.matmul %add3A_639, %squeeze3A_718, %dot_general3A_719 {dimension_numbers = #tpu.dot_dimension_numbers<[1], [0], [0], [1], [0, 0, 1, 1], [], []>, transpose_lhs_hint = false} : vector<1x5xf32>, vector<5x16xf32>, vector<1x16xf32> -> vector<1x16xf32>
      %add3A_721 = arith.addf %add3A_716, %dot_general3A_720 : vector<1x16xf32>
      %slice3A_722 = vector.extract_strided_slice %get3A_69 {offsets = [10, 0, 0], sizes = [1, 5, 16], strides = [1, 1, 1]} : vector<11x5x16xf32> to vector<1x5x16xf32>
      %squeeze3A_723 = vector.shape_cast %slice3A_722 : vector<1x5x16xf32> to vector<5x16xf32>
      %dot_general3A_724 = arith.constant dense<0.000000e+00> : vector<1x16xf32>
      %dot_general3A_725 = tpu.matmul %add3A_658, %squeeze3A_723, %dot_general3A_724 {dimension_numbers = #tpu.dot_dimension_numbers<[1], [0], [0], [1], [0, 0, 1, 1], [], []>, transpose_lhs_hint = false} : vector<1x5xf32>, vector<5x16xf32>, vector<1x16xf32> -> vector<1x16xf32>
      %add3A_726 = arith.addf %add3A_721, %dot_general3A_725 : vector<1x16xf32>
      %neg3A_727 = arith.constant 0.000000e+00 : f32
      %neg3A_728 = vector.broadcast %neg3A_727 : f32 to vector<1x16xf32>
      %neg3A_729 = arith.subf %neg3A_728, %add3A_726 : vector<1x16xf32>
      %exp3A_730 = math.exp %neg3A_729 : vector<1x16xf32>
      %add3A_731 = arith.constant 1.000000e+00 : f32
      %add3A_732 = vector.broadcast %add3A_731 : f32 to vector<1x16xf32>
      %add3A_733 = arith.addf %add3A_732, %exp3A_730 : vector<1x16xf32>
      %div3A_734 = arith.constant 1.000000e+00 : f32
      %div3A_735 = vector.broadcast %div3A_734 : f32 to vector<1x16xf32>
      %div3A_736 = arith.divf %div3A_735, %add3A_733 : vector<1x16xf32>
      %swap3A = arith.constant 0 : index
      %swap3A_737 = arith.constant 0 : index
      %swap3A_738 = vector.load %arg10[%swap3A, %swap3A_737] : memref<1x16xf32, #tpu.memory_space<vmem>>, vector<1x16xf32>
      tpu.vector_store %arg10[%swap3A, %swap3A_737], %div3A_736 {strides = array<i32>} : memref<1x16xf32, #tpu.memory_space<vmem>>, vector<1x16xf32>,
    } else {
    }
    return
  }
  func.func @transform_0(%arg0: i32) -> (i32, i32) {
    %c0_i32 = arith.constant 0 : i32
    %c0_i32_0 = arith.constant 0 : i32
    return %arg0, %c0_i32 : i32, i32
  }
  func.func @transform_1(%arg0: i32) -> (i32, i32, i32) {
    %c0_i32 = arith.constant 0 : i32
    %c0_i32_0 = arith.constant 0 : i32
    %c0_i32_1 = arith.constant 0 : i32
    return %c0_i32, %arg0, %c0_i32_0 : i32, i32, i32
  }
  func.func @transform_2(%arg0: i32) -> (i32, i32, i32) {
    %c0_i32 = arith.constant 0 : i32
    %c0_i32_0 = arith.constant 0 : i32
    %c0_i32_1 = arith.constant 0 : i32
    return %c0_i32, %arg0, %c0_i32_0 : i32, i32, i32
  }
  func.func @transform_3(%arg0: i32) -> (i32, i32) {
    %c0_i32 = arith.constant 0 : i32
    %c0_i32_0 = arith.constant 0 : i32
    %c0_i32_1 = arith.constant 0 : i32
    return %c0_i32, %c0_i32_0 : i32, i32
  }
  func.func @transform_4(%arg0: i32) -> (i32, i32) {
    %c0_i32 = arith.constant 0 : i32
    %c0_i32_0 = arith.constant 0 : i32
    %c0_i32_1 = arith.constant 0 : i32
    return %c0_i32, %c0_i32_0 : i32, i32
  }
  func.func @transform_5(%arg0: i32) -> (i32, i32, i32) {
    %c0_i32 = arith.constant 0 : i32
    %c0_i32_0 = arith.constant 0 : i32
    %c0_i32_1 = arith.constant 0 : i32
    %c0_i32_2 = arith.constant 0 : i32
    return %c0_i32, %c0_i32_0, %c0_i32_1 : i32, i32, i32
  }
  func.func @transform_6(%arg0: i32) -> (i32, i32) {
    %c0_i32 = arith.constant 0 : i32
    %c0_i32_0 = arith.constant 0 : i32
    %c0_i32_1 = arith.constant 0 : i32
    return %c0_i32, %c0_i32_0 : i32, i32
  }
  func.func @transform_7(%arg0: i32) -> (i32, i32, i32) {
    %c0_i32 = arith.constant 0 : i32
    %c0_i32_0 = arith.constant 0 : i32
    %c0_i32_1 = arith.constant 0 : i32
    %c0_i32_2 = arith.constant 0 : i32
    return %c0_i32, %c0_i32_0, %c0_i32_1 : i32, i32, i32
  }
  func.func @transform_8(%arg0: i32) -> (i32, i32) {
    %c0_i32 = arith.constant 0 : i32
    %c0_i32_0 = arith.constant 0 : i32
    %c0_i32_1 = arith.constant 0 : i32
    return %c0_i32, %c0_i32_0 : i32, i32
  }
  func.func @transform_9(%arg0: i32) -> (i32, i32) {
    %c0_i32 = arith.constant 0 : i32
    %c0_i32_0 = arith.constant 0 : i32
    %c0_i32_1 = arith.constant 0 : i32
    return %c0_i32, %c0_i32_0 : i32, i32
  }
}

</mosaic_0001>

<sc_bundles>
// kernel: kernel.11.cloned.1.call-start
scs
__scs_entry_jumppad:
0x0: {  	(pc) =	sbr.rel $0x88, $3  }
0x1: {  	(tag) =	ssettag $0x0;
	lr =	simm.s32 $0x1  }
0x2: {  	[smem:$0x3F93] =	sst lr;
	_ =	strace $0xD0000000  }
0x3: {  	_ = 	snop  }
0x4: {  	_ = 	snop  }
0x5: {  	_ = 	snop  }
0x6: {  	_ = 	snop  }
0x7: {  	_ = 	snop  }
__scs_overlays_trampoline_lowered:
0x8: {  	[smem:$0x3FA2] =	sst s0  }
0x9: {  	[smem:$0x3FA3] =	sst s1  }
0xa: {  	[smem:$0x3FA4] =	sst s2  }
0xb: {  	[smem:$0x3FA5] =	sst s3  }
0xc: {  	[smem:$0x3FA6] =	sst s4  }
0xd: {  	[smem:$0x3FA7] =	sst s5  }
0xe: {  	[smem:$0x3FA8] =	sst s6  }
0xf: {  	[smem:$0x3FA9] =	sst s7  }
0x10: {  	[smem:$0x3FAA] =	sst s8  }
0x11: {  	[smem:$0x3FAB] =	sst s9;
	s0 =	simm.s32 @!p0 $0x0  }
0x12: {  	s1 =	sld [smem:$0x3F91];
	s0 =	simm.s32 @p0 $0x1  }
0x13: {  	[smem:$0x3FAC] =	sst s0;
	s0 =	simm.s32 @!p1 $0x0  }
0x14: {  	s2 =	sld [smem:$0x3F90];
	s0 =	simm.s32 @p1 $0x1  }
0x15: {  	[smem:$0x3FAD] =	sst s0;
	s0 =	simm.s32 @!p2 $0x0  }
0x16: {  	s3 =	sld [smem:$0x3FDB];
	s0 =	simm.s32 @p2 $0x1  }
0x17: {  	s4 =	simm.s32 $0x1BF5;
	[smem:$0x3FAF] =	sst s0  }
0x18: {  	s0 =	sld [smem:$0x3F92];
	_ =	swait.ge [sflag:s4], $0x0  }
0x19: {  	s7 =	sld [smem:$0x3F93]  }
0x1a: {  	s8 =	sadd.s32 $0xFFFFE003, lr  }
0x1b: {  	s9 =	sadd.s32 $0xFFFFFEF7, lr;
	s5 =	simm.s32 $0xFFFFFFFF;
	p2 =	slt.u32 s8, $0xFFFFF086  }
0x1c: {  	p1 =	slt.u32 s9, $0xF7A;
	s5 =	simm.s32 @!p2 $0x0  }
0x1d: {  	s5 =	simm.s32 @p1 $0x1;
	p0 =	seq.s32 s7, s2  }
0x1e: {  	s7 =	smul.u32 @!p0 $0xF7A, s2;
	p2 =	seq.s32 @!p0 s5, $0x0  }
0x1f: {  	s9 =	smul.u32 $0xF7A, s1;
	s8 =	simm.s32 @!p0 $0x1BF5;
	p2 =	por !p2, p0  }
0x20: {  	[sflag:s8] =	ssyncset.s32 @!p0 $0xFFFFF086;
	s6 =	sadd.s32 @!p0 s3, s7;
	s7 =	simm.s32 @!p0 $0x108  }
0x21: {  	s3 =	sadd.s32 s3, s9;
	s6 =	sadd.s32 @!p0 $0x88, s6;
	s7 =	simm.s32 @p2 $0x1082  }
0x22: {  	[simem:s7], [sflag:s8] =	dma.local @!p0 [hbm:s6], $0xF7A  }
0x23: {  	s9 =	sor.u32 $0xD0000000, s2;
	s6 =	simm.s32 $0x108;
	_ =	swait.ge @!p0 [sflag:s8], $0x0  }
0x24: {  	s3 =	sadd.s32 $0x88, s3;
	s6 =	simm.s32 @!p1 $0x1082;
	[sflag:s4] =	ssyncset.s32 $0xFFFFF086  }
0x25: {  	[simem:s6], [sflag:s4] =	dma.local [hbm:s3], $0xF7A  }
0x26: {  	[smem:$0x3F93] =	sst s1;
	(tag) =	ssettag s2;
	_ =	strace s9  }
0x27: {  	s1 =	sld [smem:$0x3FA3]  }
0x28: {  	s2 =	sld [smem:$0x3FA4]  }
0x29: {  	s4 =	sld [smem:$0x3FA6]  }
0x2a: {  	p0 =	seq.s32 s5, $0x0;
	s5 =	sld [smem:$0x3FA7]  }
0x2b: {  	s6 =	sld [smem:$0x3FA8]  }
0x2c: {  	s7 =	sld [smem:$0x3FA9]  }
0x2d: {  	s3 =	simm.s32 $0x108;
	s8 =	sld [smem:$0x3FAA]  }
0x2e: {  	s3 =	simm.s32 @!p0 $0x1082;
	s9 =	sld [smem:$0x3FAB]  }
0x2f: {  	lr =	sadd.s32 s0, s3;
	s0 =	sld [smem:$0x3FA2]  }
0x30: {  	s3 =	sld [smem:$0x3FA5]  }
0x31: {  	[smem:$0x3FAE] =	sst s10  }
0x32: {  	s10 =	sld [smem:$0x3FAC];
	_ =	sdelay $0x3  }
0x33: {  	p0 =	seq.s32 s10, $0x1;
	s10 =	sld [smem:$0x3FAE];
	_ =	sdelay $0x3  }
0x34: {  	[smem:$0x3FAE] =	sst s10  }
0x35: {  	s10 =	sld [smem:$0x3FAD];
	_ =	sdelay $0x3  }
0x36: {  	p1 =	seq.s32 s10, $0x1;
	s10 =	sld [smem:$0x3FAE];
	_ =	sdelay $0x3  }
0x37: {  	[smem:$0x3FAE] =	sst s10  }
0x38: {  	s10 =	sld [smem:$0x3FAF]  }
0x39: {  	_ = 	snop;
	(pc) =	sbr.ind lr, $3  }
0x3a: {  	_ = 	snop  }
0x3b: {  	_ = 	snop  }
0x3c: {  	p2 =	seq.s32 s10, $0x1;
	s10 =	sld [smem:$0x3FAE]  }
0x3d: {  	_ =	shalt  }
0x3e: {  	_ =	shalt  }
0x3f: {  	_ =	shalt  }
0x40: {  	_ =	shalt  }
0x41: {  	_ =	shalt  }
0x42: {  	_ =	shalt  }
0x43: {  	_ =	shalt  }
0x44: {  	_ =	shalt  }
0x45: {  	_ =	shalt  }
0x46: {  	_ =	shalt  }
0x47: {  	_ =	shalt  }
0x48: {  	_ =	shalt  }
0x49: {  	_ =	shalt  }
0x4a: {  	_ =	shalt  }
0x4b: {  	_ =	shalt  }
0x4c: {  	_ =	shalt  }
0x4d: {  	_ =	shalt  }
0x4e: {  	_ =	shalt  }
0x4f: {  	_ =	shalt  }
0x50: {  	_ =	shalt  }
0x51: {  	_ =	shalt  }
0x52: {  	_ =	shalt  }
0x53: {  	_ =	shalt  }
0x54: {  	_ =	shalt  }
0x55: {  	_ =	shalt  }
0x56: {  	_ =	shalt  }
0x57: {  	_ =	shalt  }
0x58: {  	_ =	shalt  }
0x59: {  	_ =	shalt  }
0x5a: {  	_ =	shalt  }
0x5b: {  	_ =	shalt  }
0x5c: {  	_ =	shalt  }
0x5d: {  	_ =	shalt  }
0x5e: {  	_ =	shalt  }
0x5f: {  	_ =	shalt  }
0x60: {  	_ =	shalt  }
0x61: {  	_ =	shalt  }
0x62: {  	_ =	shalt  }
0x63: {  	_ =	shalt  }
0x64: {  	_ =	shalt  }
0x65: {  	_ =	shalt  }
0x66: {  	_ =	shalt  }
0x67: {  	_ =	shalt  }
0x68: {  	_ =	shalt  }
0x69: {  	_ =	shalt  }
0x6a: {  	_ =	shalt  }
0x6b: {  	_ =	shalt  }
0x6c: {  	_ =	shalt  }
0x6d: {  	_ =	shalt  }
0x6e: {  	_ =	shalt  }
0x6f: {  	_ =	shalt  }
0x70: {  	_ =	shalt  }
0x71: {  	_ =	shalt  }
0x72: {  	_ =	shalt  }
0x73: {  	_ =	shalt  }
0x74: {  	_ =	shalt  }
0x75: {  	_ =	shalt  }
0x76: {  	_ =	shalt  }
0x77: {  	_ =	shalt  }
0x78: {  	_ =	shalt  }
0x79: {  	_ =	shalt  }
0x7a: {  	_ =	shalt  }
0x7b: {  	_ =	shalt  }
0x7c: {  	_ =	shalt  }
0x7d: {  	_ =	shalt  }
0x7e: {  	_ =	shalt  }
0x7f: {  	_ =	shalt  }
0x80: {  	_ =	shalt  }
0x81: {  	_ =	shalt  }
0x82: {  	_ =	shalt  }
0x83: {  	_ =	shalt  }
0x84: {  	_ =	shalt  }
0x85: {  	_ =	shalt  }
0x86: {  	_ =	shalt  }
0x87: {  	_ =	shalt  }
.Lfunc_end0:
.L_simem_size_0:
called_computation.1_lowered:
.L_overlay_start_0:
0x88: {  	s2 =	sld [smem:$0x3FD9]  }
0x89: {  	s3 =	sld [smem:$0x3FFE];
	_ =	sdelay $0x1  }
0x8a: {  	s1 =	srdreg.scid  }
0x8b: {  	s0 =	sand.u32 $0x1, s1  }
0x8c: {  	s16 =	sshll.u32 s0, $0xA;
	s2 =	sadd.s32 s3, s2  }
0x8d: {  	s2 =	sadd.s32 s2, s16  }
0x8e: {  	[smem:$0x3FBA] =	sst s2  }
0x8f: {  	_ = 	snop  }
0x90: {  	(tm) =	ssettm $0x1  }
0x91: {  	s17 =	sld [smem:$0x3FFB];
	_ =	sdelay $0x3  }
0x92: {  	_ =	strace s17  }
0x93: {  	s2 =	sld [smem:$0x3FFC];
	_ =	sdelay $0x3  }
0x94: {  	_ =	strace s2  }
0x95: {  	s2 =	sld [smem:$0x3FFD];
	_ =	sdelay $0x3  }
0x96: {  	_ =	strace s2  }
0x97: {  	_ =	strace $0x8FFFFFFF  }
0x98: {  	s18 =	sld [smem:$0x3FDB];
	_ =	sdelay $0x1  }
0x99: {  	s19 =	simm.s32 $_scs_section_size  }
0x9a: {  	s4 =	simm.s32 $_size__tile_overlayer_lowered;
	s5 =	simm.s32 $_tile_overlayer_lowered  }
0x9b: {  	s22 =	simm.s32 $0x1BFF;
	s21 =	sshll.u32 s5, $0x1;
	s2 =	sadd.s32 s19, s18  }
0x9c: {  	s6 =	simm.s32 $0x0;
	s20 =	sshll.u32 s4, $0x1;
	s4 =	sadd.s32 s21, s2  }
0x9d: {  	[timem:s6], [sflag:s22] =	dma.local [hbm:s4], s20  }
0x9e: {  	_ =	swait.ge [sflag:s22], s20  }
0x9f: {  	s3 =	ssub.s32 $0x0, s20;
	[sflag:s22] =	ssyncset.done $0x0  }
0xa0: {  	[sflag:s22] =	ssyncadd.s32 s3;
	_ =	sdelay $0x1  }
0xa1: {  	s23 =	simm.s32 $0x1B8B  }
0xa2: {  	_ =	swait.ge [sflag:s23], $0x1  }
0xa3: {  	[sflag:s23] =	ssyncset.done $0x0  }
0xa4: {  	s25 =	simm.s32 $0x1B8E;
	s24 =	sld [smem:$0x3FFE];
	[sflag:s23] =	ssyncadd.s32 $0xFFFFFFFF  }
0xa5: {  	s26 =	simm.s32 $execute0_lowered;
	[smem:$0x3FD2] =	sst s25  }
0xa6: {  	s4 =	sshll.u32 s26, $0x1;
	_ =	strace $0x80000049;
	[dreg:$0x1] =	wrdreg $0xFFFFFFFF  }
0xa7: {  	s28 =	simm.s32 $_size_execute0_lowered;
	s2 =	sadd.s32 s2, s4;
	[dreg:$0x0] =	wrdreg $0x0  }
0xa8: {  	s4 =	sshll.u32 s28, $0x1;
	[dreg:$0x2] =	wrdreg s2  }
0xa9: {  	[dreg:$0x3] =	wrdreg s4  }
0xaa: {  	[dreg:$0x4] =	wrdreg $0xC0  }
0xab: {  	_ =	task [dreg:s6], $0x5FFFF  }
0xac: {  	[dreg:$0x1] =	wrdreg $0xFFFFFFFF  }
0xad: {  	[dreg:$0x0] =	wrdreg $0x60  }
0xae: {  	[dreg:$0x2] =	wrdreg s24  }
0xaf: {  	[dreg:$0x3] =	wrdreg $0x60000  }
0xb0: {  	[dreg:$0x4] =	wrdreg $0x9  }
0xb1: {  	_ =	task.clear_ibuf [dreg:s6], $0x5FFFF;
	_ =	strace $0x90000049  }
0xb2: {  	s29 =	simm.s32 $0x9;
	_ =	strace $0x8000004B  }
0xb3: {  	_ =	swait.ge [sflag:s29], $0x1  }
0xb4: {  	[sflag:s29] =	ssyncadd.s32 $0xFFFFFFFF  }
0xb5: {  	_ =	strace $0x9000004B  }
0xb6: {  	_ =	sfence  }
0xb7: {  	s30 =	sld [smem:$0x0];
	_ =	sdelay $0x2  }
0xb8: {  	s31 =	sshll.u32 s1, $0xD;
	s1 =	sshrl.u32 s1, $0x2  }
0xb9: {  	s3 =	sand.u32 $0x4000, s31;
	s1 =	sadd.s32 s1, s30  }
0xba: {  	s0 =	sor.u32 s3, s0;
	s1 =	sshll.u32 s1, $0x11  }
0xbb: {  	s0 =	sor.u32 s1, s0  }
0xbc: {  	s0 =	sadd.s32 $0x8F2B, s0  }
0xbd: {  	[sflag:s0] =	ssyncadd.remote.s32 $0x1  }
0xbe: {  	_ =	sfence.sel $0xFFFF  }
0xbf: {  	[dreg:$0x0] =	wrdreg $0xFFFFFFFF;
	(pc) =	sbr.abs _section_cstart, $3  }
0xc0: {  	[dreg:$0x1] =	wrdreg $0xFFFFFFFF  }
0xc1: {  	_ =	task.clear_ibuf [dreg:s6], $0x2FFFF;
	_ =	strace $0x9FFFFFFF  }
0xc2: {  	(tm) =	ssettm $0x7FFFFFFF  }
0xc3: {  	_ =	shalt  }
tec
execute0_lowered:
.L_overlay_start_1:
0x0: {  	(tag) =	ssettag $0x1  }
0x1: {  	s0 =	rddreg [dreg:$0x0]  }
0x2: {  	s1 =	rddreg [dreg:$0x1];
	s3 =	simm.s32 $0x0;
	s2 =	srdreg.scid  }
0x3: {  	s13 =	stileid.u32;
	s30 =	simm.s32 $0x4400;
	s31 =	simm.s32 $0x3  }
0x4: {  	[smem:$0x7FF] =	sst s3;
	s2 =	sand.u32 $0x1, s2;
	s6 =	smul.u32 $0x18800, s13  }
0x5: {  	s4 =	sadd.s32 $0x65A00, s0;
	s9 =	sadd.s32 $0x34A00, s0;
	s11 =	smul.u32 $0x62000, s13  }
0x6: {  	s12 =	sadd.s32 $0x3A00, s0;
	s5 =	smul.u32 $0x188000, s2;
	s7 =	sshll.u32 s2, $0x4  }
0x7: {  	s16 =	smul.u32 $0xC400, s13;
	_ =	strace $0x8000004A;
	s7 =	sor.u32 s13, s7  }
0x8: {  	s24 =	ssub.s32 $0x2, s2;
	s5 =	sadd.s32 s6, s5;
	s8 =	smul.u32 $0x1880, s7  }
0x9: {  	s2 =	smul.u32 $0xC4000, s2;
	s10 =	sshrl.u32 s24, $0x1;
	s5 =	sshrl.u32 s5, $0x3  }
0xa: {  	s25 =	ssub.s32 s24, s10;
	s0 =	sadd.s32 s5, s0;
	s26 =	sadd.s32 s9, s8  }
0xb: {  	s28 =	sadd.s32 s12, s8;
	s8 =	sshrl.u32 s11, $0x2;
	[dreg:$0x3] =	wrdreg s26  }
0xc: {  	s5 =	smax.u32 s25, $0x1;
	[dreg:$0x4] =	wrdreg s28;
	s8 =	sadd.s32 s8, s1  }
0xd: {  	s13 =	simm.s32 $0x1;
	[dreg:$0x5] =	wrdreg s5;
	s10 =	sadd.s32 $0x1C00, s8  }
0xe: {  	s7 =	smul.u32 $0xC400, s7;
	s11 =	sadd.s32 $0x3800, s8;
	[dreg:$0x6] =	wrdreg s10  }
0xf: {  	s2 =	sadd.s32 s16, s2;
	s14 =	sadd.s32 $0x5400, s8;
	[dreg:$0x7] =	wrdreg s11  }
0x10: {  	s16 =	simm.s32 $0x380;
	s15 =	sadd.s32 $0x7000, s8;
	[dreg:$0x8] =	wrdreg s14  }
0x11: {  	s23 =	sor.u32 $0x200, s2;
	s6 =	sadd.s32 $0x8C00, s8;
	[dreg:$0x9] =	wrdreg s15  }
0x12: {  	s2 =	sor.u32 $0x100, s2;
	s17 =	sadd.s32 $0xA800, s8;
	[dreg:$0xa] =	wrdreg s6  }
0x13: {  	s20 =	sshrl.u32 s7, $0x3;
	s18 =	sadd.s32 $0xC400, s8;
	[dreg:$0xb] =	wrdreg s17  }
0x14: {  	s2 =	sshrl.u32 s2, $0x3;
	s19 =	sadd.s32 $0xE000, s8;
	[dreg:$0xc] =	wrdreg s18  }
0x15: {  	s22 =	sadd.s32 $0x1860, s20;
	s21 =	sadd.s32 $0xFC00, s8;
	[dreg:$0xd] =	wrdreg s19  }
0x16: {  	s7 =	simm.s32 $0x100;
	s24 =	sadd.s32 s9, s22;
	[dreg:$0xe] =	wrdreg s21  }
0x17: {  	s5 =	sadd.s32 s12, s22;
	s22 =	sadd.s32 s2, s12;
	[dreg:$0xf] =	wrdreg s24  }
0x18: {  	s25 =	sadd.s32 $0x11800, s8;
	s26 =	sadd.s32 $0x13400, s8;
	[dreg:$0x10] =	wrdreg s5  }
0x19: {  	s28 =	sadd.s32 $0x15000, s8;
	s29 =	sadd.s32 $0x16C00, s8;
	[dreg:$0x11] =	wrdreg s25  }
0x1a: {  	s6 =	sshrl.u32 s23, $0x3;
	s23 =	sadd.s32 s2, s9;
	[dreg:$0x12] =	wrdreg s26  }
0x1b: {  	s25 =	sadd.s32 $0x2E2000, s0;
	[dreg:$0x13] =	wrdreg s28;
	s0 =	simm.s32 $0x200  }
0x1c: {  	s2 =	simm.s32 $0x80;
	s5 =	simm.s32 $0x400;
	s10 =	simm.s32 $0x2400  }
0x1d: {  	s11 =	simm.s32 $0x180;
	s14 =	simm.s32 $0x280;
	s15 =	simm.s32 $0x2  }
0x1e: {  	s17 =	simm.s32 $0x0;
	s20 =	sadd.s32 s6, s12;
	s21 =	sadd.s32 s6, s9  }
0x1f: {  	v0 =	vimm.f32 $0.0e+00;
	s6 =	simm.s32 $0x1400;
	s9 =	simm.s32 $0x300;
	s12 =	simm.s32 $0x3400  }
.LBB2_1:
0x20: {  	s18 =	simm.s32 $0x80;
	s19 =	simm.s32 $0x0  }
.LBB2_2:
0x21: {  	p0 =	sne.s32 s18, $0x6F80;
	[tilespmem:s19+$0x4400] =	vst v0;
	s24 =	smov.u32 s18;
	s18 =	sadd.s32 $0x80, s18  }
.Ltmp0:
0x22: {  	[tilespmem:s19+$0x4410] =	vst v0;
	(pc) =	sbr.rel @p0 .LBB2_2-.Ltmp0, $2  }
0x23: {  	_ =	sdelay $0x2  }
0x24: {  	s19 =	sshra.s32 s24, $0x2  }
0x25: {  	[tilespmem:s19+$0x4400] =	vst v0  }
0x26: {  	[tilespmem:s19+$0x4410] =	vst v0  }
0x27: {  	[spmem:s8] =	stream.linear.scatter [tilespmem:s30], [sflag:$0x3], $0x1C00, $0x38;
	[tilespmem:$0x1E800] =	vst v63  }
0x28: {  	_ =	swait.ge [sflag:s31], $0x1C00  }
0x29: {  	[sflag:s31] =	ssyncset.done $0x0  }
0x2a: {  	s18 =	rddreg [dreg:$0x6];
	[sflag:s31] =	ssyncadd.s32 $0xFFFFE400  }
0x2b: {  	[spmem:s18] =	stream.linear.scatter [tilespmem:s30], [sflag:$0x3], $0x1C00, $0x38;
	[tilespmem:$0x1E800] =	vst v63  }
0x2c: {  	_ =	swait.ge [sflag:s31], $0x1C00  }
0x2d: {  	[sflag:s31] =	ssyncset.done $0x0  }
0x2e: {  	s26 =	rddreg [dreg:$0x7];
	[sflag:s31] =	ssyncadd.s32 $0xFFFFE400  }
0x2f: {  	[spmem:s26] =	stream.linear.scatter [tilespmem:s30], [sflag:$0x3], $0x1C00, $0x38;
	[tilespmem:$0x1E800] =	vst v63  }
0x30: {  	_ =	swait.ge [sflag:s31], $0x1C00  }
0x31: {  	[sflag:s31] =	ssyncset.done $0x0  }
0x32: {  	s28 =	rddreg [dreg:$0x8];
	[sflag:s31] =	ssyncadd.s32 $0xFFFFE400  }
0x33: {  	[spmem:s28] =	stream.linear.scatter [tilespmem:s30], [sflag:$0x3], $0x1C00, $0x38;
	[tilespmem:$0x1E800] =	vst v63  }
0x34: {  	_ =	swait.ge [sflag:s31], $0x1C00  }
0x35: {  	[sflag:s31] =	ssyncset.done $0x0  }
0x36: {  	s19 =	rddreg [dreg:$0x9];
	[sflag:s31] =	ssyncadd.s32 $0xFFFFE400  }
0x37: {  	[spmem:s19] =	stream.linear.scatter [tilespmem:s30], [sflag:$0x3], $0x1C00, $0x38;
	[tilespmem:$0x1E800] =	vst v63  }
0x38: {  	_ =	swait.ge [sflag:s31], $0x1C00  }
0x39: {  	[sflag:s31] =	ssyncset.done $0x0  }
0x3a: {  	s24 =	rddreg [dreg:$0xa];
	[sflag:s31] =	ssyncadd.s32 $0xFFFFE400  }
0x3b: {  	[spmem:s24] =	stream.linear.scatter [tilespmem:s30], [sflag:$0x3], $0x1C00, $0x38;
	[tilespmem:$0x1E800] =	vst v63  }
0x3c: {  	_ =	swait.ge [sflag:s31], $0x1C00  }
0x3d: {  	[sflag:s31] =	ssyncset.done $0x0  }
0x3e: {  	s26 =	rddreg [dreg:$0xb];
	[sflag:s31] =	ssyncadd.s32 $0xFFFFE400  }
0x3f: {  	[spmem:s26] =	stream.linear.scatter [tilespmem:s30], [sflag:$0x3], $0x1C00, $0x38;
	[tilespmem:$0x1E800] =	vst v63  }
0x40: {  	_ =	swait.ge [sflag:s31], $0x1C00  }
0x41: {  	[sflag:s31] =	ssyncset.done $0x0  }
0x42: {  	s28 =	rddreg [dreg:$0xc];
	[sflag:s31] =	ssyncadd.s32 $0xFFFFE400  }
0x43: {  	[spmem:s28] =	stream.linear.scatter [tilespmem:s30], [sflag:$0x3], $0x1C00, $0x38;
	[tilespmem:$0x1E800] =	vst v63  }
0x44: {  	_ =	swait.ge [sflag:s31], $0x1C00  }
0x45: {  	[sflag:s31] =	ssyncset.done $0x0  }
0x46: {  	s19 =	rddreg [dreg:$0xd];
	[sflag:s31] =	ssyncadd.s32 $0xFFFFE400  }
0x47: {  	[spmem:s19] =	stream.linear.scatter [tilespmem:s30], [sflag:$0x3], $0x1C00, $0x38;
	[tilespmem:$0x1E800] =	vst v63  }
0x48: {  	_ =	swait.ge [sflag:s31], $0x1C00  }
0x49: {  	[sflag:s31] =	ssyncset.done $0x0  }
0x4a: {  	s24 =	rddreg [dreg:$0xe];
	[sflag:s31] =	ssyncadd.s32 $0xFFFFE400  }
0x4b: {  	[spmem:s24] =	stream.linear.scatter [tilespmem:s30], [sflag:$0x3], $0x1C00, $0x38;
	[tilespmem:$0x1E800] =	vst v63  }
0x4c: {  	_ =	swait.ge [sflag:s31], $0x1C00  }
0x4d: {  	[sflag:s31] =	ssyncset.done $0x0  }
0x4e: {  	s26 =	rddreg [dreg:$0x11];
	[sflag:s31] =	ssyncadd.s32 $0xFFFFE400  }
0x4f: {  	[spmem:s26] =	stream.linear.scatter [tilespmem:s30], [sflag:$0x3], $0x1C00, $0x38;
	[tilespmem:$0x1E800] =	vst v63  }
0x50: {  	_ =	swait.ge [sflag:s31], $0x1C00  }
0x51: {  	[sflag:s31] =	ssyncset.done $0x0  }
0x52: {  	s28 =	rddreg [dreg:$0x12];
	[sflag:s31] =	ssyncadd.s32 $0xFFFFE400  }
0x53: {  	[spmem:s28] =	stream.linear.scatter [tilespmem:s30], [sflag:$0x3], $0x1C00, $0x38;
	[tilespmem:$0x1E800] =	vst v63  }
0x54: {  	_ =	swait.ge [sflag:s31], $0x1C00  }
0x55: {  	[sflag:s31] =	ssyncset.done $0x0  }
0x56: {  	s19 =	rddreg [dreg:$0x13];
	[sflag:s31] =	ssyncadd.s32 $0xFFFFE400  }
0x57: {  	[spmem:s19] =	stream.linear.scatter [tilespmem:s30], [sflag:$0x3], $0x1C00, $0x38;
	[tilespmem:$0x1E800] =	vst v63  }
0x58: {  	_ =	swait.ge [sflag:s31], $0x1C00  }
0x59: {  	[sflag:s31] =	ssyncset.done $0x0  }
0x5a: {  	[sflag:s31] =	ssyncadd.s32 $0xFFFFE400  }
0x5b: {  	[spmem:s29] =	stream.linear.scatter [tilespmem:s30], [sflag:$0x3], $0x1C00, $0x38;
	[tilespmem:$0x1E800] =	vst v63  }
0x5c: {  	_ =	swait.ge [sflag:s31], $0x1C00  }
0x5d: {  	[sflag:s31] =	ssyncset.done $0x0  }
0x5e: {  	[sflag:s31] =	ssyncadd.s32 $0xFFFFE400  }
0x5f: {  	[bflag:$0x0] =	sbarrier.arrive $0xFFFF  }
0x60: {  	s24 =	simm.s32 $0x0;
	s26 =	rddreg [dreg:$0x3]  }
0x61: {  	[tilespmem:s24], [sflag:$0x3] =	stream.linear.gather [hbm4b:s26+s24], $0x100, $0x38;
	[tilespmem:$0x1E800] =	vst v63  }
0x62: {  	_ =	swait.ge [sflag:s31], $0x100  }
0x63: {  	[sflag:s31] =	ssyncset.done $0x0  }
0x64: {  	s28 =	rddreg [dreg:$0x4];
	[sflag:s31] =	ssyncadd.s32 $0xFFFFFF00  }
0x65: {  	[tilespmem:s0], [sflag:$0x3] =	stream.linear.gather [hbm4b:s28+s24], $0x100, $0x38;
	[tilespmem:$0x1E800] =	vst v63  }
0x66: {  	_ =	swait.ge [sflag:s31], $0x100  }
0x67: {  	[sflag:s31] =	ssyncset.done $0x0  }
0x68: {  	[sflag:s31] =	ssyncadd.s32 $0xFFFFFF00  }
0x69: {  	[tilespmem:s5], [sflag:$0x1] =	stream.indirect.gather [hbm4b:s4+s2], $0x20, s24, s2, $0xb8;
	[tilespmem:$0x1E800] =	vst v63  }
0x6a: {  	_ = 	snop  }
0x6b: {  	[tilespmem:s6], [sflag:$0x1] =	stream.indirect.gather [hbm4b:s4+s2], $0x20, s2, s2, $0xb8;
	[tilespmem:$0x1E800] =	vst v63  }
0x6c: {  	s19 =	sadd.s32 $0x0, s23  }
0x6d: {  	[tilespmem:s7], [sflag:$0x3] =	stream.linear.gather [hbm4b:s19+s3], $0x100, $0x38;
	[tilespmem:$0x1E800] =	vst v63  }
0x6e: {  	_ =	swait.ge [sflag:s31], $0x100  }
0x6f: {  	[sflag:s31] =	ssyncset.done $0x0  }
0x70: {  	s24 =	sadd.s32 $0x0, s22;
	[sflag:s31] =	ssyncadd.s32 $0xFFFFFF00  }
0x71: {  	[tilespmem:s9], [sflag:$0x3] =	stream.linear.gather [hbm4b:s24+s3], $0x100, $0x38;
	[tilespmem:$0x1E800] =	vst v63  }
0x72: {  	_ =	swait.ge [sflag:s31], $0x100  }
0x73: {  	[sflag:s31] =	ssyncset.done $0x0  }
0x74: {  	[sflag:s31] =	ssyncadd.s32 $0xFFFFFF00  }
0x75: {  	[tilespmem:s10], [sflag:$0x2] =	stream.indirect.gather [hbm4b:s4+s2], $0x20, s7, s2, $0xb8;
	[tilespmem:$0x1E800] =	vst v63  }
0x76: {  	_ = 	snop  }
0x77: {  	[tilespmem:s12], [sflag:$0x2] =	stream.indirect.gather [hbm4b:s4+s2], $0x20, s11, s2, $0xb8;
	[tilespmem:$0x1E800] =	vst v63  }
0x78: {  	_ =	swait.ge [sflag:s13], $0x1000  }
0x79: {  	[sflag:s13] =	ssyncset.done $0x0  }
0x7a: {  	[sflag:s13] =	ssyncadd.s32 $0xFFFFF000  }
0x7b: {  	_ =	swait.ge [sflag:s13], $0x1000  }
0x7c: {  	[sflag:s13] =	ssyncset.done $0x0  }
0x7d: {  	[sflag:s13] =	ssyncadd.s32 $0xFFFFF000  }
0x7e: {  	[spmem:s1] =	stream.indirect.scatter.add.f32 [tilespmem:s5], [sflag:$0x3], $0x20, s0, s2, $0xb8;
	[tilespmem:$0x1E800] =	vst v63  }
0x7f: {  	_ =	swait.ge [sflag:s31], $0x1000  }
0x80: {  	[sflag:s31] =	ssyncset.done $0x0  }
0x81: {  	[sflag:s31] =	ssyncadd.s32 $0xFFFFF000  }
0x82: {  	[spmem:s1] =	stream.indirect.scatter.add.f32 [tilespmem:s6], [sflag:$0x3], $0x20, s14, s2, $0xb8;
	[tilespmem:$0x1E800] =	vst v63  }
0x83: {  	_ =	swait.ge [sflag:s31], $0x1000  }
0x84: {  	[sflag:s31] =	ssyncset.done $0x0  }
0x85: {  	s26 =	sadd.s32 $0x0, s21;
	[sflag:s31] =	ssyncadd.s32 $0xFFFFF000  }
0x86: {  	[tilespmem:s3], [sflag:$0x3] =	stream.linear.gather [hbm4b:s26+s3], $0x100, $0x38;
	[tilespmem:$0x1E800] =	vst v63  }
0x87: {  	_ =	swait.ge [sflag:s31], $0x100  }
0x88: {  	[sflag:s31] =	ssyncset.done $0x0  }
0x89: {  	s28 =	sadd.s32 $0x0, s20;
	[sflag:s31] =	ssyncadd.s32 $0xFFFFFF00  }
0x8a: {  	[tilespmem:s0], [sflag:$0x3] =	stream.linear.gather [hbm4b:s28+s3], $0x100, $0x38;
	[tilespmem:$0x1E800] =	vst v63  }
0x8b: {  	_ =	swait.ge [sflag:s31], $0x100  }
0x8c: {  	[sflag:s31] =	ssyncset.done $0x0  }
0x8d: {  	[sflag:s31] =	ssyncadd.s32 $0xFFFFFF00  }
0x8e: {  	[tilespmem:s5], [sflag:$0x1] =	stream.indirect.gather [hbm4b:s4+s2], $0x20, s3, s2, $0xb8;
	[tilespmem:$0x1E800] =	vst v63  }
0x8f: {  	_ = 	snop  }
0x90: {  	[tilespmem:s6], [sflag:$0x1] =	stream.indirect.gather [hbm4b:s4+s2], $0x20, s2, s2, $0xb8;
	[tilespmem:$0x1E800] =	vst v63  }
0x91: {  	_ =	swait.ge [sflag:s15], $0x1000  }
0x92: {  	[sflag:s15] =	ssyncset.done $0x0  }
0x93: {  	[sflag:s15] =	ssyncadd.s32 $0xFFFFF000  }
0x94: {  	_ =	swait.ge [sflag:s15], $0x1000  }
0x95: {  	[sflag:s15] =	ssyncset.done $0x0  }
0x96: {  	[sflag:s15] =	ssyncadd.s32 $0xFFFFF000  }
0x97: {  	[spmem:s1] =	stream.indirect.scatter.add.f32 [tilespmem:s10], [sflag:$0x3], $0x20, s9, s2, $0xb8;
	[tilespmem:$0x1E800] =	vst v63  }
0x98: {  	_ =	swait.ge [sflag:s31], $0x1000  }
0x99: {  	[sflag:s31] =	ssyncset.done $0x0  }
0x9a: {  	[sflag:s31] =	ssyncadd.s32 $0xFFFFF000  }
0x9b: {  	[spmem:s1] =	stream.indirect.scatter.add.f32 [tilespmem:s12], [sflag:$0x3], $0x20, s16, s2, $0xb8;
	[tilespmem:$0x1E800] =	vst v63  }
0x9c: {  	_ =	swait.ge [sflag:s31], $0x1000  }
0x9d: {  	s18 =	simm.s32 $0x40;
	s19 =	simm.s32 $0x80;
	[sflag:s31] =	ssyncset.done $0x0  }
.LBB2_4:
0x9e: {  	s28 =	sadd.s32 s18, s23  }
0x9f: {  	[sflag:s31] =	ssyncadd.s32 $0xFFFFF000;
	s24 =	smov.u32 s19;
	s26 =	sadd.s32 $0x40, s19  }
0xa0: {  	[tilespmem:s7], [sflag:$0x3] =	stream.linear.gather [hbm4b:s28+s3], $0x100, $0x38;
	[tilespmem:$0x1E800] =	vst v63  }
0xa1: {  	p0 =	sne.s32 s19, $0x1800;
	_ =	swait.ge [sflag:s31], $0x100  }
0xa2: {  	[sflag:s31] =	ssyncset.done $0x0  }
0xa3: {  	s19 =	sadd.s32 s18, s22;
	[sflag:s31] =	ssyncadd.s32 $0xFFFFFF00  }
0xa4: {  	[tilespmem:s9], [sflag:$0x3] =	stream.linear.gather [hbm4b:s19+s3], $0x100, $0x38;
	[tilespmem:$0x1E800] =	vst v63  }
0xa5: {  	_ =	swait.ge [sflag:s31], $0x100  }
0xa6: {  	[sflag:s31] =	ssyncset.done $0x0  }
0xa7: {  	[sflag:s31] =	ssyncadd.s32 $0xFFFFFF00  }
0xa8: {  	[tilespmem:s10], [sflag:$0x2] =	stream.indirect.gather [hbm4b:s4+s2], $0x20, s7, s2, $0xb8;
	[tilespmem:$0x1E800] =	vst v63  }
0xa9: {  	_ = 	snop  }
0xaa: {  	[tilespmem:s12], [sflag:$0x2] =	stream.indirect.gather [hbm4b:s4+s2], $0x20, s11, s2, $0xb8;
	[tilespmem:$0x1E800] =	vst v63  }
0xab: {  	_ =	swait.ge [sflag:s13], $0x1000  }
0xac: {  	[sflag:s13] =	ssyncset.done $0x0  }
0xad: {  	[sflag:s13] =	ssyncadd.s32 $0xFFFFF000  }
0xae: {  	_ =	swait.ge [sflag:s13], $0x1000  }
0xaf: {  	[sflag:s13] =	ssyncset.done $0x0  }
0xb0: {  	[sflag:s13] =	ssyncadd.s32 $0xFFFFF000  }
0xb1: {  	[spmem:s1] =	stream.indirect.scatter.add.f32 [tilespmem:s5], [sflag:$0x3], $0x20, s0, s2, $0xb8;
	[tilespmem:$0x1E800] =	vst v63  }
0xb2: {  	_ =	swait.ge [sflag:s31], $0x1000  }
0xb3: {  	[sflag:s31] =	ssyncset.done $0x0  }
0xb4: {  	[sflag:s31] =	ssyncadd.s32 $0xFFFFF000  }
0xb5: {  	[spmem:s1] =	stream.indirect.scatter.add.f32 [tilespmem:s6], [sflag:$0x3], $0x20, s14, s2, $0xb8;
	[tilespmem:$0x1E800] =	vst v63  }
0xb6: {  	_ =	swait.ge [sflag:s31], $0x1000  }
0xb7: {  	[sflag:s31] =	ssyncset.done $0x0  }
0xb8: {  	s19 =	sadd.s32 s18, s21;
	[sflag:s31] =	ssyncadd.s32 $0xFFFFF000  }
0xb9: {  	[tilespmem:s3], [sflag:$0x3] =	stream.linear.gather [hbm4b:s19+s3], $0x100, $0x38;
	[tilespmem:$0x1E800] =	vst v63  }
0xba: {  	_ =	swait.ge [sflag:s31], $0x100  }
0xbb: {  	[sflag:s31] =	ssyncset.done $0x0  }
0xbc: {  	s19 =	sadd.s32 s18, s20;
	s18 =	smov.u32 s24;
	[sflag:s31] =	ssyncadd.s32 $0xFFFFFF00  }
0xbd: {  	[tilespmem:s0], [sflag:$0x3] =	stream.linear.gather [hbm4b:s19+s3], $0x100, $0x38;
	[tilespmem:$0x1E800] =	vst v63  }
0xbe: {  	_ =	swait.ge [sflag:s31], $0x100  }
0xbf: {  	[sflag:s31] =	ssyncset.done $0x0  }
0xc0: {  	[sflag:s31] =	ssyncadd.s32 $0xFFFFFF00  }
0xc1: {  	[tilespmem:s5], [sflag:$0x1] =	stream.indirect.gather [hbm4b:s4+s2], $0x20, s3, s2, $0xb8;
	[tilespmem:$0x1E800] =	vst v63  }
0xc2: {  	_ = 	snop  }
0xc3: {  	[tilespmem:s6], [sflag:$0x1] =	stream.indirect.gather [hbm4b:s4+s2], $0x20, s2, s2, $0xb8;
	[tilespmem:$0x1E800] =	vst v63  }
0xc4: {  	_ =	swait.ge [sflag:s15], $0x1000  }
0xc5: {  	[sflag:s15] =	ssyncset.done $0x0  }
0xc6: {  	[sflag:s15] =	ssyncadd.s32 $0xFFFFF000  }
0xc7: {  	_ =	swait.ge [sflag:s15], $0x1000  }
0xc8: {  	[sflag:s15] =	ssyncset.done $0x0  }
0xc9: {  	[sflag:s15] =	ssyncadd.s32 $0xFFFFF000  }
0xca: {  	[spmem:s1] =	stream.indirect.scatter.add.f32 [tilespmem:s10], [sflag:$0x3], $0x20, s9, s2, $0xb8;
	[tilespmem:$0x1E800] =	vst v63  }
0xcb: {  	_ =	swait.ge [sflag:s31], $0x1000  }
.Ltmp1:
0xcc: {  	[sflag:s31] =	ssyncset.done $0x0;
	(pc) =	sbr.rel @p0 .LBB2_4-.Ltmp1, $4  }
0xcd: {  	[sflag:s31] =	ssyncadd.s32 $0xFFFFF000  }
0xce: {  	[spmem:s1] =	stream.indirect.scatter.add.f32 [tilespmem:s12], [sflag:$0x3], $0x20, s16, s2, $0xb8;
	[tilespmem:$0x1E800] =	vst v63  }
0xcf: {  	_ =	swait.ge [sflag:s31], $0x1000  }
0xd0: {  	s19 =	smov.u32 s26;
	[sflag:s31] =	ssyncset.done $0x0  }
0xd1: {  	s19 =	sadd.s32 s18, s23;
	[sflag:s31] =	ssyncadd.s32 $0xFFFFF000  }
0xd2: {  	[tilespmem:s7], [sflag:$0x3] =	stream.linear.gather [hbm4b:s19+s3], $0x100, $0x38;
	[tilespmem:$0x1E800] =	vst v63  }
0xd3: {  	_ =	swait.ge [sflag:s31], $0x100  }
0xd4: {  	[sflag:s31] =	ssyncset.done $0x0  }
0xd5: {  	s28 =	sadd.s32 s18, s22;
	[sflag:s31] =	ssyncadd.s32 $0xFFFFFF00  }
0xd6: {  	[tilespmem:s9], [sflag:$0x3] =	stream.linear.gather [hbm4b:s28+s3], $0x100, $0x38;
	[tilespmem:$0x1E800] =	vst v63  }
0xd7: {  	_ =	swait.ge [sflag:s31], $0x100  }
0xd8: {  	[sflag:s31] =	ssyncset.done $0x0  }
0xd9: {  	[sflag:s31] =	ssyncadd.s32 $0xFFFFFF00  }
0xda: {  	[tilespmem:s10], [sflag:$0x2] =	stream.indirect.gather [hbm4b:s4+s2], $0x20, s7, s2, $0xb8;
	[tilespmem:$0x1E800] =	vst v63  }
0xdb: {  	_ = 	snop  }
0xdc: {  	[tilespmem:s12], [sflag:$0x2] =	stream.indirect.gather [hbm4b:s4+s2], $0x20, s11, s2, $0xb8;
	[tilespmem:$0x1E800] =	vst v63  }
0xdd: {  	_ =	swait.ge [sflag:s13], $0x1000  }
0xde: {  	[sflag:s13] =	ssyncset.done $0x0  }
0xdf: {  	[sflag:s13] =	ssyncadd.s32 $0xFFFFF000  }
0xe0: {  	_ =	swait.ge [sflag:s13], $0x1000  }
0xe1: {  	[sflag:s13] =	ssyncset.done $0x0  }
0xe2: {  	[sflag:s13] =	ssyncadd.s32 $0xFFFFF000  }
0xe3: {  	[spmem:s1] =	stream.indirect.scatter.add.f32 [tilespmem:s5], [sflag:$0x3], $0x20, s0, s2, $0xb8;
	[tilespmem:$0x1E800] =	vst v63  }
0xe4: {  	_ =	swait.ge [sflag:s31], $0x1000  }
0xe5: {  	[sflag:s31] =	ssyncset.done $0x0  }
0xe6: {  	[sflag:s31] =	ssyncadd.s32 $0xFFFFF000  }
0xe7: {  	[spmem:s1] =	stream.indirect.scatter.add.f32 [tilespmem:s6], [sflag:$0x3], $0x20, s14, s2, $0xb8;
	[tilespmem:$0x1E800] =	vst v63  }
0xe8: {  	_ =	swait.ge [sflag:s31], $0x1000  }
0xe9: {  	[sflag:s31] =	ssyncset.done $0x0  }
0xea: {  	s24 =	sadd.s32 s18, s21;
	[sflag:s31] =	ssyncadd.s32 $0xFFFFF000  }
0xeb: {  	[tilespmem:s3], [sflag:$0x3] =	stream.linear.gather [hbm4b:s24+s3], $0x100, $0x38;
	[tilespmem:$0x1E800] =	vst v63  }
0xec: {  	_ =	swait.ge [sflag:s31], $0x100  }
0xed: {  	[sflag:s31] =	ssyncset.done $0x0  }
0xee: {  	s26 =	sadd.s32 s18, s20;
	[sflag:s31] =	ssyncadd.s32 $0xFFFFFF00  }
0xef: {  	[tilespmem:s0], [sflag:$0x3] =	stream.linear.gather [hbm4b:s26+s3], $0x100, $0x38;
	[tilespmem:$0x1E800] =	vst v63  }
0xf0: {  	_ =	swait.ge [sflag:s31], $0x100  }
0xf1: {  	[sflag:s31] =	ssyncset.done $0x0  }
0xf2: {  	[sflag:s31] =	ssyncadd.s32 $0xFFFFFF00  }
0xf3: {  	[tilespmem:s5], [sflag:$0x1] =	stream.indirect.gather [hbm4b:s4+s2], $0x20, s3, s2, $0xb8;
	[tilespmem:$0x1E800] =	vst v63  }
0xf4: {  	_ = 	snop  }
0xf5: {  	[tilespmem:s6], [sflag:$0x1] =	stream.indirect.gather [hbm4b:s4+s2], $0x20, s2, s2, $0xb8;
	[tilespmem:$0x1E800] =	vst v63  }
0xf6: {  	_ =	swait.ge [sflag:s15], $0x1000  }
0xf7: {  	[sflag:s15] =	ssyncset.done $0x0  }
0xf8: {  	[sflag:s15] =	ssyncadd.s32 $0xFFFFF000  }
0xf9: {  	_ =	swait.ge [sflag:s15], $0x1000  }
0xfa: {  	[sflag:s15] =	ssyncset.done $0x0  }
0xfb: {  	[sflag:s15] =	ssyncadd.s32 $0xFFFFF000  }
0xfc: {  	[spmem:s1] =	stream.indirect.scatter.add.f32 [tilespmem:s10], [sflag:$0x3], $0x20, s9, s2, $0xb8;
	[tilespmem:$0x1E800] =	vst v63  }
0xfd: {  	_ =	swait.ge [sflag:s31], $0x1000  }
0xfe: {  	[sflag:s31] =	ssyncset.done $0x0  }
0xff: {  	[sflag:s31] =	ssyncadd.s32 $0xFFFFF000  }
0x100: {  	[spmem:s1] =	stream.indirect.scatter.add.f32 [tilespmem:s12], [sflag:$0x3], $0x20, s16, s2, $0xb8;
	[tilespmem:$0x1E800] =	vst v63  }
0x101: {  	_ =	swait.ge [sflag:s31], $0x1000  }
0x102: {  	[sflag:s31] =	ssyncset.done $0x0  }
0x103: {  	s28 =	simm.s32 $0x0;
	s24 =	rddreg [dreg:$0xf];
	[sflag:s31] =	ssyncadd.s32 $0xFFFFF000  }
0x104: {  	[tilespmem:s7], [sflag:$0x3] =	stream.linear.gather [hbm4b:s24+s28], $0x100, $0x38;
	[tilespmem:$0x1E800] =	vst v63  }
0x105: {  	_ =	swait.ge [sflag:s31], $0x100  }
0x106: {  	[sflag:s31] =	ssyncset.done $0x0  }
0x107: {  	s26 =	rddreg [dreg:$0x10];
	[sflag:s31] =	ssyncadd.s32 $0xFFFFFF00  }
0x108: {  	[tilespmem:s9], [sflag:$0x3] =	stream.linear.gather [hbm4b:s26+s28], $0x100, $0x38;
	[tilespmem:$0x1E800] =	vst v63  }
0x109: {  	_ =	swait.ge [sflag:s31], $0x100  }
0x10a: {  	[sflag:s31] =	ssyncset.done $0x0  }
0x10b: {  	[sflag:s31] =	ssyncadd.s32 $0xFFFFFF00  }
0x10c: {  	[tilespmem:s10], [sflag:$0x2] =	stream.indirect.gather [hbm4b:s4+s2], $0x20, s7, s2, $0xb8;
	[tilespmem:$0x1E800] =	vst v63  }
0x10d: {  	_ = 	snop  }
0x10e: {  	[tilespmem:s12], [sflag:$0x2] =	stream.indirect.gather [hbm4b:s4+s2], $0x20, s11, s2, $0xb8;
	[tilespmem:$0x1E800] =	vst v63  }
0x10f: {  	_ =	swait.ge [sflag:s13], $0x1000  }
0x110: {  	[sflag:s13] =	ssyncset.done $0x0  }
0x111: {  	[sflag:s13] =	ssyncadd.s32 $0xFFFFF000  }
0x112: {  	_ =	swait.ge [sflag:s13], $0x1000  }
0x113: {  	[sflag:s13] =	ssyncset.done $0x0  }
0x114: {  	[sflag:s13] =	ssyncadd.s32 $0xFFFFF000  }
0x115: {  	[spmem:s1] =	stream.indirect.scatter.add.f32 [tilespmem:s5], [sflag:$0x3], $0x20, s0, s2, $0xb8;
	[tilespmem:$0x1E800] =	vst v63  }
0x116: {  	_ =	swait.ge [sflag:s31], $0x1000  }
0x117: {  	[sflag:s31] =	ssyncset.done $0x0  }
0x118: {  	[sflag:s31] =	ssyncadd.s32 $0xFFFFF000  }
0x119: {  	[spmem:s1] =	stream.indirect.scatter.add.f32 [tilespmem:s6], [sflag:$0x3], $0x20, s14, s2, $0xb8;
	[tilespmem:$0x1E800] =	vst v63  }
0x11a: {  	_ =	swait.ge [sflag:s31], $0x1000  }
0x11b: {  	[sflag:s31] =	ssyncset.done $0x0  }
0x11c: {  	[sflag:s31] =	ssyncadd.s32 $0xFFFFF000  }
0x11d: {  	_ =	swait.ge [sflag:s15], $0x1000  }
0x11e: {  	[sflag:s15] =	ssyncset.done $0x0  }
0x11f: {  	[sflag:s15] =	ssyncadd.s32 $0xFFFFF000  }
0x120: {  	_ =	swait.ge [sflag:s15], $0x1000  }
0x121: {  	[sflag:s15] =	ssyncset.done $0x0  }
0x122: {  	[sflag:s15] =	ssyncadd.s32 $0xFFFFF000  }
0x123: {  	[spmem:s1] =	stream.indirect.scatter.add.f32 [tilespmem:s10], [sflag:$0x3], $0x20, s9, s2, $0xb8;
	[tilespmem:$0x1E800] =	vst v63  }
0x124: {  	_ =	swait.ge [sflag:s31], $0x1000  }
0x125: {  	[sflag:s31] =	ssyncset.done $0x0  }
0x126: {  	[sflag:s31] =	ssyncadd.s32 $0xFFFFF000  }
0x127: {  	[spmem:s1] =	stream.indirect.scatter.add.f32 [tilespmem:s12], [sflag:$0x3], $0x20, s16, s2, $0xb8;
	[tilespmem:$0x1E800] =	vst v63  }
0x128: {  	_ =	swait.ge [sflag:s31], $0x1000  }
0x129: {  	[sflag:s31] =	ssyncset.done $0x0  }
0x12a: {  	[sflag:s31] =	ssyncadd.s32 $0xFFFFF000  }
0x12b: {  	[bflag:$0x0] =	sbarrier.arrive $0xFFFF  }
0x12c: {  	[tilespmem:s30], [sflag:$0x3] =	stream.linear.gather [spmem:s8], $0x1C00, $0x38;
	[tilespmem:$0x1E800] =	vst v63  }
0x12d: {  	_ =	swait.ge [sflag:s31], $0x1C00  }
0x12e: {  	[sflag:s31] =	ssyncset.done $0x0  }
0x12f: {  	s28 =	sadd.s32 $0x0, s25;
	[sflag:s31] =	ssyncadd.s32 $0xFFFFE400  }
0x130: {  	[hbm4b:s28+s3] =	stream.linear.scatter [tilespmem:s30], [sflag:$0x3], $0x1C00, $0x38;
	[tilespmem:$0x1E800] =	vst v63  }
0x131: {  	_ =	swait.ge [sflag:s31], $0x1C00  }
0x132: {  	s18 =	simm.s32 $0x380;
	s19 =	smov.u32 s8;
	[sflag:s31] =	ssyncset.done $0x0  }
.LBB2_6:
0x133: {  	p0 =	sne.s32 s18, $0x2D80;
	[sflag:s31] =	ssyncadd.s32 $0xFFFFE400;
	s19 =	sadd.s32 $0x1C00, s19  }
0x134: {  	[tilespmem:s30], [sflag:$0x3] =	stream.linear.gather [spmem:s19], $0x1C00, $0x38;
	[tilespmem:$0x1E800] =	vst v63  }
0x135: {  	s24 =	smov.u32 s18;
	s18 =	sadd.s32 $0x380, s18;
	_ =	swait.ge [sflag:s31], $0x1C00  }
.Ltmp2:
0x136: {  	[sflag:s31] =	ssyncset.done $0x0;
	(pc) =	sbr.rel @p0 .LBB2_6-.Ltmp2, $4  }
0x137: {  	s24 =	sadd.s32 s24, s25;
	[sflag:s31] =	ssyncadd.s32 $0xFFFFE400  }
0x138: {  	[hbm4b:s24+s3] =	stream.linear.scatter [tilespmem:s30], [sflag:$0x3], $0x1C00, $0x38;
	[tilespmem:$0x1E800] =	vst v63  }
0x139: {  	_ =	swait.ge [sflag:s31], $0x1C00  }
0x13a: {  	[sflag:s31] =	ssyncset.done $0x0  }
0x13b: {  	s17 =	sadd.s32 $0x1, s17;
	s18 =	rddreg [dreg:$0x5]  }
0x13c: {  	p0 =	sne.s32 s17, s18  }
.Ltmp3:
0x13d: {  	_ = 	snop;
	(pc) =	sbr.rel @p0 .LBB2_1-.Ltmp3, $2  }
0x13e: {  	_ =	sdelay $0x2  }
0x13f: {  	[sflag:s31] =	ssyncadd.s32 $0xFFFFE400  }
0x140: {  	_ =	sfence.sel $0x180000  }
0x141: {  	[bflag:$0x0] =	sbarrier.arrive $0xFFFF  }
0x142: {  	_ =	strace $0x9000004A  }
0x143: {  	s0 =	stileid.u32;
	[bflag:$0x2] =	sbarrier.arrive $0xFFFF  }
0x144: {  	p0 =	sne.s32 s0, $0x0;
	s0 =	rddreg [dreg:$0x2]  }
0x145: {  	s0 =	sadd.s32 @!p0 $0x100000, s0  }
0x146: {  	[sflag:s0] =	ssyncadd.tile.s32 @!p0 $0x1;
	_ =	shalt  }
.Lfunc_end2:
_tile_overlayer_lowered:
.L_overlay_start_2:
0x147: {  	(tag) =	ssettag $0x2  }
0x148: {  	s0 =	rddreg [dreg:$0x0];
	s2 =	stileid.u32  }
0x149: {  	s1 =	rddreg [dreg:$0x1];
	p0 =	sne.s32 s2, $0x0  }
0x14a: {  	s3 =	rddreg [dreg:$0x2];
	[bflag:$0x3] =	sbarrier.arrive $0xFFFF;
	s2 =	simm.s32 @!p0 $0x1C03  }
0x14b: {  	[timem:s3], [sflag:s2] =	dma.local @!p0 [hbm:s0], s1  }
0x14c: {  	s0 =	simm.s32 @!p0 $0x3  }
0x14d: {  	_ =	swait.ge @!p0 [sflag:s0], s1  }
0x14e: {  	s1 =	ssub.s32 @!p0 $0x0, s1;
	[sflag:s0] =	ssyncset.done @!p0 $0x0  }
0x14f: {  	[sflag:s0] =	ssyncadd.s32 @!p0 s1  }
0x150: {  	[bflag:$0x3] =	sbarrier.arrive $0xFFFF  }
0x151: {  	_ =	shalt  }

// kernel: kernel.14.cloned.1.call-start
scs
__scs_entry_jumppad:
0x0: {  	(pc) =	sbr.rel $0x88, $3  }
0x1: {  	(tag) =	ssettag $0x0;
	lr =	simm.s32 $0x1  }
0x2: {  	[smem:$0x3F93] =	sst lr;
	_ =	strace $0xD0000000  }
0x3: {  	_ = 	snop  }
0x4: {  	_ = 	snop  }
0x5: {  	_ = 	snop  }
0x6: {  	_ = 	snop  }
0x7: {  	_ = 	snop  }
__scs_overlays_trampoline_lowered:
0x8: {  	[smem:$0x3FA2] =	sst s0  }
0x9: {  	[smem:$0x3FA3] =	sst s1  }
0xa: {  	[smem:$0x3FA4] =	sst s2  }
0xb: {  	[smem:$0x3FA5] =	sst s3  }
0xc: {  	[smem:$0x3FA6] =	sst s4  }
0xd: {  	[smem:$0x3FA7] =	sst s5  }
0xe: {  	[smem:$0x3FA8] =	sst s6  }
0xf: {  	[smem:$0x3FA9] =	sst s7  }
0x10: {  	[smem:$0x3FAA] =	sst s8  }
0x11: {  	[smem:$0x3FAB] =	sst s9;
	s0 =	simm.s32 @!p0 $0x0  }
0x12: {  	s1 =	sld [smem:$0x3F91];
	s0 =	simm.s32 @p0 $0x1  }
0x13: {  	[smem:$0x3FAC] =	sst s0;
	s0 =	simm.s32 @!p1 $0x0  }
0x14: {  	s2 =	sld [smem:$0x3F90];
	s0 =	simm.s32 @p1 $0x1  }
0x15: {  	[smem:$0x3FAD] =	sst s0;
	s0 =	simm.s32 @!p2 $0x0  }
0x16: {  	s3 =	sld [smem:$0x3FDB];
	s0 =	simm.s32 @p2 $0x1  }
0x17: {  	s4 =	simm.s32 $0x1BF5;
	[smem:$0x3FAF] =	sst s0  }
0x18: {  	s0 =	sld [smem:$0x3F92];
	_ =	swait.ge [sflag:s4], $0x0  }
0x19: {  	s7 =	sld [smem:$0x3F93]  }
0x1a: {  	s8 =	sadd.s32 $0xFFFFE003, lr  }
0x1b: {  	s9 =	sadd.s32 $0xFFFFFEF7, lr;
	s5 =	simm.s32 $0xFFFFFFFF;
	p2 =	slt.u32 s8, $0xFFFFF086  }
0x1c: {  	p1 =	slt.u32 s9, $0xF7A;
	s5 =	simm.s32 @!p2 $0x0  }
0x1d: {  	s5 =	simm.s32 @p1 $0x1;
	p0 =	seq.s32 s7, s2  }
0x1e: {  	s7 =	smul.u32 @!p0 $0xF7A, s2;
	p2 =	seq.s32 @!p0 s5, $0x0  }
0x1f: {  	s9 =	smul.u32 $0xF7A, s1;
	s8 =	simm.s32 @!p0 $0x1BF5;
	p2 =	por !p2, p0  }
0x20: {  	[sflag:s8] =	ssyncset.s32 @!p0 $0xFFFFF086;
	s6 =	sadd.s32 @!p0 s3, s7;
	s7 =	simm.s32 @!p0 $0x108  }
0x21: {  	s3 =	sadd.s32 s3, s9;
	s6 =	sadd.s32 @!p0 $0x88, s6;
	s7 =	simm.s32 @p2 $0x1082  }
0x22: {  	[simem:s7], [sflag:s8] =	dma.local @!p0 [hbm:s6], $0xF7A  }
0x23: {  	s9 =	sor.u32 $0xD0000000, s2;
	s6 =	simm.s32 $0x108;
	_ =	swait.ge @!p0 [sflag:s8], $0x0  }
0x24: {  	s3 =	sadd.s32 $0x88, s3;
	s6 =	simm.s32 @!p1 $0x1082;
	[sflag:s4] =	ssyncset.s32 $0xFFFFF086  }
0x25: {  	[simem:s6], [sflag:s4] =	dma.local [hbm:s3], $0xF7A  }
0x26: {  	[smem:$0x3F93] =	sst s1;
	(tag) =	ssettag s2;
	_ =	strace s9  }
0x27: {  	s1 =	sld [smem:$0x3FA3]  }
0x28: {  	s2 =	sld [smem:$0x3FA4]  }
0x29: {  	s4 =	sld [smem:$0x3FA6]  }
0x2a: {  	p0 =	seq.s32 s5, $0x0;
	s5 =	sld [smem:$0x3FA7]  }
0x2b: {  	s6 =	sld [smem:$0x3FA8]  }
0x2c: {  	s7 =	sld [smem:$0x3FA9]  }
0x2d: {  	s3 =	simm.s32 $0x108;
	s8 =	sld [smem:$0x3FAA]  }
0x2e: {  	s3 =	simm.s32 @!p0 $0x1082;
	s9 =	sld [smem:$0x3FAB]  }
0x2f: {  	lr =	sadd.s32 s0, s3;
	s0 =	sld [smem:$0x3FA2]  }
0x30: {  	s3 =	sld [smem:$0x3FA5]  }
0x31: {  	[smem:$0x3FAE] =	sst s10  }
0x32: {  	s10 =	sld [smem:$0x3FAC];
	_ =	sdelay $0x3  }
0x33: {  	p0 =	seq.s32 s10, $0x1;
	s10 =	sld [smem:$0x3FAE];
	_ =	sdelay $0x3  }
0x34: {  	[smem:$0x3FAE] =	sst s10  }
0x35: {  	s10 =	sld [smem:$0x3FAD];
	_ =	sdelay $0x3  }
0x36: {  	p1 =	seq.s32 s10, $0x1;
	s10 =	sld [smem:$0x3FAE];
	_ =	sdelay $0x3  }
0x37: {  	[smem:$0x3FAE] =	sst s10  }
0x38: {  	s10 =	sld [smem:$0x3FAF]  }
0x39: {  	_ = 	snop;
	(pc) =	sbr.ind lr, $3  }
0x3a: {  	_ = 	snop  }
0x3b: {  	_ = 	snop  }
0x3c: {  	p2 =	seq.s32 s10, $0x1;
	s10 =	sld [smem:$0x3FAE]  }
0x3d: {  	_ =	shalt  }
0x3e: {  	_ =	shalt  }
0x3f: {  	_ =	shalt  }
0x40: {  	_ =	shalt  }
0x41: {  	_ =	shalt  }
0x42: {  	_ =	shalt  }
0x43: {  	_ =	shalt  }
0x44: {  	_ =	shalt  }
0x45: {  	_ =	shalt  }
0x46: {  	_ =	shalt  }
0x47: {  	_ =	shalt  }
0x48: {  	_ =	shalt  }
0x49: {  	_ =	shalt  }
0x4a: {  	_ =	shalt  }
0x4b: {  	_ =	shalt  }
0x4c: {  	_ =	shalt  }
0x4d: {  	_ =	shalt  }
0x4e: {  	_ =	shalt  }
0x4f: {  	_ =	shalt  }
0x50: {  	_ =	shalt  }
0x51: {  	_ =	shalt  }
0x52: {  	_ =	shalt  }
0x53: {  	_ =	shalt  }
0x54: {  	_ =	shalt  }
0x55: {  	_ =	shalt  }
0x56: {  	_ =	shalt  }
0x57: {  	_ =	shalt  }
0x58: {  	_ =	shalt  }
0x59: {  	_ =	shalt  }
0x5a: {  	_ =	shalt  }
0x5b: {  	_ =	shalt  }
0x5c: {  	_ =	shalt  }
0x5d: {  	_ =	shalt  }
0x5e: {  	_ =	shalt  }
0x5f: {  	_ =	shalt  }
0x60: {  	_ =	shalt  }
0x61: {  	_ =	shalt  }
0x62: {  	_ =	shalt  }
0x63: {  	_ =	shalt  }
0x64: {  	_ =	shalt  }
0x65: {  	_ =	shalt  }
0x66: {  	_ =	shalt  }
0x67: {  	_ =	shalt  }
0x68: {  	_ =	shalt  }
0x69: {  	_ =	shalt  }
0x6a: {  	_ =	shalt  }
0x6b: {  	_ =	shalt  }
0x6c: {  	_ =	shalt  }
0x6d: {  	_ =	shalt  }
0x6e: {  	_ =	shalt  }
0x6f: {  	_ =	shalt  }
0x70: {  	_ =	shalt  }
0x71: {  	_ =	shalt  }
0x72: {  	_ =	shalt  }
0x73: {  	_ =	shalt  }
0x74: {  	_ =	shalt  }
0x75: {  	_ =	shalt  }
0x76: {  	_ =	shalt  }
0x77: {  	_ =	shalt  }
0x78: {  	_ =	shalt  }
0x79: {  	_ =	shalt  }
0x7a: {  	_ =	shalt  }
0x7b: {  	_ =	shalt  }
0x7c: {  	_ =	shalt  }
0x7d: {  	_ =	shalt  }
0x7e: {  	_ =	shalt  }
0x7f: {  	_ =	shalt  }
0x80: {  	_ =	shalt  }
0x81: {  	_ =	shalt  }
0x82: {  	_ =	shalt  }
0x83: {  	_ =	shalt  }
0x84: {  	_ =	shalt  }
0x85: {  	_ =	shalt  }
0x86: {  	_ =	shalt  }
0x87: {  	_ =	shalt  }
.Lfunc_end0:
.L_simem_size_0:
called_computation.2_lowered:
.L_overlay_start_0:
0x88: {  	s2 =	sld [smem:$0x3FD9]  }
0x89: {  	s3 =	sld [smem:$0x3FFE];
	_ =	sdelay $0x1  }
0x8a: {  	s1 =	srdreg.scid  }
0x8b: {  	s0 =	sand.u32 $0x1, s1  }
0x8c: {  	s16 =	sshll.u32 s0, $0xA;
	s2 =	sadd.s32 s3, s2  }
0x8d: {  	s2 =	sadd.s32 s2, s16  }
0x8e: {  	[smem:$0x3FBA] =	sst s2  }
0x8f: {  	_ = 	snop  }
0x90: {  	(tm) =	ssettm $0x1  }
0x91: {  	s17 =	sld [smem:$0x3FFB];
	_ =	sdelay $0x3  }
0x92: {  	_ =	strace s17  }
0x93: {  	s2 =	sld [smem:$0x3FFC];
	_ =	sdelay $0x3  }
0x94: {  	_ =	strace s2  }
0x95: {  	s2 =	sld [smem:$0x3FFD];
	_ =	sdelay $0x3  }
0x96: {  	_ =	strace s2  }
0x97: {  	_ =	strace $0x8FFFFFFF  }
0x98: {  	s18 =	sld [smem:$0x3FDB];
	_ =	sdelay $0x1  }
0x99: {  	s19 =	simm.s32 $_scs_section_size  }
0x9a: {  	s4 =	simm.s32 $_size__tile_overlayer_lowered;
	s5 =	simm.s32 $_tile_overlayer_lowered  }
0x9b: {  	s22 =	simm.s32 $0x1BFF;
	s21 =	sshll.u32 s5, $0x1;
	s2 =	sadd.s32 s19, s18  }
0x9c: {  	s6 =	simm.s32 $0x0;
	s20 =	sshll.u32 s4, $0x1;
	s4 =	sadd.s32 s21, s2  }
0x9d: {  	[timem:s6], [sflag:s22] =	dma.local [hbm:s4], s20  }
0x9e: {  	_ =	swait.ge [sflag:s22], s20  }
0x9f: {  	s3 =	ssub.s32 $0x0, s20;
	[sflag:s22] =	ssyncset.done $0x0  }
0xa0: {  	[sflag:s22] =	ssyncadd.s32 s3;
	_ =	sdelay $0x1  }
0xa1: {  	s23 =	simm.s32 $0x1B8B  }
0xa2: {  	_ =	swait.ge [sflag:s23], $0x1  }
0xa3: {  	[sflag:s23] =	ssyncset.done $0x0  }
0xa4: {  	s25 =	simm.s32 $0x1B8E;
	s24 =	sld [smem:$0x3FFE];
	[sflag:s23] =	ssyncadd.s32 $0xFFFFFFFF  }
0xa5: {  	s26 =	simm.s32 $execute0_lowered;
	[smem:$0x3FD2] =	sst s25  }
0xa6: {  	s4 =	sshll.u32 s26, $0x1;
	_ =	strace $0x8000004C;
	[dreg:$0x1] =	wrdreg $0xFFFFFFFF  }
0xa7: {  	s28 =	simm.s32 $_size_execute0_lowered;
	s2 =	sadd.s32 s2, s4;
	[dreg:$0x0] =	wrdreg $0x0  }
0xa8: {  	s4 =	sshll.u32 s28, $0x1;
	[dreg:$0x2] =	wrdreg s2  }
0xa9: {  	[dreg:$0x3] =	wrdreg s4  }
0xaa: {  	[dreg:$0x4] =	wrdreg $0xC0  }
0xab: {  	_ =	task [dreg:s6], $0x5FFFF  }
0xac: {  	[dreg:$0x1] =	wrdreg $0xFFFFFFFF  }
0xad: {  	[dreg:$0x0] =	wrdreg $0x60  }
0xae: {  	[dreg:$0x2] =	wrdreg s24  }
0xaf: {  	[dreg:$0x3] =	wrdreg $0x60000  }
0xb0: {  	[dreg:$0x4] =	wrdreg $0x9  }
0xb1: {  	_ =	task.clear_ibuf [dreg:s6], $0x5FFFF;
	_ =	strace $0x9000004C  }
0xb2: {  	s29 =	simm.s32 $0x9;
	_ =	strace $0x8000004E  }
0xb3: {  	_ =	swait.ge [sflag:s29], $0x1  }
0xb4: {  	[sflag:s29] =	ssyncadd.s32 $0xFFFFFFFF  }
0xb5: {  	_ =	strace $0x9000004E  }
0xb6: {  	_ =	sfence  }
0xb7: {  	s30 =	sld [smem:$0x0];
	_ =	sdelay $0x2  }
0xb8: {  	s31 =	sshll.u32 s1, $0xD;
	s1 =	sshrl.u32 s1, $0x2  }
0xb9: {  	s3 =	sand.u32 $0x4000, s31;
	s1 =	sadd.s32 s1, s30  }
0xba: {  	s0 =	sor.u32 s3, s0;
	s1 =	sshll.u32 s1, $0x11  }
0xbb: {  	s0 =	sor.u32 s1, s0  }
0xbc: {  	s0 =	sadd.s32 $0x8F2B, s0  }
0xbd: {  	[sflag:s0] =	ssyncadd.remote.s32 $0x1  }
0xbe: {  	_ =	sfence.sel $0xFFFF  }
0xbf: {  	[dreg:$0x0] =	wrdreg $0xFFFFFFFF;
	(pc) =	sbr.abs _section_cstart, $3  }
0xc0: {  	[dreg:$0x1] =	wrdreg $0xFFFFFFFF  }
0xc1: {  	_ =	task.clear_ibuf [dreg:s6], $0x2FFFF;
	_ =	strace $0x9FFFFFFF  }
0xc2: {  	(tm) =	ssettm $0x7FFFFFFF  }
0xc3: {  	_ =	shalt  }
tec
execute0_lowered:
.L_overlay_start_1:
0x0: {  	(tag) =	ssettag $0x1  }
0x1: {  	s0 =	rddreg [dreg:$0x0]  }
0x2: {  	s1 =	rddreg [dreg:$0x1];
	s3 =	simm.s32 $0x0;
	s2 =	srdreg.scid  }
0x3: {  	s13 =	stileid.u32;
	s30 =	simm.s32 $0x4400;
	s31 =	simm.s32 $0x3  }
0x4: {  	[smem:$0x7FF] =	sst s3;
	s2 =	sand.u32 $0x1, s2;
	s6 =	smul.u32 $0x18800, s13  }
0x5: {  	s4 =	sadd.s32 $0x65A00, s0;
	s9 =	sadd.s32 $0x34A00, s0;
	s11 =	smul.u32 $0x62000, s13  }
0x6: {  	s12 =	sadd.s32 $0x3A00, s0;
	s5 =	smul.u32 $0x188000, s2;
	s7 =	sshll.u32 s2, $0x4  }
0x7: {  	s16 =	smul.u32 $0xC400, s13;
	_ =	strace $0x8000004D;
	s7 =	sor.u32 s13, s7  }
0x8: {  	s24 =	ssub.s32 $0x2, s2;
	s5 =	sadd.s32 s6, s5;
	s8 =	smul.u32 $0x1880, s7  }
0x9: {  	s2 =	smul.u32 $0xC4000, s2;
	s10 =	sshrl.u32 s24, $0x1;
	s5 =	sshrl.u32 s5, $0x3  }
0xa: {  	s25 =	ssub.s32 s24, s10;
	s0 =	sadd.s32 s5, s0;
	s26 =	sadd.s32 s9, s8  }
0xb: {  	s28 =	sadd.s32 s12, s8;
	s8 =	sshrl.u32 s11, $0x2;
	[dreg:$0x3] =	wrdreg s26  }
0xc: {  	s5 =	smax.u32 s25, $0x1;
	[dreg:$0x4] =	wrdreg s28;
	s8 =	sadd.s32 s8, s1  }
0xd: {  	s13 =	simm.s32 $0x1;
	[dreg:$0x5] =	wrdreg s5;
	s10 =	sadd.s32 $0x1C00, s8  }
0xe: {  	s7 =	smul.u32 $0xC400, s7;
	s11 =	sadd.s32 $0x3800, s8;
	[dreg:$0x6] =	wrdreg s10  }
0xf: {  	s2 =	sadd.s32 s16, s2;
	s14 =	sadd.s32 $0x5400, s8;
	[dreg:$0x7] =	wrdreg s11  }
0x10: {  	s16 =	simm.s32 $0x380;
	s15 =	sadd.s32 $0x7000, s8;
	[dreg:$0x8] =	wrdreg s14  }
0x11: {  	s23 =	sor.u32 $0x200, s2;
	s6 =	sadd.s32 $0x8C00, s8;
	[dreg:$0x9] =	wrdreg s15  }
0x12: {  	s2 =	sor.u32 $0x100, s2;
	s17 =	sadd.s32 $0xA800, s8;
	[dreg:$0xa] =	wrdreg s6  }
0x13: {  	s20 =	sshrl.u32 s7, $0x3;
	s18 =	sadd.s32 $0xC400, s8;
	[dreg:$0xb] =	wrdreg s17  }
0x14: {  	s2 =	sshrl.u32 s2, $0x3;
	s19 =	sadd.s32 $0xE000, s8;
	[dreg:$0xc] =	wrdreg s18  }
0x15: {  	s22 =	sadd.s32 $0x1860, s20;
	s21 =	sadd.s32 $0xFC00, s8;
	[dreg:$0xd] =	wrdreg s19  }
0x16: {  	s7 =	simm.s32 $0x100;
	s24 =	sadd.s32 s9, s22;
	[dreg:$0xe] =	wrdreg s21  }
0x17: {  	s5 =	sadd.s32 s12, s22;
	s22 =	sadd.s32 s2, s12;
	[dreg:$0xf] =	wrdreg s24  }
0x18: {  	s25 =	sadd.s32 $0x11800, s8;
	s26 =	sadd.s32 $0x13400, s8;
	[dreg:$0x10] =	wrdreg s5  }
0x19: {  	s28 =	sadd.s32 $0x15000, s8;
	s29 =	sadd.s32 $0x16C00, s8;
	[dreg:$0x11] =	wrdreg s25  }
0x1a: {  	s6 =	sshrl.u32 s23, $0x3;
	s23 =	sadd.s32 s2, s9;
	[dreg:$0x12] =	wrdreg s26  }
0x1b: {  	s25 =	sadd.s32 $0x96800, s0;
	[dreg:$0x13] =	wrdreg s28;
	s0 =	simm.s32 $0x200  }
0x1c: {  	s2 =	simm.s32 $0x80;
	s5 =	simm.s32 $0x400;
	s10 =	simm.s32 $0x2400  }
0x1d: {  	s11 =	simm.s32 $0x180;
	s14 =	simm.s32 $0x280;
	s15 =	simm.s32 $0x2  }
0x1e: {  	s17 =	simm.s32 $0x0;
	s20 =	sadd.s32 s6, s12;
	s21 =	sadd.s32 s6, s9  }
0x1f: {  	v0 =	vimm.f32 $0.0e+00;
	s6 =	simm.s32 $0x1400;
	s9 =	simm.s32 $0x300;
	s12 =	simm.s32 $0x3400  }
.LBB2_1:
0x20: {  	s18 =	simm.s32 $0x80;
	s19 =	simm.s32 $0x0  }
.LBB2_2:
0x21: {  	p0 =	sne.s32 s18, $0x6F80;
	[tilespmem:s19+$0x4400] =	vst v0;
	s24 =	smov.u32 s18;
	s18 =	sadd.s32 $0x80, s18  }
.Ltmp0:
0x22: {  	[tilespmem:s19+$0x4410] =	vst v0;
	(pc) =	sbr.rel @p0 .LBB2_2-.Ltmp0, $2  }
0x23: {  	_ =	sdelay $0x2  }
0x24: {  	s19 =	sshra.s32 s24, $0x2  }
0x25: {  	[tilespmem:s19+$0x4400] =	vst v0  }
0x26: {  	[tilespmem:s19+$0x4410] =	vst v0  }
0x27: {  	[spmem:s8] =	stream.linear.scatter [tilespmem:s30], [sflag:$0x3], $0x1C00, $0x38;
	[tilespmem:$0x1E800] =	vst v63  }
0x28: {  	_ =	swait.ge [sflag:s31], $0x1C00  }
0x29: {  	[sflag:s31] =	ssyncset.done $0x0  }
0x2a: {  	s18 =	rddreg [dreg:$0x6];
	[sflag:s31] =	ssyncadd.s32 $0xFFFFE400  }
0x2b: {  	[spmem:s18] =	stream.linear.scatter [tilespmem:s30], [sflag:$0x3], $0x1C00, $0x38;
	[tilespmem:$0x1E800] =	vst v63  }
0x2c: {  	_ =	swait.ge [sflag:s31], $0x1C00  }
0x2d: {  	[sflag:s31] =	ssyncset.done $0x0  }
0x2e: {  	s26 =	rddreg [dreg:$0x7];
	[sflag:s31] =	ssyncadd.s32 $0xFFFFE400  }
0x2f: {  	[spmem:s26] =	stream.linear.scatter [tilespmem:s30], [sflag:$0x3], $0x1C00, $0x38;
	[tilespmem:$0x1E800] =	vst v63  }
0x30: {  	_ =	swait.ge [sflag:s31], $0x1C00  }
0x31: {  	[sflag:s31] =	ssyncset.done $0x0  }
0x32: {  	s28 =	rddreg [dreg:$0x8];
	[sflag:s31] =	ssyncadd.s32 $0xFFFFE400  }
0x33: {  	[spmem:s28] =	stream.linear.scatter [tilespmem:s30], [sflag:$0x3], $0x1C00, $0x38;
	[tilespmem:$0x1E800] =	vst v63  }
0x34: {  	_ =	swait.ge [sflag:s31], $0x1C00  }
0x35: {  	[sflag:s31] =	ssyncset.done $0x0  }
0x36: {  	s19 =	rddreg [dreg:$0x9];
	[sflag:s31] =	ssyncadd.s32 $0xFFFFE400  }
0x37: {  	[spmem:s19] =	stream.linear.scatter [tilespmem:s30], [sflag:$0x3], $0x1C00, $0x38;
	[tilespmem:$0x1E800] =	vst v63  }
0x38: {  	_ =	swait.ge [sflag:s31], $0x1C00  }
0x39: {  	[sflag:s31] =	ssyncset.done $0x0  }
0x3a: {  	s24 =	rddreg [dreg:$0xa];
	[sflag:s31] =	ssyncadd.s32 $0xFFFFE400  }
0x3b: {  	[spmem:s24] =	stream.linear.scatter [tilespmem:s30], [sflag:$0x3], $0x1C00, $0x38;
	[tilespmem:$0x1E800] =	vst v63  }
0x3c: {  	_ =	swait.ge [sflag:s31], $0x1C00  }
0x3d: {  	[sflag:s31] =	ssyncset.done $0x0  }
0x3e: {  	s26 =	rddreg [dreg:$0xb];
	[sflag:s31] =	ssyncadd.s32 $0xFFFFE400  }
0x3f: {  	[spmem:s26] =	stream.linear.scatter [tilespmem:s30], [sflag:$0x3], $0x1C00, $0x38;
	[tilespmem:$0x1E800] =	vst v63  }
0x40: {  	_ =	swait.ge [sflag:s31], $0x1C00  }
0x41: {  	[sflag:s31] =	ssyncset.done $0x0  }
0x42: {  	s28 =	rddreg [dreg:$0xc];
	[sflag:s31] =	ssyncadd.s32 $0xFFFFE400  }
0x43: {  	[spmem:s28] =	stream.linear.scatter [tilespmem:s30], [sflag:$0x3], $0x1C00, $0x38;
	[tilespmem:$0x1E800] =	vst v63  }
0x44: {  	_ =	swait.ge [sflag:s31], $0x1C00  }
0x45: {  	[sflag:s31] =	ssyncset.done $0x0  }
0x46: {  	s19 =	rddreg [dreg:$0xd];
	[sflag:s31] =	ssyncadd.s32 $0xFFFFE400  }
0x47: {  	[spmem:s19] =	stream.linear.scatter [tilespmem:s30], [sflag:$0x3], $0x1C00, $0x38;
	[tilespmem:$0x1E800] =	vst v63  }
0x48: {  	_ =	swait.ge [sflag:s31], $0x1C00  }
0x49: {  	[sflag:s31] =	ssyncset.done $0x0  }
0x4a: {  	s24 =	rddreg [dreg:$0xe];
	[sflag:s31] =	ssyncadd.s32 $0xFFFFE400  }
0x4b: {  	[spmem:s24] =	stream.linear.scatter [tilespmem:s30], [sflag:$0x3], $0x1C00, $0x38;
	[tilespmem:$0x1E800] =	vst v63  }
0x4c: {  	_ =	swait.ge [sflag:s31], $0x1C00  }
0x4d: {  	[sflag:s31] =	ssyncset.done $0x0  }
0x4e: {  	s26 =	rddreg [dreg:$0x11];
	[sflag:s31] =	ssyncadd.s32 $0xFFFFE400  }
0x4f: {  	[spmem:s26] =	stream.linear.scatter [tilespmem:s30], [sflag:$0x3], $0x1C00, $0x38;
	[tilespmem:$0x1E800] =	vst v63  }
0x50: {  	_ =	swait.ge [sflag:s31], $0x1C00  }
0x51: {  	[sflag:s31] =	ssyncset.done $0x0  }
0x52: {  	s28 =	rddreg [dreg:$0x12];
	[sflag:s31] =	ssyncadd.s32 $0xFFFFE400  }
0x53: {  	[spmem:s28] =	stream.linear.scatter [tilespmem:s30], [sflag:$0x3], $0x1C00, $0x38;
	[tilespmem:$0x1E800] =	vst v63  }
0x54: {  	_ =	swait.ge [sflag:s31], $0x1C00  }
0x55: {  	[sflag:s31] =	ssyncset.done $0x0  }
0x56: {  	s19 =	rddreg [dreg:$0x13];
	[sflag:s31] =	ssyncadd.s32 $0xFFFFE400  }
0x57: {  	[spmem:s19] =	stream.linear.scatter [tilespmem:s30], [sflag:$0x3], $0x1C00, $0x38;
	[tilespmem:$0x1E800] =	vst v63  }
0x58: {  	_ =	swait.ge [sflag:s31], $0x1C00  }
0x59: {  	[sflag:s31] =	ssyncset.done $0x0  }
0x5a: {  	[sflag:s31] =	ssyncadd.s32 $0xFFFFE400  }
0x5b: {  	[spmem:s29] =	stream.linear.scatter [tilespmem:s30], [sflag:$0x3], $0x1C00, $0x38;
	[tilespmem:$0x1E800] =	vst v63  }
0x5c: {  	_ =	swait.ge [sflag:s31], $0x1C00  }
0x5d: {  	[sflag:s31] =	ssyncset.done $0x0  }
0x5e: {  	[sflag:s31] =	ssyncadd.s32 $0xFFFFE400  }
0x5f: {  	[bflag:$0x0] =	sbarrier.arrive $0xFFFF  }
0x60: {  	s24 =	simm.s32 $0x0;
	s26 =	rddreg [dreg:$0x3]  }
0x61: {  	[tilespmem:s24], [sflag:$0x3] =	stream.linear.gather [hbm4b:s26+s24], $0x100, $0x38;
	[tilespmem:$0x1E800] =	vst v63  }
0x62: {  	_ =	swait.ge [sflag:s31], $0x100  }
0x63: {  	[sflag:s31] =	ssyncset.done $0x0  }
0x64: {  	s28 =	rddreg [dreg:$0x4];
	[sflag:s31] =	ssyncadd.s32 $0xFFFFFF00  }
0x65: {  	[tilespmem:s0], [sflag:$0x3] =	stream.linear.gather [hbm4b:s28+s24], $0x100, $0x38;
	[tilespmem:$0x1E800] =	vst v63  }
0x66: {  	_ =	swait.ge [sflag:s31], $0x100  }
0x67: {  	[sflag:s31] =	ssyncset.done $0x0  }
0x68: {  	[sflag:s31] =	ssyncadd.s32 $0xFFFFFF00  }
0x69: {  	[tilespmem:s5], [sflag:$0x1] =	stream.indirect.gather [hbm4b:s4+s2], $0x20, s24, s2, $0xb8;
	[tilespmem:$0x1E800] =	vst v63  }
0x6a: {  	_ = 	snop  }
0x6b: {  	[tilespmem:s6], [sflag:$0x1] =	stream.indirect.gather [hbm4b:s4+s2], $0x20, s2, s2, $0xb8;
	[tilespmem:$0x1E800] =	vst v63  }
0x6c: {  	s19 =	sadd.s32 $0x0, s23  }
0x6d: {  	[tilespmem:s7], [sflag:$0x3] =	stream.linear.gather [hbm4b:s19+s3], $0x100, $0x38;
	[tilespmem:$0x1E800] =	vst v63  }
0x6e: {  	_ =	swait.ge [sflag:s31], $0x100  }
0x6f: {  	[sflag:s31] =	ssyncset.done $0x0  }
0x70: {  	s24 =	sadd.s32 $0x0, s22;
	[sflag:s31] =	ssyncadd.s32 $0xFFFFFF00  }
0x71: {  	[tilespmem:s9], [sflag:$0x3] =	stream.linear.gather [hbm4b:s24+s3], $0x100, $0x38;
	[tilespmem:$0x1E800] =	vst v63  }
0x72: {  	_ =	swait.ge [sflag:s31], $0x100  }
0x73: {  	[sflag:s31] =	ssyncset.done $0x0  }
0x74: {  	[sflag:s31] =	ssyncadd.s32 $0xFFFFFF00  }
0x75: {  	[tilespmem:s10], [sflag:$0x2] =	stream.indirect.gather [hbm4b:s4+s2], $0x20, s7, s2, $0xb8;
	[tilespmem:$0x1E800] =	vst v63  }
0x76: {  	_ = 	snop  }
0x77: {  	[tilespmem:s12], [sflag:$0x2] =	stream.indirect.gather [hbm4b:s4+s2], $0x20, s11, s2, $0xb8;
	[tilespmem:$0x1E800] =	vst v63  }
0x78: {  	_ =	swait.ge [sflag:s13], $0x1000  }
0x79: {  	[sflag:s13] =	ssyncset.done $0x0  }
0x7a: {  	[sflag:s13] =	ssyncadd.s32 $0xFFFFF000  }
0x7b: {  	_ =	swait.ge [sflag:s13], $0x1000  }
0x7c: {  	[sflag:s13] =	ssyncset.done $0x0  }
0x7d: {  	[sflag:s13] =	ssyncadd.s32 $0xFFFFF000  }
0x7e: {  	[spmem:s1] =	stream.indirect.scatter.add.f32 [tilespmem:s5], [sflag:$0x3], $0x20, s0, s2, $0xb8;
	[tilespmem:$0x1E800] =	vst v63  }
0x7f: {  	_ =	swait.ge [sflag:s31], $0x1000  }
0x80: {  	[sflag:s31] =	ssyncset.done $0x0  }
0x81: {  	[sflag:s31] =	ssyncadd.s32 $0xFFFFF000  }
0x82: {  	[spmem:s1] =	stream.indirect.scatter.add.f32 [tilespmem:s6], [sflag:$0x3], $0x20, s14, s2, $0xb8;
	[tilespmem:$0x1E800] =	vst v63  }
0x83: {  	_ =	swait.ge [sflag:s31], $0x1000  }
0x84: {  	[sflag:s31] =	ssyncset.done $0x0  }
0x85: {  	s26 =	sadd.s32 $0x0, s21;
	[sflag:s31] =	ssyncadd.s32 $0xFFFFF000  }
0x86: {  	[tilespmem:s3], [sflag:$0x3] =	stream.linear.gather [hbm4b:s26+s3], $0x100, $0x38;
	[tilespmem:$0x1E800] =	vst v63  }
0x87: {  	_ =	swait.ge [sflag:s31], $0x100  }
0x88: {  	[sflag:s31] =	ssyncset.done $0x0  }
0x89: {  	s28 =	sadd.s32 $0x0, s20;
	[sflag:s31] =	ssyncadd.s32 $0xFFFFFF00  }
0x8a: {  	[tilespmem:s0], [sflag:$0x3] =	stream.linear.gather [hbm4b:s28+s3], $0x100, $0x38;
	[tilespmem:$0x1E800] =	vst v63  }
0x8b: {  	_ =	swait.ge [sflag:s31], $0x100  }
0x8c: {  	[sflag:s31] =	ssyncset.done $0x0  }
0x8d: {  	[sflag:s31] =	ssyncadd.s32 $0xFFFFFF00  }
0x8e: {  	[tilespmem:s5], [sflag:$0x1] =	stream.indirect.gather [hbm4b:s4+s2], $0x20, s3, s2, $0xb8;
	[tilespmem:$0x1E800] =	vst v63  }
0x8f: {  	_ = 	snop  }
0x90: {  	[tilespmem:s6], [sflag:$0x1] =	stream.indirect.gather [hbm4b:s4+s2], $0x20, s2, s2, $0xb8;
	[tilespmem:$0x1E800] =	vst v63  }
0x91: {  	_ =	swait.ge [sflag:s15], $0x1000  }
0x92: {  	[sflag:s15] =	ssyncset.done $0x0  }
0x93: {  	[sflag:s15] =	ssyncadd.s32 $0xFFFFF000  }
0x94: {  	_ =	swait.ge [sflag:s15], $0x1000  }
0x95: {  	[sflag:s15] =	ssyncset.done $0x0  }
0x96: {  	[sflag:s15] =	ssyncadd.s32 $0xFFFFF000  }
0x97: {  	[spmem:s1] =	stream.indirect.scatter.add.f32 [tilespmem:s10], [sflag:$0x3], $0x20, s9, s2, $0xb8;
	[tilespmem:$0x1E800] =	vst v63  }
0x98: {  	_ =	swait.ge [sflag:s31], $0x1000  }
0x99: {  	[sflag:s31] =	ssyncset.done $0x0  }
0x9a: {  	[sflag:s31] =	ssyncadd.s32 $0xFFFFF000  }
0x9b: {  	[spmem:s1] =	stream.indirect.scatter.add.f32 [tilespmem:s12], [sflag:$0x3], $0x20, s16, s2, $0xb8;
	[tilespmem:$0x1E800] =	vst v63  }
0x9c: {  	_ =	swait.ge [sflag:s31], $0x1000  }
0x9d: {  	s18 =	simm.s32 $0x40;
	s19 =	simm.s32 $0x80;
	[sflag:s31] =	ssyncset.done $0x0  }
.LBB2_4:
0x9e: {  	s28 =	sadd.s32 s18, s23  }
0x9f: {  	[sflag:s31] =	ssyncadd.s32 $0xFFFFF000;
	s24 =	smov.u32 s19;
	s26 =	sadd.s32 $0x40, s19  }
0xa0: {  	[tilespmem:s7], [sflag:$0x3] =	stream.linear.gather [hbm4b:s28+s3], $0x100, $0x38;
	[tilespmem:$0x1E800] =	vst v63  }
0xa1: {  	p0 =	sne.s32 s19, $0x1800;
	_ =	swait.ge [sflag:s31], $0x100  }
0xa2: {  	[sflag:s31] =	ssyncset.done $0x0  }
0xa3: {  	s19 =	sadd.s32 s18, s22;
	[sflag:s31] =	ssyncadd.s32 $0xFFFFFF00  }
0xa4: {  	[tilespmem:s9], [sflag:$0x3] =	stream.linear.gather [hbm4b:s19+s3], $0x100, $0x38;
	[tilespmem:$0x1E800] =	vst v63  }
0xa5: {  	_ =	swait.ge [sflag:s31], $0x100  }
0xa6: {  	[sflag:s31] =	ssyncset.done $0x0  }
0xa7: {  	[sflag:s31] =	ssyncadd.s32 $0xFFFFFF00  }
0xa8: {  	[tilespmem:s10], [sflag:$0x2] =	stream.indirect.gather [hbm4b:s4+s2], $0x20, s7, s2, $0xb8;
	[tilespmem:$0x1E800] =	vst v63  }
0xa9: {  	_ = 	snop  }
0xaa: {  	[tilespmem:s12], [sflag:$0x2] =	stream.indirect.gather [hbm4b:s4+s2], $0x20, s11, s2, $0xb8;
	[tilespmem:$0x1E800] =	vst v63  }
0xab: {  	_ =	swait.ge [sflag:s13], $0x1000  }
0xac: {  	[sflag:s13] =	ssyncset.done $0x0  }
0xad: {  	[sflag:s13] =	ssyncadd.s32 $0xFFFFF000  }
0xae: {  	_ =	swait.ge [sflag:s13], $0x1000  }
0xaf: {  	[sflag:s13] =	ssyncset.done $0x0  }
0xb0: {  	[sflag:s13] =	ssyncadd.s32 $0xFFFFF000  }
0xb1: {  	[spmem:s1] =	stream.indirect.scatter.add.f32 [tilespmem:s5], [sflag:$0x3], $0x20, s0, s2, $0xb8;
	[tilespmem:$0x1E800] =	vst v63  }
0xb2: {  	_ =	swait.ge [sflag:s31], $0x1000  }
0xb3: {  	[sflag:s31] =	ssyncset.done $0x0  }
0xb4: {  	[sflag:s31] =	ssyncadd.s32 $0xFFFFF000  }
0xb5: {  	[spmem:s1] =	stream.indirect.scatter.add.f32 [tilespmem:s6], [sflag:$0x3], $0x20, s14, s2, $0xb8;
	[tilespmem:$0x1E800] =	vst v63  }
0xb6: {  	_ =	swait.ge [sflag:s31], $0x1000  }
0xb7: {  	[sflag:s31] =	ssyncset.done $0x0  }
0xb8: {  	s19 =	sadd.s32 s18, s21;
	[sflag:s31] =	ssyncadd.s32 $0xFFFFF000  }
0xb9: {  	[tilespmem:s3], [sflag:$0x3] =	stream.linear.gather [hbm4b:s19+s3], $0x100, $0x38;
	[tilespmem:$0x1E800] =	vst v63  }
0xba: {  	_ =	swait.ge [sflag:s31], $0x100  }
0xbb: {  	[sflag:s31] =	ssyncset.done $0x0  }
0xbc: {  	s19 =	sadd.s32 s18, s20;
	s18 =	smov.u32 s24;
	[sflag:s31] =	ssyncadd.s32 $0xFFFFFF00  }
0xbd: {  	[tilespmem:s0], [sflag:$0x3] =	stream.linear.gather [hbm4b:s19+s3], $0x100, $0x38;
	[tilespmem:$0x1E800] =	vst v63  }
0xbe: {  	_ =	swait.ge [sflag:s31], $0x100  }
0xbf: {  	[sflag:s31] =	ssyncset.done $0x0  }
0xc0: {  	[sflag:s31] =	ssyncadd.s32 $0xFFFFFF00  }
0xc1: {  	[tilespmem:s5], [sflag:$0x1] =	stream.indirect.gather [hbm4b:s4+s2], $0x20, s3, s2, $0xb8;
	[tilespmem:$0x1E800] =	vst v63  }
0xc2: {  	_ = 	snop  }
0xc3: {  	[tilespmem:s6], [sflag:$0x1] =	stream.indirect.gather [hbm4b:s4+s2], $0x20, s2, s2, $0xb8;
	[tilespmem:$0x1E800] =	vst v63  }
0xc4: {  	_ =	swait.ge [sflag:s15], $0x1000  }
0xc5: {  	[sflag:s15] =	ssyncset.done $0x0  }
0xc6: {  	[sflag:s15] =	ssyncadd.s32 $0xFFFFF000  }
0xc7: {  	_ =	swait.ge [sflag:s15], $0x1000  }
0xc8: {  	[sflag:s15] =	ssyncset.done $0x0  }
0xc9: {  	[sflag:s15] =	ssyncadd.s32 $0xFFFFF000  }
0xca: {  	[spmem:s1] =	stream.indirect.scatter.add.f32 [tilespmem:s10], [sflag:$0x3], $0x20, s9, s2, $0xb8;
	[tilespmem:$0x1E800] =	vst v63  }
0xcb: {  	_ =	swait.ge [sflag:s31], $0x1000  }
.Ltmp1:
0xcc: {  	[sflag:s31] =	ssyncset.done $0x0;
	(pc) =	sbr.rel @p0 .LBB2_4-.Ltmp1, $4  }
0xcd: {  	[sflag:s31] =	ssyncadd.s32 $0xFFFFF000  }
0xce: {  	[spmem:s1] =	stream.indirect.scatter.add.f32 [tilespmem:s12], [sflag:$0x3], $0x20, s16, s2, $0xb8;
	[tilespmem:$0x1E800] =	vst v63  }
0xcf: {  	_ =	swait.ge [sflag:s31], $0x1000  }
0xd0: {  	s19 =	smov.u32 s26;
	[sflag:s31] =	ssyncset.done $0x0  }
0xd1: {  	s19 =	sadd.s32 s18, s23;
	[sflag:s31] =	ssyncadd.s32 $0xFFFFF000  }
0xd2: {  	[tilespmem:s7], [sflag:$0x3] =	stream.linear.gather [hbm4b:s19+s3], $0x100, $0x38;
	[tilespmem:$0x1E800] =	vst v63  }
0xd3: {  	_ =	swait.ge [sflag:s31], $0x100  }
0xd4: {  	[sflag:s31] =	ssyncset.done $0x0  }
0xd5: {  	s28 =	sadd.s32 s18, s22;
	[sflag:s31] =	ssyncadd.s32 $0xFFFFFF00  }
0xd6: {  	[tilespmem:s9], [sflag:$0x3] =	stream.linear.gather [hbm4b:s28+s3], $0x100, $0x38;
	[tilespmem:$0x1E800] =	vst v63  }
0xd7: {  	_ =	swait.ge [sflag:s31], $0x100  }
0xd8: {  	[sflag:s31] =	ssyncset.done $0x0  }
0xd9: {  	[sflag:s31] =	ssyncadd.s32 $0xFFFFFF00  }
0xda: {  	[tilespmem:s10], [sflag:$0x2] =	stream.indirect.gather [hbm4b:s4+s2], $0x20, s7, s2, $0xb8;
	[tilespmem:$0x1E800] =	vst v63  }
0xdb: {  	_ = 	snop  }
0xdc: {  	[tilespmem:s12], [sflag:$0x2] =	stream.indirect.gather [hbm4b:s4+s2], $0x20, s11, s2, $0xb8;
	[tilespmem:$0x1E800] =	vst v63  }
0xdd: {  	_ =	swait.ge [sflag:s13], $0x1000  }
0xde: {  	[sflag:s13] =	ssyncset.done $0x0  }
0xdf: {  	[sflag:s13] =	ssyncadd.s32 $0xFFFFF000  }
0xe0: {  	_ =	swait.ge [sflag:s13], $0x1000  }
0xe1: {  	[sflag:s13] =	ssyncset.done $0x0  }
0xe2: {  	[sflag:s13] =	ssyncadd.s32 $0xFFFFF000  }
0xe3: {  	[spmem:s1] =	stream.indirect.scatter.add.f32 [tilespmem:s5], [sflag:$0x3], $0x20, s0, s2, $0xb8;
	[tilespmem:$0x1E800] =	vst v63  }
0xe4: {  	_ =	swait.ge [sflag:s31], $0x1000  }
0xe5: {  	[sflag:s31] =	ssyncset.done $0x0  }
0xe6: {  	[sflag:s31] =	ssyncadd.s32 $0xFFFFF000  }
0xe7: {  	[spmem:s1] =	stream.indirect.scatter.add.f32 [tilespmem:s6], [sflag:$0x3], $0x20, s14, s2, $0xb8;
	[tilespmem:$0x1E800] =	vst v63  }
0xe8: {  	_ =	swait.ge [sflag:s31], $0x1000  }
0xe9: {  	[sflag:s31] =	ssyncset.done $0x0  }
0xea: {  	s24 =	sadd.s32 s18, s21;
	[sflag:s31] =	ssyncadd.s32 $0xFFFFF000  }
0xeb: {  	[tilespmem:s3], [sflag:$0x3] =	stream.linear.gather [hbm4b:s24+s3], $0x100, $0x38;
	[tilespmem:$0x1E800] =	vst v63  }
0xec: {  	_ =	swait.ge [sflag:s31], $0x100  }
0xed: {  	[sflag:s31] =	ssyncset.done $0x0  }
0xee: {  	s26 =	sadd.s32 s18, s20;
	[sflag:s31] =	ssyncadd.s32 $0xFFFFFF00  }
0xef: {  	[tilespmem:s0], [sflag:$0x3] =	stream.linear.gather [hbm4b:s26+s3], $0x100, $0x38;
	[tilespmem:$0x1E800] =	vst v63  }
0xf0: {  	_ =	swait.ge [sflag:s31], $0x100  }
0xf1: {  	[sflag:s31] =	ssyncset.done $0x0  }
0xf2: {  	[sflag:s31] =	ssyncadd.s32 $0xFFFFFF00  }
0xf3: {  	[tilespmem:s5], [sflag:$0x1] =	stream.indirect.gather [hbm4b:s4+s2], $0x20, s3, s2, $0xb8;
	[tilespmem:$0x1E800] =	vst v63  }
0xf4: {  	_ = 	snop  }
0xf5: {  	[tilespmem:s6], [sflag:$0x1] =	stream.indirect.gather [hbm4b:s4+s2], $0x20, s2, s2, $0xb8;
	[tilespmem:$0x1E800] =	vst v63  }
0xf6: {  	_ =	swait.ge [sflag:s15], $0x1000  }
0xf7: {  	[sflag:s15] =	ssyncset.done $0x0  }
0xf8: {  	[sflag:s15] =	ssyncadd.s32 $0xFFFFF000  }
0xf9: {  	_ =	swait.ge [sflag:s15], $0x1000  }
0xfa: {  	[sflag:s15] =	ssyncset.done $0x0  }
0xfb: {  	[sflag:s15] =	ssyncadd.s32 $0xFFFFF000  }
0xfc: {  	[spmem:s1] =	stream.indirect.scatter.add.f32 [tilespmem:s10], [sflag:$0x3], $0x20, s9, s2, $0xb8;
	[tilespmem:$0x1E800] =	vst v63  }
0xfd: {  	_ =	swait.ge [sflag:s31], $0x1000  }
0xfe: {  	[sflag:s31] =	ssyncset.done $0x0  }
0xff: {  	[sflag:s31] =	ssyncadd.s32 $0xFFFFF000  }
0x100: {  	[spmem:s1] =	stream.indirect.scatter.add.f32 [tilespmem:s12], [sflag:$0x3], $0x20, s16, s2, $0xb8;
	[tilespmem:$0x1E800] =	vst v63  }
0x101: {  	_ =	swait.ge [sflag:s31], $0x1000  }
0x102: {  	[sflag:s31] =	ssyncset.done $0x0  }
0x103: {  	s28 =	simm.s32 $0x0;
	s24 =	rddreg [dreg:$0xf];
	[sflag:s31] =	ssyncadd.s32 $0xFFFFF000  }
0x104: {  	[tilespmem:s7], [sflag:$0x3] =	stream.linear.gather [hbm4b:s24+s28], $0x100, $0x38;
	[tilespmem:$0x1E800] =	vst v63  }
0x105: {  	_ =	swait.ge [sflag:s31], $0x100  }
0x106: {  	[sflag:s31] =	ssyncset.done $0x0  }
0x107: {  	s26 =	rddreg [dreg:$0x10];
	[sflag:s31] =	ssyncadd.s32 $0xFFFFFF00  }
0x108: {  	[tilespmem:s9], [sflag:$0x3] =	stream.linear.gather [hbm4b:s26+s28], $0x100, $0x38;
	[tilespmem:$0x1E800] =	vst v63  }
0x109: {  	_ =	swait.ge [sflag:s31], $0x100  }
0x10a: {  	[sflag:s31] =	ssyncset.done $0x0  }
0x10b: {  	[sflag:s31] =	ssyncadd.s32 $0xFFFFFF00  }
0x10c: {  	[tilespmem:s10], [sflag:$0x2] =	stream.indirect.gather [hbm4b:s4+s2], $0x20, s7, s2, $0xb8;
	[tilespmem:$0x1E800] =	vst v63  }
0x10d: {  	_ = 	snop  }
0x10e: {  	[tilespmem:s12], [sflag:$0x2] =	stream.indirect.gather [hbm4b:s4+s2], $0x20, s11, s2, $0xb8;
	[tilespmem:$0x1E800] =	vst v63  }
0x10f: {  	_ =	swait.ge [sflag:s13], $0x1000  }
0x110: {  	[sflag:s13] =	ssyncset.done $0x0  }
0x111: {  	[sflag:s13] =	ssyncadd.s32 $0xFFFFF000  }
0x112: {  	_ =	swait.ge [sflag:s13], $0x1000  }
0x113: {  	[sflag:s13] =	ssyncset.done $0x0  }
0x114: {  	[sflag:s13] =	ssyncadd.s32 $0xFFFFF000  }
0x115: {  	[spmem:s1] =	stream.indirect.scatter.add.f32 [tilespmem:s5], [sflag:$0x3], $0x20, s0, s2, $0xb8;
	[tilespmem:$0x1E800] =	vst v63  }
0x116: {  	_ =	swait.ge [sflag:s31], $0x1000  }
0x117: {  	[sflag:s31] =	ssyncset.done $0x0  }
0x118: {  	[sflag:s31] =	ssyncadd.s32 $0xFFFFF000  }
0x119: {  	[spmem:s1] =	stream.indirect.scatter.add.f32 [tilespmem:s6], [sflag:$0x3], $0x20, s14, s2, $0xb8;
	[tilespmem:$0x1E800] =	vst v63  }
0x11a: {  	_ =	swait.ge [sflag:s31], $0x1000  }
0x11b: {  	[sflag:s31] =	ssyncset.done $0x0  }
0x11c: {  	[sflag:s31] =	ssyncadd.s32 $0xFFFFF000  }
0x11d: {  	_ =	swait.ge [sflag:s15], $0x1000  }
0x11e: {  	[sflag:s15] =	ssyncset.done $0x0  }
0x11f: {  	[sflag:s15] =	ssyncadd.s32 $0xFFFFF000  }
0x120: {  	_ =	swait.ge [sflag:s15], $0x1000  }
0x121: {  	[sflag:s15] =	ssyncset.done $0x0  }
0x122: {  	[sflag:s15] =	ssyncadd.s32 $0xFFFFF000  }
0x123: {  	[spmem:s1] =	stream.indirect.scatter.add.f32 [tilespmem:s10], [sflag:$0x3], $0x20, s9, s2, $0xb8;
	[tilespmem:$0x1E800] =	vst v63  }
0x124: {  	_ =	swait.ge [sflag:s31], $0x1000  }
0x125: {  	[sflag:s31] =	ssyncset.done $0x0  }
0x126: {  	[sflag:s31] =	ssyncadd.s32 $0xFFFFF000  }
0x127: {  	[spmem:s1] =	stream.indirect.scatter.add.f32 [tilespmem:s12], [sflag:$0x3], $0x20, s16, s2, $0xb8;
	[tilespmem:$0x1E800] =	vst v63  }
0x128: {  	_ =	swait.ge [sflag:s31], $0x1000  }
0x129: {  	[sflag:s31] =	ssyncset.done $0x0  }
0x12a: {  	[sflag:s31] =	ssyncadd.s32 $0xFFFFF000  }
0x12b: {  	[bflag:$0x0] =	sbarrier.arrive $0xFFFF  }
0x12c: {  	[tilespmem:s30], [sflag:$0x3] =	stream.linear.gather [spmem:s8], $0x1C00, $0x38;
	[tilespmem:$0x1E800] =	vst v63  }
0x12d: {  	_ =	swait.ge [sflag:s31], $0x1C00  }
0x12e: {  	[sflag:s31] =	ssyncset.done $0x0  }
0x12f: {  	s28 =	sadd.s32 $0x0, s25;
	[sflag:s31] =	ssyncadd.s32 $0xFFFFE400  }
0x130: {  	[hbm4b:s28+s3] =	stream.linear.scatter [tilespmem:s30], [sflag:$0x3], $0x1C00, $0x38;
	[tilespmem:$0x1E800] =	vst v63  }
0x131: {  	_ =	swait.ge [sflag:s31], $0x1C00  }
0x132: {  	s18 =	simm.s32 $0x380;
	s19 =	smov.u32 s8;
	[sflag:s31] =	ssyncset.done $0x0  }
.LBB2_6:
0x133: {  	p0 =	sne.s32 s18, $0x2D80;
	[sflag:s31] =	ssyncadd.s32 $0xFFFFE400;
	s19 =	sadd.s32 $0x1C00, s19  }
0x134: {  	[tilespmem:s30], [sflag:$0x3] =	stream.linear.gather [spmem:s19], $0x1C00, $0x38;
	[tilespmem:$0x1E800] =	vst v63  }
0x135: {  	s24 =	smov.u32 s18;
	s18 =	sadd.s32 $0x380, s18;
	_ =	swait.ge [sflag:s31], $0x1C00  }
.Ltmp2:
0x136: {  	[sflag:s31] =	ssyncset.done $0x0;
	(pc) =	sbr.rel @p0 .LBB2_6-.Ltmp2, $4  }
0x137: {  	s24 =	sadd.s32 s24, s25;
	[sflag:s31] =	ssyncadd.s32 $0xFFFFE400  }
0x138: {  	[hbm4b:s24+s3] =	stream.linear.scatter [tilespmem:s30], [sflag:$0x3], $0x1C00, $0x38;
	[tilespmem:$0x1E800] =	vst v63  }
0x139: {  	_ =	swait.ge [sflag:s31], $0x1C00  }
0x13a: {  	[sflag:s31] =	ssyncset.done $0x0  }
0x13b: {  	s17 =	sadd.s32 $0x1, s17;
	s18 =	rddreg [dreg:$0x5]  }
0x13c: {  	p0 =	sne.s32 s17, s18  }
.Ltmp3:
0x13d: {  	_ = 	snop;
	(pc) =	sbr.rel @p0 .LBB2_1-.Ltmp3, $2  }
0x13e: {  	_ =	sdelay $0x2  }
0x13f: {  	[sflag:s31] =	ssyncadd.s32 $0xFFFFE400  }
0x140: {  	_ =	sfence.sel $0x180000  }
0x141: {  	[bflag:$0x0] =	sbarrier.arrive $0xFFFF  }
0x142: {  	_ =	strace $0x9000004D  }
0x143: {  	s0 =	stileid.u32;
	[bflag:$0x2] =	sbarrier.arrive $0xFFFF  }
0x144: {  	p0 =	sne.s32 s0, $0x0;
	s0 =	rddreg [dreg:$0x2]  }
0x145: {  	s0 =	sadd.s32 @!p0 $0x100000, s0  }
0x146: {  	[sflag:s0] =	ssyncadd.tile.s32 @!p0 $0x1;
	_ =	shalt  }
.Lfunc_end2:
_tile_overlayer_lowered:
.L_overlay_start_2:
0x147: {  	(tag) =	ssettag $0x2  }
0x148: {  	s0 =	rddreg [dreg:$0x0];
	s2 =	stileid.u32  }
0x149: {  	s1 =	rddreg [dreg:$0x1];
	p0 =	sne.s32 s2, $0x0  }
0x14a: {  	s3 =	rddreg [dreg:$0x2];
	[bflag:$0x3] =	sbarrier.arrive $0xFFFF;
	s2 =	simm.s32 @!p0 $0x1C03  }
0x14b: {  	[timem:s3], [sflag:s2] =	dma.local @!p0 [hbm:s0], s1  }
0x14c: {  	s0 =	simm.s32 @!p0 $0x3  }
0x14d: {  	_ =	swait.ge @!p0 [sflag:s0], s1  }
0x14e: {  	s1 =	ssub.s32 @!p0 $0x0, s1;
	[sflag:s0] =	ssyncset.done @!p0 $0x0  }
0x14f: {  	[sflag:s0] =	ssyncadd.s32 @!p0 s1  }
0x150: {  	[bflag:$0x3] =	sbarrier.arrive $0xFFFF  }
0x151: {  	_ =	shalt  }

// kernel: kernel.8.cloned.1.call-start
scs
__scs_entry_jumppad:
0x0: {  	(pc) =	sbr.rel $0x88, $3  }
0x1: {  	(tag) =	ssettag $0x0;
	lr =	simm.s32 $0x1  }
0x2: {  	[smem:$0x3F93] =	sst lr;
	_ =	strace $0xD0000000  }
0x3: {  	_ = 	snop  }
0x4: {  	_ = 	snop  }
0x5: {  	_ = 	snop  }
0x6: {  	_ = 	snop  }
0x7: {  	_ = 	snop  }
__scs_overlays_trampoline_lowered:
0x8: {  	[smem:$0x3FA2] =	sst s0  }
0x9: {  	[smem:$0x3FA3] =	sst s1  }
0xa: {  	[smem:$0x3FA4] =	sst s2  }
0xb: {  	[smem:$0x3FA5] =	sst s3  }
0xc: {  	[smem:$0x3FA6] =	sst s4  }
0xd: {  	[smem:$0x3FA7] =	sst s5  }
0xe: {  	[smem:$0x3FA8] =	sst s6  }
0xf: {  	[smem:$0x3FA9] =	sst s7  }
0x10: {  	[smem:$0x3FAA] =	sst s8  }
0x11: {  	[smem:$0x3FAB] =	sst s9;
	s0 =	simm.s32 @!p0 $0x0  }
0x12: {  	s1 =	sld [smem:$0x3F91];
	s0 =	simm.s32 @p0 $0x1  }
0x13: {  	[smem:$0x3FAC] =	sst s0;
	s0 =	simm.s32 @!p1 $0x0  }
0x14: {  	s2 =	sld [smem:$0x3F90];
	s0 =	simm.s32 @p1 $0x1  }
0x15: {  	[smem:$0x3FAD] =	sst s0;
	s0 =	simm.s32 @!p2 $0x0  }
0x16: {  	s3 =	sld [smem:$0x3FDB];
	s0 =	simm.s32 @p2 $0x1  }
0x17: {  	s4 =	simm.s32 $0x1BF5;
	[smem:$0x3FAF] =	sst s0  }
0x18: {  	s0 =	sld [smem:$0x3F92];
	_ =	swait.ge [sflag:s4], $0x0  }
0x19: {  	s7 =	sld [smem:$0x3F93]  }
0x1a: {  	s8 =	sadd.s32 $0xFFFFE003, lr  }
0x1b: {  	s9 =	sadd.s32 $0xFFFFFEF7, lr;
	s5 =	simm.s32 $0xFFFFFFFF;
	p2 =	slt.u32 s8, $0xFFFFF086  }
0x1c: {  	p1 =	slt.u32 s9, $0xF7A;
	s5 =	simm.s32 @!p2 $0x0  }
0x1d: {  	s5 =	simm.s32 @p1 $0x1;
	p0 =	seq.s32 s7, s2  }
0x1e: {  	s7 =	smul.u32 @!p0 $0xF7A, s2;
	p2 =	seq.s32 @!p0 s5, $0x0  }
0x1f: {  	s9 =	smul.u32 $0xF7A, s1;
	s8 =	simm.s32 @!p0 $0x1BF5;
	p2 =	por !p2, p0  }
0x20: {  	[sflag:s8] =	ssyncset.s32 @!p0 $0xFFFFF086;
	s6 =	sadd.s32 @!p0 s3, s7;
	s7 =	simm.s32 @!p0 $0x108  }
0x21: {  	s3 =	sadd.s32 s3, s9;
	s6 =	sadd.s32 @!p0 $0x88, s6;
	s7 =	simm.s32 @p2 $0x1082  }
0x22: {  	[simem:s7], [sflag:s8] =	dma.local @!p0 [hbm:s6], $0xF7A  }
0x23: {  	s9 =	sor.u32 $0xD0000000, s2;
	s6 =	simm.s32 $0x108;
	_ =	swait.ge @!p0 [sflag:s8], $0x0  }
0x24: {  	s3 =	sadd.s32 $0x88, s3;
	s6 =	simm.s32 @!p1 $0x1082;
	[sflag:s4] =	ssyncset.s32 $0xFFFFF086  }
0x25: {  	[simem:s6], [sflag:s4] =	dma.local [hbm:s3], $0xF7A  }
0x26: {  	[smem:$0x3F93] =	sst s1;
	(tag) =	ssettag s2;
	_ =	strace s9  }
0x27: {  	s1 =	sld [smem:$0x3FA3]  }
0x28: {  	s2 =	sld [smem:$0x3FA4]  }
0x29: {  	s4 =	sld [smem:$0x3FA6]  }
0x2a: {  	p0 =	seq.s32 s5, $0x0;
	s5 =	sld [smem:$0x3FA7]  }
0x2b: {  	s6 =	sld [smem:$0x3FA8]  }
0x2c: {  	s7 =	sld [smem:$0x3FA9]  }
0x2d: {  	s3 =	simm.s32 $0x108;
	s8 =	sld [smem:$0x3FAA]  }
0x2e: {  	s3 =	simm.s32 @!p0 $0x1082;
	s9 =	sld [smem:$0x3FAB]  }
0x2f: {  	lr =	sadd.s32 s0, s3;
	s0 =	sld [smem:$0x3FA2]  }
0x30: {  	s3 =	sld [smem:$0x3FA5]  }
0x31: {  	[smem:$0x3FAE] =	sst s10  }
0x32: {  	s10 =	sld [smem:$0x3FAC];
	_ =	sdelay $0x3  }
0x33: {  	p0 =	seq.s32 s10, $0x1;
	s10 =	sld [smem:$0x3FAE];
	_ =	sdelay $0x3  }
0x34: {  	[smem:$0x3FAE] =	sst s10  }
0x35: {  	s10 =	sld [smem:$0x3FAD];
	_ =	sdelay $0x3  }
0x36: {  	p1 =	seq.s32 s10, $0x1;
	s10 =	sld [smem:$0x3FAE];
	_ =	sdelay $0x3  }
0x37: {  	[smem:$0x3FAE] =	sst s10  }
0x38: {  	s10 =	sld [smem:$0x3FAF]  }
0x39: {  	_ = 	snop;
	(pc) =	sbr.ind lr, $3  }
0x3a: {  	_ = 	snop  }
0x3b: {  	_ = 	snop  }
0x3c: {  	p2 =	seq.s32 s10, $0x1;
	s10 =	sld [smem:$0x3FAE]  }
0x3d: {  	_ =	shalt  }
0x3e: {  	_ =	shalt  }
0x3f: {  	_ =	shalt  }
0x40: {  	_ =	shalt  }
0x41: {  	_ =	shalt  }
0x42: {  	_ =	shalt  }
0x43: {  	_ =	shalt  }
0x44: {  	_ =	shalt  }
0x45: {  	_ =	shalt  }
0x46: {  	_ =	shalt  }
0x47: {  	_ =	shalt  }
0x48: {  	_ =	shalt  }
0x49: {  	_ =	shalt  }
0x4a: {  	_ =	shalt  }
0x4b: {  	_ =	shalt  }
0x4c: {  	_ =	shalt  }
0x4d: {  	_ =	shalt  }
0x4e: {  	_ =	shalt  }
0x4f: {  	_ =	shalt  }
0x50: {  	_ =	shalt  }
0x51: {  	_ =	shalt  }
0x52: {  	_ =	shalt  }
0x53: {  	_ =	shalt  }
0x54: {  	_ =	shalt  }
0x55: {  	_ =	shalt  }
0x56: {  	_ =	shalt  }
0x57: {  	_ =	shalt  }
0x58: {  	_ =	shalt  }
0x59: {  	_ =	shalt  }
0x5a: {  	_ =	shalt  }
0x5b: {  	_ =	shalt  }
0x5c: {  	_ =	shalt  }
0x5d: {  	_ =	shalt  }
0x5e: {  	_ =	shalt  }
0x5f: {  	_ =	shalt  }
0x60: {  	_ =	shalt  }
0x61: {  	_ =	shalt  }
0x62: {  	_ =	shalt  }
0x63: {  	_ =	shalt  }
0x64: {  	_ =	shalt  }
0x65: {  	_ =	shalt  }
0x66: {  	_ =	shalt  }
0x67: {  	_ =	shalt  }
0x68: {  	_ =	shalt  }
0x69: {  	_ =	shalt  }
0x6a: {  	_ =	shalt  }
0x6b: {  	_ =	shalt  }
0x6c: {  	_ =	shalt  }
0x6d: {  	_ =	shalt  }
0x6e: {  	_ =	shalt  }
0x6f: {  	_ =	shalt  }
0x70: {  	_ =	shalt  }
0x71: {  	_ =	shalt  }
0x72: {  	_ =	shalt  }
0x73: {  	_ =	shalt  }
0x74: {  	_ =	shalt  }
0x75: {  	_ =	shalt  }
0x76: {  	_ =	shalt  }
0x77: {  	_ =	shalt  }
0x78: {  	_ =	shalt  }
0x79: {  	_ =	shalt  }
0x7a: {  	_ =	shalt  }
0x7b: {  	_ =	shalt  }
0x7c: {  	_ =	shalt  }
0x7d: {  	_ =	shalt  }
0x7e: {  	_ =	shalt  }
0x7f: {  	_ =	shalt  }
0x80: {  	_ =	shalt  }
0x81: {  	_ =	shalt  }
0x82: {  	_ =	shalt  }
0x83: {  	_ =	shalt  }
0x84: {  	_ =	shalt  }
0x85: {  	_ =	shalt  }
0x86: {  	_ =	shalt  }
0x87: {  	_ =	shalt  }
.Lfunc_end0:
.L_simem_size_0:
called_computation_lowered:
.L_overlay_start_0:
0x88: {  	s2 =	sld [smem:$0x3FD9]  }
0x89: {  	s3 =	sld [smem:$0x3FFE];
	_ =	sdelay $0x1  }
0x8a: {  	s1 =	srdreg.scid  }
0x8b: {  	s0 =	sand.u32 $0x1, s1  }
0x8c: {  	s16 =	sshll.u32 s0, $0xA;
	s2 =	sadd.s32 s3, s2  }
0x8d: {  	s2 =	sadd.s32 s2, s16  }
0x8e: {  	[smem:$0x3FBA] =	sst s2  }
0x8f: {  	_ = 	snop  }
0x90: {  	(tm) =	ssettm $0x1  }
0x91: {  	s17 =	sld [smem:$0x3FFB];
	_ =	sdelay $0x3  }
0x92: {  	_ =	strace s17  }
0x93: {  	s2 =	sld [smem:$0x3FFC];
	_ =	sdelay $0x3  }
0x94: {  	_ =	strace s2  }
0x95: {  	s2 =	sld [smem:$0x3FFD];
	_ =	sdelay $0x3  }
0x96: {  	_ =	strace s2  }
0x97: {  	_ =	strace $0x8FFFFFFF  }
0x98: {  	s18 =	sld [smem:$0x3FDB];
	_ =	sdelay $0x1  }
0x99: {  	s19 =	simm.s32 $_scs_section_size  }
0x9a: {  	s4 =	simm.s32 $_size__tile_overlayer_lowered;
	s5 =	simm.s32 $_tile_overlayer_lowered  }
0x9b: {  	s22 =	simm.s32 $0x1BFF;
	s21 =	sshll.u32 s5, $0x1;
	s2 =	sadd.s32 s19, s18  }
0x9c: {  	s6 =	simm.s32 $0x0;
	s20 =	sshll.u32 s4, $0x1;
	s4 =	sadd.s32 s21, s2  }
0x9d: {  	[timem:s6], [sflag:s22] =	dma.local [hbm:s4], s20  }
0x9e: {  	_ =	swait.ge [sflag:s22], s20  }
0x9f: {  	s3 =	ssub.s32 $0x0, s20;
	[sflag:s22] =	ssyncset.done $0x0  }
0xa0: {  	[sflag:s22] =	ssyncadd.s32 s3;
	_ =	sdelay $0x1  }
0xa1: {  	s23 =	simm.s32 $0x1B8B  }
0xa2: {  	_ =	swait.ge [sflag:s23], $0x1  }
0xa3: {  	[sflag:s23] =	ssyncset.done $0x0  }
0xa4: {  	s25 =	simm.s32 $0x1B8E;
	s24 =	sld [smem:$0x3FFE];
	[sflag:s23] =	ssyncadd.s32 $0xFFFFFFFF  }
0xa5: {  	s26 =	simm.s32 $execute0_lowered;
	[smem:$0x3FD2] =	sst s25  }
0xa6: {  	s4 =	sshll.u32 s26, $0x1;
	_ =	strace $0x80000046;
	[dreg:$0x1] =	wrdreg $0xFFFFFFFF  }
0xa7: {  	s28 =	simm.s32 $_size_execute0_lowered;
	s2 =	sadd.s32 s2, s4;
	[dreg:$0x0] =	wrdreg $0x0  }
0xa8: {  	s4 =	sshll.u32 s28, $0x1;
	[dreg:$0x2] =	wrdreg s2  }
0xa9: {  	[dreg:$0x3] =	wrdreg s4  }
0xaa: {  	[dreg:$0x4] =	wrdreg $0xC0  }
0xab: {  	_ =	task [dreg:s6], $0x5FFFF  }
0xac: {  	[dreg:$0x1] =	wrdreg $0xFFFFFFFF  }
0xad: {  	[dreg:$0x0] =	wrdreg $0x60  }
0xae: {  	[dreg:$0x2] =	wrdreg s24  }
0xaf: {  	[dreg:$0x3] =	wrdreg $0x17000  }
0xb0: {  	[dreg:$0x4] =	wrdreg $0x9  }
0xb1: {  	_ =	task.clear_ibuf [dreg:s6], $0x5FFFF;
	_ =	strace $0x90000046  }
0xb2: {  	s29 =	simm.s32 $0x9;
	_ =	strace $0x80000048  }
0xb3: {  	_ =	swait.ge [sflag:s29], $0x1  }
0xb4: {  	[sflag:s29] =	ssyncadd.s32 $0xFFFFFFFF  }
0xb5: {  	_ =	strace $0x90000048  }
0xb6: {  	_ =	sfence  }
0xb7: {  	s30 =	sld [smem:$0x0];
	_ =	sdelay $0x2  }
0xb8: {  	s31 =	sshll.u32 s1, $0xD;
	s1 =	sshrl.u32 s1, $0x2  }
0xb9: {  	s3 =	sand.u32 $0x4000, s31;
	s1 =	sadd.s32 s1, s30  }
0xba: {  	s0 =	sor.u32 s3, s0;
	s1 =	sshll.u32 s1, $0x11  }
0xbb: {  	s0 =	sor.u32 s1, s0  }
0xbc: {  	s0 =	sadd.s32 $0x8F2B, s0  }
0xbd: {  	[sflag:s0] =	ssyncadd.remote.s32 $0x1  }
0xbe: {  	_ =	sfence.sel $0xFFFF  }
0xbf: {  	[dreg:$0x0] =	wrdreg $0xFFFFFFFF;
	(pc) =	sbr.abs _section_cstart, $3  }
0xc0: {  	[dreg:$0x1] =	wrdreg $0xFFFFFFFF  }
0xc1: {  	_ =	task.clear_ibuf [dreg:s6], $0x2FFFF;
	_ =	strace $0x9FFFFFFF  }
0xc2: {  	(tm) =	ssettm $0x7FFFFFFF  }
0xc3: {  	_ =	shalt  }
tec
execute0_lowered:
.L_overlay_start_1:
0x0: {  	(tag) =	ssettag $0x1  }
0x1: {  	s4 =	rddreg [dreg:$0x0];
	s0 =	srdreg.scid  }
0x2: {  	s2 =	rddreg [dreg:$0x1];
	s1 =	stileid.u32;
	s3 =	simm.s32 $0x0  }
0x3: {  	s21 =	simm.s32 $0x900;
	s22 =	simm.s32 $0x1;
	s23 =	simm.s32 $0x80  }
0x4: {  	s24 =	simm.s32 $0x100;
	s5 =	sand.u32 $0x1, s0;
	s7 =	smul.u32 $0xC400, s1  }
0x5: {  	s25 =	simm.s32 $0x0;
	s0 =	rddreg [dreg:$0x2];
	s6 =	smul.u32 $0xC4000, s5  }
0x6: {  	[smem:$0x7FF] =	sst s3;
	s8 =	smul.u32 $0x31000, s1;
	s5 =	ssub.s32 $0x2, s5  }
0x7: {  	_ =	strace $0x80000047;
	s31 =	sshrl.u32 s5, $0x1;
	s6 =	sadd.s32 s7, s6  }
0x8: {  	s8 =	sshrl.u32 s8, $0x2;
	s5 =	ssub.s32 s5, s31;
	s6 =	sshrl.u32 s6, $0x3  }
0x9: {  	s5 =	smax.u32 s5, $0x1;
	s20 =	sadd.s32 s6, s4;
	s4 =	sadd.s32 s8, s2  }
0xa: {  	s6 =	sadd.s32 $0xE00, s4;
	s7 =	sadd.s32 $0x1C00, s4;
	s8 =	sadd.s32 $0x2A00, s4  }
0xb: {  	s9 =	sadd.s32 $0x3800, s4;
	s10 =	sadd.s32 $0x4600, s4;
	s11 =	sadd.s32 $0x5400, s4  }
0xc: {  	s12 =	sadd.s32 $0x6200, s4;
	s13 =	sadd.s32 $0x7000, s4;
	s14 =	sadd.s32 $0x7E00, s4  }
0xd: {  	s15 =	sadd.s32 $0x8C00, s4;
	s16 =	sadd.s32 $0x9A00, s4;
	s17 =	sadd.s32 $0xA800, s4  }
0xe: {  	v0 =	vimm.f32 $1.000000000e+00;
	v1 =	vimm.f32 $0.0e+00;
	s18 =	sadd.s32 $0xB600, s4;
	s19 =	sadd.s32 $0x3A00, s20;
	s20 =	sadd.s32 $0x65A00, s20  }
.LBB2_1:
0xf: {  	s26 =	simm.s32 $0x0  }
.LBB2_2:
0x10: {  	p0 =	sne.s32 s26, $0x1FC0  }
.Ltmp0:
0x11: {  	_ = 	snop;
	(pc) =	sbr.rel @p0 .LBB2_2-.Ltmp0, $3  }
0x12: {  	_ =	sdelay $0x1  }
0x13: {  	s28 =	sshra.s32 s26, $0x2  }
0x14: {  	s26 =	sadd.s32 $0x40, s26;
	[tilespmem:s28+$0x100] =	vst v0  }
0x15: {  	s26 =	simm.s32 $0x40;
	s28 =	simm.s32 $0x0  }
.LBB2_4:
0x16: {  	p0 =	sne.s32 s26, $0x37C0;
	[tilespmem:s28+$0x900] =	vst v1;
	s28 =	smov.u32 s26;
	s26 =	sadd.s32 $0x40, s26  }
.Ltmp1:
0x17: {  	(pc) =	sbr.rel @p0 .LBB2_4-.Ltmp1, $2  }
0x18: {  	_ =	sdelay $0x2  }
0x19: {  	s28 =	sshra.s32 s28, $0x2  }
0x1a: {  	[tilespmem:s28+$0x900] =	vst v1  }
0x1b: {  	[spmem:s4] =	stream.linear.scatter [tilespmem:s21], [sflag:$0x1], $0xE00, $0x38;
	[tilespmem:$0xDB00] =	vst v63  }
0x1c: {  	_ =	swait.ge [sflag:s22], $0xE00  }
0x1d: {  	[sflag:s22] =	ssyncset.done $0x0  }
0x1e: {  	[sflag:s22] =	ssyncadd.s32 $0xFFFFF200  }
0x1f: {  	[spmem:s6] =	stream.linear.scatter [tilespmem:s21], [sflag:$0x1], $0xE00, $0x38;
	[tilespmem:$0xDB00] =	vst v63  }
0x20: {  	_ =	swait.ge [sflag:s22], $0xE00  }
0x21: {  	[sflag:s22] =	ssyncset.done $0x0  }
0x22: {  	[sflag:s22] =	ssyncadd.s32 $0xFFFFF200  }
0x23: {  	[spmem:s7] =	stream.linear.scatter [tilespmem:s21], [sflag:$0x1], $0xE00, $0x38;
	[tilespmem:$0xDB00] =	vst v63  }
0x24: {  	_ =	swait.ge [sflag:s22], $0xE00  }
0x25: {  	[sflag:s22] =	ssyncset.done $0x0  }
0x26: {  	[sflag:s22] =	ssyncadd.s32 $0xFFFFF200  }
0x27: {  	[spmem:s8] =	stream.linear.scatter [tilespmem:s21], [sflag:$0x1], $0xE00, $0x38;
	[tilespmem:$0xDB00] =	vst v63  }
0x28: {  	_ =	swait.ge [sflag:s22], $0xE00  }
0x29: {  	[sflag:s22] =	ssyncset.done $0x0  }
0x2a: {  	[sflag:s22] =	ssyncadd.s32 $0xFFFFF200  }
0x2b: {  	[spmem:s9] =	stream.linear.scatter [tilespmem:s21], [sflag:$0x1], $0xE00, $0x38;
	[tilespmem:$0xDB00] =	vst v63  }
0x2c: {  	_ =	swait.ge [sflag:s22], $0xE00  }
0x2d: {  	[sflag:s22] =	ssyncset.done $0x0  }
0x2e: {  	[sflag:s22] =	ssyncadd.s32 $0xFFFFF200  }
0x2f: {  	[spmem:s10] =	stream.linear.scatter [tilespmem:s21], [sflag:$0x1], $0xE00, $0x38;
	[tilespmem:$0xDB00] =	vst v63  }
0x30: {  	_ =	swait.ge [sflag:s22], $0xE00  }
0x31: {  	[sflag:s22] =	ssyncset.done $0x0  }
0x32: {  	[sflag:s22] =	ssyncadd.s32 $0xFFFFF200  }
0x33: {  	[spmem:s11] =	stream.linear.scatter [tilespmem:s21], [sflag:$0x1], $0xE00, $0x38;
	[tilespmem:$0xDB00] =	vst v63  }
0x34: {  	_ =	swait.ge [sflag:s22], $0xE00  }
0x35: {  	[sflag:s22] =	ssyncset.done $0x0  }
0x36: {  	[sflag:s22] =	ssyncadd.s32 $0xFFFFF200  }
0x37: {  	[spmem:s12] =	stream.linear.scatter [tilespmem:s21], [sflag:$0x1], $0xE00, $0x38;
	[tilespmem:$0xDB00] =	vst v63  }
0x38: {  	_ =	swait.ge [sflag:s22], $0xE00  }
0x39: {  	[sflag:s22] =	ssyncset.done $0x0  }
0x3a: {  	[sflag:s22] =	ssyncadd.s32 $0xFFFFF200  }
0x3b: {  	[spmem:s13] =	stream.linear.scatter [tilespmem:s21], [sflag:$0x1], $0xE00, $0x38;
	[tilespmem:$0xDB00] =	vst v63  }
0x3c: {  	_ =	swait.ge [sflag:s22], $0xE00  }
0x3d: {  	[sflag:s22] =	ssyncset.done $0x0  }
0x3e: {  	[sflag:s22] =	ssyncadd.s32 $0xFFFFF200  }
0x3f: {  	[spmem:s14] =	stream.linear.scatter [tilespmem:s21], [sflag:$0x1], $0xE00, $0x38;
	[tilespmem:$0xDB00] =	vst v63  }
0x40: {  	_ =	swait.ge [sflag:s22], $0xE00  }
0x41: {  	[sflag:s22] =	ssyncset.done $0x0  }
0x42: {  	[sflag:s22] =	ssyncadd.s32 $0xFFFFF200  }
0x43: {  	[spmem:s15] =	stream.linear.scatter [tilespmem:s21], [sflag:$0x1], $0xE00, $0x38;
	[tilespmem:$0xDB00] =	vst v63  }
0x44: {  	_ =	swait.ge [sflag:s22], $0xE00  }
0x45: {  	[sflag:s22] =	ssyncset.done $0x0  }
0x46: {  	[sflag:s22] =	ssyncadd.s32 $0xFFFFF200  }
0x47: {  	[spmem:s16] =	stream.linear.scatter [tilespmem:s21], [sflag:$0x1], $0xE00, $0x38;
	[tilespmem:$0xDB00] =	vst v63  }
0x48: {  	_ =	swait.ge [sflag:s22], $0xE00  }
0x49: {  	[sflag:s22] =	ssyncset.done $0x0  }
0x4a: {  	[sflag:s22] =	ssyncadd.s32 $0xFFFFF200  }
0x4b: {  	[spmem:s17] =	stream.linear.scatter [tilespmem:s21], [sflag:$0x1], $0xE00, $0x38;
	[tilespmem:$0xDB00] =	vst v63  }
0x4c: {  	_ =	swait.ge [sflag:s22], $0xE00  }
0x4d: {  	[sflag:s22] =	ssyncset.done $0x0  }
0x4e: {  	[sflag:s22] =	ssyncadd.s32 $0xFFFFF200  }
0x4f: {  	[spmem:s18] =	stream.linear.scatter [tilespmem:s21], [sflag:$0x1], $0xE00, $0x38;
	[tilespmem:$0xDB00] =	vst v63  }
0x50: {  	_ =	swait.ge [sflag:s22], $0xE00  }
0x51: {  	[sflag:s22] =	ssyncset.done $0x0  }
0x52: {  	[sflag:s22] =	ssyncadd.s32 $0xFFFFF200  }
0x53: {  	s26 =	sadd.s32 $0x0, s19;
	[bflag:$0x0] =	sbarrier.arrive $0xFFFF  }
0x54: {  	[tilespmem:s3], [sflag:$0x1] =	stream.linear.gather [hbm4b:s26+s3], $0x100, $0x38;
	[tilespmem:$0xDB00] =	vst v63  }
0x55: {  	_ =	swait.ge [sflag:s22], $0x100  }
0x56: {  	[sflag:s22] =	ssyncset.done $0x0  }
0x57: {  	[sflag:s22] =	ssyncadd.s32 $0xFFFFFF00  }
0x58: {  	[spmem:s2] =	stream.indirect.scatter.add.f32 [tilespmem:s24], [sflag:$0x1], $0x10, s3, s23, $0xb8;
	[tilespmem:$0xDB00] =	vst v63  }
0x59: {  	_ =	swait.ge [sflag:s22], $0x800  }
0x5a: {  	[sflag:s22] =	ssyncset.done $0x0  }
0x5b: {  	[sflag:s22] =	ssyncadd.s32 $0xFFFFF800  }
0x5c: {  	[spmem:s2] =	stream.indirect.scatter.add.f32 [tilespmem:s24], [sflag:$0x1], $0x10, s23, s23, $0xb8;
	[tilespmem:$0xDB00] =	vst v63  }
0x5d: {  	_ =	swait.ge [sflag:s22], $0x800  }
0x5e: {  	s28 =	simm.s32 $0x40;
	s26 =	simm.s32 $0x20;
	[sflag:s22] =	ssyncset.done $0x0  }
.LBB2_6:
0x5f: {  	s29 =	sadd.s32 s26, s19  }
0x60: {  	[sflag:s22] =	ssyncadd.s32 $0xFFFFF800;
	s26 =	smov.u32 s28;
	s30 =	sadd.s32 $0x20, s28  }
0x61: {  	[tilespmem:s3], [sflag:$0x1] =	stream.linear.gather [hbm4b:s29+s3], $0x100, $0x38;
	[tilespmem:$0xDB00] =	vst v63  }
0x62: {  	p0 =	sne.s32 s28, $0x1860;
	_ =	swait.ge [sflag:s22], $0x100  }
0x63: {  	[sflag:s22] =	ssyncset.done $0x0  }
0x64: {  	[sflag:s22] =	ssyncadd.s32 $0xFFFFFF00  }
0x65: {  	[spmem:s2] =	stream.indirect.scatter.add.f32 [tilespmem:s24], [sflag:$0x1], $0x10, s3, s23, $0xb8;
	[tilespmem:$0xDB00] =	vst v63  }
0x66: {  	_ =	swait.ge [sflag:s22], $0x800  }
.Ltmp2:
0x67: {  	[sflag:s22] =	ssyncset.done $0x0;
	(pc) =	sbr.rel @p0 .LBB2_6-.Ltmp2, $4  }
0x68: {  	[sflag:s22] =	ssyncadd.s32 $0xFFFFF800  }
0x69: {  	[spmem:s2] =	stream.indirect.scatter.add.f32 [tilespmem:s24], [sflag:$0x1], $0x10, s23, s23, $0xb8;
	[tilespmem:$0xDB00] =	vst v63  }
0x6a: {  	_ =	swait.ge [sflag:s22], $0x800  }
0x6b: {  	s28 =	smov.u32 s30;
	[sflag:s22] =	ssyncset.done $0x0  }
0x6c: {  	s26 =	sadd.s32 s26, s19;
	[sflag:s22] =	ssyncadd.s32 $0xFFFFF800  }
0x6d: {  	[tilespmem:s3], [sflag:$0x1] =	stream.linear.gather [hbm4b:s26+s3], $0x100, $0x38;
	[tilespmem:$0xDB00] =	vst v63  }
0x6e: {  	_ =	swait.ge [sflag:s22], $0x100  }
0x6f: {  	[sflag:s22] =	ssyncset.done $0x0  }
0x70: {  	[sflag:s22] =	ssyncadd.s32 $0xFFFFFF00  }
0x71: {  	[spmem:s2] =	stream.indirect.scatter.add.f32 [tilespmem:s24], [sflag:$0x1], $0x10, s3, s23, $0xb8;
	[tilespmem:$0xDB00] =	vst v63  }
0x72: {  	_ =	swait.ge [sflag:s22], $0x800  }
0x73: {  	[sflag:s22] =	ssyncset.done $0x0  }
0x74: {  	[sflag:s22] =	ssyncadd.s32 $0xFFFFF800  }
0x75: {  	[spmem:s2] =	stream.indirect.scatter.add.f32 [tilespmem:s24], [sflag:$0x1], $0x10, s23, s23, $0xb8;
	[tilespmem:$0xDB00] =	vst v63  }
0x76: {  	_ =	swait.ge [sflag:s22], $0x800  }
0x77: {  	[sflag:s22] =	ssyncset.done $0x0  }
0x78: {  	[sflag:s22] =	ssyncadd.s32 $0xFFFFF800  }
0x79: {  	[bflag:$0x0] =	sbarrier.arrive $0xFFFF  }
0x7a: {  	[tilespmem:s21], [sflag:$0x1] =	stream.linear.gather [spmem:s4], $0xE00, $0x38;
	[tilespmem:$0xDB00] =	vst v63  }
0x7b: {  	_ =	swait.ge [sflag:s22], $0xE00  }
0x7c: {  	[sflag:s22] =	ssyncset.done $0x0  }
0x7d: {  	s31 =	sadd.s32 $0x0, s20;
	[sflag:s22] =	ssyncadd.s32 $0xFFFFF200  }
0x7e: {  	[hbm4b:s31+s3] =	stream.linear.scatter [tilespmem:s21], [sflag:$0x1], $0xE00, $0x38;
	[tilespmem:$0xDB00] =	vst v63  }
0x7f: {  	_ =	swait.ge [sflag:s22], $0xE00  }
0x80: {  	s28 =	smov.u32 s4;
	s26 =	simm.s32 $0x1C0;
	[sflag:s22] =	ssyncset.done $0x0  }
.LBB2_8:
0x81: {  	p0 =	sne.s32 s26, $0x16C0;
	[sflag:s22] =	ssyncadd.s32 $0xFFFFF200;
	s28 =	sadd.s32 $0xE00, s28  }
0x82: {  	[tilespmem:s21], [sflag:$0x1] =	stream.linear.gather [spmem:s28], $0xE00, $0x38;
	[tilespmem:$0xDB00] =	vst v63  }
0x83: {  	s29 =	smov.u32 s26;
	s26 =	sadd.s32 $0x1C0, s26;
	_ =	swait.ge [sflag:s22], $0xE00  }
.Ltmp3:
0x84: {  	[sflag:s22] =	ssyncset.done $0x0;
	(pc) =	sbr.rel @p0 .LBB2_8-.Ltmp3, $4  }
0x85: {  	s29 =	sadd.s32 s29, s20;
	[sflag:s22] =	ssyncadd.s32 $0xFFFFF200  }
0x86: {  	[hbm4b:s29+s3] =	stream.linear.scatter [tilespmem:s21], [sflag:$0x1], $0xE00, $0x38;
	[tilespmem:$0xDB00] =	vst v63  }
0x87: {  	_ =	swait.ge [sflag:s22], $0xE00  }
0x88: {  	[sflag:s22] =	ssyncset.done $0x0  }
0x89: {  	s25 =	sadd.s32 $0x1, s25  }
0x8a: {  	p0 =	sne.s32 s25, s5  }
.Ltmp4:
0x8b: {  	_ = 	snop;
	(pc) =	sbr.rel @p0 .LBB2_1-.Ltmp4, $2  }
0x8c: {  	_ =	sdelay $0x2  }
0x8d: {  	[sflag:s22] =	ssyncadd.s32 $0xFFFFF200  }
0x8e: {  	_ =	sfence.sel $0x180000  }
0x8f: {  	[bflag:$0x0] =	sbarrier.arrive $0xFFFF  }
0x90: {  	p0 =	sne.s32 s1, $0x0;
	_ =	strace $0x90000047  }
0x91: {  	s0 =	sadd.s32 @!p0 $0x100000, s0;
	[bflag:$0x2] =	sbarrier.arrive $0xFFFF  }
0x92: {  	[sflag:s0] =	ssyncadd.tile.s32 @!p0 $0x1;
	_ =	shalt  }
.Lfunc_end2:
_tile_overlayer_lowered:
.L_overlay_start_2:
0x93: {  	(tag) =	ssettag $0x2  }
0x94: {  	s0 =	rddreg [dreg:$0x0];
	s2 =	stileid.u32  }
0x95: {  	s1 =	rddreg [dreg:$0x1];
	p0 =	sne.s32 s2, $0x0  }
0x96: {  	s3 =	rddreg [dreg:$0x2];
	[bflag:$0x3] =	sbarrier.arrive $0xFFFF;
	s2 =	simm.s32 @!p0 $0x1C01  }
0x97: {  	[timem:s3], [sflag:s2] =	dma.local @!p0 [hbm:s0], s1  }
0x98: {  	s0 =	simm.s32 @!p0 $0x1  }
0x99: {  	_ =	swait.ge @!p0 [sflag:s0], s1  }
0x9a: {  	s1 =	ssub.s32 @!p0 $0x0, s1;
	[sflag:s0] =	ssyncset.done @!p0 $0x0  }
0x9b: {  	[sflag:s0] =	ssyncadd.s32 @!p0 s1  }
0x9c: {  	[bflag:$0x3] =	sbarrier.arrive $0xFFFF  }
0x9d: {  	_ =	shalt  }

</sc_bundles>
